<compile_context>
chip_gen: v7x
topology: tpu7x:2x2x1
jax: 0.10.2.dev20260603
libtpu: 0.0.44.dev20260713+nightly
codegen_flags: <defaults>
</compile_context>

<pallas_src>
import functools

import jax
import jax.numpy as jnp
from jax import lax
from jax.experimental import pallas as pl
from jax.experimental.pallas import tpu as pltpu
from jax.experimental.pallas import tpu_sc as plsc

_NNEG = 20
_PAD = 448
_CH = 112
_NCH = 4
_NW = 32


def _sc_scores(B, C, D, iword, idx_all, emb_i, emb_o):
    bpw = B // _NW
    mesh = plsc.VectorSubcoreMesh(core_axis_name="c", subcore_axis_name="s")

    @functools.partial(
        pl.kernel,
        mesh=mesh,
        compiler_params=pltpu.CompilerParams(needs_layout_passes=False),
        out_type=jax.ShapeDtypeStruct((B, _PAD), jnp.float32),
        scratch_types=[
            pltpu.VMEM((bpw,), jnp.int32),
            pltpu.VMEM((8, D), jnp.float32),
        ] + [pltpu.VMEM((_NCH, _CH), jnp.int32) for _ in range(2)] + [
        ] + [pltpu.VMEM((_CH, D), jnp.float32) for _ in range(2 * _NCH)] + [
            pltpu.VMEM((_PAD,), jnp.float32),
            pltpu.VMEM((_PAD,), jnp.float32),
            pltpu.SemaphoreType.DMA,
            pltpu.SemaphoreType.DMA,
            pltpu.SemaphoreType.DMA,
            pltpu.SemaphoreType.DMA,
        ],
    )
    def body(iword_hbm, idx_hbm, emb_i_hbm, emb_o_hbm, out_hbm,
             iw_idx, ivecs, idx0, idx1, r00, r01, r02, r03, r10, r11, r12,
             r13, sc0, sc1, isem, gsem0, gsem1, ssem):
        idx_buf = [idx0, idx1]
        rows = [[r00, r01, r02, r03], [r10, r11, r12, r13]]
        scores = [sc0, sc1]
        wid = lax.axis_index("s") * 2 + lax.axis_index("c")
        base = wid * bpw
        pltpu.sync_copy(iword_hbm.at[pl.ds(base, bpw)], iw_idx)

        lane15 = lax.iota(jnp.int32, 16) == 15

        def issue_idx(bl, p):
            pltpu.async_copy(idx_hbm.at[base + bl], idx_buf[p], isem)

        def wait_idx():
            pltpu.make_async_copy(idx_hbm.at[base], idx_buf[0], isem).wait()

        def issue_gathers(p, gsem):
            for c in range(_NCH):
                pltpu.async_copy(
                    emb_o_hbm.at[idx_buf[p].at[c]], rows[p][c], gsem)

        def wait_gathers(p, gsem):
            for c in range(_NCH):
                pltpu.make_async_copy(
                    emb_o_hbm.at[pl.ds(0, _CH)], rows[p][c], gsem).wait()

        def wait_store():
            pltpu.make_async_copy(
                scores[0], out_hbm.at[base], ssem).wait()

        def compute(bl, p):
            @pl.when(bl % 8 == 0)
            def _():
                pltpu.async_copy(
                    emb_i_hbm.at[iw_idx.at[pl.ds(pl.multiple_of(bl, 8), 8)]],
                    ivecs, isem).wait()
            iv = [ivecs[bl % 8, pl.ds(16 * k, 16)] for k in range(D // 16)]
            for c in range(_NCH):
                @plsc.parallel_loop(0, _CH, unroll=8)
                def row_body(j, c=c):
                    prods = [rows[p][c][j, pl.ds(16 * k, 16)] * iv[k]
                             for k in range(D // 16)]
                    while len(prods) > 1:
                        prods = [a + b for a, b in zip(prods[::2], prods[1::2])]
                    cum = jnp.cumsum(prods[0])
                    plsc.store_scatter(
                        scores[p], [jnp.full((16,), c * _CH + j, jnp.int32)],
                        cum, mask=lane15)
            pltpu.async_copy(scores[p], out_hbm.at[base + bl], ssem)

        pltpu.sync_copy(idx_hbm.at[base], idx_buf[0])
        issue_gathers(0, gsem0)
        issue_idx(1, 1)

        def half(bl, p, gsem_self, gsem_next):
            nxt = bl + 1

            @pl.when(nxt < bpw)
            def _():
                wait_idx()
                issue_gathers(1 - p, gsem_next)
            wait_gathers(p, gsem_self)

            @pl.when(bl + 2 < bpw)
            def _():
                issue_idx(bl + 2, p)

            @pl.when(bl >= 2)
            def _():
                wait_store()
            compute(bl, p)

        def pair_body(t, carry):
            bl = 2 * t
            half(bl, 0, gsem0, gsem1)
            half(bl + 1, 1, gsem1, gsem0)
            return carry

        lax.fori_loop(0, bpw // 2, pair_body, 0)
        wait_store()
        wait_store()

    return body(iword, idx_all, emb_i, emb_o)


def _tc_reduce(scores, B, C, tot):
    blk = 512
    nblk = B // blk
    scale = 1.0 / (B * C)

    def body(x_ref, out_ref):
        i = pl.program_id(0)
        x = x_ref[...]
        col = lax.broadcasted_iota(jnp.int32, x.shape, 1)
        t = jnp.where(col < C, -x, x)
        sp = jnp.maximum(t, 0.0) + jnp.log1p(jnp.exp(-jnp.abs(t)))
        part = jnp.sum(jnp.where(col < tot, sp, 0.0)) * scale

        @pl.when(i == 0)
        def _():
            out_ref[0, 0] = 0.0

        out_ref[0, 0] += part

    out = pl.pallas_call(
        body,
        grid=(nblk,),
        in_specs=[pl.BlockSpec((blk, _PAD), lambda i: (i, 0))],
        out_specs=pl.BlockSpec(memory_space=pltpu.SMEM),
        out_shape=jax.ShapeDtypeStruct((1, 1), jnp.float32),
    )(scores)
    return out[0, 0]


def kernel(iword, owords, emb_i, emb_o):
    B = iword.shape[0]
    C = owords.shape[1]
    V, D = emb_o.shape
    tot = C * (1 + _NNEG)
    nwords = jax.random.randint(jax.random.key(1234), (B, C * _NNEG), 0, V - 1)
    npad = _PAD - tot
    pad = (jnp.arange(npad, dtype=jnp.int32)[None, :] * 997
           + jnp.arange(B, dtype=jnp.int32)[:, None] * 31) % V
    idx_all = jnp.concatenate(
        [owords.astype(jnp.int32), nwords.astype(jnp.int32), pad],
        axis=1).reshape(B, _NCH, _CH)
    scores = _sc_scores(B, C, D, iword.astype(jnp.int32), idx_all,
                        emb_i, emb_o)
    return _tc_reduce(scores, B, C, tot)

# --- scband reference (transcript-rebuilt; emitter-appended) ---
"""Pipeline reference for scband-skip-gram-negative-sampling-61967788146845 (READ-ONLY COPY).

The authoritative reference and input builder live on the scoring server;
editing this copy changes nothing except your own understanding.
"""

import jax, jax.numpy as jnp
import numpy as np

VOCAB = 100000
EMBED_DIM = 128
N_NEGS = 20


def setup_inputs(seed: int = 0) -> dict:
    key = jax.random.key(seed)
    k1, k2, k3, k4 = jax.random.split(key, 4)
    iword = jax.random.randint(k1, (4096,), 0, VOCAB, dtype=jnp.int64) if jax.config.jax_enable_x64 else jax.random.randint(k1, (4096,), 0, VOCAB).astype(jnp.int32)
    owords = jax.random.randint(k2, (4096, 20), 0, VOCAB).astype(iword.dtype)
    emb_i = jax.random.normal(k3, (VOCAB, EMBED_DIM), dtype=jnp.float32) * 0.02
    emb_o = jax.random.normal(k4, (VOCAB, EMBED_DIM), dtype=jnp.float32) * 0.02
    return {"iword": iword, "owords": owords, "emb_i": emb_i, "emb_o": emb_o}


def reference(iword, owords, emb_i, emb_o):
    batch_size = iword.shape[0]
    context_size = owords.shape[1]
    vocab_size = emb_o.shape[0]
    # negative sampling (weights is None -> uniform over vocab); fixed key for determinism
    nkey = jax.random.key(1234)
    nwords = jax.random.randint(nkey, (batch_size, context_size * N_NEGS), 0, vocab_size - 1)
    # embedding gathers (SparseCore-friendly)
    ivectors = jnp.take(emb_i, iword, axis=0)[:, :, None]          # [B, d, 1]
    ovectors = jnp.take(emb_o, owords, axis=0)                      # [B, C, d]
    nvectors = -jnp.take(emb_o, nwords, axis=0)                     # [B, C*n_negs, d]
    oscores = jnp.squeeze(jnp.matmul(ovectors, ivectors), axis=-1)  # [B, C]
    nscores = jnp.squeeze(jnp.matmul(nvectors, ivectors), axis=-1)  # [B, C*n_negs]
    oloss = jnp.log(jax.nn.sigmoid(oscores)).mean(axis=1)           # [B]
    nloss = jnp.log(jax.nn.sigmoid(nscores)).reshape(-1, context_size, N_NEGS).sum(axis=2).mean(axis=1)  # [B]
    return -(oloss + nloss).mean()

if __name__ == "__main__":
    import jax
    _d = setup_inputs()
    print(jax.jit(kernel)(*tuple(_d.values())))

</pallas_src>

<mosaic_0001>
#map = affine_map<(d0, d1) -> (0)>
#map1 = affine_map<(d0, d1) -> (0, 0, 0)>
#map2 = affine_map<(d0, d1) -> (0, 0)>
module attributes {stable_mosaic.version = 14 : i64} {
  func.func @body(%arg0: i32, %arg1: i32, %arg2: memref<4096xi32, #tpu.memory_space<hbm>>, %arg3: memref<4096x4x112xi32, #tpu.memory_space<hbm>>, %arg4: memref<100000x128xf32, #tpu.memory_space<hbm>>, %arg5: memref<100000x128xf32, #tpu.memory_space<hbm>>, %arg6: memref<4096x448xf32, #tpu.memory_space<hbm>>, %arg7: memref<128xi32, #tpu.memory_space<vmem>>, %arg8: memref<8x128xf32, #tpu.memory_space<vmem>>, %arg9: memref<4x112xi32, #tpu.memory_space<vmem>>, %arg10: memref<4x112xi32, #tpu.memory_space<vmem>>, %arg11: memref<112x128xf32, #tpu.memory_space<vmem>>, %arg12: memref<112x128xf32, #tpu.memory_space<vmem>>, %arg13: memref<112x128xf32, #tpu.memory_space<vmem>>, %arg14: memref<112x128xf32, #tpu.memory_space<vmem>>, %arg15: memref<112x128xf32, #tpu.memory_space<vmem>>, %arg16: memref<112x128xf32, #tpu.memory_space<vmem>>, %arg17: memref<112x128xf32, #tpu.memory_space<vmem>>, %arg18: memref<112x128xf32, #tpu.memory_space<vmem>>, %arg19: memref<448xf32, #tpu.memory_space<vmem>>, %arg20: memref<448xf32, #tpu.memory_space<vmem>>, %arg21: memref<!tpu.dma_semaphore, #tpu.memory_space<semaphore_mem>>, %arg22: memref<!tpu.dma_semaphore, #tpu.memory_space<semaphore_mem>>, %arg23: memref<!tpu.dma_semaphore, #tpu.memory_space<semaphore_mem>>, %arg24: memref<!tpu.dma_semaphore, #tpu.memory_space<semaphore_mem>>) attributes {dimension_semantics = [#tpu.dimension_semantics<core_parallel>, #tpu.dimension_semantics<subcore_parallel>], iteration_bounds = array<i64: 2, 16>, scalar_prefetch = 0 : i64, scratch_operands = 18 : i64, tpu.core_type = #tpu.core_type<sc_vector_subcore>, window_params = [{transform_indices = #map}, {transform_indices = #map1}, {transform_indices = #map2}, {transform_indices = #map2}, {transform_indices = #map2}]} {
    %mul3A = arith.constant 2 : i32
    %mul3A_0 = arith.muli %arg1, %mul3A : i32
    %add3A = arith.addi %mul3A_0, %arg0 : i32
    %mul3A_1 = arith.constant 128 : i32
    %mul3A_2 = arith.muli %add3A, %mul3A_1 : i32
    "tpu.region"() ({
      %run_scoped3A = tpu.sem_alloc : memref<!tpu.dma_semaphore, #tpu.memory_space<semaphore_mem>>
      %dma_start3A_58 = tpu.memref_slice %arg2[%mul3A_2] : memref<4096xi32, #tpu.memory_space<hbm>> -> memref<128xi32, #tpu.memory_space<hbm>>
      %dma_start3A_59 = tpu.memref_slice %arg2[%mul3A_2] : memref<4096xi32, #tpu.memory_space<hbm>> -> memref<128xi32, #tpu.memory_space<hbm>>
      tpu.enqueue_dma source(%dma_start3A_59 : memref<128xi32, #tpu.memory_space<hbm>>) target(%arg7 : memref<128xi32, #tpu.memory_space<vmem>>) target_semaphore(%run_scoped3A : memref<!tpu.dma_semaphore, #tpu.memory_space<semaphore_mem>>)
      %dma_wait3A_60 = tpu.memref_slice %arg2[%mul3A_2] : memref<4096xi32, #tpu.memory_space<hbm>> -> memref<128xi32, #tpu.memory_space<hbm>>
      %dma_wait3A_61 = tpu.memref_slice %arg2[%mul3A_2] : memref<4096xi32, #tpu.memory_space<hbm>> -> memref<128xi32, #tpu.memory_space<hbm>>
      tpu.wait_dma2 semaphore(%run_scoped3A : memref<!tpu.dma_semaphore, #tpu.memory_space<semaphore_mem>>) src(%dma_wait3A_61 : memref<128xi32, #tpu.memory_space<hbm>>) dst(%arg7 : memref<128xi32, #tpu.memory_space<vmem>>)
      tpu.yield
    }) : () -> ()
    %iota3A = tpu.iota {dimensions = array<i32: 0>} : vector<16xi32>
    %eq3A = arith.constant 15 : i32
    %eq3A_3 = vector.broadcast %eq3A : i32 to vector<16xi32>
    %eq3A_4 = arith.cmpi eq, %iota3A, %eq3A_3 : vector<16xi32>
    "tpu.region"() ({
      %run_scoped3A = tpu.sem_alloc : memref<!tpu.dma_semaphore, #tpu.memory_space<semaphore_mem>>
      %dma_start3A_58 = arith.constant 0 : i32
      %dma_start3A_59 = arith.constant 0 : i32
      %dma_start3A_60 = tpu.memref_slice %arg3[%mul3A_2, %dma_start3A_58, %dma_start3A_59] : memref<4096x4x112xi32, #tpu.memory_space<hbm>> -> memref<1x4x112xi32, #tpu.memory_space<hbm>>
      %dma_start3A_61 = tpu.memref_squeeze %dma_start3A_60 : memref<1x4x112xi32, #tpu.memory_space<hbm>> -> memref<4x112xi32, #tpu.memory_space<hbm>>
      %dma_start3A_62 = arith.constant 0 : i32
      %dma_start3A_63 = arith.constant 0 : i32
      %dma_start3A_64 = tpu.memref_slice %arg3[%mul3A_2, %dma_start3A_62, %dma_start3A_63] : memref<4096x4x112xi32, #tpu.memory_space<hbm>> -> memref<1x4x112xi32, #tpu.memory_space<hbm>>
      %dma_start3A_65 = tpu.memref_squeeze %dma_start3A_64 : memref<1x4x112xi32, #tpu.memory_space<hbm>> -> memref<4x112xi32, #tpu.memory_space<hbm>>
      tpu.enqueue_dma source(%dma_start3A_65 : memref<4x112xi32, #tpu.memory_space<hbm>>) target(%arg9 : memref<4x112xi32, #tpu.memory_space<vmem>>) target_semaphore(%run_scoped3A : memref<!tpu.dma_semaphore, #tpu.memory_space<semaphore_mem>>)
      %dma_wait3A_66 = arith.constant 0 : i32
      %dma_wait3A_67 = arith.constant 0 : i32
      %dma_wait3A_68 = tpu.memref_slice %arg3[%mul3A_2, %dma_wait3A_66, %dma_wait3A_67] : memref<4096x4x112xi32, #tpu.memory_space<hbm>> -> memref<1x4x112xi32, #tpu.memory_space<hbm>>
      %dma_wait3A_69 = tpu.memref_squeeze %dma_wait3A_68 : memref<1x4x112xi32, #tpu.memory_space<hbm>> -> memref<4x112xi32, #tpu.memory_space<hbm>>
      %dma_wait3A_70 = arith.constant 0 : i32
      %dma_wait3A_71 = arith.constant 0 : i32
      %dma_wait3A_72 = tpu.memref_slice %arg3[%mul3A_2, %dma_wait3A_70, %dma_wait3A_71] : memref<4096x4x112xi32, #tpu.memory_space<hbm>> -> memref<1x4x112xi32, #tpu.memory_space<hbm>>
      %dma_wait3A_73 = tpu.memref_squeeze %dma_wait3A_72 : memref<1x4x112xi32, #tpu.memory_space<hbm>> -> memref<4x112xi32, #tpu.memory_space<hbm>>
      tpu.wait_dma2 semaphore(%run_scoped3A : memref<!tpu.dma_semaphore, #tpu.memory_space<semaphore_mem>>) src(%dma_wait3A_73 : memref<4x112xi32, #tpu.memory_space<hbm>>) dst(%arg9 : memref<4x112xi32, #tpu.memory_space<vmem>>)
      tpu.yield
    }) : () -> ()
    %dma_start3A = arith.constant 0 : i32
    %dma_start3A_5 = arith.constant 0 : i32
    %dma_start3A_6 = tpu.memref_slice %arg9[%dma_start3A, %dma_start3A_5] : memref<4x112xi32, #tpu.memory_space<vmem>> -> memref<1x112xi32, #tpu.memory_space<vmem>>
    %dma_start3A_7 = tpu.memref_squeeze %dma_start3A_6 : memref<1x112xi32, #tpu.memory_space<vmem>> -> memref<112xi32, #tpu.memory_space<vmem>>
    %dma_start3A_8 = arith.constant 0 : i32
    %dma_start3A_9 = arith.constant 0 : i32
    %dma_start3A_10 = tpu.memref_slice %arg5[%dma_start3A_8, %dma_start3A_9] : memref<100000x128xf32, #tpu.memory_space<hbm>> -> memref<100000x128xf32, #tpu.memory_space<hbm>>
    tpu.enqueue_indirect_dma source(%dma_start3A_10 : memref<100000x128xf32, #tpu.memory_space<hbm>>) target(%arg11 : memref<112x128xf32, #tpu.memory_space<vmem>>) offsets(%dma_start3A_7 : memref<112xi32, #tpu.memory_space<vmem>>) semaphore(%arg22 : memref<!tpu.dma_semaphore, #tpu.memory_space<semaphore_mem>>)
    %dma_start3A_11 = arith.constant 1 : i32
    %dma_start3A_12 = arith.constant 0 : i32
    %dma_start3A_13 = tpu.memref_slice %arg9[%dma_start3A_11, %dma_start3A_12] : memref<4x112xi32, #tpu.memory_space<vmem>> -> memref<1x112xi32, #tpu.memory_space<vmem>>
    %dma_start3A_14 = tpu.memref_squeeze %dma_start3A_13 : memref<1x112xi32, #tpu.memory_space<vmem>> -> memref<112xi32, #tpu.memory_space<vmem>>
    %dma_start3A_15 = arith.constant 0 : i32
    %dma_start3A_16 = arith.constant 0 : i32
    %dma_start3A_17 = tpu.memref_slice %arg5[%dma_start3A_15, %dma_start3A_16] : memref<100000x128xf32, #tpu.memory_space<hbm>> -> memref<100000x128xf32, #tpu.memory_space<hbm>>
    tpu.enqueue_indirect_dma source(%dma_start3A_17 : memref<100000x128xf32, #tpu.memory_space<hbm>>) target(%arg12 : memref<112x128xf32, #tpu.memory_space<vmem>>) offsets(%dma_start3A_14 : memref<112xi32, #tpu.memory_space<vmem>>) semaphore(%arg22 : memref<!tpu.dma_semaphore, #tpu.memory_space<semaphore_mem>>)
    %dma_start3A_18 = arith.constant 2 : i32
    %dma_start3A_19 = arith.constant 0 : i32
    %dma_start3A_20 = tpu.memref_slice %arg9[%dma_start3A_18, %dma_start3A_19] : memref<4x112xi32, #tpu.memory_space<vmem>> -> memref<1x112xi32, #tpu.memory_space<vmem>>
    %dma_start3A_21 = tpu.memref_squeeze %dma_start3A_20 : memref<1x112xi32, #tpu.memory_space<vmem>> -> memref<112xi32, #tpu.memory_space<vmem>>
    %dma_start3A_22 = arith.constant 0 : i32
    %dma_start3A_23 = arith.constant 0 : i32
    %dma_start3A_24 = tpu.memref_slice %arg5[%dma_start3A_22, %dma_start3A_23] : memref<100000x128xf32, #tpu.memory_space<hbm>> -> memref<100000x128xf32, #tpu.memory_space<hbm>>
    tpu.enqueue_indirect_dma source(%dma_start3A_24 : memref<100000x128xf32, #tpu.memory_space<hbm>>) target(%arg13 : memref<112x128xf32, #tpu.memory_space<vmem>>) offsets(%dma_start3A_21 : memref<112xi32, #tpu.memory_space<vmem>>) semaphore(%arg22 : memref<!tpu.dma_semaphore, #tpu.memory_space<semaphore_mem>>)
    %dma_start3A_25 = arith.constant 3 : i32
    %dma_start3A_26 = arith.constant 0 : i32
    %dma_start3A_27 = tpu.memref_slice %arg9[%dma_start3A_25, %dma_start3A_26] : memref<4x112xi32, #tpu.memory_space<vmem>> -> memref<1x112xi32, #tpu.memory_space<vmem>>
    %dma_start3A_28 = tpu.memref_squeeze %dma_start3A_27 : memref<1x112xi32, #tpu.memory_space<vmem>> -> memref<112xi32, #tpu.memory_space<vmem>>
    %dma_start3A_29 = arith.constant 0 : i32
    %dma_start3A_30 = arith.constant 0 : i32
    %dma_start3A_31 = tpu.memref_slice %arg5[%dma_start3A_29, %dma_start3A_30] : memref<100000x128xf32, #tpu.memory_space<hbm>> -> memref<100000x128xf32, #tpu.memory_space<hbm>>
    tpu.enqueue_indirect_dma source(%dma_start3A_31 : memref<100000x128xf32, #tpu.memory_space<hbm>>) target(%arg14 : memref<112x128xf32, #tpu.memory_space<vmem>>) offsets(%dma_start3A_28 : memref<112xi32, #tpu.memory_space<vmem>>) semaphore(%arg22 : memref<!tpu.dma_semaphore, #tpu.memory_space<semaphore_mem>>)
    %add3A_32 = arith.constant 1 : i32
    %add3A_33 = arith.addi %mul3A_2, %add3A_32 : i32
    %dma_start3A_34 = arith.constant 0 : i32
    %dma_start3A_35 = arith.constant 0 : i32
    %dma_start3A_36 = tpu.memref_slice %arg3[%add3A_33, %dma_start3A_34, %dma_start3A_35] : memref<4096x4x112xi32, #tpu.memory_space<hbm>> -> memref<1x4x112xi32, #tpu.memory_space<hbm>>
    %dma_start3A_37 = tpu.memref_squeeze %dma_start3A_36 : memref<1x4x112xi32, #tpu.memory_space<hbm>> -> memref<4x112xi32, #tpu.memory_space<hbm>>
    %dma_start3A_38 = arith.constant 0 : i32
    %dma_start3A_39 = arith.constant 0 : i32
    %dma_start3A_40 = tpu.memref_slice %arg3[%add3A_33, %dma_start3A_38, %dma_start3A_39] : memref<4096x4x112xi32, #tpu.memory_space<hbm>> -> memref<1x4x112xi32, #tpu.memory_space<hbm>>
    %dma_start3A_41 = tpu.memref_squeeze %dma_start3A_40 : memref<1x4x112xi32, #tpu.memory_space<hbm>> -> memref<4x112xi32, #tpu.memory_space<hbm>>
    tpu.enqueue_dma source(%dma_start3A_41 : memref<4x112xi32, #tpu.memory_space<hbm>>) target(%arg10 : memref<4x112xi32, #tpu.memory_space<vmem>>) target_semaphore(%arg21 : memref<!tpu.dma_semaphore, #tpu.memory_space<semaphore_mem>>)
    %scan3A = arith.constant 0 : i32
    %scan3A_42 = arith.constant 0 : i32
    %scan3A_43 = arith.constant 64 : i32
    %scan3A_44 = arith.addi %scan3A_42, %scan3A_43 : i32
    %scan3A_45 = arith.constant 1 : i32
    scf.for %scan3A_58 = %scan3A_42 to %scan3A_44 step %scan3A_45  : i32 {
      %mul3A_59 = arith.constant 2 : i32
      %mul3A_60 = arith.muli %mul3A_59, %scan3A_58 : i32
      %add3A_61 = arith.constant 1 : i32
      %add3A_62 = arith.addi %mul3A_60, %add3A_61 : i32
      %lt3A = arith.constant 128 : i32
      %lt3A_63 = arith.cmpi slt, %add3A_62, %lt3A : i32
      %convert_element_type3A = arith.extui %lt3A_63 : i1 to i32
      %cond3A = arith.constant 0 : i32
      %cond3A_64 = arith.cmpi ne, %convert_element_type3A, %cond3A : i32
      scf.if %cond3A_64 {
        %dma_wait3A_522 = arith.constant 0 : i32
        %dma_wait3A_523 = arith.constant 0 : i32
        %dma_wait3A_524 = tpu.memref_slice %arg3[%mul3A_2, %dma_wait3A_522, %dma_wait3A_523] : memref<4096x4x112xi32, #tpu.memory_space<hbm>> -> memref<1x4x112xi32, #tpu.memory_space<hbm>>
        %dma_wait3A_525 = tpu.memref_squeeze %dma_wait3A_524 : memref<1x4x112xi32, #tpu.memory_space<hbm>> -> memref<4x112xi32, #tpu.memory_space<hbm>>
        %dma_wait3A_526 = arith.constant 0 : i32
        %dma_wait3A_527 = arith.constant 0 : i32
        %dma_wait3A_528 = tpu.memref_slice %arg3[%mul3A_2, %dma_wait3A_526, %dma_wait3A_527] : memref<4096x4x112xi32, #tpu.memory_space<hbm>> -> memref<1x4x112xi32, #tpu.memory_space<hbm>>
        %dma_wait3A_529 = tpu.memref_squeeze %dma_wait3A_528 : memref<1x4x112xi32, #tpu.memory_space<hbm>> -> memref<4x112xi32, #tpu.memory_space<hbm>>
        tpu.wait_dma2 semaphore(%arg21 : memref<!tpu.dma_semaphore, #tpu.memory_space<semaphore_mem>>) src(%dma_wait3A_529 : memref<4x112xi32, #tpu.memory_space<hbm>>) dst(%arg9 : memref<4x112xi32, #tpu.memory_space<vmem>>)
        %dma_start3A_530 = arith.constant 0 : i32
        %dma_start3A_531 = arith.constant 0 : i32
        %dma_start3A_532 = tpu.memref_slice %arg10[%dma_start3A_530, %dma_start3A_531] : memref<4x112xi32, #tpu.memory_space<vmem>> -> memref<1x112xi32, #tpu.memory_space<vmem>>
        %dma_start3A_533 = tpu.memref_squeeze %dma_start3A_532 : memref<1x112xi32, #tpu.memory_space<vmem>> -> memref<112xi32, #tpu.memory_space<vmem>>
        %dma_start3A_534 = arith.constant 0 : i32
        %dma_start3A_535 = arith.constant 0 : i32
        %dma_start3A_536 = tpu.memref_slice %arg5[%dma_start3A_534, %dma_start3A_535] : memref<100000x128xf32, #tpu.memory_space<hbm>> -> memref<100000x128xf32, #tpu.memory_space<hbm>>
        tpu.enqueue_indirect_dma source(%dma_start3A_536 : memref<100000x128xf32, #tpu.memory_space<hbm>>) target(%arg15 : memref<112x128xf32, #tpu.memory_space<vmem>>) offsets(%dma_start3A_533 : memref<112xi32, #tpu.memory_space<vmem>>) semaphore(%arg23 : memref<!tpu.dma_semaphore, #tpu.memory_space<semaphore_mem>>)
        %dma_start3A_537 = arith.constant 1 : i32
        %dma_start3A_538 = arith.constant 0 : i32
        %dma_start3A_539 = tpu.memref_slice %arg10[%dma_start3A_537, %dma_start3A_538] : memref<4x112xi32, #tpu.memory_space<vmem>> -> memref<1x112xi32, #tpu.memory_space<vmem>>
        %dma_start3A_540 = tpu.memref_squeeze %dma_start3A_539 : memref<1x112xi32, #tpu.memory_space<vmem>> -> memref<112xi32, #tpu.memory_space<vmem>>
        %dma_start3A_541 = arith.constant 0 : i32
        %dma_start3A_542 = arith.constant 0 : i32
        %dma_start3A_543 = tpu.memref_slice %arg5[%dma_start3A_541, %dma_start3A_542] : memref<100000x128xf32, #tpu.memory_space<hbm>> -> memref<100000x128xf32, #tpu.memory_space<hbm>>
        tpu.enqueue_indirect_dma source(%dma_start3A_543 : memref<100000x128xf32, #tpu.memory_space<hbm>>) target(%arg16 : memref<112x128xf32, #tpu.memory_space<vmem>>) offsets(%dma_start3A_540 : memref<112xi32, #tpu.memory_space<vmem>>) semaphore(%arg23 : memref<!tpu.dma_semaphore, #tpu.memory_space<semaphore_mem>>)
        %dma_start3A_544 = arith.constant 2 : i32
        %dma_start3A_545 = arith.constant 0 : i32
        %dma_start3A_546 = tpu.memref_slice %arg10[%dma_start3A_544, %dma_start3A_545] : memref<4x112xi32, #tpu.memory_space<vmem>> -> memref<1x112xi32, #tpu.memory_space<vmem>>
        %dma_start3A_547 = tpu.memref_squeeze %dma_start3A_546 : memref<1x112xi32, #tpu.memory_space<vmem>> -> memref<112xi32, #tpu.memory_space<vmem>>
        %dma_start3A_548 = arith.constant 0 : i32
        %dma_start3A_549 = arith.constant 0 : i32
        %dma_start3A_550 = tpu.memref_slice %arg5[%dma_start3A_548, %dma_start3A_549] : memref<100000x128xf32, #tpu.memory_space<hbm>> -> memref<100000x128xf32, #tpu.memory_space<hbm>>
        tpu.enqueue_indirect_dma source(%dma_start3A_550 : memref<100000x128xf32, #tpu.memory_space<hbm>>) target(%arg17 : memref<112x128xf32, #tpu.memory_space<vmem>>) offsets(%dma_start3A_547 : memref<112xi32, #tpu.memory_space<vmem>>) semaphore(%arg23 : memref<!tpu.dma_semaphore, #tpu.memory_space<semaphore_mem>>)
        %dma_start3A_551 = arith.constant 3 : i32
        %dma_start3A_552 = arith.constant 0 : i32
        %dma_start3A_553 = tpu.memref_slice %arg10[%dma_start3A_551, %dma_start3A_552] : memref<4x112xi32, #tpu.memory_space<vmem>> -> memref<1x112xi32, #tpu.memory_space<vmem>>
        %dma_start3A_554 = tpu.memref_squeeze %dma_start3A_553 : memref<1x112xi32, #tpu.memory_space<vmem>> -> memref<112xi32, #tpu.memory_space<vmem>>
        %dma_start3A_555 = arith.constant 0 : i32
        %dma_start3A_556 = arith.constant 0 : i32
        %dma_start3A_557 = tpu.memref_slice %arg5[%dma_start3A_555, %dma_start3A_556] : memref<100000x128xf32, #tpu.memory_space<hbm>> -> memref<100000x128xf32, #tpu.memory_space<hbm>>
        tpu.enqueue_indirect_dma source(%dma_start3A_557 : memref<100000x128xf32, #tpu.memory_space<hbm>>) target(%arg18 : memref<112x128xf32, #tpu.memory_space<vmem>>) offsets(%dma_start3A_554 : memref<112xi32, #tpu.memory_space<vmem>>) semaphore(%arg23 : memref<!tpu.dma_semaphore, #tpu.memory_space<semaphore_mem>>)
      } else {
      }
      %dma_wait3A_65 = arith.constant 0 : i32
      %dma_wait3A_66 = arith.constant 0 : i32
      %dma_wait3A_67 = tpu.memref_slice %arg5[%dma_wait3A_65, %dma_wait3A_66] : memref<100000x128xf32, #tpu.memory_space<hbm>> -> memref<112x128xf32, #tpu.memory_space<hbm>>
      %dma_wait3A_68 = arith.constant 0 : i32
      %dma_wait3A_69 = arith.constant 0 : i32
      %dma_wait3A_70 = tpu.memref_slice %arg5[%dma_wait3A_68, %dma_wait3A_69] : memref<100000x128xf32, #tpu.memory_space<hbm>> -> memref<112x128xf32, #tpu.memory_space<hbm>>
      tpu.wait_dma2 semaphore(%arg22 : memref<!tpu.dma_semaphore, #tpu.memory_space<semaphore_mem>>) src(%dma_wait3A_70 : memref<112x128xf32, #tpu.memory_space<hbm>>) dst(%arg11 : memref<112x128xf32, #tpu.memory_space<vmem>>)
      %dma_wait3A_71 = arith.constant 0 : i32
      %dma_wait3A_72 = arith.constant 0 : i32
      %dma_wait3A_73 = tpu.memref_slice %arg5[%dma_wait3A_71, %dma_wait3A_72] : memref<100000x128xf32, #tpu.memory_space<hbm>> -> memref<112x128xf32, #tpu.memory_space<hbm>>
      %dma_wait3A_74 = arith.constant 0 : i32
      %dma_wait3A_75 = arith.constant 0 : i32
      %dma_wait3A_76 = tpu.memref_slice %arg5[%dma_wait3A_74, %dma_wait3A_75] : memref<100000x128xf32, #tpu.memory_space<hbm>> -> memref<112x128xf32, #tpu.memory_space<hbm>>
      tpu.wait_dma2 semaphore(%arg22 : memref<!tpu.dma_semaphore, #tpu.memory_space<semaphore_mem>>) src(%dma_wait3A_76 : memref<112x128xf32, #tpu.memory_space<hbm>>) dst(%arg12 : memref<112x128xf32, #tpu.memory_space<vmem>>)
      %dma_wait3A_77 = arith.constant 0 : i32
      %dma_wait3A_78 = arith.constant 0 : i32
      %dma_wait3A_79 = tpu.memref_slice %arg5[%dma_wait3A_77, %dma_wait3A_78] : memref<100000x128xf32, #tpu.memory_space<hbm>> -> memref<112x128xf32, #tpu.memory_space<hbm>>
      %dma_wait3A_80 = arith.constant 0 : i32
      %dma_wait3A_81 = arith.constant 0 : i32
      %dma_wait3A_82 = tpu.memref_slice %arg5[%dma_wait3A_80, %dma_wait3A_81] : memref<100000x128xf32, #tpu.memory_space<hbm>> -> memref<112x128xf32, #tpu.memory_space<hbm>>
      tpu.wait_dma2 semaphore(%arg22 : memref<!tpu.dma_semaphore, #tpu.memory_space<semaphore_mem>>) src(%dma_wait3A_82 : memref<112x128xf32, #tpu.memory_space<hbm>>) dst(%arg13 : memref<112x128xf32, #tpu.memory_space<vmem>>)
      %dma_wait3A_83 = arith.constant 0 : i32
      %dma_wait3A_84 = arith.constant 0 : i32
      %dma_wait3A_85 = tpu.memref_slice %arg5[%dma_wait3A_83, %dma_wait3A_84] : memref<100000x128xf32, #tpu.memory_space<hbm>> -> memref<112x128xf32, #tpu.memory_space<hbm>>
      %dma_wait3A_86 = arith.constant 0 : i32
      %dma_wait3A_87 = arith.constant 0 : i32
      %dma_wait3A_88 = tpu.memref_slice %arg5[%dma_wait3A_86, %dma_wait3A_87] : memref<100000x128xf32, #tpu.memory_space<hbm>> -> memref<112x128xf32, #tpu.memory_space<hbm>>
      tpu.wait_dma2 semaphore(%arg22 : memref<!tpu.dma_semaphore, #tpu.memory_space<semaphore_mem>>) src(%dma_wait3A_88 : memref<112x128xf32, #tpu.memory_space<hbm>>) dst(%arg14 : memref<112x128xf32, #tpu.memory_space<vmem>>)
      %add3A_89 = arith.constant 2 : i32
      %add3A_90 = arith.addi %mul3A_60, %add3A_89 : i32
      %lt3A_91 = arith.constant 128 : i32
      %lt3A_92 = arith.cmpi slt, %add3A_90, %lt3A_91 : i32
      %convert_element_type3A_93 = arith.extui %lt3A_92 : i1 to i32
      %cond3A_94 = arith.constant 0 : i32
      %cond3A_95 = arith.cmpi ne, %convert_element_type3A_93, %cond3A_94 : i32
      scf.if %cond3A_95 {
        %add3A_522 = arith.constant 2 : i32
        %add3A_523 = arith.addi %mul3A_60, %add3A_522 : i32
        %add3A_524 = arith.addi %mul3A_2, %add3A_523 : i32
        %dma_start3A_525 = arith.constant 0 : i32
        %dma_start3A_526 = arith.constant 0 : i32
        %dma_start3A_527 = tpu.memref_slice %arg3[%add3A_524, %dma_start3A_525, %dma_start3A_526] : memref<4096x4x112xi32, #tpu.memory_space<hbm>> -> memref<1x4x112xi32, #tpu.memory_space<hbm>>
        %dma_start3A_528 = tpu.memref_squeeze %dma_start3A_527 : memref<1x4x112xi32, #tpu.memory_space<hbm>> -> memref<4x112xi32, #tpu.memory_space<hbm>>
        %dma_start3A_529 = arith.constant 0 : i32
        %dma_start3A_530 = arith.constant 0 : i32
        %dma_start3A_531 = tpu.memref_slice %arg3[%add3A_524, %dma_start3A_529, %dma_start3A_530] : memref<4096x4x112xi32, #tpu.memory_space<hbm>> -> memref<1x4x112xi32, #tpu.memory_space<hbm>>
        %dma_start3A_532 = tpu.memref_squeeze %dma_start3A_531 : memref<1x4x112xi32, #tpu.memory_space<hbm>> -> memref<4x112xi32, #tpu.memory_space<hbm>>
        tpu.enqueue_dma source(%dma_start3A_532 : memref<4x112xi32, #tpu.memory_space<hbm>>) target(%arg9 : memref<4x112xi32, #tpu.memory_space<vmem>>) target_semaphore(%arg21 : memref<!tpu.dma_semaphore, #tpu.memory_space<semaphore_mem>>)
      } else {
      }
      %ge3A = arith.constant 2 : i32
      %ge3A_96 = arith.cmpi sge, %mul3A_60, %ge3A : i32
      %convert_element_type3A_97 = arith.extui %ge3A_96 : i1 to i32
      %cond3A_98 = arith.constant 0 : i32
      %cond3A_99 = arith.cmpi ne, %convert_element_type3A_97, %cond3A_98 : i32
      scf.if %cond3A_99 {
        %dma_wait3A_522 = arith.constant 0 : i32
        %dma_wait3A_523 = tpu.memref_slice %arg6[%mul3A_2, %dma_wait3A_522] : memref<4096x448xf32, #tpu.memory_space<hbm>> -> memref<1x448xf32, #tpu.memory_space<hbm>>
        %dma_wait3A_524 = tpu.memref_squeeze %dma_wait3A_523 : memref<1x448xf32, #tpu.memory_space<hbm>> -> memref<448xf32, #tpu.memory_space<hbm>>
        %dma_wait3A_525 = arith.constant 0 : i32
        %dma_wait3A_526 = tpu.memref_slice %arg6[%mul3A_2, %dma_wait3A_525] : memref<4096x448xf32, #tpu.memory_space<hbm>> -> memref<1x448xf32, #tpu.memory_space<hbm>>
        %dma_wait3A_527 = tpu.memref_squeeze %dma_wait3A_526 : memref<1x448xf32, #tpu.memory_space<hbm>> -> memref<448xf32, #tpu.memory_space<hbm>>
        tpu.wait_dma2 semaphore(%arg24 : memref<!tpu.dma_semaphore, #tpu.memory_space<semaphore_mem>>) src(%arg19 : memref<448xf32, #tpu.memory_space<vmem>>) dst(%dma_wait3A_527 : memref<448xf32, #tpu.memory_space<hbm>>)
      } else {
      }
      %jit3A = arith.constant 8 : i32
      %eq3A_100 = arith.constant 0 : i32
      %eq3A_101 = arith.cmpi eq, %jit3A, %eq3A_100 : i32
      %jit3A_102 = arith.constant 1 : i32
      %select_n3A = arith.select %eq3A_101, %jit3A_102, %jit3A : i32
      %rem3A = arith.remsi %mul3A_60, %select_n3A : i32
      %ne3A = arith.constant 0 : i32
      %ne3A_103 = arith.cmpi ne, %rem3A, %ne3A : i32
      %lt3A_104 = arith.constant 0 : i32
      %lt3A_105 = arith.cmpi slt, %rem3A, %lt3A_104 : i32
      %lt3A_106 = arith.constant 0 : i32
      %lt3A_107 = arith.cmpi slt, %select_n3A, %lt3A_106 : i32
      %ne3A_108 = arith.xori %lt3A_105, %lt3A_107 : i1
      %and3A = arith.andi %ne3A_108, %ne3A_103 : i1
      %add3A_109 = arith.addi %rem3A, %select_n3A : i32
      %select_n3A_110 = arith.select %and3A, %add3A_109, %rem3A : i32
      %eq3A_111 = arith.constant 0 : i32
      %eq3A_112 = arith.cmpi eq, %select_n3A_110, %eq3A_111 : i32
      %convert_element_type3A_113 = arith.extui %eq3A_112 : i1 to i32
      %cond3A_114 = arith.constant 0 : i32
      %cond3A_115 = arith.cmpi ne, %convert_element_type3A_113, %cond3A_114 : i32
      scf.if %cond3A_115 {
        %multiple_of3A = tpu.assume_multiple %mul3A_60, 8 : i32
        %dma_start3A_522 = tpu.memref_slice %arg7[%multiple_of3A] : memref<128xi32, #tpu.memory_space<vmem>> -> memref<8xi32, #tpu.memory_space<vmem>>
        %dma_start3A_523 = arith.constant 0 : i32
        %dma_start3A_524 = arith.constant 0 : i32
        %dma_start3A_525 = tpu.memref_slice %arg4[%dma_start3A_523, %dma_start3A_524] : memref<100000x128xf32, #tpu.memory_space<hbm>> -> memref<100000x128xf32, #tpu.memory_space<hbm>>
        tpu.enqueue_indirect_dma source(%dma_start3A_525 : memref<100000x128xf32, #tpu.memory_space<hbm>>) target(%arg8 : memref<8x128xf32, #tpu.memory_space<vmem>>) offsets(%dma_start3A_522 : memref<8xi32, #tpu.memory_space<vmem>>) semaphore(%arg21 : memref<!tpu.dma_semaphore, #tpu.memory_space<semaphore_mem>>)
        %dma_wait3A_526 = tpu.memref_slice %arg7[%multiple_of3A] : memref<128xi32, #tpu.memory_space<vmem>> -> memref<8xi32, #tpu.memory_space<vmem>>
        %dma_wait3A_527 = arith.constant 0 : i32
        %dma_wait3A_528 = arith.constant 0 : i32
        %dma_wait3A_529 = tpu.memref_slice %arg4[%dma_wait3A_527, %dma_wait3A_528] : memref<100000x128xf32, #tpu.memory_space<hbm>> -> memref<100000x128xf32, #tpu.memory_space<hbm>>
        tpu.wait_indirect_dma semaphore(%arg21 : memref<!tpu.dma_semaphore, #tpu.memory_space<semaphore_mem>>) src(%dma_wait3A_529 : memref<100000x128xf32, #tpu.memory_space<hbm>>) dst(%arg8 : memref<8x128xf32, #tpu.memory_space<vmem>>)
      } else {
      }
      %jit3A_116 = arith.constant 8 : i32
      %eq3A_117 = arith.constant 0 : i32
      %eq3A_118 = arith.cmpi eq, %jit3A_116, %eq3A_117 : i32
      %jit3A_119 = arith.constant 1 : i32
      %select_n3A_120 = arith.select %eq3A_118, %jit3A_119, %jit3A_116 : i32
      %rem3A_121 = arith.remsi %mul3A_60, %select_n3A_120 : i32
      %ne3A_122 = arith.constant 0 : i32
      %ne3A_123 = arith.cmpi ne, %rem3A_121, %ne3A_122 : i32
      %lt3A_124 = arith.constant 0 : i32
      %lt3A_125 = arith.cmpi slt, %rem3A_121, %lt3A_124 : i32
      %lt3A_126 = arith.constant 0 : i32
      %lt3A_127 = arith.cmpi slt, %select_n3A_120, %lt3A_126 : i32
      %ne3A_128 = arith.xori %lt3A_125, %lt3A_127 : i1
      %and3A_129 = arith.andi %ne3A_128, %ne3A_123 : i1
      %add3A_130 = arith.addi %rem3A_121, %select_n3A_120 : i32
      %select_n3A_131 = arith.select %and3A_129, %add3A_130, %rem3A_121 : i32
      %get3A = arith.index_cast %select_n3A_131 : i32 to index
      %get3A_132 = arith.constant 0 : index
      %get3A_133 = tpu.vector_load %arg8[%get3A, %get3A_132] {strides = array<i32>} : memref<8x128xf32, #tpu.memory_space<vmem>>, vector<16xf32>,
      %jit3A_134 = arith.constant 8 : i32
      %eq3A_135 = arith.constant 0 : i32
      %eq3A_136 = arith.cmpi eq, %jit3A_134, %eq3A_135 : i32
      %jit3A_137 = arith.constant 1 : i32
      %select_n3A_138 = arith.select %eq3A_136, %jit3A_137, %jit3A_134 : i32
      %rem3A_139 = arith.remsi %mul3A_60, %select_n3A_138 : i32
      %ne3A_140 = arith.constant 0 : i32
      %ne3A_141 = arith.cmpi ne, %rem3A_139, %ne3A_140 : i32
      %lt3A_142 = arith.constant 0 : i32
      %lt3A_143 = arith.cmpi slt, %rem3A_139, %lt3A_142 : i32
      %lt3A_144 = arith.constant 0 : i32
      %lt3A_145 = arith.cmpi slt, %select_n3A_138, %lt3A_144 : i32
      %ne3A_146 = arith.xori %lt3A_143, %lt3A_145 : i1
      %and3A_147 = arith.andi %ne3A_146, %ne3A_141 : i1
      %add3A_148 = arith.addi %rem3A_139, %select_n3A_138 : i32
      %select_n3A_149 = arith.select %and3A_147, %add3A_148, %rem3A_139 : i32
      %get3A_150 = arith.index_cast %select_n3A_149 : i32 to index
      %get3A_151 = arith.constant 16 : index
      %get3A_152 = tpu.vector_load %arg8[%get3A_150, %get3A_151] {strides = array<i32>} : memref<8x128xf32, #tpu.memory_space<vmem>>, vector<16xf32>,
      %jit3A_153 = arith.constant 8 : i32
      %eq3A_154 = arith.constant 0 : i32
      %eq3A_155 = arith.cmpi eq, %jit3A_153, %eq3A_154 : i32
      %jit3A_156 = arith.constant 1 : i32
      %select_n3A_157 = arith.select %eq3A_155, %jit3A_156, %jit3A_153 : i32
      %rem3A_158 = arith.remsi %mul3A_60, %select_n3A_157 : i32
      %ne3A_159 = arith.constant 0 : i32
      %ne3A_160 = arith.cmpi ne, %rem3A_158, %ne3A_159 : i32
      %lt3A_161 = arith.constant 0 : i32
      %lt3A_162 = arith.cmpi slt, %rem3A_158, %lt3A_161 : i32
      %lt3A_163 = arith.constant 0 : i32
      %lt3A_164 = arith.cmpi slt, %select_n3A_157, %lt3A_163 : i32
      %ne3A_165 = arith.xori %lt3A_162, %lt3A_164 : i1
      %and3A_166 = arith.andi %ne3A_165, %ne3A_160 : i1
      %add3A_167 = arith.addi %rem3A_158, %select_n3A_157 : i32
      %select_n3A_168 = arith.select %and3A_166, %add3A_167, %rem3A_158 : i32
      %get3A_169 = arith.index_cast %select_n3A_168 : i32 to index
      %get3A_170 = arith.constant 32 : index
      %get3A_171 = tpu.vector_load %arg8[%get3A_169, %get3A_170] {strides = array<i32>} : memref<8x128xf32, #tpu.memory_space<vmem>>, vector<16xf32>,
      %jit3A_172 = arith.constant 8 : i32
      %eq3A_173 = arith.constant 0 : i32
      %eq3A_174 = arith.cmpi eq, %jit3A_172, %eq3A_173 : i32
      %jit3A_175 = arith.constant 1 : i32
      %select_n3A_176 = arith.select %eq3A_174, %jit3A_175, %jit3A_172 : i32
      %rem3A_177 = arith.remsi %mul3A_60, %select_n3A_176 : i32
      %ne3A_178 = arith.constant 0 : i32
      %ne3A_179 = arith.cmpi ne, %rem3A_177, %ne3A_178 : i32
      %lt3A_180 = arith.constant 0 : i32
      %lt3A_181 = arith.cmpi slt, %rem3A_177, %lt3A_180 : i32
      %lt3A_182 = arith.constant 0 : i32
      %lt3A_183 = arith.cmpi slt, %select_n3A_176, %lt3A_182 : i32
      %ne3A_184 = arith.xori %lt3A_181, %lt3A_183 : i1
      %and3A_185 = arith.andi %ne3A_184, %ne3A_179 : i1
      %add3A_186 = arith.addi %rem3A_177, %select_n3A_176 : i32
      %select_n3A_187 = arith.select %and3A_185, %add3A_186, %rem3A_177 : i32
      %get3A_188 = arith.index_cast %select_n3A_187 : i32 to index
      %get3A_189 = arith.constant 48 : index
      %get3A_190 = tpu.vector_load %arg8[%get3A_188, %get3A_189] {strides = array<i32>} : memref<8x128xf32, #tpu.memory_space<vmem>>, vector<16xf32>,
      %jit3A_191 = arith.constant 8 : i32
      %eq3A_192 = arith.constant 0 : i32
      %eq3A_193 = arith.cmpi eq, %jit3A_191, %eq3A_192 : i32
      %jit3A_194 = arith.constant 1 : i32
      %select_n3A_195 = arith.select %eq3A_193, %jit3A_194, %jit3A_191 : i32
      %rem3A_196 = arith.remsi %mul3A_60, %select_n3A_195 : i32
      %ne3A_197 = arith.constant 0 : i32
      %ne3A_198 = arith.cmpi ne, %rem3A_196, %ne3A_197 : i32
      %lt3A_199 = arith.constant 0 : i32
      %lt3A_200 = arith.cmpi slt, %rem3A_196, %lt3A_199 : i32
      %lt3A_201 = arith.constant 0 : i32
      %lt3A_202 = arith.cmpi slt, %select_n3A_195, %lt3A_201 : i32
      %ne3A_203 = arith.xori %lt3A_200, %lt3A_202 : i1
      %and3A_204 = arith.andi %ne3A_203, %ne3A_198 : i1
      %add3A_205 = arith.addi %rem3A_196, %select_n3A_195 : i32
      %select_n3A_206 = arith.select %and3A_204, %add3A_205, %rem3A_196 : i32
      %get3A_207 = arith.index_cast %select_n3A_206 : i32 to index
      %get3A_208 = arith.constant 64 : index
      %get3A_209 = tpu.vector_load %arg8[%get3A_207, %get3A_208] {strides = array<i32>} : memref<8x128xf32, #tpu.memory_space<vmem>>, vector<16xf32>,
      %jit3A_210 = arith.constant 8 : i32
      %eq3A_211 = arith.constant 0 : i32
      %eq3A_212 = arith.cmpi eq, %jit3A_210, %eq3A_211 : i32
      %jit3A_213 = arith.constant 1 : i32
      %select_n3A_214 = arith.select %eq3A_212, %jit3A_213, %jit3A_210 : i32
      %rem3A_215 = arith.remsi %mul3A_60, %select_n3A_214 : i32
      %ne3A_216 = arith.constant 0 : i32
      %ne3A_217 = arith.cmpi ne, %rem3A_215, %ne3A_216 : i32
      %lt3A_218 = arith.constant 0 : i32
      %lt3A_219 = arith.cmpi slt, %rem3A_215, %lt3A_218 : i32
      %lt3A_220 = arith.constant 0 : i32
      %lt3A_221 = arith.cmpi slt, %select_n3A_214, %lt3A_220 : i32
      %ne3A_222 = arith.xori %lt3A_219, %lt3A_221 : i1
      %and3A_223 = arith.andi %ne3A_222, %ne3A_217 : i1
      %add3A_224 = arith.addi %rem3A_215, %select_n3A_214 : i32
      %select_n3A_225 = arith.select %and3A_223, %add3A_224, %rem3A_215 : i32
      %get3A_226 = arith.index_cast %select_n3A_225 : i32 to index
      %get3A_227 = arith.constant 80 : index
      %get3A_228 = tpu.vector_load %arg8[%get3A_226, %get3A_227] {strides = array<i32>} : memref<8x128xf32, #tpu.memory_space<vmem>>, vector<16xf32>,
      %jit3A_229 = arith.constant 8 : i32
      %eq3A_230 = arith.constant 0 : i32
      %eq3A_231 = arith.cmpi eq, %jit3A_229, %eq3A_230 : i32
      %jit3A_232 = arith.constant 1 : i32
      %select_n3A_233 = arith.select %eq3A_231, %jit3A_232, %jit3A_229 : i32
      %rem3A_234 = arith.remsi %mul3A_60, %select_n3A_233 : i32
      %ne3A_235 = arith.constant 0 : i32
      %ne3A_236 = arith.cmpi ne, %rem3A_234, %ne3A_235 : i32
      %lt3A_237 = arith.constant 0 : i32
      %lt3A_238 = arith.cmpi slt, %rem3A_234, %lt3A_237 : i32
      %lt3A_239 = arith.constant 0 : i32
      %lt3A_240 = arith.cmpi slt, %select_n3A_233, %lt3A_239 : i32
      %ne3A_241 = arith.xori %lt3A_238, %lt3A_240 : i1
      %and3A_242 = arith.andi %ne3A_241, %ne3A_236 : i1
      %add3A_243 = arith.addi %rem3A_234, %select_n3A_233 : i32
      %select_n3A_244 = arith.select %and3A_242, %add3A_243, %rem3A_234 : i32
      %get3A_245 = arith.index_cast %select_n3A_244 : i32 to index
      %get3A_246 = arith.constant 96 : index
      %get3A_247 = tpu.vector_load %arg8[%get3A_245, %get3A_246] {strides = array<i32>} : memref<8x128xf32, #tpu.memory_space<vmem>>, vector<16xf32>,
      %jit3A_248 = arith.constant 8 : i32
      %eq3A_249 = arith.constant 0 : i32
      %eq3A_250 = arith.cmpi eq, %jit3A_248, %eq3A_249 : i32
      %jit3A_251 = arith.constant 1 : i32
      %select_n3A_252 = arith.select %eq3A_250, %jit3A_251, %jit3A_248 : i32
      %rem3A_253 = arith.remsi %mul3A_60, %select_n3A_252 : i32
      %ne3A_254 = arith.constant 0 : i32
      %ne3A_255 = arith.cmpi ne, %rem3A_253, %ne3A_254 : i32
      %lt3A_256 = arith.constant 0 : i32
      %lt3A_257 = arith.cmpi slt, %rem3A_253, %lt3A_256 : i32
      %lt3A_258 = arith.constant 0 : i32
      %lt3A_259 = arith.cmpi slt, %select_n3A_252, %lt3A_258 : i32
      %ne3A_260 = arith.xori %lt3A_257, %lt3A_259 : i1
      %and3A_261 = arith.andi %ne3A_260, %ne3A_255 : i1
      %add3A_262 = arith.addi %rem3A_253, %select_n3A_252 : i32
      %select_n3A_263 = arith.select %and3A_261, %add3A_262, %rem3A_253 : i32
      %get3A_264 = arith.index_cast %select_n3A_263 : i32 to index
      %get3A_265 = arith.constant 112 : index
      %get3A_266 = tpu.vector_load %arg8[%get3A_264, %get3A_265] {strides = array<i32>} : memref<8x128xf32, #tpu.memory_space<vmem>>, vector<16xf32>,
      %parallel_loop3A = arith.constant 0 : i32
      %parallel_loop3A_267 = arith.constant 112 : i32
      %parallel_loop3A_268 = arith.constant 1 : i32
      scf.for %parallel_loop3A_522 = %parallel_loop3A to %parallel_loop3A_267 step %parallel_loop3A_268  : i32 {
        %parallel_loop3A_523 = arith.index_cast %parallel_loop3A_522 : i32 to index
        %parallel_loop3A_524 = arith.constant 0 : index
        %parallel_loop3A_525 = tpu.vector_load %arg11[%parallel_loop3A_523, %parallel_loop3A_524] {strides = array<i32>} : memref<112x128xf32, #tpu.memory_space<vmem>>, vector<16xf32>,
        %parallel_loop3A_526 = arith.mulf %parallel_loop3A_525, %get3A_133 : vector<16xf32>
        %parallel_loop3A_527 = arith.index_cast %parallel_loop3A_522 : i32 to index
        %parallel_loop3A_528 = arith.constant 16 : index
        %parallel_loop3A_529 = tpu.vector_load %arg11[%parallel_loop3A_527, %parallel_loop3A_528] {strides = array<i32>} : memref<112x128xf32, #tpu.memory_space<vmem>>, vector<16xf32>,
        %parallel_loop3A_530 = arith.mulf %parallel_loop3A_529, %get3A_152 : vector<16xf32>
        %parallel_loop3A_531 = arith.index_cast %parallel_loop3A_522 : i32 to index
        %parallel_loop3A_532 = arith.constant 32 : index
        %parallel_loop3A_533 = tpu.vector_load %arg11[%parallel_loop3A_531, %parallel_loop3A_532] {strides = array<i32>} : memref<112x128xf32, #tpu.memory_space<vmem>>, vector<16xf32>,
        %parallel_loop3A_534 = arith.mulf %parallel_loop3A_533, %get3A_171 : vector<16xf32>
        %parallel_loop3A_535 = arith.index_cast %parallel_loop3A_522 : i32 to index
        %parallel_loop3A_536 = arith.constant 48 : index
        %parallel_loop3A_537 = tpu.vector_load %arg11[%parallel_loop3A_535, %parallel_loop3A_536] {strides = array<i32>} : memref<112x128xf32, #tpu.memory_space<vmem>>, vector<16xf32>,
        %parallel_loop3A_538 = arith.mulf %parallel_loop3A_537, %get3A_190 : vector<16xf32>
        %parallel_loop3A_539 = arith.index_cast %parallel_loop3A_522 : i32 to index
        %parallel_loop3A_540 = arith.constant 64 : index
        %parallel_loop3A_541 = tpu.vector_load %arg11[%parallel_loop3A_539, %parallel_loop3A_540] {strides = array<i32>} : memref<112x128xf32, #tpu.memory_space<vmem>>, vector<16xf32>,
        %parallel_loop3A_542 = arith.mulf %parallel_loop3A_541, %get3A_209 : vector<16xf32>
        %parallel_loop3A_543 = arith.index_cast %parallel_loop3A_522 : i32 to index
        %parallel_loop3A_544 = arith.constant 80 : index
        %parallel_loop3A_545 = tpu.vector_load %arg11[%parallel_loop3A_543, %parallel_loop3A_544] {strides = array<i32>} : memref<112x128xf32, #tpu.memory_space<vmem>>, vector<16xf32>,
        %parallel_loop3A_546 = arith.mulf %parallel_loop3A_545, %get3A_228 : vector<16xf32>
        %parallel_loop3A_547 = arith.index_cast %parallel_loop3A_522 : i32 to index
        %parallel_loop3A_548 = arith.constant 96 : index
        %parallel_loop3A_549 = tpu.vector_load %arg11[%parallel_loop3A_547, %parallel_loop3A_548] {strides = array<i32>} : memref<112x128xf32, #tpu.memory_space<vmem>>, vector<16xf32>,
        %parallel_loop3A_550 = arith.mulf %parallel_loop3A_549, %get3A_247 : vector<16xf32>
        %parallel_loop3A_551 = arith.index_cast %parallel_loop3A_522 : i32 to index
        %parallel_loop3A_552 = arith.constant 112 : index
        %parallel_loop3A_553 = tpu.vector_load %arg11[%parallel_loop3A_551, %parallel_loop3A_552] {strides = array<i32>} : memref<112x128xf32, #tpu.memory_space<vmem>>, vector<16xf32>,
        %parallel_loop3A_554 = arith.mulf %parallel_loop3A_553, %get3A_266 : vector<16xf32>
        %parallel_loop3A_555 = arith.addf %parallel_loop3A_526, %parallel_loop3A_530 : vector<16xf32>
        %parallel_loop3A_556 = arith.addf %parallel_loop3A_534, %parallel_loop3A_538 : vector<16xf32>
        %parallel_loop3A_557 = arith.addf %parallel_loop3A_542, %parallel_loop3A_546 : vector<16xf32>
        %parallel_loop3A_558 = arith.addf %parallel_loop3A_550, %parallel_loop3A_554 : vector<16xf32>
        %parallel_loop3A_559 = arith.addf %parallel_loop3A_555, %parallel_loop3A_556 : vector<16xf32>
        %parallel_loop3A_560 = arith.addf %parallel_loop3A_557, %parallel_loop3A_558 : vector<16xf32>
        %parallel_loop3A_561 = arith.addf %parallel_loop3A_559, %parallel_loop3A_560 : vector<16xf32>
        %parallel_loop3A_562 = arith.constant true
        %parallel_loop3A_563 = vector.broadcast %parallel_loop3A_562 : i1 to vector<16xi1>
        %parallel_loop3A_564 = tpu.scan <sum>, %parallel_loop3A_561 masked %parallel_loop3A_563 : vector<16xf32>, vector<16xi1> -> vector<16xf32>
        %parallel_loop3A_565 = arith.constant 0 : i32
        %parallel_loop3A_566 = arith.addi %parallel_loop3A_565, %parallel_loop3A_522 : i32
        %parallel_loop3A_567 = vector.broadcast %parallel_loop3A_566 : i32 to vector<16xi32>
        tpu.vector_store_idx %arg19[%parallel_loop3A_567], %parallel_loop3A_564 masked %eq3A_4 : memref<448xf32, #tpu.memory_space<vmem>>[vector<16xi32>], vector<16xf32>, vector<16xi1>
      } {sc.loop_unroll_factor = 8 : i64, sc.parallel_access}
      %parallel_loop3A_269 = arith.constant 0 : i32
      %parallel_loop3A_270 = arith.constant 112 : i32
      %parallel_loop3A_271 = arith.constant 1 : i32
      scf.for %parallel_loop3A_522 = %parallel_loop3A_269 to %parallel_loop3A_270 step %parallel_loop3A_271  : i32 {
        %parallel_loop3A_523 = arith.index_cast %parallel_loop3A_522 : i32 to index
        %parallel_loop3A_524 = arith.constant 0 : index
        %parallel_loop3A_525 = tpu.vector_load %arg12[%parallel_loop3A_523, %parallel_loop3A_524] {strides = array<i32>} : memref<112x128xf32, #tpu.memory_space<vmem>>, vector<16xf32>,
        %parallel_loop3A_526 = arith.mulf %parallel_loop3A_525, %get3A_133 : vector<16xf32>
        %parallel_loop3A_527 = arith.index_cast %parallel_loop3A_522 : i32 to index
        %parallel_loop3A_528 = arith.constant 16 : index
        %parallel_loop3A_529 = tpu.vector_load %arg12[%parallel_loop3A_527, %parallel_loop3A_528] {strides = array<i32>} : memref<112x128xf32, #tpu.memory_space<vmem>>, vector<16xf32>,
        %parallel_loop3A_530 = arith.mulf %parallel_loop3A_529, %get3A_152 : vector<16xf32>
        %parallel_loop3A_531 = arith.index_cast %parallel_loop3A_522 : i32 to index
        %parallel_loop3A_532 = arith.constant 32 : index
        %parallel_loop3A_533 = tpu.vector_load %arg12[%parallel_loop3A_531, %parallel_loop3A_532] {strides = array<i32>} : memref<112x128xf32, #tpu.memory_space<vmem>>, vector<16xf32>,
        %parallel_loop3A_534 = arith.mulf %parallel_loop3A_533, %get3A_171 : vector<16xf32>
        %parallel_loop3A_535 = arith.index_cast %parallel_loop3A_522 : i32 to index
        %parallel_loop3A_536 = arith.constant 48 : index
        %parallel_loop3A_537 = tpu.vector_load %arg12[%parallel_loop3A_535, %parallel_loop3A_536] {strides = array<i32>} : memref<112x128xf32, #tpu.memory_space<vmem>>, vector<16xf32>,
        %parallel_loop3A_538 = arith.mulf %parallel_loop3A_537, %get3A_190 : vector<16xf32>
        %parallel_loop3A_539 = arith.index_cast %parallel_loop3A_522 : i32 to index
        %parallel_loop3A_540 = arith.constant 64 : index
        %parallel_loop3A_541 = tpu.vector_load %arg12[%parallel_loop3A_539, %parallel_loop3A_540] {strides = array<i32>} : memref<112x128xf32, #tpu.memory_space<vmem>>, vector<16xf32>,
        %parallel_loop3A_542 = arith.mulf %parallel_loop3A_541, %get3A_209 : vector<16xf32>
        %parallel_loop3A_543 = arith.index_cast %parallel_loop3A_522 : i32 to index
        %parallel_loop3A_544 = arith.constant 80 : index
        %parallel_loop3A_545 = tpu.vector_load %arg12[%parallel_loop3A_543, %parallel_loop3A_544] {strides = array<i32>} : memref<112x128xf32, #tpu.memory_space<vmem>>, vector<16xf32>,
        %parallel_loop3A_546 = arith.mulf %parallel_loop3A_545, %get3A_228 : vector<16xf32>
        %parallel_loop3A_547 = arith.index_cast %parallel_loop3A_522 : i32 to index
        %parallel_loop3A_548 = arith.constant 96 : index
        %parallel_loop3A_549 = tpu.vector_load %arg12[%parallel_loop3A_547, %parallel_loop3A_548] {strides = array<i32>} : memref<112x128xf32, #tpu.memory_space<vmem>>, vector<16xf32>,
        %parallel_loop3A_550 = arith.mulf %parallel_loop3A_549, %get3A_247 : vector<16xf32>
        %parallel_loop3A_551 = arith.index_cast %parallel_loop3A_522 : i32 to index
        %parallel_loop3A_552 = arith.constant 112 : index
        %parallel_loop3A_553 = tpu.vector_load %arg12[%parallel_loop3A_551, %parallel_loop3A_552] {strides = array<i32>} : memref<112x128xf32, #tpu.memory_space<vmem>>, vector<16xf32>,
        %parallel_loop3A_554 = arith.mulf %parallel_loop3A_553, %get3A_266 : vector<16xf32>
        %parallel_loop3A_555 = arith.addf %parallel_loop3A_526, %parallel_loop3A_530 : vector<16xf32>
        %parallel_loop3A_556 = arith.addf %parallel_loop3A_534, %parallel_loop3A_538 : vector<16xf32>
        %parallel_loop3A_557 = arith.addf %parallel_loop3A_542, %parallel_loop3A_546 : vector<16xf32>
        %parallel_loop3A_558 = arith.addf %parallel_loop3A_550, %parallel_loop3A_554 : vector<16xf32>
        %parallel_loop3A_559 = arith.addf %parallel_loop3A_555, %parallel_loop3A_556 : vector<16xf32>
        %parallel_loop3A_560 = arith.addf %parallel_loop3A_557, %parallel_loop3A_558 : vector<16xf32>
        %parallel_loop3A_561 = arith.addf %parallel_loop3A_559, %parallel_loop3A_560 : vector<16xf32>
        %parallel_loop3A_562 = arith.constant true
        %parallel_loop3A_563 = vector.broadcast %parallel_loop3A_562 : i1 to vector<16xi1>
        %parallel_loop3A_564 = tpu.scan <sum>, %parallel_loop3A_561 masked %parallel_loop3A_563 : vector<16xf32>, vector<16xi1> -> vector<16xf32>
        %parallel_loop3A_565 = arith.constant 112 : i32
        %parallel_loop3A_566 = arith.addi %parallel_loop3A_565, %parallel_loop3A_522 : i32
        %parallel_loop3A_567 = vector.broadcast %parallel_loop3A_566 : i32 to vector<16xi32>
        tpu.vector_store_idx %arg19[%parallel_loop3A_567], %parallel_loop3A_564 masked %eq3A_4 : memref<448xf32, #tpu.memory_space<vmem>>[vector<16xi32>], vector<16xf32>, vector<16xi1>
      } {sc.loop_unroll_factor = 8 : i64, sc.parallel_access}
      %parallel_loop3A_272 = arith.constant 0 : i32
      %parallel_loop3A_273 = arith.constant 112 : i32
      %parallel_loop3A_274 = arith.constant 1 : i32
      scf.for %parallel_loop3A_522 = %parallel_loop3A_272 to %parallel_loop3A_273 step %parallel_loop3A_274  : i32 {
        %parallel_loop3A_523 = arith.index_cast %parallel_loop3A_522 : i32 to index
        %parallel_loop3A_524 = arith.constant 0 : index
        %parallel_loop3A_525 = tpu.vector_load %arg13[%parallel_loop3A_523, %parallel_loop3A_524] {strides = array<i32>} : memref<112x128xf32, #tpu.memory_space<vmem>>, vector<16xf32>,
        %parallel_loop3A_526 = arith.mulf %parallel_loop3A_525, %get3A_133 : vector<16xf32>
        %parallel_loop3A_527 = arith.index_cast %parallel_loop3A_522 : i32 to index
        %parallel_loop3A_528 = arith.constant 16 : index
        %parallel_loop3A_529 = tpu.vector_load %arg13[%parallel_loop3A_527, %parallel_loop3A_528] {strides = array<i32>} : memref<112x128xf32, #tpu.memory_space<vmem>>, vector<16xf32>,
        %parallel_loop3A_530 = arith.mulf %parallel_loop3A_529, %get3A_152 : vector<16xf32>
        %parallel_loop3A_531 = arith.index_cast %parallel_loop3A_522 : i32 to index
        %parallel_loop3A_532 = arith.constant 32 : index
        %parallel_loop3A_533 = tpu.vector_load %arg13[%parallel_loop3A_531, %parallel_loop3A_532] {strides = array<i32>} : memref<112x128xf32, #tpu.memory_space<vmem>>, vector<16xf32>,
        %parallel_loop3A_534 = arith.mulf %parallel_loop3A_533, %get3A_171 : vector<16xf32>
        %parallel_loop3A_535 = arith.index_cast %parallel_loop3A_522 : i32 to index
        %parallel_loop3A_536 = arith.constant 48 : index
        %parallel_loop3A_537 = tpu.vector_load %arg13[%parallel_loop3A_535, %parallel_loop3A_536] {strides = array<i32>} : memref<112x128xf32, #tpu.memory_space<vmem>>, vector<16xf32>,
        %parallel_loop3A_538 = arith.mulf %parallel_loop3A_537, %get3A_190 : vector<16xf32>
        %parallel_loop3A_539 = arith.index_cast %parallel_loop3A_522 : i32 to index
        %parallel_loop3A_540 = arith.constant 64 : index
        %parallel_loop3A_541 = tpu.vector_load %arg13[%parallel_loop3A_539, %parallel_loop3A_540] {strides = array<i32>} : memref<112x128xf32, #tpu.memory_space<vmem>>, vector<16xf32>,
        %parallel_loop3A_542 = arith.mulf %parallel_loop3A_541, %get3A_209 : vector<16xf32>
        %parallel_loop3A_543 = arith.index_cast %parallel_loop3A_522 : i32 to index
        %parallel_loop3A_544 = arith.constant 80 : index
        %parallel_loop3A_545 = tpu.vector_load %arg13[%parallel_loop3A_543, %parallel_loop3A_544] {strides = array<i32>} : memref<112x128xf32, #tpu.memory_space<vmem>>, vector<16xf32>,
        %parallel_loop3A_546 = arith.mulf %parallel_loop3A_545, %get3A_228 : vector<16xf32>
        %parallel_loop3A_547 = arith.index_cast %parallel_loop3A_522 : i32 to index
        %parallel_loop3A_548 = arith.constant 96 : index
        %parallel_loop3A_549 = tpu.vector_load %arg13[%parallel_loop3A_547, %parallel_loop3A_548] {strides = array<i32>} : memref<112x128xf32, #tpu.memory_space<vmem>>, vector<16xf32>,
        %parallel_loop3A_550 = arith.mulf %parallel_loop3A_549, %get3A_247 : vector<16xf32>
        %parallel_loop3A_551 = arith.index_cast %parallel_loop3A_522 : i32 to index
        %parallel_loop3A_552 = arith.constant 112 : index
        %parallel_loop3A_553 = tpu.vector_load %arg13[%parallel_loop3A_551, %parallel_loop3A_552] {strides = array<i32>} : memref<112x128xf32, #tpu.memory_space<vmem>>, vector<16xf32>,
        %parallel_loop3A_554 = arith.mulf %parallel_loop3A_553, %get3A_266 : vector<16xf32>
        %parallel_loop3A_555 = arith.addf %parallel_loop3A_526, %parallel_loop3A_530 : vector<16xf32>
        %parallel_loop3A_556 = arith.addf %parallel_loop3A_534, %parallel_loop3A_538 : vector<16xf32>
        %parallel_loop3A_557 = arith.addf %parallel_loop3A_542, %parallel_loop3A_546 : vector<16xf32>
        %parallel_loop3A_558 = arith.addf %parallel_loop3A_550, %parallel_loop3A_554 : vector<16xf32>
        %parallel_loop3A_559 = arith.addf %parallel_loop3A_555, %parallel_loop3A_556 : vector<16xf32>
        %parallel_loop3A_560 = arith.addf %parallel_loop3A_557, %parallel_loop3A_558 : vector<16xf32>
        %parallel_loop3A_561 = arith.addf %parallel_loop3A_559, %parallel_loop3A_560 : vector<16xf32>
        %parallel_loop3A_562 = arith.constant true
        %parallel_loop3A_563 = vector.broadcast %parallel_loop3A_562 : i1 to vector<16xi1>
        %parallel_loop3A_564 = tpu.scan <sum>, %parallel_loop3A_561 masked %parallel_loop3A_563 : vector<16xf32>, vector<16xi1> -> vector<16xf32>
        %parallel_loop3A_565 = arith.constant 224 : i32
        %parallel_loop3A_566 = arith.addi %parallel_loop3A_565, %parallel_loop3A_522 : i32
        %parallel_loop3A_567 = vector.broadcast %parallel_loop3A_566 : i32 to vector<16xi32>
        tpu.vector_store_idx %arg19[%parallel_loop3A_567], %parallel_loop3A_564 masked %eq3A_4 : memref<448xf32, #tpu.memory_space<vmem>>[vector<16xi32>], vector<16xf32>, vector<16xi1>
      } {sc.loop_unroll_factor = 8 : i64, sc.parallel_access}
      %parallel_loop3A_275 = arith.constant 0 : i32
      %parallel_loop3A_276 = arith.constant 112 : i32
      %parallel_loop3A_277 = arith.constant 1 : i32
      scf.for %parallel_loop3A_522 = %parallel_loop3A_275 to %parallel_loop3A_276 step %parallel_loop3A_277  : i32 {
        %parallel_loop3A_523 = arith.index_cast %parallel_loop3A_522 : i32 to index
        %parallel_loop3A_524 = arith.constant 0 : index
        %parallel_loop3A_525 = tpu.vector_load %arg14[%parallel_loop3A_523, %parallel_loop3A_524] {strides = array<i32>} : memref<112x128xf32, #tpu.memory_space<vmem>>, vector<16xf32>,
        %parallel_loop3A_526 = arith.mulf %parallel_loop3A_525, %get3A_133 : vector<16xf32>
        %parallel_loop3A_527 = arith.index_cast %parallel_loop3A_522 : i32 to index
        %parallel_loop3A_528 = arith.constant 16 : index
        %parallel_loop3A_529 = tpu.vector_load %arg14[%parallel_loop3A_527, %parallel_loop3A_528] {strides = array<i32>} : memref<112x128xf32, #tpu.memory_space<vmem>>, vector<16xf32>,
        %parallel_loop3A_530 = arith.mulf %parallel_loop3A_529, %get3A_152 : vector<16xf32>
        %parallel_loop3A_531 = arith.index_cast %parallel_loop3A_522 : i32 to index
        %parallel_loop3A_532 = arith.constant 32 : index
        %parallel_loop3A_533 = tpu.vector_load %arg14[%parallel_loop3A_531, %parallel_loop3A_532] {strides = array<i32>} : memref<112x128xf32, #tpu.memory_space<vmem>>, vector<16xf32>,
        %parallel_loop3A_534 = arith.mulf %parallel_loop3A_533, %get3A_171 : vector<16xf32>
        %parallel_loop3A_535 = arith.index_cast %parallel_loop3A_522 : i32 to index
        %parallel_loop3A_536 = arith.constant 48 : index
        %parallel_loop3A_537 = tpu.vector_load %arg14[%parallel_loop3A_535, %parallel_loop3A_536] {strides = array<i32>} : memref<112x128xf32, #tpu.memory_space<vmem>>, vector<16xf32>,
        %parallel_loop3A_538 = arith.mulf %parallel_loop3A_537, %get3A_190 : vector<16xf32>
        %parallel_loop3A_539 = arith.index_cast %parallel_loop3A_522 : i32 to index
        %parallel_loop3A_540 = arith.constant 64 : index
        %parallel_loop3A_541 = tpu.vector_load %arg14[%parallel_loop3A_539, %parallel_loop3A_540] {strides = array<i32>} : memref<112x128xf32, #tpu.memory_space<vmem>>, vector<16xf32>,
        %parallel_loop3A_542 = arith.mulf %parallel_loop3A_541, %get3A_209 : vector<16xf32>
        %parallel_loop3A_543 = arith.index_cast %parallel_loop3A_522 : i32 to index
        %parallel_loop3A_544 = arith.constant 80 : index
        %parallel_loop3A_545 = tpu.vector_load %arg14[%parallel_loop3A_543, %parallel_loop3A_544] {strides = array<i32>} : memref<112x128xf32, #tpu.memory_space<vmem>>, vector<16xf32>,
        %parallel_loop3A_546 = arith.mulf %parallel_loop3A_545, %get3A_228 : vector<16xf32>
        %parallel_loop3A_547 = arith.index_cast %parallel_loop3A_522 : i32 to index
        %parallel_loop3A_548 = arith.constant 96 : index
        %parallel_loop3A_549 = tpu.vector_load %arg14[%parallel_loop3A_547, %parallel_loop3A_548] {strides = array<i32>} : memref<112x128xf32, #tpu.memory_space<vmem>>, vector<16xf32>,
        %parallel_loop3A_550 = arith.mulf %parallel_loop3A_549, %get3A_247 : vector<16xf32>
        %parallel_loop3A_551 = arith.index_cast %parallel_loop3A_522 : i32 to index
        %parallel_loop3A_552 = arith.constant 112 : index
        %parallel_loop3A_553 = tpu.vector_load %arg14[%parallel_loop3A_551, %parallel_loop3A_552] {strides = array<i32>} : memref<112x128xf32, #tpu.memory_space<vmem>>, vector<16xf32>,
        %parallel_loop3A_554 = arith.mulf %parallel_loop3A_553, %get3A_266 : vector<16xf32>
        %parallel_loop3A_555 = arith.addf %parallel_loop3A_526, %parallel_loop3A_530 : vector<16xf32>
        %parallel_loop3A_556 = arith.addf %parallel_loop3A_534, %parallel_loop3A_538 : vector<16xf32>
        %parallel_loop3A_557 = arith.addf %parallel_loop3A_542, %parallel_loop3A_546 : vector<16xf32>
        %parallel_loop3A_558 = arith.addf %parallel_loop3A_550, %parallel_loop3A_554 : vector<16xf32>
        %parallel_loop3A_559 = arith.addf %parallel_loop3A_555, %parallel_loop3A_556 : vector<16xf32>
        %parallel_loop3A_560 = arith.addf %parallel_loop3A_557, %parallel_loop3A_558 : vector<16xf32>
        %parallel_loop3A_561 = arith.addf %parallel_loop3A_559, %parallel_loop3A_560 : vector<16xf32>
        %parallel_loop3A_562 = arith.constant true
        %parallel_loop3A_563 = vector.broadcast %parallel_loop3A_562 : i1 to vector<16xi1>
        %parallel_loop3A_564 = tpu.scan <sum>, %parallel_loop3A_561 masked %parallel_loop3A_563 : vector<16xf32>, vector<16xi1> -> vector<16xf32>
        %parallel_loop3A_565 = arith.constant 336 : i32
        %parallel_loop3A_566 = arith.addi %parallel_loop3A_565, %parallel_loop3A_522 : i32
        %parallel_loop3A_567 = vector.broadcast %parallel_loop3A_566 : i32 to vector<16xi32>
        tpu.vector_store_idx %arg19[%parallel_loop3A_567], %parallel_loop3A_564 masked %eq3A_4 : memref<448xf32, #tpu.memory_space<vmem>>[vector<16xi32>], vector<16xf32>, vector<16xi1>
      } {sc.loop_unroll_factor = 8 : i64, sc.parallel_access}
      %add3A_278 = arith.addi %mul3A_2, %mul3A_60 : i32
      %dma_start3A_279 = arith.constant 0 : i32
      %dma_start3A_280 = tpu.memref_slice %arg6[%add3A_278, %dma_start3A_279] : memref<4096x448xf32, #tpu.memory_space<hbm>> -> memref<1x448xf32, #tpu.memory_space<hbm>>
      %dma_start3A_281 = tpu.memref_squeeze %dma_start3A_280 : memref<1x448xf32, #tpu.memory_space<hbm>> -> memref<448xf32, #tpu.memory_space<hbm>>
      %dma_start3A_282 = arith.constant 0 : i32
      %dma_start3A_283 = tpu.memref_slice %arg6[%add3A_278, %dma_start3A_282] : memref<4096x448xf32, #tpu.memory_space<hbm>> -> memref<1x448xf32, #tpu.memory_space<hbm>>
      %dma_start3A_284 = tpu.memref_squeeze %dma_start3A_283 : memref<1x448xf32, #tpu.memory_space<hbm>> -> memref<448xf32, #tpu.memory_space<hbm>>
      tpu.enqueue_dma source(%arg19 : memref<448xf32, #tpu.memory_space<vmem>>) target(%dma_start3A_284 : memref<448xf32, #tpu.memory_space<hbm>>) target_semaphore(%arg24 : memref<!tpu.dma_semaphore, #tpu.memory_space<semaphore_mem>>)
      %add3A_285 = arith.constant 1 : i32
      %add3A_286 = arith.addi %mul3A_60, %add3A_285 : i32
      %add3A_287 = arith.constant 1 : i32
      %add3A_288 = arith.addi %add3A_286, %add3A_287 : i32
      %lt3A_289 = arith.constant 128 : i32
      %lt3A_290 = arith.cmpi slt, %add3A_288, %lt3A_289 : i32
      %convert_element_type3A_291 = arith.extui %lt3A_290 : i1 to i32
      %cond3A_292 = arith.constant 0 : i32
      %cond3A_293 = arith.cmpi ne, %convert_element_type3A_291, %cond3A_292 : i32
      scf.if %cond3A_293 {
        %dma_wait3A_522 = arith.constant 0 : i32
        %dma_wait3A_523 = arith.constant 0 : i32
        %dma_wait3A_524 = tpu.memref_slice %arg3[%mul3A_2, %dma_wait3A_522, %dma_wait3A_523] : memref<4096x4x112xi32, #tpu.memory_space<hbm>> -> memref<1x4x112xi32, #tpu.memory_space<hbm>>
        %dma_wait3A_525 = tpu.memref_squeeze %dma_wait3A_524 : memref<1x4x112xi32, #tpu.memory_space<hbm>> -> memref<4x112xi32, #tpu.memory_space<hbm>>
        %dma_wait3A_526 = arith.constant 0 : i32
        %dma_wait3A_527 = arith.constant 0 : i32
        %dma_wait3A_528 = tpu.memref_slice %arg3[%mul3A_2, %dma_wait3A_526, %dma_wait3A_527] : memref<4096x4x112xi32, #tpu.memory_space<hbm>> -> memref<1x4x112xi32, #tpu.memory_space<hbm>>
        %dma_wait3A_529 = tpu.memref_squeeze %dma_wait3A_528 : memref<1x4x112xi32, #tpu.memory_space<hbm>> -> memref<4x112xi32, #tpu.memory_space<hbm>>
        tpu.wait_dma2 semaphore(%arg21 : memref<!tpu.dma_semaphore, #tpu.memory_space<semaphore_mem>>) src(%dma_wait3A_529 : memref<4x112xi32, #tpu.memory_space<hbm>>) dst(%arg9 : memref<4x112xi32, #tpu.memory_space<vmem>>)
        %dma_start3A_530 = arith.constant 0 : i32
        %dma_start3A_531 = arith.constant 0 : i32
        %dma_start3A_532 = tpu.memref_slice %arg9[%dma_start3A_530, %dma_start3A_531] : memref<4x112xi32, #tpu.memory_space<vmem>> -> memref<1x112xi32, #tpu.memory_space<vmem>>
        %dma_start3A_533 = tpu.memref_squeeze %dma_start3A_532 : memref<1x112xi32, #tpu.memory_space<vmem>> -> memref<112xi32, #tpu.memory_space<vmem>>
        %dma_start3A_534 = arith.constant 0 : i32
        %dma_start3A_535 = arith.constant 0 : i32
        %dma_start3A_536 = tpu.memref_slice %arg5[%dma_start3A_534, %dma_start3A_535] : memref<100000x128xf32, #tpu.memory_space<hbm>> -> memref<100000x128xf32, #tpu.memory_space<hbm>>
        tpu.enqueue_indirect_dma source(%dma_start3A_536 : memref<100000x128xf32, #tpu.memory_space<hbm>>) target(%arg11 : memref<112x128xf32, #tpu.memory_space<vmem>>) offsets(%dma_start3A_533 : memref<112xi32, #tpu.memory_space<vmem>>) semaphore(%arg22 : memref<!tpu.dma_semaphore, #tpu.memory_space<semaphore_mem>>)
        %dma_start3A_537 = arith.constant 1 : i32
        %dma_start3A_538 = arith.constant 0 : i32
        %dma_start3A_539 = tpu.memref_slice %arg9[%dma_start3A_537, %dma_start3A_538] : memref<4x112xi32, #tpu.memory_space<vmem>> -> memref<1x112xi32, #tpu.memory_space<vmem>>
        %dma_start3A_540 = tpu.memref_squeeze %dma_start3A_539 : memref<1x112xi32, #tpu.memory_space<vmem>> -> memref<112xi32, #tpu.memory_space<vmem>>
        %dma_start3A_541 = arith.constant 0 : i32
        %dma_start3A_542 = arith.constant 0 : i32
        %dma_start3A_543 = tpu.memref_slice %arg5[%dma_start3A_541, %dma_start3A_542] : memref<100000x128xf32, #tpu.memory_space<hbm>> -> memref<100000x128xf32, #tpu.memory_space<hbm>>
        tpu.enqueue_indirect_dma source(%dma_start3A_543 : memref<100000x128xf32, #tpu.memory_space<hbm>>) target(%arg12 : memref<112x128xf32, #tpu.memory_space<vmem>>) offsets(%dma_start3A_540 : memref<112xi32, #tpu.memory_space<vmem>>) semaphore(%arg22 : memref<!tpu.dma_semaphore, #tpu.memory_space<semaphore_mem>>)
        %dma_start3A_544 = arith.constant 2 : i32
        %dma_start3A_545 = arith.constant 0 : i32
        %dma_start3A_546 = tpu.memref_slice %arg9[%dma_start3A_544, %dma_start3A_545] : memref<4x112xi32, #tpu.memory_space<vmem>> -> memref<1x112xi32, #tpu.memory_space<vmem>>
        %dma_start3A_547 = tpu.memref_squeeze %dma_start3A_546 : memref<1x112xi32, #tpu.memory_space<vmem>> -> memref<112xi32, #tpu.memory_space<vmem>>
        %dma_start3A_548 = arith.constant 0 : i32
        %dma_start3A_549 = arith.constant 0 : i32
        %dma_start3A_550 = tpu.memref_slice %arg5[%dma_start3A_548, %dma_start3A_549] : memref<100000x128xf32, #tpu.memory_space<hbm>> -> memref<100000x128xf32, #tpu.memory_space<hbm>>
        tpu.enqueue_indirect_dma source(%dma_start3A_550 : memref<100000x128xf32, #tpu.memory_space<hbm>>) target(%arg13 : memref<112x128xf32, #tpu.memory_space<vmem>>) offsets(%dma_start3A_547 : memref<112xi32, #tpu.memory_space<vmem>>) semaphore(%arg22 : memref<!tpu.dma_semaphore, #tpu.memory_space<semaphore_mem>>)
        %dma_start3A_551 = arith.constant 3 : i32
        %dma_start3A_552 = arith.constant 0 : i32
        %dma_start3A_553 = tpu.memref_slice %arg9[%dma_start3A_551, %dma_start3A_552] : memref<4x112xi32, #tpu.memory_space<vmem>> -> memref<1x112xi32, #tpu.memory_space<vmem>>
        %dma_start3A_554 = tpu.memref_squeeze %dma_start3A_553 : memref<1x112xi32, #tpu.memory_space<vmem>> -> memref<112xi32, #tpu.memory_space<vmem>>
        %dma_start3A_555 = arith.constant 0 : i32
        %dma_start3A_556 = arith.constant 0 : i32
        %dma_start3A_557 = tpu.memref_slice %arg5[%dma_start3A_555, %dma_start3A_556] : memref<100000x128xf32, #tpu.memory_space<hbm>> -> memref<100000x128xf32, #tpu.memory_space<hbm>>
        tpu.enqueue_indirect_dma source(%dma_start3A_557 : memref<100000x128xf32, #tpu.memory_space<hbm>>) target(%arg14 : memref<112x128xf32, #tpu.memory_space<vmem>>) offsets(%dma_start3A_554 : memref<112xi32, #tpu.memory_space<vmem>>) semaphore(%arg22 : memref<!tpu.dma_semaphore, #tpu.memory_space<semaphore_mem>>)
      } else {
      }
      %dma_wait3A_294 = arith.constant 0 : i32
      %dma_wait3A_295 = arith.constant 0 : i32
      %dma_wait3A_296 = tpu.memref_slice %arg5[%dma_wait3A_294, %dma_wait3A_295] : memref<100000x128xf32, #tpu.memory_space<hbm>> -> memref<112x128xf32, #tpu.memory_space<hbm>>
      %dma_wait3A_297 = arith.constant 0 : i32
      %dma_wait3A_298 = arith.constant 0 : i32
      %dma_wait3A_299 = tpu.memref_slice %arg5[%dma_wait3A_297, %dma_wait3A_298] : memref<100000x128xf32, #tpu.memory_space<hbm>> -> memref<112x128xf32, #tpu.memory_space<hbm>>
      tpu.wait_dma2 semaphore(%arg23 : memref<!tpu.dma_semaphore, #tpu.memory_space<semaphore_mem>>) src(%dma_wait3A_299 : memref<112x128xf32, #tpu.memory_space<hbm>>) dst(%arg15 : memref<112x128xf32, #tpu.memory_space<vmem>>)
      %dma_wait3A_300 = arith.constant 0 : i32
      %dma_wait3A_301 = arith.constant 0 : i32
      %dma_wait3A_302 = tpu.memref_slice %arg5[%dma_wait3A_300, %dma_wait3A_301] : memref<100000x128xf32, #tpu.memory_space<hbm>> -> memref<112x128xf32, #tpu.memory_space<hbm>>
      %dma_wait3A_303 = arith.constant 0 : i32
      %dma_wait3A_304 = arith.constant 0 : i32
      %dma_wait3A_305 = tpu.memref_slice %arg5[%dma_wait3A_303, %dma_wait3A_304] : memref<100000x128xf32, #tpu.memory_space<hbm>> -> memref<112x128xf32, #tpu.memory_space<hbm>>
      tpu.wait_dma2 semaphore(%arg23 : memref<!tpu.dma_semaphore, #tpu.memory_space<semaphore_mem>>) src(%dma_wait3A_305 : memref<112x128xf32, #tpu.memory_space<hbm>>) dst(%arg16 : memref<112x128xf32, #tpu.memory_space<vmem>>)
      %dma_wait3A_306 = arith.constant 0 : i32
      %dma_wait3A_307 = arith.constant 0 : i32
      %dma_wait3A_308 = tpu.memref_slice %arg5[%dma_wait3A_306, %dma_wait3A_307] : memref<100000x128xf32, #tpu.memory_space<hbm>> -> memref<112x128xf32, #tpu.memory_space<hbm>>
      %dma_wait3A_309 = arith.constant 0 : i32
      %dma_wait3A_310 = arith.constant 0 : i32
      %dma_wait3A_311 = tpu.memref_slice %arg5[%dma_wait3A_309, %dma_wait3A_310] : memref<100000x128xf32, #tpu.memory_space<hbm>> -> memref<112x128xf32, #tpu.memory_space<hbm>>
      tpu.wait_dma2 semaphore(%arg23 : memref<!tpu.dma_semaphore, #tpu.memory_space<semaphore_mem>>) src(%dma_wait3A_311 : memref<112x128xf32, #tpu.memory_space<hbm>>) dst(%arg17 : memref<112x128xf32, #tpu.memory_space<vmem>>)
      %dma_wait3A_312 = arith.constant 0 : i32
      %dma_wait3A_313 = arith.constant 0 : i32
      %dma_wait3A_314 = tpu.memref_slice %arg5[%dma_wait3A_312, %dma_wait3A_313] : memref<100000x128xf32, #tpu.memory_space<hbm>> -> memref<112x128xf32, #tpu.memory_space<hbm>>
      %dma_wait3A_315 = arith.constant 0 : i32
      %dma_wait3A_316 = arith.constant 0 : i32
      %dma_wait3A_317 = tpu.memref_slice %arg5[%dma_wait3A_315, %dma_wait3A_316] : memref<100000x128xf32, #tpu.memory_space<hbm>> -> memref<112x128xf32, #tpu.memory_space<hbm>>
      tpu.wait_dma2 semaphore(%arg23 : memref<!tpu.dma_semaphore, #tpu.memory_space<semaphore_mem>>) src(%dma_wait3A_317 : memref<112x128xf32, #tpu.memory_space<hbm>>) dst(%arg18 : memref<112x128xf32, #tpu.memory_space<vmem>>)
      %add3A_318 = arith.constant 2 : i32
      %add3A_319 = arith.addi %add3A_286, %add3A_318 : i32
      %lt3A_320 = arith.constant 128 : i32
      %lt3A_321 = arith.cmpi slt, %add3A_319, %lt3A_320 : i32
      %convert_element_type3A_322 = arith.extui %lt3A_321 : i1 to i32
      %cond3A_323 = arith.constant 0 : i32
      %cond3A_324 = arith.cmpi ne, %convert_element_type3A_322, %cond3A_323 : i32
      scf.if %cond3A_324 {
        %add3A_522 = arith.constant 2 : i32
        %add3A_523 = arith.addi %add3A_286, %add3A_522 : i32
        %add3A_524 = arith.addi %mul3A_2, %add3A_523 : i32
        %dma_start3A_525 = arith.constant 0 : i32
        %dma_start3A_526 = arith.constant 0 : i32
        %dma_start3A_527 = tpu.memref_slice %arg3[%add3A_524, %dma_start3A_525, %dma_start3A_526] : memref<4096x4x112xi32, #tpu.memory_space<hbm>> -> memref<1x4x112xi32, #tpu.memory_space<hbm>>
        %dma_start3A_528 = tpu.memref_squeeze %dma_start3A_527 : memref<1x4x112xi32, #tpu.memory_space<hbm>> -> memref<4x112xi32, #tpu.memory_space<hbm>>
        %dma_start3A_529 = arith.constant 0 : i32
        %dma_start3A_530 = arith.constant 0 : i32
        %dma_start3A_531 = tpu.memref_slice %arg3[%add3A_524, %dma_start3A_529, %dma_start3A_530] : memref<4096x4x112xi32, #tpu.memory_space<hbm>> -> memref<1x4x112xi32, #tpu.memory_space<hbm>>
        %dma_start3A_532 = tpu.memref_squeeze %dma_start3A_531 : memref<1x4x112xi32, #tpu.memory_space<hbm>> -> memref<4x112xi32, #tpu.memory_space<hbm>>
        tpu.enqueue_dma source(%dma_start3A_532 : memref<4x112xi32, #tpu.memory_space<hbm>>) target(%arg10 : memref<4x112xi32, #tpu.memory_space<vmem>>) target_semaphore(%arg21 : memref<!tpu.dma_semaphore, #tpu.memory_space<semaphore_mem>>)
      } else {
      }
      %ge3A_325 = arith.constant 2 : i32
      %ge3A_326 = arith.cmpi sge, %add3A_286, %ge3A_325 : i32
      %convert_element_type3A_327 = arith.extui %ge3A_326 : i1 to i32
      %cond3A_328 = arith.constant 0 : i32
      %cond3A_329 = arith.cmpi ne, %convert_element_type3A_327, %cond3A_328 : i32
      scf.if %cond3A_329 {
        %dma_wait3A_522 = arith.constant 0 : i32
        %dma_wait3A_523 = tpu.memref_slice %arg6[%mul3A_2, %dma_wait3A_522] : memref<4096x448xf32, #tpu.memory_space<hbm>> -> memref<1x448xf32, #tpu.memory_space<hbm>>
        %dma_wait3A_524 = tpu.memref_squeeze %dma_wait3A_523 : memref<1x448xf32, #tpu.memory_space<hbm>> -> memref<448xf32, #tpu.memory_space<hbm>>
        %dma_wait3A_525 = arith.constant 0 : i32
        %dma_wait3A_526 = tpu.memref_slice %arg6[%mul3A_2, %dma_wait3A_525] : memref<4096x448xf32, #tpu.memory_space<hbm>> -> memref<1x448xf32, #tpu.memory_space<hbm>>
        %dma_wait3A_527 = tpu.memref_squeeze %dma_wait3A_526 : memref<1x448xf32, #tpu.memory_space<hbm>> -> memref<448xf32, #tpu.memory_space<hbm>>
        tpu.wait_dma2 semaphore(%arg24 : memref<!tpu.dma_semaphore, #tpu.memory_space<semaphore_mem>>) src(%arg19 : memref<448xf32, #tpu.memory_space<vmem>>) dst(%dma_wait3A_527 : memref<448xf32, #tpu.memory_space<hbm>>)
      } else {
      }
      %jit3A_330 = arith.constant 8 : i32
      %eq3A_331 = arith.constant 0 : i32
      %eq3A_332 = arith.cmpi eq, %jit3A_330, %eq3A_331 : i32
      %jit3A_333 = arith.constant 1 : i32
      %select_n3A_334 = arith.select %eq3A_332, %jit3A_333, %jit3A_330 : i32
      %rem3A_335 = arith.remsi %add3A_286, %select_n3A_334 : i32
      %ne3A_336 = arith.constant 0 : i32
      %ne3A_337 = arith.cmpi ne, %rem3A_335, %ne3A_336 : i32
      %lt3A_338 = arith.constant 0 : i32
      %lt3A_339 = arith.cmpi slt, %rem3A_335, %lt3A_338 : i32
      %lt3A_340 = arith.constant 0 : i32
      %lt3A_341 = arith.cmpi slt, %select_n3A_334, %lt3A_340 : i32
      %ne3A_342 = arith.xori %lt3A_339, %lt3A_341 : i1
      %and3A_343 = arith.andi %ne3A_342, %ne3A_337 : i1
      %add3A_344 = arith.addi %rem3A_335, %select_n3A_334 : i32
      %select_n3A_345 = arith.select %and3A_343, %add3A_344, %rem3A_335 : i32
      %eq3A_346 = arith.constant 0 : i32
      %eq3A_347 = arith.cmpi eq, %select_n3A_345, %eq3A_346 : i32
      %convert_element_type3A_348 = arith.extui %eq3A_347 : i1 to i32
      %cond3A_349 = arith.constant 0 : i32
      %cond3A_350 = arith.cmpi ne, %convert_element_type3A_348, %cond3A_349 : i32
      scf.if %cond3A_350 {
        %multiple_of3A = tpu.assume_multiple %add3A_286, 8 : i32
        %dma_start3A_522 = tpu.memref_slice %arg7[%multiple_of3A] : memref<128xi32, #tpu.memory_space<vmem>> -> memref<8xi32, #tpu.memory_space<vmem>>
        %dma_start3A_523 = arith.constant 0 : i32
        %dma_start3A_524 = arith.constant 0 : i32
        %dma_start3A_525 = tpu.memref_slice %arg4[%dma_start3A_523, %dma_start3A_524] : memref<100000x128xf32, #tpu.memory_space<hbm>> -> memref<100000x128xf32, #tpu.memory_space<hbm>>
        tpu.enqueue_indirect_dma source(%dma_start3A_525 : memref<100000x128xf32, #tpu.memory_space<hbm>>) target(%arg8 : memref<8x128xf32, #tpu.memory_space<vmem>>) offsets(%dma_start3A_522 : memref<8xi32, #tpu.memory_space<vmem>>) semaphore(%arg21 : memref<!tpu.dma_semaphore, #tpu.memory_space<semaphore_mem>>)
        %dma_wait3A_526 = tpu.memref_slice %arg7[%multiple_of3A] : memref<128xi32, #tpu.memory_space<vmem>> -> memref<8xi32, #tpu.memory_space<vmem>>
        %dma_wait3A_527 = arith.constant 0 : i32
        %dma_wait3A_528 = arith.constant 0 : i32
        %dma_wait3A_529 = tpu.memref_slice %arg4[%dma_wait3A_527, %dma_wait3A_528] : memref<100000x128xf32, #tpu.memory_space<hbm>> -> memref<100000x128xf32, #tpu.memory_space<hbm>>
        tpu.wait_indirect_dma semaphore(%arg21 : memref<!tpu.dma_semaphore, #tpu.memory_space<semaphore_mem>>) src(%dma_wait3A_529 : memref<100000x128xf32, #tpu.memory_space<hbm>>) dst(%arg8 : memref<8x128xf32, #tpu.memory_space<vmem>>)
      } else {
      }
      %jit3A_351 = arith.constant 8 : i32
      %eq3A_352 = arith.constant 0 : i32
      %eq3A_353 = arith.cmpi eq, %jit3A_351, %eq3A_352 : i32
      %jit3A_354 = arith.constant 1 : i32
      %select_n3A_355 = arith.select %eq3A_353, %jit3A_354, %jit3A_351 : i32
      %rem3A_356 = arith.remsi %add3A_286, %select_n3A_355 : i32
      %ne3A_357 = arith.constant 0 : i32
      %ne3A_358 = arith.cmpi ne, %rem3A_356, %ne3A_357 : i32
      %lt3A_359 = arith.constant 0 : i32
      %lt3A_360 = arith.cmpi slt, %rem3A_356, %lt3A_359 : i32
      %lt3A_361 = arith.constant 0 : i32
      %lt3A_362 = arith.cmpi slt, %select_n3A_355, %lt3A_361 : i32
      %ne3A_363 = arith.xori %lt3A_360, %lt3A_362 : i1
      %and3A_364 = arith.andi %ne3A_363, %ne3A_358 : i1
      %add3A_365 = arith.addi %rem3A_356, %select_n3A_355 : i32
      %select_n3A_366 = arith.select %and3A_364, %add3A_365, %rem3A_356 : i32
      %get3A_367 = arith.index_cast %select_n3A_366 : i32 to index
      %get3A_368 = arith.constant 0 : index
      %get3A_369 = tpu.vector_load %arg8[%get3A_367, %get3A_368] {strides = array<i32>} : memref<8x128xf32, #tpu.memory_space<vmem>>, vector<16xf32>,
      %jit3A_370 = arith.constant 8 : i32
      %eq3A_371 = arith.constant 0 : i32
      %eq3A_372 = arith.cmpi eq, %jit3A_370, %eq3A_371 : i32
      %jit3A_373 = arith.constant 1 : i32
      %select_n3A_374 = arith.select %eq3A_372, %jit3A_373, %jit3A_370 : i32
      %rem3A_375 = arith.remsi %add3A_286, %select_n3A_374 : i32
      %ne3A_376 = arith.constant 0 : i32
      %ne3A_377 = arith.cmpi ne, %rem3A_375, %ne3A_376 : i32
      %lt3A_378 = arith.constant 0 : i32
      %lt3A_379 = arith.cmpi slt, %rem3A_375, %lt3A_378 : i32
      %lt3A_380 = arith.constant 0 : i32
      %lt3A_381 = arith.cmpi slt, %select_n3A_374, %lt3A_380 : i32
      %ne3A_382 = arith.xori %lt3A_379, %lt3A_381 : i1
      %and3A_383 = arith.andi %ne3A_382, %ne3A_377 : i1
      %add3A_384 = arith.addi %rem3A_375, %select_n3A_374 : i32
      %select_n3A_385 = arith.select %and3A_383, %add3A_384, %rem3A_375 : i32
      %get3A_386 = arith.index_cast %select_n3A_385 : i32 to index
      %get3A_387 = arith.constant 16 : index
      %get3A_388 = tpu.vector_load %arg8[%get3A_386, %get3A_387] {strides = array<i32>} : memref<8x128xf32, #tpu.memory_space<vmem>>, vector<16xf32>,
      %jit3A_389 = arith.constant 8 : i32
      %eq3A_390 = arith.constant 0 : i32
      %eq3A_391 = arith.cmpi eq, %jit3A_389, %eq3A_390 : i32
      %jit3A_392 = arith.constant 1 : i32
      %select_n3A_393 = arith.select %eq3A_391, %jit3A_392, %jit3A_389 : i32
      %rem3A_394 = arith.remsi %add3A_286, %select_n3A_393 : i32
      %ne3A_395 = arith.constant 0 : i32
      %ne3A_396 = arith.cmpi ne, %rem3A_394, %ne3A_395 : i32
      %lt3A_397 = arith.constant 0 : i32
      %lt3A_398 = arith.cmpi slt, %rem3A_394, %lt3A_397 : i32
      %lt3A_399 = arith.constant 0 : i32
      %lt3A_400 = arith.cmpi slt, %select_n3A_393, %lt3A_399 : i32
      %ne3A_401 = arith.xori %lt3A_398, %lt3A_400 : i1
      %and3A_402 = arith.andi %ne3A_401, %ne3A_396 : i1
      %add3A_403 = arith.addi %rem3A_394, %select_n3A_393 : i32
      %select_n3A_404 = arith.select %and3A_402, %add3A_403, %rem3A_394 : i32
      %get3A_405 = arith.index_cast %select_n3A_404 : i32 to index
      %get3A_406 = arith.constant 32 : index
      %get3A_407 = tpu.vector_load %arg8[%get3A_405, %get3A_406] {strides = array<i32>} : memref<8x128xf32, #tpu.memory_space<vmem>>, vector<16xf32>,
      %jit3A_408 = arith.constant 8 : i32
      %eq3A_409 = arith.constant 0 : i32
      %eq3A_410 = arith.cmpi eq, %jit3A_408, %eq3A_409 : i32
      %jit3A_411 = arith.constant 1 : i32
      %select_n3A_412 = arith.select %eq3A_410, %jit3A_411, %jit3A_408 : i32
      %rem3A_413 = arith.remsi %add3A_286, %select_n3A_412 : i32
      %ne3A_414 = arith.constant 0 : i32
      %ne3A_415 = arith.cmpi ne, %rem3A_413, %ne3A_414 : i32
      %lt3A_416 = arith.constant 0 : i32
      %lt3A_417 = arith.cmpi slt, %rem3A_413, %lt3A_416 : i32
      %lt3A_418 = arith.constant 0 : i32
      %lt3A_419 = arith.cmpi slt, %select_n3A_412, %lt3A_418 : i32
      %ne3A_420 = arith.xori %lt3A_417, %lt3A_419 : i1
      %and3A_421 = arith.andi %ne3A_420, %ne3A_415 : i1
      %add3A_422 = arith.addi %rem3A_413, %select_n3A_412 : i32
      %select_n3A_423 = arith.select %and3A_421, %add3A_422, %rem3A_413 : i32
      %get3A_424 = arith.index_cast %select_n3A_423 : i32 to index
      %get3A_425 = arith.constant 48 : index
      %get3A_426 = tpu.vector_load %arg8[%get3A_424, %get3A_425] {strides = array<i32>} : memref<8x128xf32, #tpu.memory_space<vmem>>, vector<16xf32>,
      %jit3A_427 = arith.constant 8 : i32
      %eq3A_428 = arith.constant 0 : i32
      %eq3A_429 = arith.cmpi eq, %jit3A_427, %eq3A_428 : i32
      %jit3A_430 = arith.constant 1 : i32
      %select_n3A_431 = arith.select %eq3A_429, %jit3A_430, %jit3A_427 : i32
      %rem3A_432 = arith.remsi %add3A_286, %select_n3A_431 : i32
      %ne3A_433 = arith.constant 0 : i32
      %ne3A_434 = arith.cmpi ne, %rem3A_432, %ne3A_433 : i32
      %lt3A_435 = arith.constant 0 : i32
      %lt3A_436 = arith.cmpi slt, %rem3A_432, %lt3A_435 : i32
      %lt3A_437 = arith.constant 0 : i32
      %lt3A_438 = arith.cmpi slt, %select_n3A_431, %lt3A_437 : i32
      %ne3A_439 = arith.xori %lt3A_436, %lt3A_438 : i1
      %and3A_440 = arith.andi %ne3A_439, %ne3A_434 : i1
      %add3A_441 = arith.addi %rem3A_432, %select_n3A_431 : i32
      %select_n3A_442 = arith.select %and3A_440, %add3A_441, %rem3A_432 : i32
      %get3A_443 = arith.index_cast %select_n3A_442 : i32 to index
      %get3A_444 = arith.constant 64 : index
      %get3A_445 = tpu.vector_load %arg8[%get3A_443, %get3A_444] {strides = array<i32>} : memref<8x128xf32, #tpu.memory_space<vmem>>, vector<16xf32>,
      %jit3A_446 = arith.constant 8 : i32
      %eq3A_447 = arith.constant 0 : i32
      %eq3A_448 = arith.cmpi eq, %jit3A_446, %eq3A_447 : i32
      %jit3A_449 = arith.constant 1 : i32
      %select_n3A_450 = arith.select %eq3A_448, %jit3A_449, %jit3A_446 : i32
      %rem3A_451 = arith.remsi %add3A_286, %select_n3A_450 : i32
      %ne3A_452 = arith.constant 0 : i32
      %ne3A_453 = arith.cmpi ne, %rem3A_451, %ne3A_452 : i32
      %lt3A_454 = arith.constant 0 : i32
      %lt3A_455 = arith.cmpi slt, %rem3A_451, %lt3A_454 : i32
      %lt3A_456 = arith.constant 0 : i32
      %lt3A_457 = arith.cmpi slt, %select_n3A_450, %lt3A_456 : i32
      %ne3A_458 = arith.xori %lt3A_455, %lt3A_457 : i1
      %and3A_459 = arith.andi %ne3A_458, %ne3A_453 : i1
      %add3A_460 = arith.addi %rem3A_451, %select_n3A_450 : i32
      %select_n3A_461 = arith.select %and3A_459, %add3A_460, %rem3A_451 : i32
      %get3A_462 = arith.index_cast %select_n3A_461 : i32 to index
      %get3A_463 = arith.constant 80 : index
      %get3A_464 = tpu.vector_load %arg8[%get3A_462, %get3A_463] {strides = array<i32>} : memref<8x128xf32, #tpu.memory_space<vmem>>, vector<16xf32>,
      %jit3A_465 = arith.constant 8 : i32
      %eq3A_466 = arith.constant 0 : i32
      %eq3A_467 = arith.cmpi eq, %jit3A_465, %eq3A_466 : i32
      %jit3A_468 = arith.constant 1 : i32
      %select_n3A_469 = arith.select %eq3A_467, %jit3A_468, %jit3A_465 : i32
      %rem3A_470 = arith.remsi %add3A_286, %select_n3A_469 : i32
      %ne3A_471 = arith.constant 0 : i32
      %ne3A_472 = arith.cmpi ne, %rem3A_470, %ne3A_471 : i32
      %lt3A_473 = arith.constant 0 : i32
      %lt3A_474 = arith.cmpi slt, %rem3A_470, %lt3A_473 : i32
      %lt3A_475 = arith.constant 0 : i32
      %lt3A_476 = arith.cmpi slt, %select_n3A_469, %lt3A_475 : i32
      %ne3A_477 = arith.xori %lt3A_474, %lt3A_476 : i1
      %and3A_478 = arith.andi %ne3A_477, %ne3A_472 : i1
      %add3A_479 = arith.addi %rem3A_470, %select_n3A_469 : i32
      %select_n3A_480 = arith.select %and3A_478, %add3A_479, %rem3A_470 : i32
      %get3A_481 = arith.index_cast %select_n3A_480 : i32 to index
      %get3A_482 = arith.constant 96 : index
      %get3A_483 = tpu.vector_load %arg8[%get3A_481, %get3A_482] {strides = array<i32>} : memref<8x128xf32, #tpu.memory_space<vmem>>, vector<16xf32>,
      %jit3A_484 = arith.constant 8 : i32
      %eq3A_485 = arith.constant 0 : i32
      %eq3A_486 = arith.cmpi eq, %jit3A_484, %eq3A_485 : i32
      %jit3A_487 = arith.constant 1 : i32
      %select_n3A_488 = arith.select %eq3A_486, %jit3A_487, %jit3A_484 : i32
      %rem3A_489 = arith.remsi %add3A_286, %select_n3A_488 : i32
      %ne3A_490 = arith.constant 0 : i32
      %ne3A_491 = arith.cmpi ne, %rem3A_489, %ne3A_490 : i32
      %lt3A_492 = arith.constant 0 : i32
      %lt3A_493 = arith.cmpi slt, %rem3A_489, %lt3A_492 : i32
      %lt3A_494 = arith.constant 0 : i32
      %lt3A_495 = arith.cmpi slt, %select_n3A_488, %lt3A_494 : i32
      %ne3A_496 = arith.xori %lt3A_493, %lt3A_495 : i1
      %and3A_497 = arith.andi %ne3A_496, %ne3A_491 : i1
      %add3A_498 = arith.addi %rem3A_489, %select_n3A_488 : i32
      %select_n3A_499 = arith.select %and3A_497, %add3A_498, %rem3A_489 : i32
      %get3A_500 = arith.index_cast %select_n3A_499 : i32 to index
      %get3A_501 = arith.constant 112 : index
      %get3A_502 = tpu.vector_load %arg8[%get3A_500, %get3A_501] {strides = array<i32>} : memref<8x128xf32, #tpu.memory_space<vmem>>, vector<16xf32>,
      %parallel_loop3A_503 = arith.constant 0 : i32
      %parallel_loop3A_504 = arith.constant 112 : i32
      %parallel_loop3A_505 = arith.constant 1 : i32
      scf.for %parallel_loop3A_522 = %parallel_loop3A_503 to %parallel_loop3A_504 step %parallel_loop3A_505  : i32 {
        %parallel_loop3A_523 = arith.index_cast %parallel_loop3A_522 : i32 to index
        %parallel_loop3A_524 = arith.constant 0 : index
        %parallel_loop3A_525 = tpu.vector_load %arg15[%parallel_loop3A_523, %parallel_loop3A_524] {strides = array<i32>} : memref<112x128xf32, #tpu.memory_space<vmem>>, vector<16xf32>,
        %parallel_loop3A_526 = arith.mulf %parallel_loop3A_525, %get3A_369 : vector<16xf32>
        %parallel_loop3A_527 = arith.index_cast %parallel_loop3A_522 : i32 to index
        %parallel_loop3A_528 = arith.constant 16 : index
        %parallel_loop3A_529 = tpu.vector_load %arg15[%parallel_loop3A_527, %parallel_loop3A_528] {strides = array<i32>} : memref<112x128xf32, #tpu.memory_space<vmem>>, vector<16xf32>,
        %parallel_loop3A_530 = arith.mulf %parallel_loop3A_529, %get3A_388 : vector<16xf32>
        %parallel_loop3A_531 = arith.index_cast %parallel_loop3A_522 : i32 to index
        %parallel_loop3A_532 = arith.constant 32 : index
        %parallel_loop3A_533 = tpu.vector_load %arg15[%parallel_loop3A_531, %parallel_loop3A_532] {strides = array<i32>} : memref<112x128xf32, #tpu.memory_space<vmem>>, vector<16xf32>,
        %parallel_loop3A_534 = arith.mulf %parallel_loop3A_533, %get3A_407 : vector<16xf32>
        %parallel_loop3A_535 = arith.index_cast %parallel_loop3A_522 : i32 to index
        %parallel_loop3A_536 = arith.constant 48 : index
        %parallel_loop3A_537 = tpu.vector_load %arg15[%parallel_loop3A_535, %parallel_loop3A_536] {strides = array<i32>} : memref<112x128xf32, #tpu.memory_space<vmem>>, vector<16xf32>,
        %parallel_loop3A_538 = arith.mulf %parallel_loop3A_537, %get3A_426 : vector<16xf32>
        %parallel_loop3A_539 = arith.index_cast %parallel_loop3A_522 : i32 to index
        %parallel_loop3A_540 = arith.constant 64 : index
        %parallel_loop3A_541 = tpu.vector_load %arg15[%parallel_loop3A_539, %parallel_loop3A_540] {strides = array<i32>} : memref<112x128xf32, #tpu.memory_space<vmem>>, vector<16xf32>,
        %parallel_loop3A_542 = arith.mulf %parallel_loop3A_541, %get3A_445 : vector<16xf32>
        %parallel_loop3A_543 = arith.index_cast %parallel_loop3A_522 : i32 to index
        %parallel_loop3A_544 = arith.constant 80 : index
        %parallel_loop3A_545 = tpu.vector_load %arg15[%parallel_loop3A_543, %parallel_loop3A_544] {strides = array<i32>} : memref<112x128xf32, #tpu.memory_space<vmem>>, vector<16xf32>,
        %parallel_loop3A_546 = arith.mulf %parallel_loop3A_545, %get3A_464 : vector<16xf32>
        %parallel_loop3A_547 = arith.index_cast %parallel_loop3A_522 : i32 to index
        %parallel_loop3A_548 = arith.constant 96 : index
        %parallel_loop3A_549 = tpu.vector_load %arg15[%parallel_loop3A_547, %parallel_loop3A_548] {strides = array<i32>} : memref<112x128xf32, #tpu.memory_space<vmem>>, vector<16xf32>,
        %parallel_loop3A_550 = arith.mulf %parallel_loop3A_549, %get3A_483 : vector<16xf32>
        %parallel_loop3A_551 = arith.index_cast %parallel_loop3A_522 : i32 to index
        %parallel_loop3A_552 = arith.constant 112 : index
        %parallel_loop3A_553 = tpu.vector_load %arg15[%parallel_loop3A_551, %parallel_loop3A_552] {strides = array<i32>} : memref<112x128xf32, #tpu.memory_space<vmem>>, vector<16xf32>,
        %parallel_loop3A_554 = arith.mulf %parallel_loop3A_553, %get3A_502 : vector<16xf32>
        %parallel_loop3A_555 = arith.addf %parallel_loop3A_526, %parallel_loop3A_530 : vector<16xf32>
        %parallel_loop3A_556 = arith.addf %parallel_loop3A_534, %parallel_loop3A_538 : vector<16xf32>
        %parallel_loop3A_557 = arith.addf %parallel_loop3A_542, %parallel_loop3A_546 : vector<16xf32>
        %parallel_loop3A_558 = arith.addf %parallel_loop3A_550, %parallel_loop3A_554 : vector<16xf32>
        %parallel_loop3A_559 = arith.addf %parallel_loop3A_555, %parallel_loop3A_556 : vector<16xf32>
        %parallel_loop3A_560 = arith.addf %parallel_loop3A_557, %parallel_loop3A_558 : vector<16xf32>
        %parallel_loop3A_561 = arith.addf %parallel_loop3A_559, %parallel_loop3A_560 : vector<16xf32>
        %parallel_loop3A_562 = arith.constant true
        %parallel_loop3A_563 = vector.broadcast %parallel_loop3A_562 : i1 to vector<16xi1>
        %parallel_loop3A_564 = tpu.scan <sum>, %parallel_loop3A_561 masked %parallel_loop3A_563 : vector<16xf32>, vector<16xi1> -> vector<16xf32>
        %parallel_loop3A_565 = arith.constant 0 : i32
        %parallel_loop3A_566 = arith.addi %parallel_loop3A_565, %parallel_loop3A_522 : i32
        %parallel_loop3A_567 = vector.broadcast %parallel_loop3A_566 : i32 to vector<16xi32>
        tpu.vector_store_idx %arg20[%parallel_loop3A_567], %parallel_loop3A_564 masked %eq3A_4 : memref<448xf32, #tpu.memory_space<vmem>>[vector<16xi32>], vector<16xf32>, vector<16xi1>
      } {sc.loop_unroll_factor = 8 : i64, sc.parallel_access}
      %parallel_loop3A_506 = arith.constant 0 : i32
      %parallel_loop3A_507 = arith.constant 112 : i32
      %parallel_loop3A_508 = arith.constant 1 : i32
      scf.for %parallel_loop3A_522 = %parallel_loop3A_506 to %parallel_loop3A_507 step %parallel_loop3A_508  : i32 {
        %parallel_loop3A_523 = arith.index_cast %parallel_loop3A_522 : i32 to index
        %parallel_loop3A_524 = arith.constant 0 : index
        %parallel_loop3A_525 = tpu.vector_load %arg16[%parallel_loop3A_523, %parallel_loop3A_524] {strides = array<i32>} : memref<112x128xf32, #tpu.memory_space<vmem>>, vector<16xf32>,
        %parallel_loop3A_526 = arith.mulf %parallel_loop3A_525, %get3A_369 : vector<16xf32>
        %parallel_loop3A_527 = arith.index_cast %parallel_loop3A_522 : i32 to index
        %parallel_loop3A_528 = arith.constant 16 : index
        %parallel_loop3A_529 = tpu.vector_load %arg16[%parallel_loop3A_527, %parallel_loop3A_528] {strides = array<i32>} : memref<112x128xf32, #tpu.memory_space<vmem>>, vector<16xf32>,
        %parallel_loop3A_530 = arith.mulf %parallel_loop3A_529, %get3A_388 : vector<16xf32>
        %parallel_loop3A_531 = arith.index_cast %parallel_loop3A_522 : i32 to index
        %parallel_loop3A_532 = arith.constant 32 : index
        %parallel_loop3A_533 = tpu.vector_load %arg16[%parallel_loop3A_531, %parallel_loop3A_532] {strides = array<i32>} : memref<112x128xf32, #tpu.memory_space<vmem>>, vector<16xf32>,
        %parallel_loop3A_534 = arith.mulf %parallel_loop3A_533, %get3A_407 : vector<16xf32>
        %parallel_loop3A_535 = arith.index_cast %parallel_loop3A_522 : i32 to index
        %parallel_loop3A_536 = arith.constant 48 : index
        %parallel_loop3A_537 = tpu.vector_load %arg16[%parallel_loop3A_535, %parallel_loop3A_536] {strides = array<i32>} : memref<112x128xf32, #tpu.memory_space<vmem>>, vector<16xf32>,
        %parallel_loop3A_538 = arith.mulf %parallel_loop3A_537, %get3A_426 : vector<16xf32>
        %parallel_loop3A_539 = arith.index_cast %parallel_loop3A_522 : i32 to index
        %parallel_loop3A_540 = arith.constant 64 : index
        %parallel_loop3A_541 = tpu.vector_load %arg16[%parallel_loop3A_539, %parallel_loop3A_540] {strides = array<i32>} : memref<112x128xf32, #tpu.memory_space<vmem>>, vector<16xf32>,
        %parallel_loop3A_542 = arith.mulf %parallel_loop3A_541, %get3A_445 : vector<16xf32>
        %parallel_loop3A_543 = arith.index_cast %parallel_loop3A_522 : i32 to index
        %parallel_loop3A_544 = arith.constant 80 : index
        %parallel_loop3A_545 = tpu.vector_load %arg16[%parallel_loop3A_543, %parallel_loop3A_544] {strides = array<i32>} : memref<112x128xf32, #tpu.memory_space<vmem>>, vector<16xf32>,
        %parallel_loop3A_546 = arith.mulf %parallel_loop3A_545, %get3A_464 : vector<16xf32>
        %parallel_loop3A_547 = arith.index_cast %parallel_loop3A_522 : i32 to index
        %parallel_loop3A_548 = arith.constant 96 : index
        %parallel_loop3A_549 = tpu.vector_load %arg16[%parallel_loop3A_547, %parallel_loop3A_548] {strides = array<i32>} : memref<112x128xf32, #tpu.memory_space<vmem>>, vector<16xf32>,
        %parallel_loop3A_550 = arith.mulf %parallel_loop3A_549, %get3A_483 : vector<16xf32>
        %parallel_loop3A_551 = arith.index_cast %parallel_loop3A_522 : i32 to index
        %parallel_loop3A_552 = arith.constant 112 : index
        %parallel_loop3A_553 = tpu.vector_load %arg16[%parallel_loop3A_551, %parallel_loop3A_552] {strides = array<i32>} : memref<112x128xf32, #tpu.memory_space<vmem>>, vector<16xf32>,
        %parallel_loop3A_554 = arith.mulf %parallel_loop3A_553, %get3A_502 : vector<16xf32>
        %parallel_loop3A_555 = arith.addf %parallel_loop3A_526, %parallel_loop3A_530 : vector<16xf32>
        %parallel_loop3A_556 = arith.addf %parallel_loop3A_534, %parallel_loop3A_538 : vector<16xf32>
        %parallel_loop3A_557 = arith.addf %parallel_loop3A_542, %parallel_loop3A_546 : vector<16xf32>
        %parallel_loop3A_558 = arith.addf %parallel_loop3A_550, %parallel_loop3A_554 : vector<16xf32>
        %parallel_loop3A_559 = arith.addf %parallel_loop3A_555, %parallel_loop3A_556 : vector<16xf32>
        %parallel_loop3A_560 = arith.addf %parallel_loop3A_557, %parallel_loop3A_558 : vector<16xf32>
        %parallel_loop3A_561 = arith.addf %parallel_loop3A_559, %parallel_loop3A_560 : vector<16xf32>
        %parallel_loop3A_562 = arith.constant true
        %parallel_loop3A_563 = vector.broadcast %parallel_loop3A_562 : i1 to vector<16xi1>
        %parallel_loop3A_564 = tpu.scan <sum>, %parallel_loop3A_561 masked %parallel_loop3A_563 : vector<16xf32>, vector<16xi1> -> vector<16xf32>
        %parallel_loop3A_565 = arith.constant 112 : i32
        %parallel_loop3A_566 = arith.addi %parallel_loop3A_565, %parallel_loop3A_522 : i32
        %parallel_loop3A_567 = vector.broadcast %parallel_loop3A_566 : i32 to vector<16xi32>
        tpu.vector_store_idx %arg20[%parallel_loop3A_567], %parallel_loop3A_564 masked %eq3A_4 : memref<448xf32, #tpu.memory_space<vmem>>[vector<16xi32>], vector<16xf32>, vector<16xi1>
      } {sc.loop_unroll_factor = 8 : i64, sc.parallel_access}
      %parallel_loop3A_509 = arith.constant 0 : i32
      %parallel_loop3A_510 = arith.constant 112 : i32
      %parallel_loop3A_511 = arith.constant 1 : i32
      scf.for %parallel_loop3A_522 = %parallel_loop3A_509 to %parallel_loop3A_510 step %parallel_loop3A_511  : i32 {
        %parallel_loop3A_523 = arith.index_cast %parallel_loop3A_522 : i32 to index
        %parallel_loop3A_524 = arith.constant 0 : index
        %parallel_loop3A_525 = tpu.vector_load %arg17[%parallel_loop3A_523, %parallel_loop3A_524] {strides = array<i32>} : memref<112x128xf32, #tpu.memory_space<vmem>>, vector<16xf32>,
        %parallel_loop3A_526 = arith.mulf %parallel_loop3A_525, %get3A_369 : vector<16xf32>
        %parallel_loop3A_527 = arith.index_cast %parallel_loop3A_522 : i32 to index
        %parallel_loop3A_528 = arith.constant 16 : index
        %parallel_loop3A_529 = tpu.vector_load %arg17[%parallel_loop3A_527, %parallel_loop3A_528] {strides = array<i32>} : memref<112x128xf32, #tpu.memory_space<vmem>>, vector<16xf32>,
        %parallel_loop3A_530 = arith.mulf %parallel_loop3A_529, %get3A_388 : vector<16xf32>
        %parallel_loop3A_531 = arith.index_cast %parallel_loop3A_522 : i32 to index
        %parallel_loop3A_532 = arith.constant 32 : index
        %parallel_loop3A_533 = tpu.vector_load %arg17[%parallel_loop3A_531, %parallel_loop3A_532] {strides = array<i32>} : memref<112x128xf32, #tpu.memory_space<vmem>>, vector<16xf32>,
        %parallel_loop3A_534 = arith.mulf %parallel_loop3A_533, %get3A_407 : vector<16xf32>
        %parallel_loop3A_535 = arith.index_cast %parallel_loop3A_522 : i32 to index
        %parallel_loop3A_536 = arith.constant 48 : index
        %parallel_loop3A_537 = tpu.vector_load %arg17[%parallel_loop3A_535, %parallel_loop3A_536] {strides = array<i32>} : memref<112x128xf32, #tpu.memory_space<vmem>>, vector<16xf32>,
        %parallel_loop3A_538 = arith.mulf %parallel_loop3A_537, %get3A_426 : vector<16xf32>
        %parallel_loop3A_539 = arith.index_cast %parallel_loop3A_522 : i32 to index
        %parallel_loop3A_540 = arith.constant 64 : index
        %parallel_loop3A_541 = tpu.vector_load %arg17[%parallel_loop3A_539, %parallel_loop3A_540] {strides = array<i32>} : memref<112x128xf32, #tpu.memory_space<vmem>>, vector<16xf32>,
        %parallel_loop3A_542 = arith.mulf %parallel_loop3A_541, %get3A_445 : vector<16xf32>
        %parallel_loop3A_543 = arith.index_cast %parallel_loop3A_522 : i32 to index
        %parallel_loop3A_544 = arith.constant 80 : index
        %parallel_loop3A_545 = tpu.vector_load %arg17[%parallel_loop3A_543, %parallel_loop3A_544] {strides = array<i32>} : memref<112x128xf32, #tpu.memory_space<vmem>>, vector<16xf32>,
        %parallel_loop3A_546 = arith.mulf %parallel_loop3A_545, %get3A_464 : vector<16xf32>
        %parallel_loop3A_547 = arith.index_cast %parallel_loop3A_522 : i32 to index
        %parallel_loop3A_548 = arith.constant 96 : index
        %parallel_loop3A_549 = tpu.vector_load %arg17[%parallel_loop3A_547, %parallel_loop3A_548] {strides = array<i32>} : memref<112x128xf32, #tpu.memory_space<vmem>>, vector<16xf32>,
        %parallel_loop3A_550 = arith.mulf %parallel_loop3A_549, %get3A_483 : vector<16xf32>
        %parallel_loop3A_551 = arith.index_cast %parallel_loop3A_522 : i32 to index
        %parallel_loop3A_552 = arith.constant 112 : index
        %parallel_loop3A_553 = tpu.vector_load %arg17[%parallel_loop3A_551, %parallel_loop3A_552] {strides = array<i32>} : memref<112x128xf32, #tpu.memory_space<vmem>>, vector<16xf32>,
        %parallel_loop3A_554 = arith.mulf %parallel_loop3A_553, %get3A_502 : vector<16xf32>
        %parallel_loop3A_555 = arith.addf %parallel_loop3A_526, %parallel_loop3A_530 : vector<16xf32>
        %parallel_loop3A_556 = arith.addf %parallel_loop3A_534, %parallel_loop3A_538 : vector<16xf32>
        %parallel_loop3A_557 = arith.addf %parallel_loop3A_542, %parallel_loop3A_546 : vector<16xf32>
        %parallel_loop3A_558 = arith.addf %parallel_loop3A_550, %parallel_loop3A_554 : vector<16xf32>
        %parallel_loop3A_559 = arith.addf %parallel_loop3A_555, %parallel_loop3A_556 : vector<16xf32>
        %parallel_loop3A_560 = arith.addf %parallel_loop3A_557, %parallel_loop3A_558 : vector<16xf32>
        %parallel_loop3A_561 = arith.addf %parallel_loop3A_559, %parallel_loop3A_560 : vector<16xf32>
        %parallel_loop3A_562 = arith.constant true
        %parallel_loop3A_563 = vector.broadcast %parallel_loop3A_562 : i1 to vector<16xi1>
        %parallel_loop3A_564 = tpu.scan <sum>, %parallel_loop3A_561 masked %parallel_loop3A_563 : vector<16xf32>, vector<16xi1> -> vector<16xf32>
        %parallel_loop3A_565 = arith.constant 224 : i32
        %parallel_loop3A_566 = arith.addi %parallel_loop3A_565, %parallel_loop3A_522 : i32
        %parallel_loop3A_567 = vector.broadcast %parallel_loop3A_566 : i32 to vector<16xi32>
        tpu.vector_store_idx %arg20[%parallel_loop3A_567], %parallel_loop3A_564 masked %eq3A_4 : memref<448xf32, #tpu.memory_space<vmem>>[vector<16xi32>], vector<16xf32>, vector<16xi1>
      } {sc.loop_unroll_factor = 8 : i64, sc.parallel_access}
      %parallel_loop3A_512 = arith.constant 0 : i32
      %parallel_loop3A_513 = arith.constant 112 : i32
      %parallel_loop3A_514 = arith.constant 1 : i32
      scf.for %parallel_loop3A_522 = %parallel_loop3A_512 to %parallel_loop3A_513 step %parallel_loop3A_514  : i32 {
        %parallel_loop3A_523 = arith.index_cast %parallel_loop3A_522 : i32 to index
        %parallel_loop3A_524 = arith.constant 0 : index
        %parallel_loop3A_525 = tpu.vector_load %arg18[%parallel_loop3A_523, %parallel_loop3A_524] {strides = array<i32>} : memref<112x128xf32, #tpu.memory_space<vmem>>, vector<16xf32>,
        %parallel_loop3A_526 = arith.mulf %parallel_loop3A_525, %get3A_369 : vector<16xf32>
        %parallel_loop3A_527 = arith.index_cast %parallel_loop3A_522 : i32 to index
        %parallel_loop3A_528 = arith.constant 16 : index
        %parallel_loop3A_529 = tpu.vector_load %arg18[%parallel_loop3A_527, %parallel_loop3A_528] {strides = array<i32>} : memref<112x128xf32, #tpu.memory_space<vmem>>, vector<16xf32>,
        %parallel_loop3A_530 = arith.mulf %parallel_loop3A_529, %get3A_388 : vector<16xf32>
        %parallel_loop3A_531 = arith.index_cast %parallel_loop3A_522 : i32 to index
        %parallel_loop3A_532 = arith.constant 32 : index
        %parallel_loop3A_533 = tpu.vector_load %arg18[%parallel_loop3A_531, %parallel_loop3A_532] {strides = array<i32>} : memref<112x128xf32, #tpu.memory_space<vmem>>, vector<16xf32>,
        %parallel_loop3A_534 = arith.mulf %parallel_loop3A_533, %get3A_407 : vector<16xf32>
        %parallel_loop3A_535 = arith.index_cast %parallel_loop3A_522 : i32 to index
        %parallel_loop3A_536 = arith.constant 48 : index
        %parallel_loop3A_537 = tpu.vector_load %arg18[%parallel_loop3A_535, %parallel_loop3A_536] {strides = array<i32>} : memref<112x128xf32, #tpu.memory_space<vmem>>, vector<16xf32>,
        %parallel_loop3A_538 = arith.mulf %parallel_loop3A_537, %get3A_426 : vector<16xf32>
        %parallel_loop3A_539 = arith.index_cast %parallel_loop3A_522 : i32 to index
        %parallel_loop3A_540 = arith.constant 64 : index
        %parallel_loop3A_541 = tpu.vector_load %arg18[%parallel_loop3A_539, %parallel_loop3A_540] {strides = array<i32>} : memref<112x128xf32, #tpu.memory_space<vmem>>, vector<16xf32>,
        %parallel_loop3A_542 = arith.mulf %parallel_loop3A_541, %get3A_445 : vector<16xf32>
        %parallel_loop3A_543 = arith.index_cast %parallel_loop3A_522 : i32 to index
        %parallel_loop3A_544 = arith.constant 80 : index
        %parallel_loop3A_545 = tpu.vector_load %arg18[%parallel_loop3A_543, %parallel_loop3A_544] {strides = array<i32>} : memref<112x128xf32, #tpu.memory_space<vmem>>, vector<16xf32>,
        %parallel_loop3A_546 = arith.mulf %parallel_loop3A_545, %get3A_464 : vector<16xf32>
        %parallel_loop3A_547 = arith.index_cast %parallel_loop3A_522 : i32 to index
        %parallel_loop3A_548 = arith.constant 96 : index
        %parallel_loop3A_549 = tpu.vector_load %arg18[%parallel_loop3A_547, %parallel_loop3A_548] {strides = array<i32>} : memref<112x128xf32, #tpu.memory_space<vmem>>, vector<16xf32>,
        %parallel_loop3A_550 = arith.mulf %parallel_loop3A_549, %get3A_483 : vector<16xf32>
        %parallel_loop3A_551 = arith.index_cast %parallel_loop3A_522 : i32 to index
        %parallel_loop3A_552 = arith.constant 112 : index
        %parallel_loop3A_553 = tpu.vector_load %arg18[%parallel_loop3A_551, %parallel_loop3A_552] {strides = array<i32>} : memref<112x128xf32, #tpu.memory_space<vmem>>, vector<16xf32>,
        %parallel_loop3A_554 = arith.mulf %parallel_loop3A_553, %get3A_502 : vector<16xf32>
        %parallel_loop3A_555 = arith.addf %parallel_loop3A_526, %parallel_loop3A_530 : vector<16xf32>
        %parallel_loop3A_556 = arith.addf %parallel_loop3A_534, %parallel_loop3A_538 : vector<16xf32>
        %parallel_loop3A_557 = arith.addf %parallel_loop3A_542, %parallel_loop3A_546 : vector<16xf32>
        %parallel_loop3A_558 = arith.addf %parallel_loop3A_550, %parallel_loop3A_554 : vector<16xf32>
        %parallel_loop3A_559 = arith.addf %parallel_loop3A_555, %parallel_loop3A_556 : vector<16xf32>
        %parallel_loop3A_560 = arith.addf %parallel_loop3A_557, %parallel_loop3A_558 : vector<16xf32>
        %parallel_loop3A_561 = arith.addf %parallel_loop3A_559, %parallel_loop3A_560 : vector<16xf32>
        %parallel_loop3A_562 = arith.constant true
        %parallel_loop3A_563 = vector.broadcast %parallel_loop3A_562 : i1 to vector<16xi1>
        %parallel_loop3A_564 = tpu.scan <sum>, %parallel_loop3A_561 masked %parallel_loop3A_563 : vector<16xf32>, vector<16xi1> -> vector<16xf32>
        %parallel_loop3A_565 = arith.constant 336 : i32
        %parallel_loop3A_566 = arith.addi %parallel_loop3A_565, %parallel_loop3A_522 : i32
        %parallel_loop3A_567 = vector.broadcast %parallel_loop3A_566 : i32 to vector<16xi32>
        tpu.vector_store_idx %arg20[%parallel_loop3A_567], %parallel_loop3A_564 masked %eq3A_4 : memref<448xf32, #tpu.memory_space<vmem>>[vector<16xi32>], vector<16xf32>, vector<16xi1>
      } {sc.loop_unroll_factor = 8 : i64, sc.parallel_access}
      %add3A_515 = arith.addi %mul3A_2, %add3A_286 : i32
      %dma_start3A_516 = arith.constant 0 : i32
      %dma_start3A_517 = tpu.memref_slice %arg6[%add3A_515, %dma_start3A_516] : memref<4096x448xf32, #tpu.memory_space<hbm>> -> memref<1x448xf32, #tpu.memory_space<hbm>>
      %dma_start3A_518 = tpu.memref_squeeze %dma_start3A_517 : memref<1x448xf32, #tpu.memory_space<hbm>> -> memref<448xf32, #tpu.memory_space<hbm>>
      %dma_start3A_519 = arith.constant 0 : i32
      %dma_start3A_520 = tpu.memref_slice %arg6[%add3A_515, %dma_start3A_519] : memref<4096x448xf32, #tpu.memory_space<hbm>> -> memref<1x448xf32, #tpu.memory_space<hbm>>
      %dma_start3A_521 = tpu.memref_squeeze %dma_start3A_520 : memref<1x448xf32, #tpu.memory_space<hbm>> -> memref<448xf32, #tpu.memory_space<hbm>>
      tpu.enqueue_dma source(%arg20 : memref<448xf32, #tpu.memory_space<vmem>>) target(%dma_start3A_521 : memref<448xf32, #tpu.memory_space<hbm>>) target_semaphore(%arg24 : memref<!tpu.dma_semaphore, #tpu.memory_space<semaphore_mem>>)
    }
    %scan3A_46 = arith.constant 64 : i32
    %dma_wait3A = arith.constant 0 : i32
    %dma_wait3A_47 = tpu.memref_slice %arg6[%mul3A_2, %dma_wait3A] : memref<4096x448xf32, #tpu.memory_space<hbm>> -> memref<1x448xf32, #tpu.memory_space<hbm>>
    %dma_wait3A_48 = tpu.memref_squeeze %dma_wait3A_47 : memref<1x448xf32, #tpu.memory_space<hbm>> -> memref<448xf32, #tpu.memory_space<hbm>>
    %dma_wait3A_49 = arith.constant 0 : i32
    %dma_wait3A_50 = tpu.memref_slice %arg6[%mul3A_2, %dma_wait3A_49] : memref<4096x448xf32, #tpu.memory_space<hbm>> -> memref<1x448xf32, #tpu.memory_space<hbm>>
    %dma_wait3A_51 = tpu.memref_squeeze %dma_wait3A_50 : memref<1x448xf32, #tpu.memory_space<hbm>> -> memref<448xf32, #tpu.memory_space<hbm>>
    tpu.wait_dma2 semaphore(%arg24 : memref<!tpu.dma_semaphore, #tpu.memory_space<semaphore_mem>>) src(%arg19 : memref<448xf32, #tpu.memory_space<vmem>>) dst(%dma_wait3A_51 : memref<448xf32, #tpu.memory_space<hbm>>)
    %dma_wait3A_52 = arith.constant 0 : i32
    %dma_wait3A_53 = tpu.memref_slice %arg6[%mul3A_2, %dma_wait3A_52] : memref<4096x448xf32, #tpu.memory_space<hbm>> -> memref<1x448xf32, #tpu.memory_space<hbm>>
    %dma_wait3A_54 = tpu.memref_squeeze %dma_wait3A_53 : memref<1x448xf32, #tpu.memory_space<hbm>> -> memref<448xf32, #tpu.memory_space<hbm>>
    %dma_wait3A_55 = arith.constant 0 : i32
    %dma_wait3A_56 = tpu.memref_slice %arg6[%mul3A_2, %dma_wait3A_55] : memref<4096x448xf32, #tpu.memory_space<hbm>> -> memref<1x448xf32, #tpu.memory_space<hbm>>
    %dma_wait3A_57 = tpu.memref_squeeze %dma_wait3A_56 : memref<1x448xf32, #tpu.memory_space<hbm>> -> memref<448xf32, #tpu.memory_space<hbm>>
    tpu.wait_dma2 semaphore(%arg24 : memref<!tpu.dma_semaphore, #tpu.memory_space<semaphore_mem>>) src(%arg19 : memref<448xf32, #tpu.memory_space<vmem>>) dst(%dma_wait3A_57 : memref<448xf32, #tpu.memory_space<hbm>>)
    return
  }
}

module attributes {stable_mosaic.version = 14 : i64} {
  func.func @body(%arg0: i32, %arg1: memref<512x448xf32, #tpu.memory_space<vmem>>, %arg2: memref<1x1xf32, #tpu.memory_space<smem>>) attributes {dimension_semantics = [#tpu.dimension_semantics<arbitrary>], iteration_bounds = array<i64: 8>, scalar_prefetch = 0 : i64, scratch_operands = 0 : i64, tpu.core_type = #tpu.core_type<tc>, window_params = [{transform_indices = @transform_0, window_bounds = array<i64: 512, 448>}, {transform_indices = @transform_1, window_bounds = array<i64: 1, 1>}]} {
    %get3A = arith.constant 0 : index
    %get3A_0 = arith.constant 0 : index
    %get3A_1 = vector.load %arg1[%get3A, %get3A_0] : memref<512x448xf32, #tpu.memory_space<vmem>>, vector<512x448xf32>
    %iota3A = tpu.iota {dimensions = array<i32: 1>} : vector<512x448xi32>
    %lt3A = arith.constant 20 : i32
    %lt3A_2 = vector.broadcast %lt3A : i32 to vector<512x448xi32>
    %lt3A_3 = arith.cmpi slt, %iota3A, %lt3A_2 : vector<512x448xi32>
    %neg3A = arith.constant 0.000000e+00 : f32
    %neg3A_4 = vector.broadcast %neg3A : f32 to vector<512x448xf32>
    %neg3A_5 = arith.subf %neg3A_4, %get3A_1 : vector<512x448xf32>
    %select_n3A = arith.select %lt3A_3, %neg3A_5, %get3A_1 : vector<512x448xi1>, vector<512x448xf32>
    %max3A = arith.constant 0.000000e+00 : f32
    %max3A_6 = vector.broadcast %max3A : f32 to vector<512x448xf32>
    %max3A_7 = arith.maximumf %select_n3A, %max3A_6 : vector<512x448xf32>
    %abs3A = math.absf %select_n3A : vector<512x448xf32>
    %neg3A_8 = arith.constant 0.000000e+00 : f32
    %neg3A_9 = vector.broadcast %neg3A_8 : f32 to vector<512x448xf32>
    %neg3A_10 = arith.subf %neg3A_9, %abs3A : vector<512x448xf32>
    %exp3A = math.exp %neg3A_10 : vector<512x448xf32>
    %log1p3A = math.log1p %exp3A : vector<512x448xf32>
    %add3A = arith.addf %max3A_7, %log1p3A : vector<512x448xf32>
    %lt3A_11 = arith.constant 420 : i32
    %lt3A_12 = vector.broadcast %lt3A_11 : i32 to vector<512x448xi32>
    %lt3A_13 = arith.cmpi slt, %iota3A, %lt3A_12 : vector<512x448xi32>
    %jit3A = arith.constant 0.000000e+00 : f32
    %broadcast_in_dim3A = vector.broadcast %jit3A : f32 to vector<512x448xf32>
    %select_n3A_14 = arith.select %lt3A_13, %add3A, %broadcast_in_dim3A : vector<512x448xi1>, vector<512x448xf32>
    %reduce_sum3A = vector.shape_cast %select_n3A_14 : vector<512x448xf32> to vector<1x512x448xf32>
    %reduce_sum3A_15 = arith.constant dense<0.000000e+00> : vector<1xf32>
    %reduce_sum3A_16 = vector.multi_reduction <add>, %reduce_sum3A, %reduce_sum3A_15 [1, 2] : vector<1x512x448xf32> to vector<1xf32>
    %reduce_sum3A_17 = vector.shape_cast %reduce_sum3A_16 : vector<1xf32> to vector<1x1x1xf32>
    %reduce_sum3A_18 = vector.extract %reduce_sum3A_17[0, 0, 0] : f32 from vector<1x1x1xf32>
    %mul3A = arith.constant 1.22070314E-5 : f32
    %mul3A_19 = arith.mulf %reduce_sum3A_18, %mul3A : f32
    %eq3A = arith.constant 0 : i32
    %eq3A_20 = arith.cmpi eq, %arg0, %eq3A : i32
    %convert_element_type3A = arith.extui %eq3A_20 : i1 to i32
    %cond3A = arith.constant 0 : i32
    %cond3A_21 = arith.cmpi ne, %convert_element_type3A, %cond3A : i32
    scf.if %cond3A_21 {
      %swap3A_28 = arith.constant 0.000000e+00 : f32
      %swap3A_29 = arith.constant 0 : index
      %swap3A_30 = arith.constant 0 : index
      %swap3A_31 = memref.load %arg2[%swap3A_29, %swap3A_30] : memref<1x1xf32, #tpu.memory_space<smem>>
      memref.store %swap3A_28, %arg2[%swap3A_29, %swap3A_30] : memref<1x1xf32, #tpu.memory_space<smem>>
    } else {
    }
    %get3A_22 = arith.constant 0 : index
    %get3A_23 = arith.constant 0 : index
    %get3A_24 = memref.load %arg2[%get3A_22, %get3A_23] : memref<1x1xf32, #tpu.memory_space<smem>>
    %add3A_25 = arith.addf %get3A_24, %mul3A_19 : f32
    %swap3A = arith.constant 0 : index
    %swap3A_26 = arith.constant 0 : index
    %swap3A_27 = memref.load %arg2[%swap3A, %swap3A_26] : memref<1x1xf32, #tpu.memory_space<smem>>
    memref.store %add3A_25, %arg2[%swap3A, %swap3A_26] : memref<1x1xf32, #tpu.memory_space<smem>>
    return
  }
  func.func @transform_0(%arg0: i32) -> (i32, i32) {
    %c0_i32 = arith.constant 0 : i32
    %c0_i32_0 = arith.constant 0 : i32
    return %arg0, %c0_i32 : i32, i32
  }
  func.func @transform_1(%arg0: i32) -> (i32, i32) {
    %c0_i32 = arith.constant 0 : i32
    %c0_i32_0 = arith.constant 0 : i32
    %c0_i32_1 = arith.constant 0 : i32
    return %c0_i32, %c0_i32_0 : i32, i32
  }
}

</mosaic_0001>

<sc_bundles>
// kernel: kernel.4.cloned.1.call-start
scs
__scs_entry_jumppad:
0x0: {  	(pc) =	sbr.rel $0x88, $3  }
0x1: {  	(tag) =	ssettag $0x0;
	lr =	simm.s32 $0x1  }
0x2: {  	[smem:$0x3F9D] =	sst lr;
	_ =	strace $0xD0000000  }
0x3: {  	_ = 	snop  }
0x4: {  	_ = 	snop  }
0x5: {  	_ = 	snop  }
0x6: {  	_ = 	snop  }
0x7: {  	_ = 	snop  }
__scs_overlays_trampoline_lowered:
0x8: {  	[smem:$0x3FAC] =	sst s0  }
0x9: {  	[smem:$0x3FAD] =	sst s1  }
0xa: {  	[smem:$0x3FAE] =	sst s2  }
0xb: {  	[smem:$0x3FAF] =	sst s3  }
0xc: {  	[smem:$0x3FB0] =	sst s4  }
0xd: {  	[smem:$0x3FB1] =	sst s5  }
0xe: {  	[smem:$0x3FB2] =	sst s6  }
0xf: {  	[smem:$0x3FB3] =	sst s7  }
0x10: {  	[smem:$0x3FB4] =	sst s8  }
0x11: {  	[smem:$0x3FB5] =	sst s9;
	s0 =	simm.s32 @!p0 $0x0  }
0x12: {  	s1 =	sld [smem:$0x3F9B];
	s0 =	simm.s32 @p0 $0x1  }
0x13: {  	[smem:$0x3FB6] =	sst s0;
	s0 =	simm.s32 @!p1 $0x0  }
0x14: {  	s2 =	sld [smem:$0x3F9A];
	s0 =	simm.s32 @p1 $0x1  }
0x15: {  	[smem:$0x3FB7] =	sst s0;
	s0 =	simm.s32 @!p2 $0x0  }
0x16: {  	s3 =	sld [smem:$0x3FDB];
	s0 =	simm.s32 @p2 $0x1  }
0x17: {  	s4 =	simm.s32 $0x1BF5;
	[smem:$0x3FB9] =	sst s0  }
0x18: {  	s0 =	sld [smem:$0x3F9C];
	_ =	swait.ge [sflag:s4], $0x0  }
0x19: {  	s7 =	sld [smem:$0x3F9D]  }
0x1a: {  	s8 =	sadd.s32 $0xFFFFE003, lr  }
0x1b: {  	s9 =	sadd.s32 $0xFFFFFEF7, lr;
	s5 =	simm.s32 $0xFFFFFFFF;
	p2 =	slt.u32 s8, $0xFFFFF086  }
0x1c: {  	p1 =	slt.u32 s9, $0xF7A;
	s5 =	simm.s32 @!p2 $0x0  }
0x1d: {  	s5 =	simm.s32 @p1 $0x1;
	p0 =	seq.s32 s7, s2  }
0x1e: {  	s7 =	smul.u32 @!p0 $0xF7A, s2;
	p2 =	seq.s32 @!p0 s5, $0x0  }
0x1f: {  	s9 =	smul.u32 $0xF7A, s1;
	s8 =	simm.s32 @!p0 $0x1BF5;
	p2 =	por !p2, p0  }
0x20: {  	[sflag:s8] =	ssyncset.s32 @!p0 $0xFFFFF086;
	s6 =	sadd.s32 @!p0 s3, s7;
	s7 =	simm.s32 @!p0 $0x108  }
0x21: {  	s3 =	sadd.s32 s3, s9;
	s6 =	sadd.s32 @!p0 $0x88, s6;
	s7 =	simm.s32 @p2 $0x1082  }
0x22: {  	[simem:s7], [sflag:s8] =	dma.local @!p0 [hbm:s6], $0xF7A  }
0x23: {  	s9 =	sor.u32 $0xD0000000, s2;
	s6 =	simm.s32 $0x108;
	_ =	swait.ge @!p0 [sflag:s8], $0x0  }
0x24: {  	s3 =	sadd.s32 $0x88, s3;
	s6 =	simm.s32 @!p1 $0x1082;
	[sflag:s4] =	ssyncset.s32 $0xFFFFF086  }
0x25: {  	[simem:s6], [sflag:s4] =	dma.local [hbm:s3], $0xF7A  }
0x26: {  	[smem:$0x3F9D] =	sst s1;
	(tag) =	ssettag s2;
	_ =	strace s9  }
0x27: {  	s1 =	sld [smem:$0x3FAD]  }
0x28: {  	s2 =	sld [smem:$0x3FAE]  }
0x29: {  	s4 =	sld [smem:$0x3FB0]  }
0x2a: {  	p0 =	seq.s32 s5, $0x0;
	s5 =	sld [smem:$0x3FB1]  }
0x2b: {  	s6 =	sld [smem:$0x3FB2]  }
0x2c: {  	s7 =	sld [smem:$0x3FB3]  }
0x2d: {  	s3 =	simm.s32 $0x108;
	s8 =	sld [smem:$0x3FB4]  }
0x2e: {  	s3 =	simm.s32 @!p0 $0x1082;
	s9 =	sld [smem:$0x3FB5]  }
0x2f: {  	lr =	sadd.s32 s0, s3;
	s0 =	sld [smem:$0x3FAC]  }
0x30: {  	s3 =	sld [smem:$0x3FAF]  }
0x31: {  	[smem:$0x3FB8] =	sst s10  }
0x32: {  	s10 =	sld [smem:$0x3FB6];
	_ =	sdelay $0x3  }
0x33: {  	p0 =	seq.s32 s10, $0x1;
	s10 =	sld [smem:$0x3FB8];
	_ =	sdelay $0x3  }
0x34: {  	[smem:$0x3FB8] =	sst s10  }
0x35: {  	s10 =	sld [smem:$0x3FB7];
	_ =	sdelay $0x3  }
0x36: {  	p1 =	seq.s32 s10, $0x1;
	s10 =	sld [smem:$0x3FB8];
	_ =	sdelay $0x3  }
0x37: {  	[smem:$0x3FB8] =	sst s10  }
0x38: {  	s10 =	sld [smem:$0x3FB9]  }
0x39: {  	_ = 	snop;
	(pc) =	sbr.ind lr, $3  }
0x3a: {  	_ = 	snop  }
0x3b: {  	_ = 	snop  }
0x3c: {  	p2 =	seq.s32 s10, $0x1;
	s10 =	sld [smem:$0x3FB8]  }
0x3d: {  	_ =	shalt  }
0x3e: {  	_ =	shalt  }
0x3f: {  	_ =	shalt  }
0x40: {  	_ =	shalt  }
0x41: {  	_ =	shalt  }
0x42: {  	_ =	shalt  }
0x43: {  	_ =	shalt  }
0x44: {  	_ =	shalt  }
0x45: {  	_ =	shalt  }
0x46: {  	_ =	shalt  }
0x47: {  	_ =	shalt  }
0x48: {  	_ =	shalt  }
0x49: {  	_ =	shalt  }
0x4a: {  	_ =	shalt  }
0x4b: {  	_ =	shalt  }
0x4c: {  	_ =	shalt  }
0x4d: {  	_ =	shalt  }
0x4e: {  	_ =	shalt  }
0x4f: {  	_ =	shalt  }
0x50: {  	_ =	shalt  }
0x51: {  	_ =	shalt  }
0x52: {  	_ =	shalt  }
0x53: {  	_ =	shalt  }
0x54: {  	_ =	shalt  }
0x55: {  	_ =	shalt  }
0x56: {  	_ =	shalt  }
0x57: {  	_ =	shalt  }
0x58: {  	_ =	shalt  }
0x59: {  	_ =	shalt  }
0x5a: {  	_ =	shalt  }
0x5b: {  	_ =	shalt  }
0x5c: {  	_ =	shalt  }
0x5d: {  	_ =	shalt  }
0x5e: {  	_ =	shalt  }
0x5f: {  	_ =	shalt  }
0x60: {  	_ =	shalt  }
0x61: {  	_ =	shalt  }
0x62: {  	_ =	shalt  }
0x63: {  	_ =	shalt  }
0x64: {  	_ =	shalt  }
0x65: {  	_ =	shalt  }
0x66: {  	_ =	shalt  }
0x67: {  	_ =	shalt  }
0x68: {  	_ =	shalt  }
0x69: {  	_ =	shalt  }
0x6a: {  	_ =	shalt  }
0x6b: {  	_ =	shalt  }
0x6c: {  	_ =	shalt  }
0x6d: {  	_ =	shalt  }
0x6e: {  	_ =	shalt  }
0x6f: {  	_ =	shalt  }
0x70: {  	_ =	shalt  }
0x71: {  	_ =	shalt  }
0x72: {  	_ =	shalt  }
0x73: {  	_ =	shalt  }
0x74: {  	_ =	shalt  }
0x75: {  	_ =	shalt  }
0x76: {  	_ =	shalt  }
0x77: {  	_ =	shalt  }
0x78: {  	_ =	shalt  }
0x79: {  	_ =	shalt  }
0x7a: {  	_ =	shalt  }
0x7b: {  	_ =	shalt  }
0x7c: {  	_ =	shalt  }
0x7d: {  	_ =	shalt  }
0x7e: {  	_ =	shalt  }
0x7f: {  	_ =	shalt  }
0x80: {  	_ =	shalt  }
0x81: {  	_ =	shalt  }
0x82: {  	_ =	shalt  }
0x83: {  	_ =	shalt  }
0x84: {  	_ =	shalt  }
0x85: {  	_ =	shalt  }
0x86: {  	_ =	shalt  }
0x87: {  	_ =	shalt  }
.Lfunc_end0:
.L_simem_size_0:
called_computation_lowered:
.L_overlay_start_0:
0x88: {  	s2 =	sld [smem:$0x3FD9]  }
0x89: {  	s3 =	sld [smem:$0x3FFE];
	_ =	sdelay $0x1  }
0x8a: {  	s1 =	srdreg.scid  }
0x8b: {  	s0 =	sand.u32 $0x1, s1  }
0x8c: {  	s17 =	sshll.u32 s0, $0xA;
	s2 =	sadd.s32 s3, s2  }
0x8d: {  	s2 =	sadd.s32 s2, s17  }
0x8e: {  	[smem:$0x3FC4] =	sst s2  }
0x8f: {  	_ = 	snop  }
0x90: {  	s2 =	sld [smem:$0x3FC9]  }
0x91: {  	s18 =	sld [smem:$0x3FC7]  }
0x92: {  	s4 =	sld [smem:$0x3FC6];
	(tm) =	ssettm $0x1  }
0x93: {  	s5 =	sld [smem:$0x3FFB];
	_ =	sdelay $0x3  }
0x94: {  	_ =	strace s5  }
0x95: {  	s5 =	sld [smem:$0x3FFC];
	_ =	sdelay $0x3  }
0x96: {  	_ =	strace s5  }
0x97: {  	s5 =	sld [smem:$0x3FFD];
	_ =	sdelay $0x3  }
0x98: {  	_ =	strace s5  }
0x99: {  	_ =	strace $0x8FFFFFFF  }
0x9a: {  	s19 =	sld [smem:$0x3FDB];
	_ =	sdelay $0x1  }
0x9b: {  	s6 =	simm.s32 $_scs_section_size  }
0x9c: {  	s7 =	simm.s32 $_size__tile_overlayer_lowered;
	s8 =	simm.s32 $_tile_overlayer_lowered  }
0x9d: {  	s22 =	simm.s32 $0x1BFF;
	s21 =	sshll.u32 s8, $0x1;
	s5 =	sadd.s32 s6, s19  }
0x9e: {  	s9 =	simm.s32 $0x0;
	s20 =	sshll.u32 s7, $0x1;
	s7 =	sadd.s32 s21, s5  }
0x9f: {  	[timem:s9], [sflag:s22] =	dma.local [hbm:s7], s20  }
0xa0: {  	_ =	swait.ge [sflag:s22], s20  }
0xa1: {  	s6 =	ssub.s32 $0x0, s20;
	[sflag:s22] =	ssyncset.done $0x0  }
0xa2: {  	[sflag:s22] =	ssyncadd.s32 s6;
	_ =	sdelay $0x1  }
0xa3: {  	s23 =	simm.s32 $0x1B8B  }
0xa4: {  	_ =	swait.ge [sflag:s23], $0x1  }
0xa5: {  	[sflag:s23] =	ssyncset.done $0x0  }
0xa6: {  	s25 =	simm.s32 $0x1B8E;
	s24 =	sld [smem:$0x3FFE];
	[sflag:s23] =	ssyncadd.s32 $0xFFFFFFFF  }
0xa7: {  	s26 =	simm.s32 $execute0_lowered;
	[smem:$0x3FD2] =	sst s25  }
0xa8: {  	s7 =	sshll.u32 s26, $0x1;
	_ =	strace $0x80000046;
	[dreg:$0x1] =	wrdreg $0xFFFFFFFF  }
0xa9: {  	s28 =	simm.s32 $_size_execute0_lowered;
	s5 =	sadd.s32 s5, s7;
	[dreg:$0x0] =	wrdreg $0x0  }
0xaa: {  	s7 =	sshll.u32 s28, $0x1;
	[dreg:$0x2] =	wrdreg s5  }
0xab: {  	[dreg:$0x3] =	wrdreg s7  }
0xac: {  	[dreg:$0x4] =	wrdreg $0xC0  }
0xad: {  	_ =	task [dreg:s9], $0x5FFFF  }
0xae: {  	[dreg:$0x1] =	wrdreg $0xFFFFFFFF  }
0xaf: {  	[dreg:$0x0] =	wrdreg $0x60  }
0xb0: {  	[dreg:$0x2] =	wrdreg s2  }
0xb1: {  	[dreg:$0x3] =	wrdreg s24  }
0xb2: {  	[dreg:$0x4] =	wrdreg s18  }
0xb3: {  	[dreg:$0x5] =	wrdreg s4  }
0xb4: {  	[dreg:$0x6] =	wrdreg $0x9  }
0xb5: {  	_ =	task.clear_ibuf [dreg:s9], $0x7FFFF;
	_ =	strace $0x90000046  }
0xb6: {  	s29 =	simm.s32 $0x9;
	_ =	strace $0x80000048  }
0xb7: {  	_ =	swait.ge [sflag:s29], $0x1  }
0xb8: {  	[sflag:s29] =	ssyncadd.s32 $0xFFFFFFFF  }
0xb9: {  	_ =	strace $0x90000048  }
0xba: {  	_ =	sfence  }
0xbb: {  	s30 =	sld [smem:$0x0];
	_ =	sdelay $0x2  }
0xbc: {  	s31 =	sshll.u32 s1, $0xD;
	s1 =	sshrl.u32 s1, $0x2  }
0xbd: {  	s3 =	sand.u32 $0x4000, s31;
	s1 =	sadd.s32 s1, s30  }
0xbe: {  	s0 =	sor.u32 s3, s0;
	s1 =	sshll.u32 s1, $0x11  }
0xbf: {  	s0 =	sor.u32 s1, s0  }
0xc0: {  	s0 =	sadd.s32 $0x8F2B, s0  }
0xc1: {  	[sflag:s0] =	ssyncadd.remote.s32 $0x1  }
0xc2: {  	_ =	sfence.sel $0xFFFF  }
0xc3: {  	[dreg:$0x0] =	wrdreg $0xFFFFFFFF;
	(pc) =	sbr.abs _section_cstart, $3  }
0xc4: {  	[dreg:$0x1] =	wrdreg $0xFFFFFFFF  }
0xc5: {  	_ =	task.clear_ibuf [dreg:s9], $0x2FFFF;
	_ =	strace $0x9FFFFFFF  }
0xc6: {  	(tm) =	ssettm $0x7FFFFFFF  }
0xc7: {  	_ =	shalt  }
tec
execute0_lowered:
.L_overlay_start_1:
0x0: {  	(tag) =	ssettag $0x1  }
0x1: {  	s0 =	rddreg [dreg:$0x0]  }
0x2: {  	s1 =	rddreg [dreg:$0x1]  }
0x3: {  	s2 =	rddreg [dreg:$0x3];
	s4 =	simm.s32 $0x0  }
0x4: {  	s3 =	srdreg.scid;
	s23 =	stileid.u32;
	s16 =	simm.s32 $0x70  }
0x5: {  	s29 =	simm.s32 $0x12080;
	s30 =	simm.s32 $0x780;
	s31 =	simm.s32 $0x15880  }
0x6: {  	s17 =	simm.s32 $0x2;
	s19 =	simm.s32 $0x80;
	s20 =	simm.s32 $0x1C880  }
0x7: {  	s21 =	simm.s32 $0x400;
	s22 =	simm.s32 $0x3;
	s15 =	simm.s32 $0x4  }
0x8: {  	[smem:$0x7FF] =	sst s4;
	s3 =	sand.u32 $0x1, s3;
	s4 =	sshll.u32 s23, $0x8  }
0x9: {  	s5 =	sadd.s32 $0xC00, s1;
	s7 =	sadd.s32 $0x40C00, s1;
	s6 =	sshll.u32 s3, $0x7  }
0xa: {  	s23 =	simm.s32 $0x1CA80;
	s3 =	ssub.s32 $0x2, s3;
	s6 =	sor.u32 s6, s4  }
0xb: {  	_ =	strace $0x80000047;
	s24 =	sshrl.u32 s3, $0x1;
	s4 =	sshll.u32 s6, $0x6  }
0xc: {  	s1 =	ssub.s32 s3, s24;
	s25 =	sshrl.u32 s6, $0x3;
	s11 =	sor.u32 $0x2, s6  }
.Ltmp0:
0xd: {  	s12 =	sor.u32 $0x3, s6;
	s0 =	sadd.s32 s0, s25;
	(pc) =	sbr.rel .LBB2_1-.Ltmp0, $4  }
0xe: {  	s24 =	simm.s32 $0x680;
	s4 =	sadd.s32 s5, s4;
	[dreg:$0x6] =	wrdreg s0  }
0xf: {  	s3 =	simm.s32 $0x19080;
	s28 =	smax.u32 s1, $0x1;
	[dreg:$0x5] =	wrdreg s4  }
0x10: {  	s25 =	simm.s32 $0x1;
	s26 =	sadd.s32 $0x40, s4;
	[dreg:$0x8] =	wrdreg s28  }
0x11: {  	vm0 =	vcmask $0x3F3C;
	s0 =	simm.s32 $0x800;
	s4 =	simm.s32 $0x0;
	[dreg:$0x7] =	wrdreg s26  }
.LBB2_25:
0x12: {  	_ =	swait.ge [sflag:s15], $0x200  }
0x13: {  	[sflag:s15] =	ssyncset.done $0x0  }
0x14: {  	[sflag:s15] =	ssyncadd.s32 $0xFFFFFE00  }
0x15: {  	_ =	swait.ge [sflag:s15], $0x200  }
0x16: {  	s4 =	rddreg [dreg:$0x9]  }
0x17: {  	s1 =	rddreg [dreg:$0x8];
	s4 =	sadd.s32 $0x1, s4  }
0x18: {  	p0 =	sne.s32 s4, s1  }
.Ltmp1:
0x19: {  	_ = 	snop;
	(pc) =	sbr.rel @!p0 .LBB2_26-.Ltmp1, $3  }
0x1a: {  	_ =	sdelay $0x1  }
0x1b: {  	[sflag:s15] =	ssyncset.done $0x0  }
0x1c: {  	[sflag:s15] =	ssyncadd.s32 $0xFFFFFE00  }
.LBB2_1:
0x1d: {  	[dreg:$0x9] =	wrdreg s4  }
0x1e: {  	s1 =	simm.s32 $0x0;
	s26 =	rddreg [dreg:$0x6];
	s8 =	simm.s32 $0x5  }
0x1f: {  	[tilespmem:s1], [sflag:$0x5] =	stream.linear.gather [hbm4b:s26+s1], $0x80, $0x38;
	[tilespmem:$0x1CC80] =	vst v63  }
0x20: {  	_ =	swait.ge [sflag:s8], $0x80  }
0x21: {  	[sflag:s8] =	ssyncset.done $0x0  }
0x22: {  	s9 =	simm.s32 $0x480;
	s28 =	rddreg [dreg:$0x5];
	[sflag:s8] =	ssyncadd.s32 $0xFFFFFF80  }
0x23: {  	[tilespmem:s9], [sflag:$0x5] =	stream.linear.gather [hbm4b:s28+s1], $0x200, $0x38;
	[tilespmem:$0x1CC80] =	vst v63  }
0x24: {  	_ =	swait.ge [sflag:s8], $0x200  }
0x25: {  	[sflag:s8] =	ssyncset.done $0x0  }
0x26: {  	[sflag:s8] =	ssyncadd.s32 $0xFFFFFE00;
	s8 =	simm.s32 $0x880  }
0x27: {  	[tilespmem:s8], [sflag:$0x2] =	stream.indirect.gather [hbm4b:s2+s16], $0x80, s9, s16, $0xb8;
	[tilespmem:$0x1CC80] =	vst v63  }
0x28: {  	s10 =	simm.s32 $0x4080;
	s9 =	simm.s32 $0x500  }
0x29: {  	[tilespmem:s10], [sflag:$0x2] =	stream.indirect.gather [hbm4b:s2+s16], $0x80, s9, s16, $0xb8;
	[tilespmem:$0x1CC80] =	vst v63  }
0x2a: {  	s13 =	simm.s32 $0x580;
	s14 =	simm.s32 $0x7880  }
0x2b: {  	[tilespmem:s14], [sflag:$0x2] =	stream.indirect.gather [hbm4b:s2+s16], $0x80, s13, s16, $0xb8;
	[tilespmem:$0x1CC80] =	vst v63  }
0x2c: {  	s18 =	simm.s32 $0x600;
	s26 =	simm.s32 $0xB080  }
0x2d: {  	[tilespmem:s26], [sflag:$0x2] =	stream.indirect.gather [hbm4b:s2+s16], $0x80, s18, s16, $0xb8;
	[tilespmem:$0x1CC80] =	vst v63  }
0x2e: {  	s28 =	rddreg [dreg:$0x7];
	s10 =	simm.s32 $0x0  }
0x2f: {  	[tilespmem:s24], [sflag:$0x1] =	stream.linear.gather [hbm4b:s28+s1], $0x200, $0x38;
	[tilespmem:$0x1CC80] =	vst v63  }
.LBB2_2:
0x30: {  	_ =	swait.ge [sflag:s25], $0x200  }
0x31: {  	[sflag:s25] =	ssyncset.done $0x0  }
0x32: {  	s1 =	simm.s32 $0xE880;
	[sflag:s25] =	ssyncadd.s32 $0xFFFFFE00  }
0x33: {  	[tilespmem:s1], [sflag:$0x3] =	stream.indirect.gather [hbm4b:s2+s16], $0x80, s24, s16, $0xb8;
	[tilespmem:$0x1CC80] =	vst v63  }
0x34: {  	s28 =	simm.s32 $0x700  }
0x35: {  	[tilespmem:s29], [sflag:$0x3] =	stream.indirect.gather [hbm4b:s2+s16], $0x80, s28, s16, $0xb8;
	[tilespmem:$0x1CC80] =	vst v63  }
0x36: {  	_ = 	snop  }
0x37: {  	[tilespmem:s31], [sflag:$0x3] =	stream.indirect.gather [hbm4b:s2+s16], $0x80, s30, s16, $0xb8;
	[tilespmem:$0x1CC80] =	vst v63  }
0x38: {  	_ = 	snop  }
0x39: {  	[tilespmem:s3], [sflag:$0x3] =	stream.indirect.gather [hbm4b:s2+s16], $0x80, s0, s16, $0xb8;
	[tilespmem:$0x1CC80] =	vst v63  }
0x3a: {  	_ =	swait.ge [sflag:s17], $0x3800  }
0x3b: {  	[sflag:s17] =	ssyncset.done $0x0  }
0x3c: {  	[sflag:s17] =	ssyncadd.s32 $0xFFFFC800  }
0x3d: {  	_ =	swait.ge [sflag:s17], $0x3800  }
0x3e: {  	[sflag:s17] =	ssyncset.done $0x0  }
0x3f: {  	[sflag:s17] =	ssyncadd.s32 $0xFFFFC800  }
0x40: {  	_ =	swait.ge [sflag:s17], $0x3800  }
0x41: {  	p0 =	seq.s32 s10, $0x3F;
	[sflag:s17] =	ssyncset.done $0x0  }
0x42: {  	s8 =	sshll.u32 s10, $0x1;
	s4 =	simm.s32 @!p0 $0x0;
	[sflag:s17] =	ssyncadd.s32 $0xFFFFC800  }
0x43: {  	s9 =	simm.s32 @!p0 $0x480;
	s1 =	sadd.s32 @!p0 s8, s11;
	_ =	swait.ge [sflag:s17], $0x3800  }
0x44: {  	p1 =	seq.s32 @!p0 s10, $0x0;
	s1 =	sshll.u32 @!p0 s1, $0x6;
	[sflag:s17] =	ssyncset.done $0x0  }
0x45: {  	p2 =	por p0, !p1;
	s1 =	sadd.s32 @!p0 s5, s1;
	[sflag:s17] =	ssyncadd.s32 $0xFFFFC800  }
0x46: {  	[tilespmem:s9], [sflag:$0x1] =	stream.linear.gather @!p0 [hbm4b:s1+s4], $0x200, $0x38;
	[tilespmem:$0x1CC80] =	vst v63  }
0x47: {  	s1 =	sand.u32 @p2 $0x6, s8  }
0x48: {  	p1 =	sne.s32 @p2 s1, $0x0  }
0x49: {  	p3 =	por !p2, !p1  }
.Ltmp2:
0x4a: {  	_ = 	snop;
	(pc) =	sbr.rel @!p3 .LBB2_4-.Ltmp2, $4  }
0x4b: {  	s4 =	simm.s32 @p2 $0x4  }
0x4c: {  	_ =	swait.ge @p2 [sflag:s4], $0x200  }
0x4d: {  	[sflag:s4] =	ssyncset.done @p2 $0x0  }
0x4e: {  	p1 =	por @p2 $0x0, $0x0;
	[sflag:s4] =	ssyncadd.s32 @p2 $0xFFFFFE00  }
0x4f: {  	s1 =	rddreg [dreg:$0x2];
	s4 =	simm.s32 $0x8  }
0x50: {  	[tilespmem:s19], [sflag:$0x1] =	stream.indirect.gather [hbm4b:s1+s4], $0x80, s8, s4, $0xb8;
	[tilespmem:$0x1CC80] =	vst v63  }
0x51: {  	_ =	swait.ge [sflag:s25], $0x400  }
0x52: {  	p3 =	por @!p0 $0x1, $0x1;
	[sflag:s25] =	ssyncset.done $0x0  }
0x53: {  	p1 =	por @!p2 p3, p3;
	s1 =	simm.s32 $0x0;
	[sflag:s25] =	ssyncadd.s32 $0xFFFFFC00  }
.LBB2_4:
0x54: {  	s1 =	sshll.u32 s1, $0x7  }
0x55: {  	v0 =	vld [tilespmem:s1+$0x80]  }
0x56: {  	v1 =	vld [tilespmem:s1+$0x90]  }
0x57: {  	v4 =	vld [tilespmem:s1+$0xA0]  }
0x58: {  	v7 =	vld [tilespmem:s1+$0xB0]  }
0x59: {  	v5 =	vld [tilespmem:s1+$0xC0]  }
0x5a: {  	v6 =	vld [tilespmem:s1+$0xD0]  }
0x5b: {  	v2 =	vld [tilespmem:s1+$0xE0]  }
0x5c: {  	s9 =	simm.s32 $0xA80;
	v3 =	vld [tilespmem:s1+$0xF0]  }
0x5d: {  	v8 =	vld [tilespmem:s9+$0x180]  }
0x5e: {  	v10 =	vld [tilespmem:s9+$0x190]  }
0x5f: {  	v11 =	vld [tilespmem:s9+$0x1A0]  }
0x60: {  	v12 =	vld [tilespmem:s9+$0x1B0]  }
0x61: {  	v13 =	vld [tilespmem:s9+$0x1C0]  }
0x62: {  	v14 =	vld [tilespmem:s9+$0x1D0]  }
0x63: {  	v15 =	vld [tilespmem:s9+$0x1E0]  }
0x64: {  	v16 =	vld [tilespmem:s9+$0x1F0]  }
0x65: {  	v17 =	vld [tilespmem:s9+$0xFFFFFE20]  }
0x66: {  	v18 =	vld [tilespmem:s9+$0xFFFFFE30]  }
0x67: {  	v19 =	vld [tilespmem:s9+$0xFFFFFE40]  }
0x68: {  	v20 =	vld [tilespmem:s9+$0xFFFFFE50]  }
0x69: {  	v21 =	vld [tilespmem:s9+$0xFFFFFE60]  }
0x6a: {  	v22 =	vld [tilespmem:s9+$0xFFFFFE70]  }
0x6b: {  	v23 =	vld [tilespmem:s9+$0xFFFFFE80]  }
0x6c: {  	v24 =	vld [tilespmem:s9+$0xFFFFFE90]  }
0x6d: {  	v25 =	vld [tilespmem:s9+$0xFFFFFEA0]  }
0x6e: {  	v26 =	vld [tilespmem:s9+$0xFFFFFEB0]  }
0x6f: {  	v27 =	vld [tilespmem:s9+$0xFFFFFEC0]  }
0x70: {  	v28 =	vld [tilespmem:s9+$0xFFFFFED0]  }
0x71: {  	v30 =	vld [tilespmem:s9+$0xFFFFFEF0]  }
0x72: {  	v31 =	vld [tilespmem:s9+$0xFFFFFF00]  }
0x73: {  	v32 =	vld [tilespmem:s9+$0xFFFFFF10]  }
0x74: {  	v34 =	vld [tilespmem:s9+$0xFFFFFF30];
	v8 =	vmul.f32 v8, v0;
	v10 =	vmul.f32 v10, v1  }
0x75: {  	v35 =	vld [tilespmem:s9+$0xFFFFFF40];
	v11 =	vmul.f32 v11, v4;
	v12 =	vmul.f32 v12, v7  }
0x76: {  	v63 =	vld [tilespmem:s9+$0xFFFFFFF0];
	v13 =	vmul.f32 v13, v5;
	v14 =	vmul.f32 v14, v6  }
0x77: {  	v37 =	vld [tilespmem:s9+$0x0];
	v15 =	vmul.f32 v15, v2;
	v16 =	vmul.f32 v16, v3  }
0x78: {  	v29 =	vld [tilespmem:s9+$0xFFFFFEE0];
	v57 =	vmul.f32 v28, v6;
	v59 =	vmul.f32 v30, v3  }
0x79: {  	v39 =	vld [tilespmem:s9+$0x10];
	v61 =	vmul.f32 v31, v0;
	v62 =	vmul.f32 v32, v1  }
0x7a: {  	v33 =	vld [tilespmem:s9+$0xFFFFFF20];
	v36 =	vmul.f32 v34, v7;
	v38 =	vmul.f32 v35, v5  }
0x7b: {  	v56 =	vld [tilespmem:s9+$0xFFFFFFC0];
	v42 =	vmul.f32 v63, v3;
	v8 =	vadd.f32 v10, v8;
	v10 =	vadd.f32 v12, v11  }
0x7c: {  	v44 =	vmul.f32 v37, v0;
	v12 =	vld [tilespmem:s9+$0xFFFFFF50];
	v11 =	vadd.f32 v14, v13;
	v13 =	vadd.f32 v16, v15  }
0x7d: {  	v14 =	vld [tilespmem:s9+$0xFFFFFF60];
	v15 =	vmul.f32 v17, v4;
	v16 =	vmul.f32 v18, v7  }
0x7e: {  	v45 =	vmul.f32 v39, v1;
	v17 =	vld [tilespmem:s9+$0xFFFFFF70];
	v10 =	vadd.f32 v10, v8;
	v11 =	vadd.f32 v13, v11  }
0x7f: {  	v58 =	vld [tilespmem:s9+$0xFFFFFFD0];
	v18 =	vmul.f32 v19, v5;
	v19 =	vmul.f32 v20, v6;
	v8 =	vadd.f32 v16, v15  }
0x80: {  	v60 =	vld [tilespmem:s9+$0xFFFFFFE0];
	v16 =	vmul.f32 v21, v2;
	v20 =	vadd.f32 v11, v10;
	v11 =	vmul.f32 v22, v3  }
0x81: {  	v13 =	vld [tilespmem:s9+$0xFFFFFF80];
	v10 =	vadd.f32 v19, v18;
	v18 =	vmul.f32 v23, v0;
	v19 =	vmul.f32 v24, v1  }
0x82: {  	v15 =	vld [tilespmem:s9+$0xFFFFFF90];
	v23 =	vmul.f32 v26, v7;
	v12 =	vmul.f32 v12, v6  }
0x83: {  	v46 =	vld [tilespmem:s9+$0xA0];
	v14 =	vmul.f32 v14, v2;
	v17 =	vmul.f32 v17, v3  }
0x84: {  	v48 =	vld [tilespmem:s9+$0xB0];
	v11 =	vadd.f32 v11, v16;
	v16 =	vmul.f32 v25, v4;
	v18 =	vadd.f32 v19, v18  }
0x85: {  	v21 =	vld [tilespmem:s9+$0xFFFFFFA0];
	v19 =	vmul.f32 v27, v5;
	v25 =	vadd.f32 v62, v61;
	v12 =	vadd.f32 v12, v38  }
0x86: {  	v22 =	vld [tilespmem:s9+$0xFFFFFFB0];
	v14 =	vadd.f32 v17, v14;
	v16 =	vadd.f32 v23, v16;
	v23 =	vmul.f32 v29, v2  }
0x87: {  	v40 =	vld [tilespmem:s9+$0x20];
	v13 =	vmul.f32 v13, v0;
	v15 =	vmul.f32 v15, v1;
	v19 =	vadd.f32 v57, v19  }
0x88: {  	v17 =	vld [tilespmem:s9+$0x40];
	v16 =	vadd.f32 v16, v18;
	v18 =	vmul.f32 v33, v4;
	v23 =	vadd.f32 v59, v23  }
0x89: {  	v51 =	vmul.f32 v46, v4;
	v12 =	vadd.f32 v14, v12;
	v14 =	vld [tilespmem:s9+$0x60];
	v13 =	vadd.f32 v15, v13  }
0x8a: {  	s18 =	simm.s32 $0x3;
	v52 =	vmul.f32 v48, v7;
	v15 =	vld [tilespmem:s9+$0x70];
	v19 =	vadd.f32 v23, v19;
	v18 =	vadd.f32 v36, v18  }
0x8b: {  	v53 =	vmov s18;
	v21 =	vmul.f32 v21, v4;
	v22 =	vmul.f32 v22, v7;
	v23 =	vld [tilespmem:s9+$0x30]  }
0x8c: {  	v47 =	vmul.f32 v40, v4;
	v16 =	vadd.f32 v19, v16;
	v19 =	vld [tilespmem:s9+$0x50];
	v18 =	vadd.f32 v18, v25  }
0x8d: {  	v24 =	vmul.f32 v56, v5;
	v26 =	vadd.f32 v52, v51;
	(xrf2) =	vadd.scan.msk.f32 $0xffff, v20;
	v20 =	vld [tilespmem:s9+$0xD0];
	v21 =	vadd.f32 v22, v21  }
0x8e: {  	v41 =	vld [tilespmem:s9+$0x80];
	v22 =	vmul.f32 v60, v2;
	v12 =	vadd.f32 v12, v18;
	v18 =	vmul.f32 v58, v6  }
0x8f: {  	v13 =	vadd.f32 v21, v13;
	v21 =	vld [tilespmem:s9+$0xC0];
	v14 =	vmul.f32 v14, v2;
	v15 =	vmul.f32 v15, v3  }
0x90: {  	v49 =	vld [tilespmem:s9+$0xE0];
	v22 =	vadd.f32 v42, v22;
	v23 =	vmul.f32 v23, v7;
	v18 =	vadd.f32 v18, v24  }
0x91: {  	v17 =	vmul.f32 v17, v5;
	v14 =	vadd.f32 v15, v14;
	v15 =	vld [tilespmem:s9+$0xF0];
	v19 =	vmul.f32 v19, v6  }
0x92: {  	s4 =	simm.s32 $0x1;
	v43 =	vld [tilespmem:s9+$0x90];
	v20 =	vmul.f32 v20, v6;
	(xrf2) =	vadd.scan.msk.f32 $0xffff, v16;
	v23 =	vadd.f32 v23, v47;
	v18 =	vadd.f32 v22, v18  }
0x93: {  	v9 =	vld [tilespmem:s9+$0xFFFFFE10];
	v16 =	vmov s4;
	(xrf2) =	vadd.scan.msk.f32 $0xffff, v12;
	v22 =	vadd.f32 v45, v44;
	v12 =	vadd.f32 v19, v17  }
0x94: {  	v50 =	vld [tilespmem:s9+$0x120];
	v16 =	vand.u32 $0xFFFFFFF9, v16;
	v21 =	vmul.f32 v21, v5;
	v13 =	vadd.f32 v18, v13  }
0x95: {  	s13 =	simm.s32 $0x7;
	s14 =	simm.s32 $0x2;
	v55 =	vld [tilespmem:s9+$0x160];
	v24 =	vmul.f32 v49, v2;
	v22 =	vadd.f32 v23, v22;
	v12 =	vadd.f32 v14, v12  }
0x96: {  	v54 =	vld [tilespmem:s9+$0x150];
	v17 =	vmov s13;
	v19 =	vmov s14;
	v15 =	vmul.f32 v15, v3  }
0x97: {  	v18 =	vld [tilespmem:s9+$0x100];
	v23 =	vmul.f32 v43, v1;
	(xrf2) =	vadd.scan.msk.f32 $0xffff, v13;
	v13 =	vmul.f32 v41, v0;
	v12 =	vadd.f32 v12, v22  }
0x98: {  	v16 =	vbroadcast v16, $0x0;
	v20 =	vadd.f32 v20, v21;
	v19 =	vand.u32 $0xFFFFFFFA, v19;
	v14 =	vld [tilespmem:s9+$0x110]  }
0x99: {  	v58 =	vld [tilespmem:s9+$0x170];
	v19 =	vbroadcast v19, $0x0;
	v15 =	vadd.f32 v15, v24;
	v13 =	vadd.f32 v23, v13;
	(xrf2) =	vadd.scan.msk.f32 $0xffff, v12  }
0x9a: {  	s26 =	simm.s32 $0x4;
	v61 =	vmul.f32 v55, v2;
	v22 =	vld [tilespmem:s9+$0x130];
	v12 =	vand.u32 $0xFFFFFFFB, v53  }
0x9b: {  	v56, _, _ =	vpop (xrf2);
	v15 =	vadd.f32 v15, v20;
	v23 =	vld [tilespmem:s9+$0x140];
	v21 =	vadd.f32 v26, v13;
	v13 =	vmov s26  }
0x9c: {  	s4 =	simm.s32 $0xE80;
	[tilespmem:v17+s20+$0x0] =	vst.idx.msk vm0, v56;
	v17 =	vmul.f32 v18, v0;
	v18 =	vld [tilespmem:s9+$0xFFFFFE00];
	v57 =	vbroadcast v12, $0x0;
	v13 =	vand.u32 $0xFFFFFFFC, v13  }
0x9d: {  	v14 =	vmul.f32 v14, v1;
	v12, _, _ =	vpop (xrf2);
	v20 =	vbroadcast v13, $0x0;
	v13 =	vld [tilespmem:s4+$0x190]  }
0x9e: {  	v26 =	vmul.f32 v58, v3;
	v21 =	vadd.f32 v15, v21;
	v15 =	vld [tilespmem:s4+$0x1B0];
	v59, _, _ =	vpop (xrf2);
	[tilespmem:v16+s20+$0x0] =	vst.idx.msk vm0, v12  }
0x9f: {  	v16 =	vmul.f32 v50, v4;
	v12 =	vld [tilespmem:s4+$0x180];
	[tilespmem:v19+s20+$0x0] =	vst.idx.msk vm0, v59;
	v19 =	vmul.f32 v22, v7  }
0xa0: {  	v22 =	vadd.f32 v14, v17;
	v17 =	vmul.f32 v23, v5;
	v23 =	vmul.f32 v54, v6;
	v14 =	vld [tilespmem:s4+$0x1A0];
	(xrf2) =	vadd.scan.msk.f32 $0xffff, v21  }
0xa1: {  	v62 =	vmul.f32 v9, v1;
	v25 =	vadd.f32 v26, v61;
	v63 =	vmul.f32 v18, v0;
	v18 =	vld [tilespmem:s4+$0x1E0]  }
0xa2: {  	s28 =	simm.s32 $0x5;
	v60, _, _ =	vpop (xrf2);
	v19 =	vadd.f32 v19, v16;
	v23 =	vadd.f32 v23, v17;
	v16 =	vld [tilespmem:s4+$0x1C0]  }
0xa3: {  	s1 =	simm.s32 $0x8;
	v9 =	vadd.f32 v11, v10;
	v11 =	vmov s28;
	v17 =	vld [tilespmem:s4+$0x1D0];
	v21 =	vadd.f32 v62, v63;
	[tilespmem:v57+s20+$0x0] =	vst.idx.msk vm0, v60;
	v10, _, _ =	vpop (xrf2)  }
0xa4: {  	s18 =	simm.s32 $0x10;
	s13 =	sshllo.u32 s10, $0x1;
	s14 =	simm.s32 $0x0;
	v19 =	vadd.f32 v19, v22;
	v22 =	vadd.f32 v25, v23;
	[tilespmem:v20+s20+$0x0] =	vst.idx.msk vm0, v10;
	v20 =	vld [tilespmem:s4+$0x1F0];
	v10 =	vand.u32 $0xFFFFFFFD, v11  }
.LBB2_5:
0xa5: {  	p2 =	slt.u32 s18, $0x68;
	v11 =	vld [tilespmem:s4+$0xFFFFFE10];
	v8 =	vadd.f32 v8, v21;
	v21 =	vbroadcast v10, $0x0  }
0xa6: {  	v12 =	vmul.f32 v12, v0;
	v13 =	vmul.f32 v13, v1;
	v23 =	vld [tilespmem:s4+$0xFFFFFE20];
	v19 =	vadd.f32 v22, v19  }
0xa7: {  	v14 =	vmul.f32 v14, v4;
	v15 =	vmul.f32 v15, v7;
	v22 =	vld [tilespmem:s4+$0xFFFFFE30];
	v8 =	vadd.f32 v9, v8  }
0xa8: {  	v16 =	vmul.f32 v16, v5;
	v17 =	vmul.f32 v17, v6;
	v9 =	vld [tilespmem:s4+$0xFFFFFE40]  }
0xa9: {  	v25 =	vmov s14;
	v18 =	vmul.f32 v18, v2;
	v24 =	vld [tilespmem:s4+$0xFFFFFE50];
	v20 =	vmul.f32 v20, v3;
	(xrf2) =	vadd.scan.msk.f32 $0xffff, v8  }
0xaa: {  	v8 =	vadd.f32 v13, v12;
	v12 =	vadd.f32 v15, v14;
	v10 =	vmul.f32 v11, v1;
	v11 =	vld [tilespmem:s4+$0xFFFFFE60];
	v13, _, _ =	vpop (xrf2)  }
0xab: {  	v16 =	vadd.f32 v17, v16;
	v14 =	vmul.f32 v23, v4;
	v15 =	vld [tilespmem:s4+$0xFFFFFE70];
	v17 =	vadd.f32 v20, v18  }
0xac: {  	v18 =	vmul.f32 v22, v7;
	v20 =	vld [tilespmem:s4+$0xFFFFFE80];
	v22 =	vand.u32 $0xFFFFFFF8, v25;
	[tilespmem:v21+s20+$0x0] =	vst.idx.msk vm0, v13;
	(xrf2) =	vadd.scan.msk.f32 $0xffff, v19  }
0xad: {  	s9 =	sadd.s32 $0x6, s14;
	s14 =	smov.u32 s1;
	s1 =	smov.u32 s18;
	v12 =	vadd.f32 v12, v8;
	v9 =	vmul.f32 v9, v5;
	v13 =	vld [tilespmem:s4+$0xFFFFFE90];
	v16 =	vadd.f32 v17, v16  }
0xae: {  	v17 =	vmul.f32 v24, v6;
	v8 =	vadd.f32 v18, v14;
	v14 =	vld [tilespmem:s4+$0xFFFFFEA0];
	v18 =	vmov s9  }
0xaf: {  	v11 =	vmul.f32 v11, v2;
	v19 =	vld [tilespmem:s4+$0xFFFFFEB0];
	v12 =	vadd.f32 v16, v12;
	v16 =	vbroadcast v22, $0x0  }
0xb0: {  	v18 =	vand.u32 $0xFFFFFFFE, v18;
	v15 =	vmul.f32 v15, v3;
	v9 =	vadd.f32 v17, v9;
	v17 =	vld [tilespmem:s4+$0xFFFFFEC0]  }
0xb1: {  	v20 =	vmul.f32 v20, v0;
	v21 =	vld [tilespmem:s4+$0xFFFFFED0];
	(xrf2) =	vadd.scan.msk.f32 $0xffff, v12;
	v12 =	vbroadcast v18, $0x0  }
0xb2: {  	v11 =	vadd.f32 v15, v11;
	v13 =	vmul.f32 v13, v1;
	v15 =	vld [tilespmem:s4+$0xFFFFFEE0]  }
0xb3: {  	v14 =	vmul.f32 v14, v4;
	v18 =	vld [tilespmem:s4+$0xFFFFFEF0];
	v22, _, _ =	vpop (xrf2)  }
0xb4: {  	v9 =	vadd.f32 v11, v9;
	v11 =	vmul.f32 v19, v7;
	v13 =	vadd.f32 v13, v20;
	v19 =	vld [tilespmem:s4+$0xFFFFFF00]  }
0xb5: {  	v17 =	vmul.f32 v17, v5;
	v20 =	vld [tilespmem:s4+$0xFFFFFF10];
	[tilespmem:v16+s20+$0x0] =	vst.idx.msk vm0, v22  }
0xb6: {  	s9 =	sadd.s32 $0x7, s14;
	v16 =	vmul.f32 v21, v6;
	v11 =	vadd.f32 v11, v14;
	v14 =	vld [tilespmem:s4+$0xFFFFFF20];
	v21, _, _ =	vpop (xrf2)  }
0xb7: {  	v23 =	vmov s9;
	v15 =	vmul.f32 v15, v2;
	v22 =	vld [tilespmem:s4+$0xFFFFFF30];
	[tilespmem:v12+s20+$0x0] =	vst.idx.msk vm0, v21  }
0xb8: {  	v12 =	vmul.f32 v18, v3;
	v16 =	vadd.f32 v16, v17;
	v11 =	vadd.f32 v11, v13;
	v13 =	vld [tilespmem:s4+$0xFFFFFF40]  }
0xb9: {  	v17 =	vmul.f32 v19, v0;
	v18 =	vld [tilespmem:s4+$0xFFFFFF50]  }
0xba: {  	v12 =	vadd.f32 v12, v15;
	v15 =	vmul.f32 v20, v1;
	v19 =	vld [tilespmem:s4+$0xFFFFFF60]  }
0xbb: {  	v14 =	vmul.f32 v14, v4;
	v20 =	vld [tilespmem:s4+$0xFFFFFF70];
	v21, _, _ =	vpop (xrf2)  }
0xbc: {  	v22 =	vmul.f32 v22, v7;
	v15 =	vadd.f32 v15, v17;
	v17 =	vld [tilespmem:s4+$0xFFFFFF80];
	[tilespmem:v23+s20+$0x0] =	vst.idx.msk vm0, v21  }
0xbd: {  	v12 =	vadd.f32 v12, v16;
	v13 =	vmul.f32 v13, v5;
	v16 =	vld [tilespmem:s4+$0xFFFFFF90]  }
0xbe: {  	v18 =	vmul.f32 v18, v6;
	v14 =	vadd.f32 v22, v14;
	v21 =	vld [tilespmem:s4+$0xFFFFFFA0]  }
0xbf: {  	v11 =	vadd.f32 v12, v11;
	v12 =	vmul.f32 v19, v2;
	v19 =	vld [tilespmem:s4+$0xFFFFFFB0]  }
0xc0: {  	v20 =	vmul.f32 v20, v3;
	v13 =	vadd.f32 v18, v13;
	v14 =	vadd.f32 v14, v15;
	v15 =	vld [tilespmem:s4+$0xFFFFFFC0]  }
0xc1: {  	v17 =	vmul.f32 v17, v0;
	v18 =	vld [tilespmem:s4+$0xFFFFFFD0];
	(xrf2) =	vadd.scan.msk.f32 $0xffff, v11  }
0xc2: {  	s9 =	sadd.s32 $0x1, s14;
	v11 =	vadd.f32 v20, v12;
	v12 =	vmul.f32 v16, v1;
	v16 =	vld [tilespmem:s4+$0xFFFFFFE0]  }
0xc3: {  	v20 =	vmov s9;
	v21 =	vmul.f32 v21, v4;
	v22 =	vld [tilespmem:s4+$0xFFFFFFF0]  }
0xc4: {  	v11 =	vadd.f32 v11, v13;
	v13 =	vmul.f32 v19, v7;
	v12 =	vadd.f32 v12, v17;
	v17 =	vld [tilespmem:s4+$0x0]  }
0xc5: {  	v19 =	vand.u32 $0xFFFFFFF9, v20;
	v15 =	vmul.f32 v15, v5;
	v20 =	vld [tilespmem:s4+$0x10]  }
0xc6: {  	v11 =	vadd.f32 v11, v14;
	v14 =	vmul.f32 v18, v6;
	v13 =	vadd.f32 v13, v21;
	v18 =	vld [tilespmem:s4+$0x20]  }
0xc7: {  	v19 =	vbroadcast v19, $0x0;
	v16 =	vmul.f32 v16, v2;
	v21 =	vld [tilespmem:s4+$0x30]  }
0xc8: {  	v22 =	vmul.f32 v22, v3;
	v14 =	vadd.f32 v14, v15;
	v12 =	vadd.f32 v13, v12;
	v13 =	vld [tilespmem:s4+$0x40];
	(xrf2) =	vadd.scan.msk.f32 $0xffff, v11  }
0xc9: {  	s9 =	sadd.s32 $0x2, s14;
	v11 =	vmul.f32 v17, v0;
	v15 =	vld [tilespmem:s4+$0x50]  }
0xca: {  	v17 =	vmov s9;
	v16 =	vadd.f32 v22, v16;
	v20 =	vmul.f32 v20, v1;
	v22 =	vld [tilespmem:s4+$0x60]  }
0xcb: {  	v17 =	vand.u32 $0xFFFFFFFA, v17;
	v18 =	vmul.f32 v18, v4;
	v23 =	vld [tilespmem:s4+$0x70];
	v24, _, _ =	vpop (xrf2)  }
0xcc: {  	v14 =	vadd.f32 v16, v14;
	v16 =	vmul.f32 v21, v7;
	v11 =	vadd.f32 v20, v11;
	v20 =	vld [tilespmem:s4+$0x80]  }
0xcd: {  	v17 =	vbroadcast v17, $0x0;
	[tilespmem:v19+s20+$0x0] =	vst.idx.msk vm0, v24;
	v13 =	vmul.f32 v13, v5;
	v19 =	vld [tilespmem:s4+$0x90]  }
0xce: {  	v12 =	vadd.f32 v14, v12;
	v14 =	vmul.f32 v15, v6;
	v15 =	vadd.f32 v16, v18;
	v16 =	vld [tilespmem:s4+$0xA0]  }
0xcf: {  	v18 =	vmul.f32 v22, v2;
	v21 =	vld [tilespmem:s4+$0xB0]  }
0xd0: {  	v22 =	vmul.f32 v23, v3;
	v13 =	vadd.f32 v14, v13;
	v11 =	vadd.f32 v15, v11;
	v14 =	vld [tilespmem:s4+$0xC0];
	(xrf2) =	vadd.scan.msk.f32 $0xffff, v12  }
0xd1: {  	s9 =	sadd.s32 $0x3, s14;
	v12 =	vmul.f32 v20, v0;
	v15 =	vld [tilespmem:s4+$0xD0]  }
0xd2: {  	v20 =	vmov s9;
	v18 =	vadd.f32 v22, v18;
	v19 =	vmul.f32 v19, v1;
	v22 =	vld [tilespmem:s4+$0xE0];
	v23, _, _ =	vpop (xrf2)  }
0xd3: {  	[tilespmem:v17+s20+$0x0] =	vst.idx.msk vm0, v23;
	v17 =	vand.u32 $0xFFFFFFFB, v20;
	v16 =	vmul.f32 v16, v4;
	v20 =	vld [tilespmem:s4+$0xF0]  }
0xd4: {  	v13 =	vadd.f32 v18, v13;
	v18 =	vmul.f32 v21, v7;
	v12 =	vadd.f32 v19, v12;
	v19 =	vld [tilespmem:s4+$0x100]  }
0xd5: {  	v17 =	vbroadcast v17, $0x0;
	v14 =	vmul.f32 v14, v5;
	v21 =	vld [tilespmem:s4+$0x110]  }
0xd6: {  	v11 =	vadd.f32 v13, v11;
	v13 =	vmul.f32 v15, v6;
	v15 =	vadd.f32 v18, v16;
	v16 =	vld [tilespmem:s4+$0x120]  }
0xd7: {  	v18 =	vmul.f32 v22, v2;
	v22 =	vld [tilespmem:s4+$0x130]  }
0xd8: {  	v20 =	vmul.f32 v20, v3;
	v13 =	vadd.f32 v13, v14;
	v14 =	vadd.f32 v15, v12;
	v15 =	vld [tilespmem:s4+$0x140];
	(xrf2) =	vadd.scan.msk.f32 $0xffff, v11  }
0xd9: {  	s9 =	sadd.s32 $0x4, s14;
	v11 =	vmul.f32 v19, v0;
	v19 =	vld [tilespmem:s4+$0x150]  }
0xda: {  	v12 =	vmov s9;
	v18 =	vadd.f32 v20, v18;
	v20 =	vmul.f32 v21, v1;
	v21 =	vld [tilespmem:s4+$0x160];
	v23, _, _ =	vpop (xrf2)  }
0xdb: {  	[tilespmem:v17+s20+$0x0] =	vst.idx.msk vm0, v23;
	v17 =	vand.u32 $0xFFFFFFFC, v12;
	v16 =	vmul.f32 v16, v4;
	v23 =	vld [tilespmem:s4+$0x170]  }
0xdc: {  	v24 =	vld [tilespmem:s4+$0xFFFFFE00];
	v18 =	vadd.f32 v18, v13;
	v22 =	vmul.f32 v22, v7;
	v11 =	vadd.f32 v20, v11;
	s4 =	sadd.s32 $0x400, s4  }
0xdd: {  	v20 =	vbroadcast v17, $0x0;
	v12 =	vld [tilespmem:s4+$0x180];
	v17 =	vmul.f32 v15, v5  }
0xde: {  	v13 =	vld [tilespmem:s4+$0x190];
	v18 =	vadd.f32 v18, v14;
	v19 =	vmul.f32 v19, v6;
	v16 =	vadd.f32 v22, v16  }
0xdf: {  	v14 =	vld [tilespmem:s4+$0x1A0];
	v21 =	vmul.f32 v21, v2  }
.Ltmp3:
0xe0: {  	v15 =	vld [tilespmem:s4+$0x1B0];
	v22 =	vmul.f32 v23, v3;
	v23 =	vadd.f32 v19, v17;
	v19 =	vadd.f32 v16, v11;
	(xrf2) =	vadd.scan.msk.f32 $0xffff, v18;
	(pc) =	sbr.rel @p2 .LBB2_5-.Ltmp3, $4  }
0xe1: {  	v16 =	vld [tilespmem:s4+$0x1C0];
	v11 =	vmul.f32 v24, v0  }
0xe2: {  	s9 =	sadd.s32 $0x5, s14;
	v17 =	vld [tilespmem:s4+$0x1D0];
	v22 =	vadd.f32 v22, v21;
	v24, _, _ =	vpop (xrf2)  }
0xe3: {  	v18 =	vld [tilespmem:s4+$0x1E0];
	v21 =	vadd.f32 v10, v11;
	[tilespmem:v20+s20+$0x0] =	vst.idx.msk vm0, v24;
	v10 =	vmov s9  }
0xe4: {  	s18 =	sadd.s32 $0x8, s18;
	v20 =	vld [tilespmem:s4+$0x1F0];
	v10 =	vand.u32 $0xFFFFFFFD, v10;
	v22 =	vadd.f32 v22, v23  }
0xe5: {  	v11 =	vld [tilespmem:s4+$0xFFFFFE10]  }
0xe6: {  	v23 =	vld [tilespmem:s4+$0xFFFFFE20]  }
0xe7: {  	v24 =	vld [tilespmem:s4+$0xFFFFFE30]  }
0xe8: {  	v25 =	vld [tilespmem:s4+$0xFFFFFE40]  }
0xe9: {  	v26 =	vld [tilespmem:s4+$0xFFFFFE50]  }
0xea: {  	v27 =	vld [tilespmem:s4+$0xFFFFFE60]  }
0xeb: {  	v28 =	vld [tilespmem:s4+$0xFFFFFE70]  }
0xec: {  	v29 =	vld [tilespmem:s4+$0xFFFFFE80]  }
0xed: {  	v30 =	vld [tilespmem:s4+$0xFFFFFE90]  }
0xee: {  	v31 =	vld [tilespmem:s4+$0xFFFFFEA0]  }
0xef: {  	v32 =	vld [tilespmem:s4+$0xFFFFFEB0]  }
0xf0: {  	v33 =	vld [tilespmem:s4+$0xFFFFFEC0]  }
0xf1: {  	v34 =	vld [tilespmem:s4+$0xFFFFFED0]  }
0xf2: {  	v35 =	vld [tilespmem:s4+$0xFFFFFEE0]  }
0xf3: {  	v36 =	vld [tilespmem:s4+$0xFFFFFEF0]  }
0xf4: {  	v37 =	vld [tilespmem:s4+$0xFFFFFF00]  }
0xf5: {  	v38 =	vld [tilespmem:s4+$0xFFFFFF10]  }
0xf6: {  	v39 =	vld [tilespmem:s4+$0xFFFFFF20]  }
0xf7: {  	v40 =	vld [tilespmem:s4+$0xFFFFFF30]  }
0xf8: {  	v41 =	vld [tilespmem:s4+$0xFFFFFF40]  }
0xf9: {  	v63 =	vld [tilespmem:s4+$0xFFFFFFE0]  }
0xfa: {  	v12 =	vmul.f32 v12, v0;
	v45 =	vld [tilespmem:s4+$0x0]  }
0xfb: {  	v21 =	vadd.f32 v8, v21;
	v13 =	vmul.f32 v13, v1;
	v14 =	vmul.f32 v14, v4;
	v48 =	vld [tilespmem:s4+$0x10]  }
0xfc: {  	v15 =	vmul.f32 v15, v7;
	v51 =	vld [tilespmem:s4+$0x20];
	v8 =	vadd.f32 v22, v19;
	v16 =	vmul.f32 v16, v5  }
0xfd: {  	v53 =	vld [tilespmem:s4+$0x30];
	v17 =	vmul.f32 v17, v6;
	v12 =	vadd.f32 v13, v12;
	v13 =	vmul.f32 v18, v2  }
0xfe: {  	v56 =	vld [tilespmem:s4+$0x40];
	v14 =	vadd.f32 v15, v14;
	v18 =	vmul.f32 v20, v3;
	v20 =	vmul.f32 v23, v4  }
0xff: {  	v58 =	vld [tilespmem:s4+$0x50];
	v16 =	vadd.f32 v17, v16;
	v17 =	vmul.f32 v24, v7;
	v59 =	vmul.f32 v26, v6  }
0x100: {  	v19 =	vld [tilespmem:s4+$0xFFFFFF50];
	v12 =	vadd.f32 v14, v12;
	v14 =	vmul.f32 v27, v2;
	v60 =	vmul.f32 v28, v3  }
0x101: {  	v22 =	vld [tilespmem:s4+$0xFFFFFF70];
	v61 =	vmul.f32 v29, v0;
	v62 =	vmul.f32 v30, v1  }
0x102: {  	v9 =	vadd.f32 v9, v21;
	v21 =	vld [tilespmem:s4+$0xFFFFFF60];
	v42 =	vmul.f32 v31, v4;
	v43 =	vmul.f32 v33, v5  }
0x103: {  	v15 =	vld [tilespmem:s4+$0xFFFFFF80];
	v44 =	vmul.f32 v34, v6;
	v46 =	vmul.f32 v35, v2  }
0x104: {  	v23 =	vld [tilespmem:s4+$0xFFFFFF90];
	v47 =	vmul.f32 v36, v3;
	v49 =	vmul.f32 v37, v0  }
0x105: {  	v27 =	vld [tilespmem:s4+$0xFFFFFFB0];
	v50 =	vmul.f32 v38, v1;
	v54 =	vmul.f32 v39, v4;
	v13 =	vadd.f32 v18, v13  }
0x106: {  	v55 =	vmul.f32 v40, v7;
	v38 =	vld [tilespmem:s4+$0xC0];
	v18 =	vmul.f32 v25, v5  }
0x107: {  	v57 =	vmul.f32 v41, v5;
	v25 =	vld [tilespmem:s4+$0xFFFFFFA0];
	v14 =	vadd.f32 v60, v14;
	v16 =	vadd.f32 v13, v16  }
0x108: {  	v19 =	vmul.f32 v19, v6;
	v13 =	vadd.f32 v17, v20;
	v17 =	vld [tilespmem:s4+$0xFFFFFFC0];
	v18 =	vadd.f32 v59, v18  }
0x109: {  	v22 =	vmul.f32 v22, v3;
	v24 =	vadd.f32 v62, v61;
	v26 =	vadd.f32 v44, v43;
	v20 =	vld [tilespmem:s4+$0xFFFFFFD0]  }
0x10a: {  	v21 =	vmul.f32 v21, v2;
	v16 =	vadd.f32 v16, v12;
	v12 =	vadd.f32 v14, v18;
	v18 =	vld [tilespmem:s4+$0xFFFFFFF0]  }
0x10b: {  	v40 =	vld [tilespmem:s4+$0xE0];
	v52 =	vadd.f32 v47, v46;
	v30 =	vadd.f32 v50, v49;
	v15 =	vmul.f32 v15, v0  }
0x10c: {  	v60 =	vld [tilespmem:s4+$0x70];
	v21 =	vadd.f32 v22, v21;
	v14 =	vmul.f32 v32, v7;
	v22 =	vmul.f32 v23, v1  }
0x10d: {  	v62 =	vld [tilespmem:s4+$0x90];
	v19 =	vadd.f32 v19, v57;
	v27 =	vmul.f32 v27, v7;
	v25 =	vmul.f32 v25, v4  }
0x10e: {  	v46 =	vld [tilespmem:s4+$0x110];
	v15 =	vadd.f32 v22, v15;
	v22 =	vmul.f32 v63, v2;
	v17 =	vmul.f32 v17, v5  }
0x10f: {  	v47 =	vld [tilespmem:s4+$0x120];
	v19 =	vadd.f32 v21, v19;
	v20 =	vmul.f32 v20, v6;
	v18 =	vmul.f32 v18, v3  }
0x110: {  	v39 =	vmul.f32 v48, v1;
	v59 =	vld [tilespmem:s4+$0x60];
	v14 =	vadd.f32 v14, v42;
	v25 =	vadd.f32 v27, v25  }
0x111: {  	v41 =	vmul.f32 v51, v4;
	v49 =	vld [tilespmem:s4+$0x130];
	v17 =	vadd.f32 v20, v17;
	v18 =	vadd.f32 v18, v22  }
0x112: {  	v43 =	vmul.f32 v56, v5;
	v50 =	vld [tilespmem:s4+$0x140];
	v14 =	vadd.f32 v14, v24;
	v24 =	vadd.f32 v52, v26  }
0x113: {  	v44 =	vmul.f32 v58, v6;
	v21 =	vld [tilespmem:s4+$0xA0];
	v15 =	vadd.f32 v25, v15;
	v17 =	vadd.f32 v18, v17  }
0x114: {  	v63 =	vld [tilespmem:s4+$0xB0];
	v14 =	vadd.f32 v24, v14;
	v24 =	vmul.f32 v60, v3;
	v22 =	vmul.f32 v45, v0  }
0x115: {  	v23 =	vld [tilespmem:s4+$0x80];
	v18 =	vmul.f32 v53, v7;
	v15 =	vadd.f32 v17, v15;
	v17 =	vmul.f32 v59, v2  }
0x116: {  	v11 =	vmul.f32 v11, v1;
	v42 =	vld [tilespmem:s4+$0xF0];
	v25 =	vadd.f32 v44, v43;
	v22 =	vadd.f32 v39, v22  }
0x117: {  	v51 =	vmul.f32 v38, v5;
	v20 =	vld [tilespmem:s4+$0xD0];
	v18 =	vadd.f32 v18, v41;
	v17 =	vadd.f32 v24, v17  }
0x118: {  	v32 =	vadd.f32 v55, v54;
	v48 =	vmul.f32 v62, v1;
	v21 =	vmul.f32 v21, v4;
	v45 =	vld [tilespmem:s4+$0x100]  }
0x119: {  	v56 =	vld [tilespmem:s4+$0x170];
	v18 =	vadd.f32 v18, v22;
	v22 =	vmul.f32 v63, v7;
	v17 =	vadd.f32 v17, v25  }
0x11a: {  	v55 =	vld [tilespmem:s4+$0x160];
	v61 =	vadd.f32 v32, v30;
	v31 =	vmul.f32 v47, v4;
	v23 =	vmul.f32 v23, v0  }
0x11b: {  	v54 =	vmul.f32 v42, v3;
	v17 =	vadd.f32 v17, v18;
	v18 =	vadd.f32 v22, v21;
	v21 =	vld [tilespmem:s4+$0xFFFFFE00]  }
0x11c: {  	v52 =	vld [tilespmem:s4+$0x150];
	v53 =	vmul.f32 v40, v2;
	v20 =	vmul.f32 v20, v6  }
0x11d: {  	v19 =	vadd.f32 v19, v61;
	v59 =	vmul.f32 v46, v1;
	v58 =	vmul.f32 v45, v0  }
0x11e: {  	(xrf2) =	vadd.scan.msk.f32 $0xffff, v9;
	v28 =	vmul.f32 v50, v5;
	v23 =	vadd.f32 v48, v23;
	v20 =	vadd.f32 v20, v51  }
0x11f: {  	(xrf2) =	vadd.scan.msk.f32 $0xffff, v8;
	v24 =	vmul.f32 v56, v3;
	v8 =	vadd.f32 v59, v58;
	v22 =	vadd.f32 v54, v53  }
0x120: {  	v18 =	vadd.f32 v18, v23;
	v23 =	vmul.f32 v49, v7;
	v21 =	vmul.f32 v21, v0  }
0x121: {  	v9 =	vadd.f32 v22, v20;
	v20 =	vmul.f32 v52, v6;
	v22 =	vmul.f32 v55, v2  }
0x122: {  	v10 =	vbroadcast v10, $0x0;
	(xrf2) =	vadd.scan.msk.f32 $0xffff, v16;
	v16 =	vadd.f32 v23, v31;
	v11 =	vadd.f32 v11, v21  }
0x123: {  	s26 =	sadd.s32 $0x6, s14;
	v57 =	vmov s14;
	(xrf2) =	vadd.scan.msk.f32 $0xffff, v14;
	v14 =	vadd.f32 v20, v28;
	v20 =	vadd.f32 v24, v22  }
0x124: {  	v60 =	vmov s26;
	v25 =	vand.u32 $0xFFFFFFF8, v57;
	v11 =	vadd.f32 v13, v11  }
0x125: {  	(xrf2) =	vadd.scan.msk.f32 $0xffff, v19;
	v22 =	vand.u32 $0xFFFFFFFE, v60;
	v8 =	vadd.f32 v16, v8;
	v14 =	vadd.f32 v20, v14  }
0x126: {  	s9 =	sadd.s32 $0x1, s1;
	(xrf2) =	vadd.scan.msk.f32 $0xffff, v15;
	v9 =	vadd.f32 v9, v18;
	v21 =	vbroadcast v25, $0x0;
	v11 =	vadd.f32 v12, v11  }
0x127: {  	s18 =	sadd.s32 $0x3, s1;
	s14 =	sadd.s32 $0x2, s1;
	(xrf2) =	vadd.scan.msk.f32 $0xffff, v17;
	v16 =	vmov s9;
	v8 =	vadd.f32 v14, v8;
	v13 =	vbroadcast v22, $0x0  }
0x128: {  	s26 =	sadd.s32 $0x4, s1;
	(xrf2) =	vadd.scan.msk.f32 $0xffff, v9;
	v14 =	vmov s18;
	v12 =	vand.u32 $0xFFFFFFF9, v16;
	v16 =	vmov s14  }
0x129: {  	s28 =	sadd.s32 $0x7, s1;
	v9 =	vbroadcast v12, $0x0;
	v12 =	vand.u32 $0xFFFFFFFA, v16;
	v16 =	vmov s26;
	(xrf2) =	vadd.scan.msk.f32 $0xffff, v11  }
0x12a: {  	v15 =	vmov s28;
	s28 =	sadd.s32 $0x5, s1;
	v14 =	vand.u32 $0xFFFFFFFB, v14;
	v12 =	vbroadcast v12, $0x0;
	v11, _, _ =	vpop (xrf2);
	(xrf2) =	vadd.scan.msk.f32 $0xffff, v8  }
0x12b: {  	v8, _, _ =	vpop (xrf2);
	[tilespmem:v10+s20+$0x0] =	vst.idx.msk vm0, v11;
	v10 =	vbroadcast v14, $0x0;
	v11 =	vand.u32 $0xFFFFFFFC, v16;
	v14 =	vmov s28  }
0x12c: {  	s4 =	sadd.s32 $0x6, s1;
	v16, _, _ =	vpop (xrf2);
	[tilespmem:v21+s20+$0x0] =	vst.idx.msk vm0, v8;
	v8 =	vbroadcast v11, $0x0;
	v11 =	vand.u32 $0xFFFFFFFD, v14;
	v14 =	vmov s1  }
0x12d: {  	[tilespmem:v13+s20+$0x0] =	vst.idx.msk vm0, v16;
	v13 =	vand.u32 $0xFFFFFFF8, v14;
	v14 =	vmov s4  }
0x12e: {  	v17, _, _ =	vpop (xrf2);
	v11 =	vbroadcast v11, $0x0;
	v14 =	vand.u32 $0xFFFFFFFE, v14  }
0x12f: {  	v16, _, _ =	vpop (xrf2);
	[tilespmem:v15+s20+$0x0] =	vst.idx.msk vm0, v17;
	v13 =	vbroadcast v13, $0x0  }
0x130: {  	v15, _, _ =	vpop (xrf2);
	[tilespmem:v9+s20+$0x0] =	vst.idx.msk vm0, v16;
	v9 =	vbroadcast v14, $0x0  }
0x131: {  	[tilespmem:v12+s20+$0x0] =	vst.idx.msk vm0, v15;
	v14, _, _ =	vpop (xrf2)  }
0x132: {  	[tilespmem:v10+s20+$0x0] =	vst.idx.msk vm0, v14;
	v10, _, _ =	vpop (xrf2)  }
0x133: {  	[tilespmem:v8+s20+$0x0] =	vst.idx.msk vm0, v10;
	v8, _, _ =	vpop (xrf2)  }
0x134: {  	[tilespmem:v11+s20+$0x0] =	vst.idx.msk vm0, v8;
	v8, _, _ =	vpop (xrf2)  }
0x135: {  	[tilespmem:v13+s20+$0x0] =	vst.idx.msk vm0, v8;
	v8, _, _ =	vpop (xrf2)  }
0x136: {  	s1 =	simm.s32 $0x4280;
	[tilespmem:v9+s20+$0x0] =	vst.idx.msk vm0, v8  }
0x137: {  	v8 =	vld [tilespmem:s1+$0x180]  }
0x138: {  	v9 =	vld [tilespmem:s1+$0x190]  }
0x139: {  	v11 =	vld [tilespmem:s1+$0x1A0]  }
0x13a: {  	v12 =	vld [tilespmem:s1+$0x1B0]  }
0x13b: {  	v13 =	vld [tilespmem:s1+$0x1C0]  }
0x13c: {  	v14 =	vld [tilespmem:s1+$0x1D0]  }
0x13d: {  	v15 =	vld [tilespmem:s1+$0x1E0]  }
0x13e: {  	v16 =	vld [tilespmem:s1+$0x1F0]  }
0x13f: {  	v17 =	vld [tilespmem:s1+$0xFFFFFE20]  }
0x140: {  	v18 =	vld [tilespmem:s1+$0xFFFFFE30]  }
0x141: {  	v19 =	vld [tilespmem:s1+$0xFFFFFE40]  }
0x142: {  	v20 =	vld [tilespmem:s1+$0xFFFFFE50]  }
0x143: {  	v21 =	vld [tilespmem:s1+$0xFFFFFE60]  }
0x144: {  	v22 =	vld [tilespmem:s1+$0xFFFFFE70]  }
0x145: {  	v23 =	vld [tilespmem:s1+$0xFFFFFE80]  }
0x146: {  	v61 =	vld [tilespmem:s1+$0xFFFFFE90]  }
0x147: {  	v62 =	vld [tilespmem:s1+$0xFFFFFEA0]  }
0x148: {  	v63 =	vld [tilespmem:s1+$0xFFFFFEB0]  }
0x149: {  	v36 =	vld [tilespmem:s1+$0xFFFFFEC0]  }
0x14a: {  	v39 =	vld [tilespmem:s1+$0xFFFFFEF0]  }
0x14b: {  	v41 =	vld [tilespmem:s1+$0xFFFFFF10]  }
0x14c: {  	v42 =	vld [tilespmem:s1+$0xFFFFFF20];
	v8 =	vmul.f32 v8, v0  }
0x14d: {  	v37 =	vld [tilespmem:s1+$0xFFFFFED0];
	v9 =	vmul.f32 v9, v1;
	v11 =	vmul.f32 v11, v4  }
0x14e: {  	v38 =	vld [tilespmem:s1+$0xFFFFFEE0];
	v12 =	vmul.f32 v12, v7;
	v13 =	vmul.f32 v13, v5  }
0x14f: {  	v40 =	vld [tilespmem:s1+$0xFFFFFF00];
	v14 =	vmul.f32 v14, v6;
	v15 =	vmul.f32 v15, v2  }
0x150: {  	v43 =	vld [tilespmem:s1+$0xFFFFFF90];
	v16 =	vmul.f32 v16, v3;
	v45 =	vmul.f32 v39, v3  }
0x151: {  	v44 =	vld [tilespmem:s1+$0xFFFFFFA0];
	v46 =	vmul.f32 v41, v1;
	v48 =	vmul.f32 v42, v4;
	v8 =	vadd.f32 v9, v8  }
0x152: {  	v47 =	vld [tilespmem:s1+$0xFFFFFFD0];
	v9 =	vadd.f32 v12, v11;
	v11 =	vadd.f32 v14, v13;
	v13 =	vmul.f32 v17, v4  }
0x153: {  	v12 =	vld [tilespmem:s1+$0xFFFFFF30];
	v14 =	vadd.f32 v16, v15;
	v15 =	vmul.f32 v18, v7;
	v17 =	vmul.f32 v19, v5  }
0x154: {  	v16 =	vld [tilespmem:s1+$0xFFFFFF40];
	v18 =	vmul.f32 v20, v6;
	v20 =	vmul.f32 v22, v3;
	v9 =	vadd.f32 v9, v8  }
0x155: {  	v19 =	vld [tilespmem:s1+$0xFFFFFF50];
	v11 =	vadd.f32 v14, v11;
	v14 =	vmul.f32 v21, v2;
	v8 =	vadd.f32 v15, v13  }
0x156: {  	v49 =	vld [tilespmem:s1+$0xFFFFFFE0];
	v13 =	vadd.f32 v18, v17;
	v17 =	vmul.f32 v23, v0;
	v18 =	vmul.f32 v61, v1  }
0x157: {  	v22 =	vmul.f32 v62, v4;
	v21 =	vld [tilespmem:s1+$0xFFFFFF60];
	v23 =	vmul.f32 v63, v7;
	v14 =	vadd.f32 v20, v14  }
0x158: {  	v24 =	vmul.f32 v43, v1;
	v15 =	vld [tilespmem:s1+$0xFFFFFF70];
	v11 =	vadd.f32 v11, v9;
	v17 =	vadd.f32 v18, v17  }
0x159: {  	v50 =	vld [tilespmem:s1+$0xFFFFFFF0];
	v18 =	vadd.f32 v23, v22;
	v23 =	vmul.f32 v38, v2;
	v12 =	vmul.f32 v12, v7  }
0x15a: {  	v20 =	vld [tilespmem:s1+$0xFFFFFF80];
	v16 =	vmul.f32 v16, v5;
	v19 =	vmul.f32 v19, v6;
	v9 =	vadd.f32 v14, v13  }
0x15b: {  	v22 =	vld [tilespmem:s1+$0xFFFFFFB0];
	v13 =	vmul.f32 v36, v5;
	v14 =	vmul.f32 v37, v6;
	v17 =	vadd.f32 v18, v17  }
0x15c: {  	v51 =	vld [tilespmem:s1+$0x10];
	v18 =	vmul.f32 v40, v0;
	v23 =	vadd.f32 v45, v23;
	v21 =	vmul.f32 v21, v2  }
0x15d: {  	v15 =	vmul.f32 v15, v3;
	v12 =	vadd.f32 v12, v48;
	v13 =	vadd.f32 v14, v13;
	v14 =	vld [tilespmem:s1+$0xFFFFFFC0]  }
0x15e: {  	v52 =	vld [tilespmem:s1+$0x20];
	v27 =	vmul.f32 v50, v3;
	v16 =	vadd.f32 v19, v16;
	v18 =	vadd.f32 v46, v18  }
0x15f: {  	v53 =	vld [tilespmem:s1+$0x30];
	v19 =	vmul.f32 v47, v6;
	v15 =	vadd.f32 v15, v21;
	v13 =	vadd.f32 v23, v13  }
0x160: {  	v54 =	vld [tilespmem:s1+$0x40];
	v20 =	vmul.f32 v20, v0;
	v22 =	vmul.f32 v22, v7;
	v12 =	vadd.f32 v12, v18  }
0x161: {  	v23 =	vld [tilespmem:s1+$0x0];
	v15 =	vadd.f32 v15, v16;
	v13 =	vadd.f32 v13, v17;
	v17 =	vmul.f32 v44, v4  }
0x162: {  	(xrf2) =	vadd.scan.msk.f32 $0xffff, v11;
	v21 =	vmul.f32 v49, v2;
	v20 =	vadd.f32 v24, v20;
	v16 =	vld [tilespmem:s1+$0x70];
	v14 =	vmul.f32 v14, v5  }
0x163: {  	v12 =	vadd.f32 v15, v12;
	v15 =	vld [tilespmem:s1+$0x90];
	v17 =	vadd.f32 v22, v17;
	(xrf2) =	vadd.scan.msk.f32 $0xffff, v13  }
0x164: {  	s9 =	simm.s32 $0x71;
	s14 =	simm.s32 $0x77;
	v55 =	vmul.f32 v53, v7;
	v22 =	vld [tilespmem:s1+$0x50];
	v11 =	vadd.f32 v19, v14;
	v14 =	vadd.f32 v27, v21  }
0x165: {  	v57 =	vmul.f32 v54, v5;
	v18 =	vmov s14;
	v13 =	vmov s9;
	v19 =	vld [tilespmem:s1+$0x60]  }
0x166: {  	s18 =	simm.s32 $0x72;
	v13 =	vand.u32 $0xFFFFFFF9, v13;
	v17 =	vadd.f32 v17, v20;
	v11 =	vadd.f32 v14, v11;
	v14 =	vld [tilespmem:s1+$0x80]  }
0x167: {  	v56 =	vld [tilespmem:s1+$0xB0];
	v21 =	vmul.f32 v51, v1;
	(xrf2) =	vadd.scan.msk.f32 $0xffff, v12;
	v12 =	vmov s18;
	v13 =	vbroadcast v13, $0x0  }
0x168: {  	v58 =	vld [tilespmem:s1+$0xC0];
	v20 =	vmul.f32 v23, v0;
	v23 =	vmul.f32 v52, v4;
	v11 =	vadd.f32 v11, v17  }
0x169: {  	v12 =	vand.u32 $0xFFFFFFFA, v12;
	v16 =	vmul.f32 v16, v3;
	v15 =	vmul.f32 v15, v1;
	v17 =	vld [tilespmem:s1+$0xA0]  }
0x16a: {  	v22 =	vmul.f32 v22, v6;
	v19 =	vmul.f32 v19, v2;
	(xrf2) =	vadd.scan.msk.f32 $0xffff, v11;
	v11 =	vadd.f32 v21, v20;
	v20 =	vld [tilespmem:s1+$0xD0]  }
0x16b: {  	v21 =	vbroadcast v12, $0x0;
	v12 =	vadd.f32 v55, v23;
	v23 =	vld [tilespmem:s1+$0xE0];
	v14 =	vmul.f32 v14, v0  }
0x16c: {  	v60, _, _ =	vpop (xrf2);
	v22 =	vadd.f32 v22, v57;
	v16 =	vadd.f32 v16, v19;
	v19 =	vld [tilespmem:s1+$0xF0]  }
0x16d: {  	s26 =	simm.s32 $0x73;
	v10 =	vld [tilespmem:s1+$0xFFFFFE10];
	[tilespmem:v18+s20+$0x0] =	vst.idx.msk vm0, v60;
	v11 =	vadd.f32 v12, v11;
	v18, _, _ =	vpop (xrf2);
	v14 =	vadd.f32 v15, v14  }
0x16e: {  	v59 =	vmov s26;
	v62 =	vld [tilespmem:s1+$0x110];
	v15 =	vmul.f32 v58, v5;
	[tilespmem:v13+s20+$0x0] =	vst.idx.msk vm0, v18;
	v13 =	vadd.f32 v16, v22  }
0x16f: {  	v61 =	vld [tilespmem:s1+$0x100];
	v24 =	vand.u32 $0xFFFFFFFB, v59;
	v12 =	vmul.f32 v56, v7;
	v17 =	vmul.f32 v17, v4  }
0x170: {  	v24 =	vbroadcast v24, $0x0;
	v16 =	vld [tilespmem:s1+$0x120];
	v18 =	vmul.f32 v20, v6;
	v20 =	vadd.f32 v13, v11  }
0x171: {  	p2 =	por $0x1, $0x1;
	v22 =	vld [tilespmem:s1+$0x130];
	v17 =	vadd.f32 v12, v17;
	v23 =	vmul.f32 v23, v2;
	v19 =	vmul.f32 v19, v3  }
.Ltmp4:
0x172: {  	v12 =	vld [tilespmem:s1+$0x140];
	v18 =	vadd.f32 v18, v15;
	v15, _, _ =	vpop (xrf2);
	(xrf2) =	vadd.scan.msk.f32 $0xffff, v20;
	(pc) =	sbr.rel @!p2 .LBB2_7-.Ltmp4, $4  }
0x173: {  	v10 =	vmul.f32 v10, v1;
	v13 =	vld [tilespmem:s1+$0x150];
	[tilespmem:v21+s20+$0x0] =	vst.idx.msk vm0, v15;
	v21 =	vadd.f32 v19, v23  }
0x174: {  	s28 =	simm.s32 $0x74;
	v63 =	vmul.f32 v61, v0;
	v11 =	vadd.f32 v17, v14;
	v14 =	vld [tilespmem:s1+$0x160];
	v23 =	vmul.f32 v62, v1  }
0x175: {  	s4 =	simm.s32 $0xFFFFFFF8;
	s14 =	simm.s32 $0x7A80;
	v15 =	vmov s28;
	v19 =	vmul.f32 v16, v4;
	v16 =	vld [tilespmem:s1+$0x170];
	v17, _, _ =	vpop (xrf2);
	v20 =	vadd.f32 v21, v18  }
0x176: {  	s9 =	simm.s32 $0x4680;
	s18 =	simm.s32 $0x0;
	v15 =	vand.u32 $0xFFFFFFFC, v15;
	v21 =	vmul.f32 v22, v7;
	v18 =	vadd.f32 v23, v63;
	[tilespmem:v24+s20+$0x0] =	vst.idx.msk vm0, v17;
	v17 =	vld [tilespmem:s1+$0xFFFFFE00];
	s1 =	simm.s32 $0xFFFFFFF8  }
.LBB2_8:
0x177: {  	v22 =	vld [tilespmem:s9+$0x180];
	v15 =	vbroadcast v15, $0x0;
	v12 =	vmul.f32 v12, v5;
	s26 =	smov.u32 s18  }
0x178: {  	v23 =	vld [tilespmem:s9+$0x190];
	v11 =	vadd.f32 v20, v11;
	v13 =	vmul.f32 v13, v6;
	v19 =	vadd.f32 v21, v19  }
0x179: {  	v20 =	vld [tilespmem:s9+$0x1A0];
	v14 =	vmul.f32 v14, v2  }
0x17a: {  	v21 =	vld [tilespmem:s9+$0x1B0];
	v24 =	vmul.f32 v16, v3;
	v12 =	vadd.f32 v13, v12;
	v13 =	vadd.f32 v19, v18;
	(xrf2) =	vadd.scan.msk.f32 $0xffff, v11  }
0x17b: {  	v11 =	vld [tilespmem:s9+$0x1C0];
	v17 =	vmul.f32 v17, v0  }
0x17c: {  	s28 =	sadd.s32 $0x7D, s1;
	v18 =	vld [tilespmem:s9+$0x1D0];
	v14 =	vadd.f32 v24, v14;
	v16, _, _ =	vpop (xrf2)  }
0x17d: {  	v19 =	vld [tilespmem:s9+$0x1E0];
	v10 =	vadd.f32 v10, v17;
	[tilespmem:v15+s20+$0x0] =	vst.idx.msk vm0, v16;
	v15 =	vmov s28  }
0x17e: {  	s18 =	sadd.s32 $0x8, s18;
	v16 =	vld [tilespmem:s9+$0x1F0];
	v15 =	vand.u32 $0xFFFFFFFD, v15;
	v12 =	vadd.f32 v14, v12  }
0x17f: {  	p2 =	slt.u32 s18, $0x68;
	v14 =	vld [tilespmem:s9+$0xFFFFFE10];
	v8 =	vadd.f32 v8, v10;
	v15 =	vbroadcast v15, $0x0  }
0x180: {  	v22 =	vmul.f32 v22, v0;
	v23 =	vmul.f32 v23, v1;
	v17 =	vld [tilespmem:s9+$0xFFFFFE20];
	v12 =	vadd.f32 v12, v13  }
0x181: {  	v20 =	vmul.f32 v20, v4;
	v26 =	vmul.f32 v21, v7;
	v13 =	vld [tilespmem:s9+$0xFFFFFE30];
	v8 =	vadd.f32 v9, v8  }
0x182: {  	s28 =	sadd.s32 $0x78, s1;
	v11 =	vmul.f32 v11, v5;
	v18 =	vmul.f32 v18, v6;
	v9 =	vld [tilespmem:s9+$0xFFFFFE40]  }
0x183: {  	v25 =	vmov s28;
	v19 =	vmul.f32 v19, v2;
	v24 =	vld [tilespmem:s9+$0xFFFFFE50];
	v16 =	vmul.f32 v16, v3;
	(xrf2) =	vadd.scan.msk.f32 $0xffff, v8  }
0x184: {  	v20 =	vadd.f32 v26, v20;
	v8 =	vadd.f32 v23, v22;
	v10 =	vmul.f32 v14, v1;
	v14 =	vld [tilespmem:s9+$0xFFFFFE60];
	v21, _, _ =	vpop (xrf2)  }
0x185: {  	s28 =	sadd.s32 $0x7E, s1;
	s1 =	smov.u32 s26;
	v11 =	vadd.f32 v18, v11;
	v17 =	vmul.f32 v17, v4;
	v22 =	vld [tilespmem:s9+$0xFFFFFE70];
	v16 =	vadd.f32 v16, v19  }
0x186: {  	v13 =	vmul.f32 v13, v7;
	v18 =	vld [tilespmem:s9+$0xFFFFFE80];
	[tilespmem:v15+s20+$0x0] =	vst.idx.msk vm0, v21;
	v15 =	vmov s28;
	(xrf2) =	vadd.scan.msk.f32 $0xffff, v12  }
0x187: {  	v19 =	vadd.f32 v20, v8;
	v9 =	vmul.f32 v9, v5;
	v12 =	vld [tilespmem:s9+$0xFFFFFE90];
	v11 =	vadd.f32 v16, v11  }
0x188: {  	v16 =	vmul.f32 v24, v6;
	v8 =	vadd.f32 v13, v17;
	v13 =	vld [tilespmem:s9+$0xFFFFFEA0];
	v17 =	vand.u32 $0xFFFFFFF8, v25  }
0x189: {  	v14 =	vmul.f32 v14, v2;
	v20 =	vld [tilespmem:s9+$0xFFFFFEB0];
	v11 =	vadd.f32 v11, v19;
	v17 =	vbroadcast v17, $0x0  }
0x18a: {  	v15 =	vand.u32 $0xFFFFFFFE, v15;
	v19 =	vmul.f32 v22, v3;
	v9 =	vadd.f32 v16, v9;
	v16 =	vld [tilespmem:s9+$0xFFFFFEC0]  }
0x18b: {  	v18 =	vmul.f32 v18, v0;
	v21 =	vld [tilespmem:s9+$0xFFFFFED0];
	(xrf2) =	vadd.scan.msk.f32 $0xffff, v11;
	v11 =	vbroadcast v15, $0x0  }
0x18c: {  	v14 =	vadd.f32 v19, v14;
	v12 =	vmul.f32 v12, v1;
	v15 =	vld [tilespmem:s9+$0xFFFFFEE0]  }
0x18d: {  	v13 =	vmul.f32 v13, v4;
	v19 =	vld [tilespmem:s9+$0xFFFFFEF0];
	v22, _, _ =	vpop (xrf2)  }
0x18e: {  	v9 =	vadd.f32 v14, v9;
	v14 =	vmul.f32 v20, v7;
	v12 =	vadd.f32 v12, v18;
	v18 =	vld [tilespmem:s9+$0xFFFFFF00]  }
0x18f: {  	v16 =	vmul.f32 v16, v5;
	v20 =	vld [tilespmem:s9+$0xFFFFFF10];
	[tilespmem:v17+s20+$0x0] =	vst.idx.msk vm0, v22  }
0x190: {  	s26 =	sadd.s32 $0x7F, s1;
	v17 =	vmul.f32 v21, v6;
	v13 =	vadd.f32 v14, v13;
	v14 =	vld [tilespmem:s9+$0xFFFFFF20];
	v21, _, _ =	vpop (xrf2)  }
0x191: {  	v23 =	vmov s26;
	v15 =	vmul.f32 v15, v2;
	v22 =	vld [tilespmem:s9+$0xFFFFFF30];
	[tilespmem:v11+s20+$0x0] =	vst.idx.msk vm0, v21  }
0x192: {  	v11 =	vmul.f32 v19, v3;
	v16 =	vadd.f32 v17, v16;
	v12 =	vadd.f32 v13, v12;
	v13 =	vld [tilespmem:s9+$0xFFFFFF40]  }
0x193: {  	v17 =	vmul.f32 v18, v0;
	v18 =	vld [tilespmem:s9+$0xFFFFFF50]  }
0x194: {  	v11 =	vadd.f32 v11, v15;
	v15 =	vmul.f32 v20, v1;
	v19 =	vld [tilespmem:s9+$0xFFFFFF60]  }
0x195: {  	v14 =	vmul.f32 v14, v4;
	v20 =	vld [tilespmem:s9+$0xFFFFFF70];
	v21, _, _ =	vpop (xrf2)  }
0x196: {  	v22 =	vmul.f32 v22, v7;
	v15 =	vadd.f32 v15, v17;
	v17 =	vld [tilespmem:s9+$0xFFFFFF80];
	[tilespmem:v23+s20+$0x0] =	vst.idx.msk vm0, v21  }
0x197: {  	v11 =	vadd.f32 v11, v16;
	v13 =	vmul.f32 v13, v5;
	v16 =	vld [tilespmem:s9+$0xFFFFFF90]  }
0x198: {  	v18 =	vmul.f32 v18, v6;
	v14 =	vadd.f32 v22, v14;
	v21 =	vld [tilespmem:s9+$0xFFFFFFA0]  }
0x199: {  	v11 =	vadd.f32 v11, v12;
	v12 =	vmul.f32 v19, v2;
	v19 =	vld [tilespmem:s9+$0xFFFFFFB0]  }
0x19a: {  	v20 =	vmul.f32 v20, v3;
	v13 =	vadd.f32 v18, v13;
	v14 =	vadd.f32 v14, v15;
	v15 =	vld [tilespmem:s9+$0xFFFFFFC0]  }
0x19b: {  	v17 =	vmul.f32 v17, v0;
	v18 =	vld [tilespmem:s9+$0xFFFFFFD0];
	(xrf2) =	vadd.scan.msk.f32 $0xffff, v11  }
0x19c: {  	s26 =	sadd.s32 $0x79, s1;
	v11 =	vadd.f32 v20, v12;
	v12 =	vmul.f32 v16, v1;
	v16 =	vld [tilespmem:s9+$0xFFFFFFE0]  }
0x19d: {  	v20 =	vmov s26;
	v21 =	vmul.f32 v21, v4;
	v22 =	vld [tilespmem:s9+$0xFFFFFFF0]  }
0x19e: {  	v11 =	vadd.f32 v11, v13;
	v13 =	vmul.f32 v19, v7;
	v12 =	vadd.f32 v12, v17;
	v17 =	vld [tilespmem:s9+$0x0]  }
0x19f: {  	v19 =	vand.u32 $0xFFFFFFF9, v20;
	v15 =	vmul.f32 v15, v5;
	v20 =	vld [tilespmem:s9+$0x10]  }
0x1a0: {  	v11 =	vadd.f32 v11, v14;
	v14 =	vmul.f32 v18, v6;
	v13 =	vadd.f32 v13, v21;
	v18 =	vld [tilespmem:s9+$0x20]  }
0x1a1: {  	v19 =	vbroadcast v19, $0x0;
	v16 =	vmul.f32 v16, v2;
	v21 =	vld [tilespmem:s9+$0x30]  }
0x1a2: {  	v22 =	vmul.f32 v22, v3;
	v14 =	vadd.f32 v14, v15;
	v12 =	vadd.f32 v13, v12;
	v13 =	vld [tilespmem:s9+$0x40];
	(xrf2) =	vadd.scan.msk.f32 $0xffff, v11  }
0x1a3: {  	s26 =	sadd.s32 $0x7A, s1;
	v11 =	vmul.f32 v17, v0;
	v15 =	vld [tilespmem:s9+$0x50]  }
0x1a4: {  	v17 =	vmov s26;
	v16 =	vadd.f32 v22, v16;
	v20 =	vmul.f32 v20, v1;
	v22 =	vld [tilespmem:s9+$0x60]  }
0x1a5: {  	v17 =	vand.u32 $0xFFFFFFFA, v17;
	v18 =	vmul.f32 v18, v4;
	v23 =	vld [tilespmem:s9+$0x70];
	v24, _, _ =	vpop (xrf2)  }
0x1a6: {  	v14 =	vadd.f32 v16, v14;
	v16 =	vmul.f32 v21, v7;
	v11 =	vadd.f32 v20, v11;
	v20 =	vld [tilespmem:s9+$0x80]  }
0x1a7: {  	v17 =	vbroadcast v17, $0x0;
	[tilespmem:v19+s20+$0x0] =	vst.idx.msk vm0, v24;
	v13 =	vmul.f32 v13, v5;
	v19 =	vld [tilespmem:s9+$0x90]  }
0x1a8: {  	v12 =	vadd.f32 v14, v12;
	v14 =	vmul.f32 v15, v6;
	v15 =	vadd.f32 v16, v18;
	v16 =	vld [tilespmem:s9+$0xA0]  }
0x1a9: {  	v18 =	vmul.f32 v22, v2;
	v21 =	vld [tilespmem:s9+$0xB0]  }
0x1aa: {  	v22 =	vmul.f32 v23, v3;
	v13 =	vadd.f32 v14, v13;
	v11 =	vadd.f32 v15, v11;
	v14 =	vld [tilespmem:s9+$0xC0];
	(xrf2) =	vadd.scan.msk.f32 $0xffff, v12  }
0x1ab: {  	s26 =	sadd.s32 $0x7B, s1;
	v12 =	vmul.f32 v20, v0;
	v15 =	vld [tilespmem:s9+$0xD0]  }
0x1ac: {  	v20 =	vmov s26;
	v18 =	vadd.f32 v22, v18;
	v19 =	vmul.f32 v19, v1;
	v22 =	vld [tilespmem:s9+$0xE0];
	v23, _, _ =	vpop (xrf2)  }
0x1ad: {  	[tilespmem:v17+s20+$0x0] =	vst.idx.msk vm0, v23;
	v17 =	vand.u32 $0xFFFFFFFB, v20;
	v16 =	vmul.f32 v16, v4;
	v20 =	vld [tilespmem:s9+$0xF0]  }
0x1ae: {  	v13 =	vadd.f32 v18, v13;
	v18 =	vmul.f32 v21, v7;
	v12 =	vadd.f32 v19, v12;
	v19 =	vld [tilespmem:s9+$0x100]  }
0x1af: {  	v17 =	vbroadcast v17, $0x0;
	v14 =	vmul.f32 v14, v5;
	v21 =	vld [tilespmem:s9+$0x110]  }
0x1b0: {  	v13 =	vadd.f32 v13, v11;
	v11 =	vmul.f32 v15, v6;
	v15 =	vadd.f32 v18, v16;
	v16 =	vld [tilespmem:s9+$0x120]  }
0x1b1: {  	v18 =	vmul.f32 v22, v2;
	v22 =	vld [tilespmem:s9+$0x130]  }
.Ltmp5:
0x1b2: {  	v20 =	vmul.f32 v20, v3;
	v23 =	vadd.f32 v11, v14;
	v11 =	vadd.f32 v15, v12;
	v12 =	vld [tilespmem:s9+$0x140];
	(xrf2) =	vadd.scan.msk.f32 $0xffff, v13;
	(pc) =	sbr.rel @p2 .LBB2_8-.Ltmp5, $4  }
0x1b3: {  	s26 =	sadd.s32 $0x7C, s1;
	v24 =	vmul.f32 v19, v0;
	v13 =	vld [tilespmem:s9+$0x150]  }
0x1b4: {  	v15 =	vmov s26;
	v18 =	vadd.f32 v20, v18;
	v25 =	vmul.f32 v21, v1;
	v14 =	vld [tilespmem:s9+$0x160];
	v19, _, _ =	vpop (xrf2)  }
0x1b5: {  	v15 =	vand.u32 $0xFFFFFFFC, v15;
	[tilespmem:v17+s20+$0x0] =	vst.idx.msk vm0, v19;
	v19 =	vmul.f32 v16, v4;
	v16 =	vld [tilespmem:s9+$0x170]  }
0x1b6: {  	v17 =	vld [tilespmem:s9+$0xFFFFFE00];
	v20 =	vadd.f32 v18, v23;
	v21 =	vmul.f32 v22, v7;
	v18 =	vadd.f32 v25, v24;
	s9 =	sadd.s32 $0x400, s9  }
.LBB2_9:
0x1b7: {  	_ =	sdelay $0x2  }
0x1b8: {  	v12 =	vmul.f32 v12, v5  }
0x1b9: {  	v13 =	vmul.f32 v13, v6;
	v17 =	vmul.f32 v17, v0  }
0x1ba: {  	v14 =	vmul.f32 v14, v2;
	v16 =	vmul.f32 v16, v3  }
0x1bb: {  	v19 =	vadd.f32 v21, v19;
	v10 =	vadd.f32 v10, v17  }
0x1bc: {  	v12 =	vadd.f32 v13, v12;
	v13 =	vadd.f32 v16, v14  }
0x1bd: {  	v11 =	vadd.f32 v20, v11;
	v8 =	vadd.f32 v8, v10  }
0x1be: {  	v12 =	vadd.f32 v13, v12;
	v10 =	vadd.f32 v19, v18  }
0x1bf: {  	v8 =	vadd.f32 v9, v8  }
0x1c0: {  	(xrf2) =	vadd.scan.msk.f32 $0xffff, v11;
	v9 =	vadd.f32 v12, v10  }
0x1c1: {  	(xrf2) =	vadd.scan.msk.f32 $0xffff, v8  }
0x1c2: {  	s9 =	sadd.s32 $0x7D, s1;
	(xrf2) =	vadd.scan.msk.f32 $0xffff, v9  }
0x1c3: {  	s18 =	sadd.s32 $0x78, s1;
	v8 =	vmov s9  }
0x1c4: {  	s26 =	sadd.s32 $0x7E, s1;
	v10 =	vmov s18;
	v9 =	vbroadcast v15, $0x0;
	v8 =	vand.u32 $0xFFFFFFFD, v8  }
0x1c5: {  	v11 =	vmov s26;
	v10 =	vand.u32 $0xFFFFFFF8, v10;
	v8 =	vbroadcast v8, $0x0  }
0x1c6: {  	v11 =	vand.u32 $0xFFFFFFFE, v11;
	v10 =	vbroadcast v10, $0x0  }
0x1c7: {  	v11 =	vbroadcast v11, $0x0;
	_ =	sdelay $0x1  }
0x1c8: {  	v12, _, _ =	vpop (xrf2)  }
0x1c9: {  	[tilespmem:v9+s20+$0x0] =	vst.idx.msk vm0, v12;
	v9, _, _ =	vpop (xrf2)  }
0x1ca: {  	[tilespmem:v8+s20+$0x0] =	vst.idx.msk vm0, v9;
	v8, _, _ =	vpop (xrf2)  }
0x1cb: {  	[tilespmem:v10+s20+$0x0] =	vst.idx.msk vm0, v8;
	v8, _, _ =	vpop (xrf2)  }
0x1cc: {  	[tilespmem:v11+s20+$0x0] =	vst.idx.msk vm0, v8  }
0x1cd: {  	v8 =	vld [tilespmem:s14+$0x180]  }
0x1ce: {  	v9 =	vld [tilespmem:s14+$0x190]  }
0x1cf: {  	v11 =	vld [tilespmem:s14+$0x1A0]  }
0x1d0: {  	v12 =	vld [tilespmem:s14+$0x1B0]  }
0x1d1: {  	v13 =	vld [tilespmem:s14+$0x1C0]  }
0x1d2: {  	v14 =	vld [tilespmem:s14+$0x1D0]  }
0x1d3: {  	v15 =	vld [tilespmem:s14+$0x1E0]  }
0x1d4: {  	v16 =	vld [tilespmem:s14+$0x1F0]  }
0x1d5: {  	v17 =	vld [tilespmem:s14+$0xFFFFFE20]  }
0x1d6: {  	v18 =	vld [tilespmem:s14+$0xFFFFFE30]  }
0x1d7: {  	v19 =	vld [tilespmem:s14+$0xFFFFFE40]  }
0x1d8: {  	v20 =	vld [tilespmem:s14+$0xFFFFFE50]  }
0x1d9: {  	v21 =	vld [tilespmem:s14+$0xFFFFFE60]  }
0x1da: {  	v22 =	vld [tilespmem:s14+$0xFFFFFE70]  }
0x1db: {  	v23 =	vld [tilespmem:s14+$0xFFFFFE80]  }
0x1dc: {  	v24 =	vld [tilespmem:s14+$0xFFFFFE90]  }
0x1dd: {  	v25 =	vld [tilespmem:s14+$0xFFFFFEA0]  }
0x1de: {  	v26 =	vld [tilespmem:s14+$0xFFFFFEB0]  }
0x1df: {  	v27 =	vld [tilespmem:s14+$0xFFFFFEC0]  }
0x1e0: {  	v30 =	vld [tilespmem:s14+$0xFFFFFEF0]  }
0x1e1: {  	v32 =	vld [tilespmem:s14+$0xFFFFFF10]  }
0x1e2: {  	v33 =	vld [tilespmem:s14+$0xFFFFFF20];
	v8 =	vmul.f32 v8, v0  }
0x1e3: {  	v28 =	vld [tilespmem:s14+$0xFFFFFED0];
	v9 =	vmul.f32 v9, v1;
	v11 =	vmul.f32 v11, v4  }
0x1e4: {  	v29 =	vld [tilespmem:s14+$0xFFFFFEE0];
	v12 =	vmul.f32 v12, v7;
	v13 =	vmul.f32 v13, v5  }
0x1e5: {  	v31 =	vld [tilespmem:s14+$0xFFFFFF00];
	v14 =	vmul.f32 v14, v6;
	v15 =	vmul.f32 v15, v2  }
0x1e6: {  	v41 =	vld [tilespmem:s14+$0xFFFFFF90];
	v16 =	vmul.f32 v16, v3;
	v43 =	vmul.f32 v30, v3  }
0x1e7: {  	v42 =	vld [tilespmem:s14+$0xFFFFFFA0];
	v44 =	vmul.f32 v32, v1;
	v46 =	vmul.f32 v33, v4;
	v8 =	vadd.f32 v9, v8  }
0x1e8: {  	v45 =	vld [tilespmem:s14+$0xFFFFFFD0];
	v9 =	vadd.f32 v12, v11;
	v11 =	vadd.f32 v14, v13;
	v13 =	vmul.f32 v17, v4  }
0x1e9: {  	v12 =	vld [tilespmem:s14+$0xFFFFFF30];
	v14 =	vadd.f32 v16, v15;
	v15 =	vmul.f32 v18, v7;
	v17 =	vmul.f32 v19, v5  }
0x1ea: {  	v16 =	vld [tilespmem:s14+$0xFFFFFF40];
	v18 =	vmul.f32 v20, v6;
	v20 =	vmul.f32 v22, v3;
	v9 =	vadd.f32 v9, v8  }
0x1eb: {  	v19 =	vld [tilespmem:s14+$0xFFFFFF50];
	v11 =	vadd.f32 v14, v11;
	v14 =	vmul.f32 v21, v2;
	v8 =	vadd.f32 v15, v13  }
0x1ec: {  	v47 =	vld [tilespmem:s14+$0xFFFFFFE0];
	v13 =	vadd.f32 v18, v17;
	v17 =	vmul.f32 v23, v0;
	v18 =	vmul.f32 v24, v1  }
0x1ed: {  	v22 =	vmul.f32 v25, v4;
	v21 =	vld [tilespmem:s14+$0xFFFFFF60];
	v23 =	vmul.f32 v26, v7;
	v14 =	vadd.f32 v20, v14  }
0x1ee: {  	v15 =	vld [tilespmem:s14+$0xFFFFFF70];
	v24 =	vmul.f32 v41, v1;
	v11 =	vadd.f32 v11, v9;
	v17 =	vadd.f32 v18, v17  }
0x1ef: {  	v48 =	vld [tilespmem:s14+$0xFFFFFFF0];
	v18 =	vadd.f32 v23, v22;
	v23 =	vmul.f32 v29, v2;
	v12 =	vmul.f32 v12, v7  }
0x1f0: {  	v20 =	vld [tilespmem:s14+$0xFFFFFF80];
	v16 =	vmul.f32 v16, v5;
	v19 =	vmul.f32 v19, v6;
	v9 =	vadd.f32 v14, v13  }
0x1f1: {  	v22 =	vld [tilespmem:s14+$0xFFFFFFB0];
	v13 =	vmul.f32 v27, v5;
	v14 =	vmul.f32 v28, v6;
	v17 =	vadd.f32 v18, v17  }
0x1f2: {  	v49 =	vld [tilespmem:s14+$0x10];
	v18 =	vmul.f32 v31, v0;
	v23 =	vadd.f32 v43, v23;
	v21 =	vmul.f32 v21, v2  }
0x1f3: {  	v15 =	vmul.f32 v15, v3;
	v12 =	vadd.f32 v12, v46;
	v13 =	vadd.f32 v14, v13;
	v14 =	vld [tilespmem:s14+$0xFFFFFFC0]  }
0x1f4: {  	v50 =	vld [tilespmem:s14+$0x20];
	v27 =	vmul.f32 v48, v3;
	v16 =	vadd.f32 v19, v16;
	v18 =	vadd.f32 v44, v18  }
0x1f5: {  	v51 =	vld [tilespmem:s14+$0x30];
	v19 =	vmul.f32 v45, v6;
	v15 =	vadd.f32 v15, v21;
	v13 =	vadd.f32 v23, v13  }
0x1f6: {  	v52 =	vld [tilespmem:s14+$0x40];
	v20 =	vmul.f32 v20, v0;
	v22 =	vmul.f32 v22, v7;
	v12 =	vadd.f32 v12, v18  }
0x1f7: {  	v23 =	vld [tilespmem:s14+$0x0];
	v15 =	vadd.f32 v15, v16;
	v13 =	vadd.f32 v13, v17;
	v17 =	vmul.f32 v42, v4  }
0x1f8: {  	(xrf2) =	vadd.scan.msk.f32 $0xffff, v11;
	v21 =	vmul.f32 v47, v2;
	v20 =	vadd.f32 v24, v20;
	v16 =	vld [tilespmem:s14+$0x70];
	v14 =	vmul.f32 v14, v5  }
0x1f9: {  	v12 =	vadd.f32 v15, v12;
	v15 =	vld [tilespmem:s14+$0x90];
	v17 =	vadd.f32 v22, v17;
	(xrf2) =	vadd.scan.msk.f32 $0xffff, v13  }
0x1fa: {  	s28 =	simm.s32 $0xE1;
	s9 =	simm.s32 $0xE7;
	v53 =	vmul.f32 v51, v7;
	v22 =	vld [tilespmem:s14+$0x50];
	v11 =	vadd.f32 v19, v14;
	v14 =	vadd.f32 v27, v21  }
0x1fb: {  	v55 =	vmul.f32 v52, v5;
	v18 =	vmov s9;
	v13 =	vmov s28;
	v19 =	vld [tilespmem:s14+$0x60]  }
0x1fc: {  	s18 =	simm.s32 $0xE2;
	v13 =	vand.u32 $0xFFFFFFF9, v13;
	v17 =	vadd.f32 v17, v20;
	v11 =	vadd.f32 v14, v11;
	v14 =	vld [tilespmem:s14+$0x80]  }
0x1fd: {  	v54 =	vld [tilespmem:s14+$0xB0];
	v21 =	vmul.f32 v49, v1;
	(xrf2) =	vadd.scan.msk.f32 $0xffff, v12;
	v12 =	vmov s18;
	v13 =	vbroadcast v13, $0x0  }
0x1fe: {  	v56 =	vld [tilespmem:s14+$0xC0];
	v20 =	vmul.f32 v23, v0;
	v23 =	vmul.f32 v50, v4;
	v11 =	vadd.f32 v11, v17  }
0x1ff: {  	v12 =	vand.u32 $0xFFFFFFFA, v12;
	v16 =	vmul.f32 v16, v3;
	v15 =	vmul.f32 v15, v1;
	v17 =	vld [tilespmem:s14+$0xA0]  }
0x200: {  	v22 =	vmul.f32 v22, v6;
	v19 =	vmul.f32 v19, v2;
	(xrf2) =	vadd.scan.msk.f32 $0xffff, v11;
	v11 =	vadd.f32 v21, v20;
	v20 =	vld [tilespmem:s14+$0xD0]  }
0x201: {  	v21 =	vbroadcast v12, $0x0;
	v12 =	vadd.f32 v53, v23;
	v23 =	vld [tilespmem:s14+$0xE0];
	v14 =	vmul.f32 v14, v0  }
0x202: {  	v58, _, _ =	vpop (xrf2);
	v22 =	vadd.f32 v22, v55;
	v16 =	vadd.f32 v16, v19;
	v19 =	vld [tilespmem:s14+$0xF0]  }
0x203: {  	s26 =	simm.s32 $0xE3;
	v10 =	vld [tilespmem:s14+$0xFFFFFE10];
	v11 =	vadd.f32 v12, v11;
	v60, _, _ =	vpop (xrf2);
	v14 =	vadd.f32 v15, v14  }
0x204: {  	v57 =	vmov s26;
	v59 =	vld [tilespmem:s14+$0x100];
	v15 =	vmul.f32 v56, v5;
	[tilespmem:v13+s20+$0x0] =	vst.idx.msk vm0, v60;
	v13 =	vadd.f32 v16, v22  }
0x205: {  	v61 =	vld [tilespmem:s14+$0x110];
	v24 =	vand.u32 $0xFFFFFFFB, v57;
	v12 =	vmul.f32 v54, v7;
	v17 =	vmul.f32 v17, v4  }
0x206: {  	[tilespmem:v18+s20+$0x0] =	vst.idx.msk vm0, v58;
	v18 =	vbroadcast v24, $0x0;
	v16 =	vld [tilespmem:s14+$0x120];
	v20 =	vmul.f32 v20, v6;
	v62 =	vadd.f32 v13, v11  }
0x207: {  	p2 =	por $0x1, $0x1;
	v22 =	vld [tilespmem:s14+$0x130];
	v17 =	vadd.f32 v12, v17;
	v23 =	vmul.f32 v23, v2;
	v19 =	vmul.f32 v19, v3  }
.Ltmp6:
0x208: {  	v12 =	vld [tilespmem:s14+$0x140];
	v20 =	vadd.f32 v20, v15;
	v15, _, _ =	vpop (xrf2);
	(xrf2) =	vadd.scan.msk.f32 $0xffff, v62;
	(pc) =	sbr.rel @!p2 .LBB2_10-.Ltmp6, $4  }
0x209: {  	v63 =	vmul.f32 v59, v0;
	v13 =	vld [tilespmem:s14+$0x150];
	[tilespmem:v21+s20+$0x0] =	vst.idx.msk vm0, v15;
	v21 =	vadd.f32 v19, v23  }
0x20a: {  	v10 =	vmul.f32 v10, v1;
	s28 =	simm.s32 $0xE4;
	v11 =	vadd.f32 v17, v14;
	v14 =	vld [tilespmem:s14+$0x160];
	v23 =	vmul.f32 v61, v1  }
0x20b: {  	s1 =	simm.s32 $0xB280;
	v15 =	vmov s28;
	v19 =	vmul.f32 v16, v4;
	v16 =	vld [tilespmem:s14+$0x170];
	v17, _, _ =	vpop (xrf2);
	v20 =	vadd.f32 v21, v20  }
0x20c: {  	s9 =	sadd.s32 $0x400, s14;
	s18 =	simm.s32 $0x0;
	v15 =	vand.u32 $0xFFFFFFFC, v15;
	v21 =	vmul.f32 v22, v7;
	[tilespmem:v18+s20+$0x0] =	vst.idx.msk vm0, v17;
	v17 =	vld [tilespmem:s14+$0xFFFFFE00];
	v18 =	vadd.f32 v23, v63;
	s14 =	simm.s32 $0xFFFFFFF8  }
.LBB2_11:
0x20d: {  	v22 =	vld [tilespmem:s9+$0x180];
	v15 =	vbroadcast v15, $0x0;
	v12 =	vmul.f32 v12, v5;
	s26 =	smov.u32 s18  }
0x20e: {  	v23 =	vld [tilespmem:s9+$0x190];
	v11 =	vadd.f32 v20, v11;
	v13 =	vmul.f32 v13, v6;
	v19 =	vadd.f32 v21, v19  }
0x20f: {  	v20 =	vld [tilespmem:s9+$0x1A0];
	v14 =	vmul.f32 v14, v2  }
0x210: {  	v21 =	vld [tilespmem:s9+$0x1B0];
	v24 =	vmul.f32 v16, v3;
	v12 =	vadd.f32 v13, v12;
	v13 =	vadd.f32 v19, v18;
	(xrf2) =	vadd.scan.msk.f32 $0xffff, v11  }
0x211: {  	v11 =	vld [tilespmem:s9+$0x1C0];
	v17 =	vmul.f32 v17, v0  }
0x212: {  	s28 =	sadd.s32 $0xED, s14;
	v18 =	vld [tilespmem:s9+$0x1D0];
	v14 =	vadd.f32 v24, v14;
	v16, _, _ =	vpop (xrf2)  }
0x213: {  	v19 =	vld [tilespmem:s9+$0x1E0];
	v10 =	vadd.f32 v10, v17;
	[tilespmem:v15+s20+$0x0] =	vst.idx.msk vm0, v16;
	v15 =	vmov s28  }
0x214: {  	s18 =	sadd.s32 $0x8, s18;
	v16 =	vld [tilespmem:s9+$0x1F0];
	v15 =	vand.u32 $0xFFFFFFFD, v15;
	v12 =	vadd.f32 v14, v12  }
0x215: {  	p2 =	slt.u32 s18, $0x68;
	v14 =	vld [tilespmem:s9+$0xFFFFFE10];
	v8 =	vadd.f32 v8, v10;
	v15 =	vbroadcast v15, $0x0  }
0x216: {  	v22 =	vmul.f32 v22, v0;
	v23 =	vmul.f32 v23, v1;
	v17 =	vld [tilespmem:s9+$0xFFFFFE20];
	v12 =	vadd.f32 v12, v13  }
0x217: {  	v20 =	vmul.f32 v20, v4;
	v26 =	vmul.f32 v21, v7;
	v13 =	vld [tilespmem:s9+$0xFFFFFE30];
	v8 =	vadd.f32 v9, v8  }
0x218: {  	s28 =	sadd.s32 $0xE8, s14;
	v11 =	vmul.f32 v11, v5;
	v18 =	vmul.f32 v18, v6;
	v9 =	vld [tilespmem:s9+$0xFFFFFE40]  }
0x219: {  	v25 =	vmov s28;
	v19 =	vmul.f32 v19, v2;
	v24 =	vld [tilespmem:s9+$0xFFFFFE50];
	v16 =	vmul.f32 v16, v3;
	(xrf2) =	vadd.scan.msk.f32 $0xffff, v8  }
0x21a: {  	v20 =	vadd.f32 v26, v20;
	v8 =	vadd.f32 v23, v22;
	v10 =	vmul.f32 v14, v1;
	v14 =	vld [tilespmem:s9+$0xFFFFFE60];
	v21, _, _ =	vpop (xrf2)  }
0x21b: {  	s28 =	sadd.s32 $0xEE, s14;
	s14 =	smov.u32 s26;
	v11 =	vadd.f32 v18, v11;
	v17 =	vmul.f32 v17, v4;
	v22 =	vld [tilespmem:s9+$0xFFFFFE70];
	v16 =	vadd.f32 v16, v19  }
0x21c: {  	v13 =	vmul.f32 v13, v7;
	v18 =	vld [tilespmem:s9+$0xFFFFFE80];
	[tilespmem:v15+s20+$0x0] =	vst.idx.msk vm0, v21;
	v15 =	vmov s28;
	(xrf2) =	vadd.scan.msk.f32 $0xffff, v12  }
0x21d: {  	v19 =	vadd.f32 v20, v8;
	v9 =	vmul.f32 v9, v5;
	v12 =	vld [tilespmem:s9+$0xFFFFFE90];
	v11 =	vadd.f32 v16, v11  }
0x21e: {  	v16 =	vmul.f32 v24, v6;
	v8 =	vadd.f32 v13, v17;
	v13 =	vld [tilespmem:s9+$0xFFFFFEA0];
	v17 =	vand.u32 $0xFFFFFFF8, v25  }
0x21f: {  	v14 =	vmul.f32 v14, v2;
	v20 =	vld [tilespmem:s9+$0xFFFFFEB0];
	v11 =	vadd.f32 v11, v19;
	v17 =	vbroadcast v17, $0x0  }
0x220: {  	v15 =	vand.u32 $0xFFFFFFFE, v15;
	v19 =	vmul.f32 v22, v3;
	v9 =	vadd.f32 v16, v9;
	v16 =	vld [tilespmem:s9+$0xFFFFFEC0]  }
0x221: {  	v18 =	vmul.f32 v18, v0;
	v21 =	vld [tilespmem:s9+$0xFFFFFED0];
	(xrf2) =	vadd.scan.msk.f32 $0xffff, v11;
	v11 =	vbroadcast v15, $0x0  }
0x222: {  	v14 =	vadd.f32 v19, v14;
	v12 =	vmul.f32 v12, v1;
	v15 =	vld [tilespmem:s9+$0xFFFFFEE0]  }
0x223: {  	v13 =	vmul.f32 v13, v4;
	v19 =	vld [tilespmem:s9+$0xFFFFFEF0];
	v22, _, _ =	vpop (xrf2)  }
0x224: {  	v9 =	vadd.f32 v14, v9;
	v14 =	vmul.f32 v20, v7;
	v12 =	vadd.f32 v12, v18;
	v18 =	vld [tilespmem:s9+$0xFFFFFF00]  }
0x225: {  	v16 =	vmul.f32 v16, v5;
	v20 =	vld [tilespmem:s9+$0xFFFFFF10];
	[tilespmem:v17+s20+$0x0] =	vst.idx.msk vm0, v22  }
0x226: {  	s26 =	sadd.s32 $0xEF, s14;
	v17 =	vmul.f32 v21, v6;
	v13 =	vadd.f32 v14, v13;
	v14 =	vld [tilespmem:s9+$0xFFFFFF20];
	v21, _, _ =	vpop (xrf2)  }
0x227: {  	v23 =	vmov s26;
	v15 =	vmul.f32 v15, v2;
	v22 =	vld [tilespmem:s9+$0xFFFFFF30];
	[tilespmem:v11+s20+$0x0] =	vst.idx.msk vm0, v21  }
0x228: {  	v11 =	vmul.f32 v19, v3;
	v16 =	vadd.f32 v17, v16;
	v12 =	vadd.f32 v13, v12;
	v13 =	vld [tilespmem:s9+$0xFFFFFF40]  }
0x229: {  	v17 =	vmul.f32 v18, v0;
	v18 =	vld [tilespmem:s9+$0xFFFFFF50]  }
0x22a: {  	v11 =	vadd.f32 v11, v15;
	v15 =	vmul.f32 v20, v1;
	v19 =	vld [tilespmem:s9+$0xFFFFFF60]  }
0x22b: {  	v14 =	vmul.f32 v14, v4;
	v20 =	vld [tilespmem:s9+$0xFFFFFF70];
	v21, _, _ =	vpop (xrf2)  }
0x22c: {  	v22 =	vmul.f32 v22, v7;
	v15 =	vadd.f32 v15, v17;
	v17 =	vld [tilespmem:s9+$0xFFFFFF80];
	[tilespmem:v23+s20+$0x0] =	vst.idx.msk vm0, v21  }
0x22d: {  	v11 =	vadd.f32 v11, v16;
	v13 =	vmul.f32 v13, v5;
	v16 =	vld [tilespmem:s9+$0xFFFFFF90]  }
0x22e: {  	v18 =	vmul.f32 v18, v6;
	v14 =	vadd.f32 v22, v14;
	v21 =	vld [tilespmem:s9+$0xFFFFFFA0]  }
0x22f: {  	v11 =	vadd.f32 v11, v12;
	v12 =	vmul.f32 v19, v2;
	v19 =	vld [tilespmem:s9+$0xFFFFFFB0]  }
0x230: {  	v20 =	vmul.f32 v20, v3;
	v13 =	vadd.f32 v18, v13;
	v14 =	vadd.f32 v14, v15;
	v15 =	vld [tilespmem:s9+$0xFFFFFFC0]  }
0x231: {  	v17 =	vmul.f32 v17, v0;
	v18 =	vld [tilespmem:s9+$0xFFFFFFD0];
	(xrf2) =	vadd.scan.msk.f32 $0xffff, v11  }
0x232: {  	s26 =	sadd.s32 $0xE9, s14;
	v11 =	vadd.f32 v20, v12;
	v12 =	vmul.f32 v16, v1;
	v16 =	vld [tilespmem:s9+$0xFFFFFFE0]  }
0x233: {  	v20 =	vmov s26;
	v21 =	vmul.f32 v21, v4;
	v22 =	vld [tilespmem:s9+$0xFFFFFFF0]  }
0x234: {  	v11 =	vadd.f32 v11, v13;
	v13 =	vmul.f32 v19, v7;
	v12 =	vadd.f32 v12, v17;
	v17 =	vld [tilespmem:s9+$0x0]  }
0x235: {  	v19 =	vand.u32 $0xFFFFFFF9, v20;
	v15 =	vmul.f32 v15, v5;
	v20 =	vld [tilespmem:s9+$0x10]  }
0x236: {  	v11 =	vadd.f32 v11, v14;
	v14 =	vmul.f32 v18, v6;
	v13 =	vadd.f32 v13, v21;
	v18 =	vld [tilespmem:s9+$0x20]  }
0x237: {  	v19 =	vbroadcast v19, $0x0;
	v16 =	vmul.f32 v16, v2;
	v21 =	vld [tilespmem:s9+$0x30]  }
0x238: {  	v22 =	vmul.f32 v22, v3;
	v14 =	vadd.f32 v14, v15;
	v12 =	vadd.f32 v13, v12;
	v13 =	vld [tilespmem:s9+$0x40];
	(xrf2) =	vadd.scan.msk.f32 $0xffff, v11  }
0x239: {  	s26 =	sadd.s32 $0xEA, s14;
	v11 =	vmul.f32 v17, v0;
	v15 =	vld [tilespmem:s9+$0x50]  }
0x23a: {  	v17 =	vmov s26;
	v16 =	vadd.f32 v22, v16;
	v20 =	vmul.f32 v20, v1;
	v22 =	vld [tilespmem:s9+$0x60]  }
0x23b: {  	v17 =	vand.u32 $0xFFFFFFFA, v17;
	v18 =	vmul.f32 v18, v4;
	v23 =	vld [tilespmem:s9+$0x70];
	v24, _, _ =	vpop (xrf2)  }
0x23c: {  	v14 =	vadd.f32 v16, v14;
	v16 =	vmul.f32 v21, v7;
	v11 =	vadd.f32 v20, v11;
	v20 =	vld [tilespmem:s9+$0x80]  }
0x23d: {  	v17 =	vbroadcast v17, $0x0;
	[tilespmem:v19+s20+$0x0] =	vst.idx.msk vm0, v24;
	v13 =	vmul.f32 v13, v5;
	v19 =	vld [tilespmem:s9+$0x90]  }
0x23e: {  	v12 =	vadd.f32 v14, v12;
	v14 =	vmul.f32 v15, v6;
	v15 =	vadd.f32 v16, v18;
	v16 =	vld [tilespmem:s9+$0xA0]  }
0x23f: {  	v18 =	vmul.f32 v22, v2;
	v21 =	vld [tilespmem:s9+$0xB0]  }
0x240: {  	v22 =	vmul.f32 v23, v3;
	v13 =	vadd.f32 v14, v13;
	v11 =	vadd.f32 v15, v11;
	v14 =	vld [tilespmem:s9+$0xC0];
	(xrf2) =	vadd.scan.msk.f32 $0xffff, v12  }
0x241: {  	s26 =	sadd.s32 $0xEB, s14;
	v12 =	vmul.f32 v20, v0;
	v15 =	vld [tilespmem:s9+$0xD0]  }
0x242: {  	v20 =	vmov s26;
	v18 =	vadd.f32 v22, v18;
	v19 =	vmul.f32 v19, v1;
	v22 =	vld [tilespmem:s9+$0xE0];
	v23, _, _ =	vpop (xrf2)  }
0x243: {  	[tilespmem:v17+s20+$0x0] =	vst.idx.msk vm0, v23;
	v17 =	vand.u32 $0xFFFFFFFB, v20;
	v16 =	vmul.f32 v16, v4;
	v20 =	vld [tilespmem:s9+$0xF0]  }
0x244: {  	v13 =	vadd.f32 v18, v13;
	v18 =	vmul.f32 v21, v7;
	v12 =	vadd.f32 v19, v12;
	v19 =	vld [tilespmem:s9+$0x100]  }
0x245: {  	v17 =	vbroadcast v17, $0x0;
	v14 =	vmul.f32 v14, v5;
	v21 =	vld [tilespmem:s9+$0x110]  }
0x246: {  	v13 =	vadd.f32 v13, v11;
	v11 =	vmul.f32 v15, v6;
	v15 =	vadd.f32 v18, v16;
	v16 =	vld [tilespmem:s9+$0x120]  }
0x247: {  	v18 =	vmul.f32 v22, v2;
	v22 =	vld [tilespmem:s9+$0x130]  }
.Ltmp7:
0x248: {  	v20 =	vmul.f32 v20, v3;
	v23 =	vadd.f32 v11, v14;
	v11 =	vadd.f32 v15, v12;
	v12 =	vld [tilespmem:s9+$0x140];
	(xrf2) =	vadd.scan.msk.f32 $0xffff, v13;
	(pc) =	sbr.rel @p2 .LBB2_11-.Ltmp7, $4  }
0x249: {  	s26 =	sadd.s32 $0xEC, s14;
	v24 =	vmul.f32 v19, v0;
	v13 =	vld [tilespmem:s9+$0x150]  }
0x24a: {  	v15 =	vmov s26;
	v18 =	vadd.f32 v20, v18;
	v25 =	vmul.f32 v21, v1;
	v14 =	vld [tilespmem:s9+$0x160];
	v19, _, _ =	vpop (xrf2)  }
0x24b: {  	v15 =	vand.u32 $0xFFFFFFFC, v15;
	[tilespmem:v17+s20+$0x0] =	vst.idx.msk vm0, v19;
	v19 =	vmul.f32 v16, v4;
	v16 =	vld [tilespmem:s9+$0x170]  }
0x24c: {  	v17 =	vld [tilespmem:s9+$0xFFFFFE00];
	v20 =	vadd.f32 v18, v23;
	v21 =	vmul.f32 v22, v7;
	v18 =	vadd.f32 v25, v24;
	s9 =	sadd.s32 $0x400, s9  }
.LBB2_12:
0x24d: {  	_ =	sdelay $0x2  }
0x24e: {  	v12 =	vmul.f32 v12, v5  }
0x24f: {  	v13 =	vmul.f32 v13, v6;
	v17 =	vmul.f32 v17, v0  }
0x250: {  	v14 =	vmul.f32 v14, v2;
	v16 =	vmul.f32 v16, v3  }
0x251: {  	v19 =	vadd.f32 v21, v19;
	v10 =	vadd.f32 v10, v17  }
0x252: {  	v12 =	vadd.f32 v13, v12;
	v13 =	vadd.f32 v16, v14  }
0x253: {  	v11 =	vadd.f32 v20, v11;
	v8 =	vadd.f32 v8, v10  }
0x254: {  	v12 =	vadd.f32 v13, v12;
	v10 =	vadd.f32 v19, v18  }
0x255: {  	v8 =	vadd.f32 v9, v8  }
0x256: {  	(xrf2) =	vadd.scan.msk.f32 $0xffff, v11;
	v9 =	vadd.f32 v12, v10  }
0x257: {  	(xrf2) =	vadd.scan.msk.f32 $0xffff, v8  }
0x258: {  	s9 =	sadd.s32 $0xED, s14;
	(xrf2) =	vadd.scan.msk.f32 $0xffff, v9  }
0x259: {  	s18 =	sadd.s32 $0xE8, s14;
	v8 =	vmov s9  }
0x25a: {  	s26 =	sadd.s32 $0xEE, s14;
	v10 =	vmov s18;
	v9 =	vbroadcast v15, $0x0;
	v8 =	vand.u32 $0xFFFFFFFD, v8  }
0x25b: {  	v11 =	vmov s26;
	v10 =	vand.u32 $0xFFFFFFF8, v10;
	v8 =	vbroadcast v8, $0x0  }
0x25c: {  	v11 =	vand.u32 $0xFFFFFFFE, v11;
	v10 =	vbroadcast v10, $0x0  }
0x25d: {  	v11 =	vbroadcast v11, $0x0;
	_ =	sdelay $0x1  }
0x25e: {  	v12, _, _ =	vpop (xrf2)  }
0x25f: {  	[tilespmem:v9+s20+$0x0] =	vst.idx.msk vm0, v12;
	v9, _, _ =	vpop (xrf2)  }
0x260: {  	[tilespmem:v8+s20+$0x0] =	vst.idx.msk vm0, v9;
	v8, _, _ =	vpop (xrf2)  }
0x261: {  	[tilespmem:v10+s20+$0x0] =	vst.idx.msk vm0, v8;
	v8, _, _ =	vpop (xrf2)  }
0x262: {  	[tilespmem:v11+s20+$0x0] =	vst.idx.msk vm0, v8  }
0x263: {  	v8 =	vld [tilespmem:s1+$0x180]  }
0x264: {  	v9 =	vld [tilespmem:s1+$0x190]  }
0x265: {  	v11 =	vld [tilespmem:s1+$0x1A0]  }
0x266: {  	v12 =	vld [tilespmem:s1+$0x1B0]  }
0x267: {  	v13 =	vld [tilespmem:s1+$0x1C0]  }
0x268: {  	v14 =	vld [tilespmem:s1+$0x1D0]  }
0x269: {  	v15 =	vld [tilespmem:s1+$0x1E0]  }
0x26a: {  	v16 =	vld [tilespmem:s1+$0x1F0]  }
0x26b: {  	v17 =	vld [tilespmem:s1+$0xFFFFFE20]  }
0x26c: {  	v18 =	vld [tilespmem:s1+$0xFFFFFE30]  }
0x26d: {  	v19 =	vld [tilespmem:s1+$0xFFFFFE40]  }
0x26e: {  	v20 =	vld [tilespmem:s1+$0xFFFFFE50]  }
0x26f: {  	v21 =	vld [tilespmem:s1+$0xFFFFFE60]  }
0x270: {  	v22 =	vld [tilespmem:s1+$0xFFFFFE70]  }
0x271: {  	v23 =	vld [tilespmem:s1+$0xFFFFFE80]  }
0x272: {  	v24 =	vld [tilespmem:s1+$0xFFFFFE90]  }
0x273: {  	v25 =	vld [tilespmem:s1+$0xFFFFFEA0]  }
0x274: {  	v26 =	vld [tilespmem:s1+$0xFFFFFEB0]  }
0x275: {  	v27 =	vld [tilespmem:s1+$0xFFFFFEC0]  }
0x276: {  	v30 =	vld [tilespmem:s1+$0xFFFFFEF0]  }
0x277: {  	v32 =	vld [tilespmem:s1+$0xFFFFFF10]  }
0x278: {  	v33 =	vld [tilespmem:s1+$0xFFFFFF20];
	v8 =	vmul.f32 v8, v0  }
0x279: {  	v28 =	vld [tilespmem:s1+$0xFFFFFED0];
	v9 =	vmul.f32 v9, v1;
	v11 =	vmul.f32 v11, v4  }
0x27a: {  	v29 =	vld [tilespmem:s1+$0xFFFFFEE0];
	v12 =	vmul.f32 v12, v7;
	v13 =	vmul.f32 v13, v5  }
0x27b: {  	v31 =	vld [tilespmem:s1+$0xFFFFFF00];
	v14 =	vmul.f32 v14, v6;
	v15 =	vmul.f32 v15, v2  }
0x27c: {  	v41 =	vld [tilespmem:s1+$0xFFFFFF90];
	v16 =	vmul.f32 v16, v3;
	v43 =	vmul.f32 v30, v3  }
0x27d: {  	v42 =	vld [tilespmem:s1+$0xFFFFFFA0];
	v44 =	vmul.f32 v32, v1;
	v46 =	vmul.f32 v33, v4;
	v8 =	vadd.f32 v9, v8  }
0x27e: {  	v45 =	vld [tilespmem:s1+$0xFFFFFFD0];
	v9 =	vadd.f32 v12, v11;
	v11 =	vadd.f32 v14, v13;
	v13 =	vmul.f32 v17, v4  }
0x27f: {  	v12 =	vld [tilespmem:s1+$0xFFFFFF30];
	v14 =	vadd.f32 v16, v15;
	v15 =	vmul.f32 v18, v7;
	v17 =	vmul.f32 v19, v5  }
0x280: {  	v16 =	vld [tilespmem:s1+$0xFFFFFF40];
	v18 =	vmul.f32 v20, v6;
	v20 =	vmul.f32 v22, v3;
	v9 =	vadd.f32 v9, v8  }
0x281: {  	v19 =	vld [tilespmem:s1+$0xFFFFFF50];
	v11 =	vadd.f32 v14, v11;
	v14 =	vmul.f32 v21, v2;
	v8 =	vadd.f32 v15, v13  }
0x282: {  	v47 =	vld [tilespmem:s1+$0xFFFFFFE0];
	v13 =	vadd.f32 v18, v17;
	v17 =	vmul.f32 v23, v0;
	v18 =	vmul.f32 v24, v1  }
0x283: {  	v22 =	vmul.f32 v25, v4;
	v21 =	vld [tilespmem:s1+$0xFFFFFF60];
	v23 =	vmul.f32 v26, v7;
	v14 =	vadd.f32 v20, v14  }
0x284: {  	v15 =	vld [tilespmem:s1+$0xFFFFFF70];
	v24 =	vmul.f32 v41, v1;
	v11 =	vadd.f32 v11, v9;
	v17 =	vadd.f32 v18, v17  }
0x285: {  	v48 =	vld [tilespmem:s1+$0xFFFFFFF0];
	v18 =	vadd.f32 v23, v22;
	v23 =	vmul.f32 v29, v2;
	v12 =	vmul.f32 v12, v7  }
0x286: {  	v20 =	vld [tilespmem:s1+$0xFFFFFF80];
	v16 =	vmul.f32 v16, v5;
	v19 =	vmul.f32 v19, v6;
	v9 =	vadd.f32 v14, v13  }
0x287: {  	v22 =	vld [tilespmem:s1+$0xFFFFFFB0];
	v13 =	vmul.f32 v27, v5;
	v14 =	vmul.f32 v28, v6;
	v17 =	vadd.f32 v18, v17  }
0x288: {  	v49 =	vld [tilespmem:s1+$0x10];
	v18 =	vmul.f32 v31, v0;
	v23 =	vadd.f32 v43, v23;
	v21 =	vmul.f32 v21, v2  }
0x289: {  	v15 =	vmul.f32 v15, v3;
	v12 =	vadd.f32 v12, v46;
	v13 =	vadd.f32 v14, v13;
	v14 =	vld [tilespmem:s1+$0xFFFFFFC0]  }
0x28a: {  	v50 =	vld [tilespmem:s1+$0x20];
	v27 =	vmul.f32 v48, v3;
	v16 =	vadd.f32 v19, v16;
	v18 =	vadd.f32 v44, v18  }
0x28b: {  	v51 =	vld [tilespmem:s1+$0x30];
	v19 =	vmul.f32 v45, v6;
	v15 =	vadd.f32 v15, v21;
	v13 =	vadd.f32 v23, v13  }
0x28c: {  	v52 =	vld [tilespmem:s1+$0x40];
	v20 =	vmul.f32 v20, v0;
	v22 =	vmul.f32 v22, v7;
	v12 =	vadd.f32 v12, v18  }
0x28d: {  	v23 =	vld [tilespmem:s1+$0x0];
	v15 =	vadd.f32 v15, v16;
	v13 =	vadd.f32 v13, v17;
	v17 =	vmul.f32 v42, v4  }
0x28e: {  	(xrf2) =	vadd.scan.msk.f32 $0xffff, v11;
	v21 =	vmul.f32 v47, v2;
	v20 =	vadd.f32 v24, v20;
	v16 =	vld [tilespmem:s1+$0x70];
	v14 =	vmul.f32 v14, v5  }
0x28f: {  	v12 =	vadd.f32 v15, v12;
	v15 =	vld [tilespmem:s1+$0x90];
	v17 =	vadd.f32 v22, v17;
	(xrf2) =	vadd.scan.msk.f32 $0xffff, v13  }
0x290: {  	s28 =	sadd.s32 $0x159, s4;
	s14 =	sadd.s32 $0x15F, s4;
	v53 =	vmul.f32 v51, v7;
	v22 =	vld [tilespmem:s1+$0x50];
	v11 =	vadd.f32 v19, v14;
	v14 =	vadd.f32 v27, v21  }
0x291: {  	v55 =	vmul.f32 v52, v5;
	v18 =	vmov s14;
	v13 =	vmov s28;
	v19 =	vld [tilespmem:s1+$0x60]  }
0x292: {  	s18 =	sadd.s32 $0x15A, s4;
	v13 =	vand.u32 $0xFFFFFFF9, v13;
	v17 =	vadd.f32 v17, v20;
	v11 =	vadd.f32 v14, v11;
	v14 =	vld [tilespmem:s1+$0x80]  }
0x293: {  	v54 =	vld [tilespmem:s1+$0xB0];
	v21 =	vmul.f32 v49, v1;
	(xrf2) =	vadd.scan.msk.f32 $0xffff, v12;
	v12 =	vmov s18;
	v13 =	vbroadcast v13, $0x0  }
0x294: {  	v56 =	vld [tilespmem:s1+$0xC0];
	v20 =	vmul.f32 v23, v0;
	v23 =	vmul.f32 v50, v4;
	v11 =	vadd.f32 v11, v17  }
0x295: {  	v12 =	vand.u32 $0xFFFFFFFA, v12;
	v16 =	vmul.f32 v16, v3;
	v15 =	vmul.f32 v15, v1;
	v17 =	vld [tilespmem:s1+$0xA0]  }
0x296: {  	v22 =	vmul.f32 v22, v6;
	v19 =	vmul.f32 v19, v2;
	(xrf2) =	vadd.scan.msk.f32 $0xffff, v11;
	v11 =	vadd.f32 v21, v20;
	v20 =	vld [tilespmem:s1+$0xD0]  }
0x297: {  	v21 =	vbroadcast v12, $0x0;
	v12 =	vadd.f32 v53, v23;
	v23 =	vld [tilespmem:s1+$0xE0];
	v14 =	vmul.f32 v14, v0  }
0x298: {  	v58, _, _ =	vpop (xrf2);
	v22 =	vadd.f32 v22, v55;
	v16 =	vadd.f32 v16, v19;
	v19 =	vld [tilespmem:s1+$0xF0]  }
0x299: {  	s26 =	sadd.s32 $0x15B, s4;
	v10 =	vld [tilespmem:s1+$0xFFFFFE10];
	v11 =	vadd.f32 v12, v11;
	v60, _, _ =	vpop (xrf2);
	v14 =	vadd.f32 v15, v14  }
0x29a: {  	v57 =	vmov s26;
	v59 =	vld [tilespmem:s1+$0x100];
	v15 =	vmul.f32 v56, v5;
	[tilespmem:v13+s20+$0x0] =	vst.idx.msk vm0, v60;
	v13 =	vadd.f32 v16, v22  }
0x29b: {  	v61 =	vld [tilespmem:s1+$0x110];
	v24 =	vand.u32 $0xFFFFFFFB, v57;
	v12 =	vmul.f32 v54, v7;
	v17 =	vmul.f32 v17, v4  }
0x29c: {  	s14 =	sadd.s32 $0x8, s4;
	[tilespmem:v18+s20+$0x0] =	vst.idx.msk vm0, v58;
	v18 =	vbroadcast v24, $0x0;
	v16 =	vld [tilespmem:s1+$0x120];
	v20 =	vmul.f32 v20, v6;
	v62 =	vadd.f32 v13, v11  }
0x29d: {  	p2 =	slt.u32 s14, $0x68;
	v22 =	vld [tilespmem:s1+$0x130];
	v17 =	vadd.f32 v12, v17;
	v23 =	vmul.f32 v23, v2;
	v19 =	vmul.f32 v19, v3  }
.Ltmp8:
0x29e: {  	v12 =	vld [tilespmem:s1+$0x140];
	v20 =	vadd.f32 v20, v15;
	v15, _, _ =	vpop (xrf2);
	(xrf2) =	vadd.scan.msk.f32 $0xffff, v62;
	(pc) =	sbr.rel @!p2 .LBB2_14-.Ltmp8, $4  }
0x29f: {  	v63 =	vmul.f32 v59, v0;
	v13 =	vld [tilespmem:s1+$0x150];
	[tilespmem:v21+s20+$0x0] =	vst.idx.msk vm0, v15;
	v21 =	vadd.f32 v19, v23  }
0x2a0: {  	v10 =	vmul.f32 v10, v1;
	s28 =	sadd.s32 $0x15C, s4;
	v11 =	vadd.f32 v17, v14;
	v14 =	vld [tilespmem:s1+$0x160];
	v23 =	vmul.f32 v61, v1  }
0x2a1: {  	v15 =	vmov s28;
	v19 =	vmul.f32 v16, v4;
	v16 =	vld [tilespmem:s1+$0x170];
	v17, _, _ =	vpop (xrf2);
	v20 =	vadd.f32 v21, v20  }
0x2a2: {  	v15 =	vand.u32 $0xFFFFFFFC, v15;
	v21 =	vmul.f32 v22, v7;
	[tilespmem:v18+s20+$0x0] =	vst.idx.msk vm0, v17;
	v17 =	vld [tilespmem:s1+$0xFFFFFE00];
	v18 =	vadd.f32 v23, v63;
	s1 =	sadd.s32 $0x400, s1  }
.LBB2_13:
0x2a3: {  	v22 =	vld [tilespmem:s1+$0x180];
	v15 =	vbroadcast v15, $0x0;
	v12 =	vmul.f32 v12, v5;
	s9 =	smov.u32 s14  }
0x2a4: {  	v23 =	vld [tilespmem:s1+$0x190];
	v11 =	vadd.f32 v20, v11;
	v13 =	vmul.f32 v13, v6;
	v19 =	vadd.f32 v21, v19  }
0x2a5: {  	v20 =	vld [tilespmem:s1+$0x1A0];
	v14 =	vmul.f32 v14, v2  }
0x2a6: {  	v21 =	vld [tilespmem:s1+$0x1B0];
	v24 =	vmul.f32 v16, v3;
	v12 =	vadd.f32 v13, v12;
	v13 =	vadd.f32 v19, v18;
	(xrf2) =	vadd.scan.msk.f32 $0xffff, v11  }
0x2a7: {  	v11 =	vld [tilespmem:s1+$0x1C0];
	v17 =	vmul.f32 v17, v0  }
0x2a8: {  	s18 =	sadd.s32 $0x15D, s4;
	v18 =	vld [tilespmem:s1+$0x1D0];
	v14 =	vadd.f32 v24, v14;
	v16, _, _ =	vpop (xrf2)  }
0x2a9: {  	v19 =	vld [tilespmem:s1+$0x1E0];
	v10 =	vadd.f32 v10, v17;
	[tilespmem:v15+s20+$0x0] =	vst.idx.msk vm0, v16;
	v15 =	vmov s18  }
0x2aa: {  	s14 =	sadd.s32 $0x8, s14;
	v16 =	vld [tilespmem:s1+$0x1F0];
	v15 =	vand.u32 $0xFFFFFFFD, v15;
	v12 =	vadd.f32 v14, v12  }
0x2ab: {  	p2 =	slt.u32 s14, $0x68;
	v14 =	vld [tilespmem:s1+$0xFFFFFE10];
	v8 =	vadd.f32 v8, v10;
	v15 =	vbroadcast v15, $0x0  }
0x2ac: {  	v22 =	vmul.f32 v22, v0;
	v23 =	vmul.f32 v23, v1;
	v17 =	vld [tilespmem:s1+$0xFFFFFE20];
	v12 =	vadd.f32 v12, v13  }
0x2ad: {  	v20 =	vmul.f32 v20, v4;
	v26 =	vmul.f32 v21, v7;
	v13 =	vld [tilespmem:s1+$0xFFFFFE30];
	v8 =	vadd.f32 v9, v8  }
0x2ae: {  	s18 =	sadd.s32 $0x158, s4;
	v11 =	vmul.f32 v11, v5;
	v18 =	vmul.f32 v18, v6;
	v9 =	vld [tilespmem:s1+$0xFFFFFE40]  }
0x2af: {  	v25 =	vmov s18;
	v19 =	vmul.f32 v19, v2;
	v24 =	vld [tilespmem:s1+$0xFFFFFE50];
	v16 =	vmul.f32 v16, v3;
	(xrf2) =	vadd.scan.msk.f32 $0xffff, v8  }
0x2b0: {  	v20 =	vadd.f32 v26, v20;
	v8 =	vadd.f32 v23, v22;
	v10 =	vmul.f32 v14, v1;
	v14 =	vld [tilespmem:s1+$0xFFFFFE60];
	v21, _, _ =	vpop (xrf2)  }
0x2b1: {  	s18 =	sadd.s32 $0x15E, s4;
	s4 =	smov.u32 s9;
	v11 =	vadd.f32 v18, v11;
	v17 =	vmul.f32 v17, v4;
	v22 =	vld [tilespmem:s1+$0xFFFFFE70];
	v16 =	vadd.f32 v16, v19  }
0x2b2: {  	v13 =	vmul.f32 v13, v7;
	v18 =	vld [tilespmem:s1+$0xFFFFFE80];
	[tilespmem:v15+s20+$0x0] =	vst.idx.msk vm0, v21;
	v15 =	vmov s18;
	(xrf2) =	vadd.scan.msk.f32 $0xffff, v12  }
0x2b3: {  	v19 =	vadd.f32 v20, v8;
	v9 =	vmul.f32 v9, v5;
	v12 =	vld [tilespmem:s1+$0xFFFFFE90];
	v11 =	vadd.f32 v16, v11  }
0x2b4: {  	v16 =	vmul.f32 v24, v6;
	v8 =	vadd.f32 v13, v17;
	v13 =	vld [tilespmem:s1+$0xFFFFFEA0];
	v17 =	vand.u32 $0xFFFFFFF8, v25  }
0x2b5: {  	v14 =	vmul.f32 v14, v2;
	v20 =	vld [tilespmem:s1+$0xFFFFFEB0];
	v11 =	vadd.f32 v11, v19;
	v17 =	vbroadcast v17, $0x0  }
0x2b6: {  	v15 =	vand.u32 $0xFFFFFFFE, v15;
	v19 =	vmul.f32 v22, v3;
	v9 =	vadd.f32 v16, v9;
	v16 =	vld [tilespmem:s1+$0xFFFFFEC0]  }
0x2b7: {  	v18 =	vmul.f32 v18, v0;
	v21 =	vld [tilespmem:s1+$0xFFFFFED0];
	(xrf2) =	vadd.scan.msk.f32 $0xffff, v11;
	v11 =	vbroadcast v15, $0x0  }
0x2b8: {  	v14 =	vadd.f32 v19, v14;
	v12 =	vmul.f32 v12, v1;
	v15 =	vld [tilespmem:s1+$0xFFFFFEE0]  }
0x2b9: {  	v13 =	vmul.f32 v13, v4;
	v19 =	vld [tilespmem:s1+$0xFFFFFEF0];
	v22, _, _ =	vpop (xrf2)  }
0x2ba: {  	v9 =	vadd.f32 v14, v9;
	v14 =	vmul.f32 v20, v7;
	v12 =	vadd.f32 v12, v18;
	v18 =	vld [tilespmem:s1+$0xFFFFFF00]  }
0x2bb: {  	v16 =	vmul.f32 v16, v5;
	v20 =	vld [tilespmem:s1+$0xFFFFFF10];
	[tilespmem:v17+s20+$0x0] =	vst.idx.msk vm0, v22  }
0x2bc: {  	s9 =	sadd.s32 $0x15F, s4;
	v17 =	vmul.f32 v21, v6;
	v13 =	vadd.f32 v14, v13;
	v14 =	vld [tilespmem:s1+$0xFFFFFF20];
	v21, _, _ =	vpop (xrf2)  }
0x2bd: {  	v23 =	vmov s9;
	v15 =	vmul.f32 v15, v2;
	v22 =	vld [tilespmem:s1+$0xFFFFFF30];
	[tilespmem:v11+s20+$0x0] =	vst.idx.msk vm0, v21  }
0x2be: {  	v11 =	vmul.f32 v19, v3;
	v16 =	vadd.f32 v17, v16;
	v12 =	vadd.f32 v13, v12;
	v13 =	vld [tilespmem:s1+$0xFFFFFF40]  }
0x2bf: {  	v17 =	vmul.f32 v18, v0;
	v18 =	vld [tilespmem:s1+$0xFFFFFF50]  }
0x2c0: {  	v11 =	vadd.f32 v11, v15;
	v15 =	vmul.f32 v20, v1;
	v19 =	vld [tilespmem:s1+$0xFFFFFF60]  }
0x2c1: {  	v14 =	vmul.f32 v14, v4;
	v20 =	vld [tilespmem:s1+$0xFFFFFF70];
	v21, _, _ =	vpop (xrf2)  }
0x2c2: {  	v22 =	vmul.f32 v22, v7;
	v15 =	vadd.f32 v15, v17;
	v17 =	vld [tilespmem:s1+$0xFFFFFF80];
	[tilespmem:v23+s20+$0x0] =	vst.idx.msk vm0, v21  }
0x2c3: {  	v11 =	vadd.f32 v11, v16;
	v13 =	vmul.f32 v13, v5;
	v16 =	vld [tilespmem:s1+$0xFFFFFF90]  }
0x2c4: {  	v18 =	vmul.f32 v18, v6;
	v14 =	vadd.f32 v22, v14;
	v21 =	vld [tilespmem:s1+$0xFFFFFFA0]  }
0x2c5: {  	v11 =	vadd.f32 v11, v12;
	v12 =	vmul.f32 v19, v2;
	v19 =	vld [tilespmem:s1+$0xFFFFFFB0]  }
0x2c6: {  	v20 =	vmul.f32 v20, v3;
	v13 =	vadd.f32 v18, v13;
	v14 =	vadd.f32 v14, v15;
	v15 =	vld [tilespmem:s1+$0xFFFFFFC0]  }
0x2c7: {  	v17 =	vmul.f32 v17, v0;
	v18 =	vld [tilespmem:s1+$0xFFFFFFD0];
	(xrf2) =	vadd.scan.msk.f32 $0xffff, v11  }
0x2c8: {  	s9 =	sadd.s32 $0x159, s4;
	v11 =	vadd.f32 v20, v12;
	v12 =	vmul.f32 v16, v1;
	v16 =	vld [tilespmem:s1+$0xFFFFFFE0]  }
0x2c9: {  	v20 =	vmov s9;
	v21 =	vmul.f32 v21, v4;
	v22 =	vld [tilespmem:s1+$0xFFFFFFF0]  }
0x2ca: {  	v11 =	vadd.f32 v11, v13;
	v13 =	vmul.f32 v19, v7;
	v12 =	vadd.f32 v12, v17;
	v17 =	vld [tilespmem:s1+$0x0]  }
0x2cb: {  	v19 =	vand.u32 $0xFFFFFFF9, v20;
	v15 =	vmul.f32 v15, v5;
	v20 =	vld [tilespmem:s1+$0x10]  }
0x2cc: {  	v11 =	vadd.f32 v11, v14;
	v14 =	vmul.f32 v18, v6;
	v13 =	vadd.f32 v13, v21;
	v18 =	vld [tilespmem:s1+$0x20]  }
0x2cd: {  	v19 =	vbroadcast v19, $0x0;
	v16 =	vmul.f32 v16, v2;
	v21 =	vld [tilespmem:s1+$0x30]  }
0x2ce: {  	v22 =	vmul.f32 v22, v3;
	v14 =	vadd.f32 v14, v15;
	v12 =	vadd.f32 v13, v12;
	v13 =	vld [tilespmem:s1+$0x40];
	(xrf2) =	vadd.scan.msk.f32 $0xffff, v11  }
0x2cf: {  	s9 =	sadd.s32 $0x15A, s4;
	v11 =	vmul.f32 v17, v0;
	v15 =	vld [tilespmem:s1+$0x50]  }
0x2d0: {  	v17 =	vmov s9;
	v16 =	vadd.f32 v22, v16;
	v20 =	vmul.f32 v20, v1;
	v22 =	vld [tilespmem:s1+$0x60]  }
0x2d1: {  	v17 =	vand.u32 $0xFFFFFFFA, v17;
	v18 =	vmul.f32 v18, v4;
	v23 =	vld [tilespmem:s1+$0x70];
	v24, _, _ =	vpop (xrf2)  }
0x2d2: {  	v14 =	vadd.f32 v16, v14;
	v16 =	vmul.f32 v21, v7;
	v11 =	vadd.f32 v20, v11;
	v20 =	vld [tilespmem:s1+$0x80]  }
0x2d3: {  	v17 =	vbroadcast v17, $0x0;
	[tilespmem:v19+s20+$0x0] =	vst.idx.msk vm0, v24;
	v13 =	vmul.f32 v13, v5;
	v19 =	vld [tilespmem:s1+$0x90]  }
0x2d4: {  	v12 =	vadd.f32 v14, v12;
	v14 =	vmul.f32 v15, v6;
	v15 =	vadd.f32 v16, v18;
	v16 =	vld [tilespmem:s1+$0xA0]  }
0x2d5: {  	v18 =	vmul.f32 v22, v2;
	v21 =	vld [tilespmem:s1+$0xB0]  }
0x2d6: {  	v22 =	vmul.f32 v23, v3;
	v13 =	vadd.f32 v14, v13;
	v11 =	vadd.f32 v15, v11;
	v14 =	vld [tilespmem:s1+$0xC0];
	(xrf2) =	vadd.scan.msk.f32 $0xffff, v12  }
0x2d7: {  	s9 =	sadd.s32 $0x15B, s4;
	v12 =	vmul.f32 v20, v0;
	v15 =	vld [tilespmem:s1+$0xD0]  }
0x2d8: {  	v20 =	vmov s9;
	v18 =	vadd.f32 v22, v18;
	v19 =	vmul.f32 v19, v1;
	v22 =	vld [tilespmem:s1+$0xE0];
	v23, _, _ =	vpop (xrf2)  }
0x2d9: {  	[tilespmem:v17+s20+$0x0] =	vst.idx.msk vm0, v23;
	v17 =	vand.u32 $0xFFFFFFFB, v20;
	v16 =	vmul.f32 v16, v4;
	v20 =	vld [tilespmem:s1+$0xF0]  }
0x2da: {  	v13 =	vadd.f32 v18, v13;
	v18 =	vmul.f32 v21, v7;
	v12 =	vadd.f32 v19, v12;
	v19 =	vld [tilespmem:s1+$0x100]  }
0x2db: {  	v17 =	vbroadcast v17, $0x0;
	v14 =	vmul.f32 v14, v5;
	v21 =	vld [tilespmem:s1+$0x110]  }
0x2dc: {  	v13 =	vadd.f32 v13, v11;
	v11 =	vmul.f32 v15, v6;
	v15 =	vadd.f32 v18, v16;
	v16 =	vld [tilespmem:s1+$0x120]  }
0x2dd: {  	v18 =	vmul.f32 v22, v2;
	v22 =	vld [tilespmem:s1+$0x130]  }
.Ltmp9:
0x2de: {  	v20 =	vmul.f32 v20, v3;
	v23 =	vadd.f32 v11, v14;
	v11 =	vadd.f32 v15, v12;
	v12 =	vld [tilespmem:s1+$0x140];
	(xrf2) =	vadd.scan.msk.f32 $0xffff, v13;
	(pc) =	sbr.rel @p2 .LBB2_13-.Ltmp9, $4  }
0x2df: {  	s9 =	sadd.s32 $0x15C, s4;
	v24 =	vmul.f32 v19, v0;
	v13 =	vld [tilespmem:s1+$0x150]  }
0x2e0: {  	v15 =	vmov s9;
	v18 =	vadd.f32 v20, v18;
	v25 =	vmul.f32 v21, v1;
	v14 =	vld [tilespmem:s1+$0x160];
	v19, _, _ =	vpop (xrf2)  }
0x2e1: {  	v15 =	vand.u32 $0xFFFFFFFC, v15;
	[tilespmem:v17+s20+$0x0] =	vst.idx.msk vm0, v19;
	v19 =	vmul.f32 v16, v4;
	v16 =	vld [tilespmem:s1+$0x170]  }
0x2e2: {  	v17 =	vld [tilespmem:s1+$0xFFFFFE00];
	v20 =	vadd.f32 v18, v23;
	v21 =	vmul.f32 v22, v7;
	v18 =	vadd.f32 v25, v24;
	s1 =	sadd.s32 $0x400, s1  }
.LBB2_14:
0x2e3: {  	_ =	sdelay $0x2  }
0x2e4: {  	v1 =	vmul.f32 v12, v5  }
0x2e5: {  	v4 =	vmul.f32 v13, v6;
	v0 =	vmul.f32 v17, v0  }
0x2e6: {  	v2 =	vmul.f32 v14, v2;
	v3 =	vmul.f32 v16, v3  }
0x2e7: {  	v5 =	vadd.f32 v21, v19;
	v0 =	vadd.f32 v10, v0  }
0x2e8: {  	v1 =	vadd.f32 v4, v1;
	v2 =	vadd.f32 v3, v2  }
0x2e9: {  	v4 =	vadd.f32 v5, v18;
	v0 =	vadd.f32 v8, v0  }
0x2ea: {  	v3 =	vadd.f32 v20, v11;
	v1 =	vadd.f32 v2, v1  }
0x2eb: {  	v0 =	vadd.f32 v9, v0  }
0x2ec: {  	(xrf2) =	vadd.scan.msk.f32 $0xffff, v3;
	v1 =	vadd.f32 v1, v4  }
0x2ed: {  	(xrf2) =	vadd.scan.msk.f32 $0xffff, v0  }
0x2ee: {  	s1 =	sadd.s32 $0x15D, s4;
	(xrf2) =	vadd.scan.msk.f32 $0xffff, v1  }
0x2ef: {  	s28 =	sadd.s32 $0x158, s4;
	v0 =	vmov s1  }
0x2f0: {  	s4 =	sadd.s32 $0x15E, s4;
	v2 =	vmov s28;
	v1 =	vbroadcast v15, $0x0;
	v0 =	vand.u32 $0xFFFFFFFD, v0  }
0x2f1: {  	v3 =	vmov s4;
	v2 =	vand.u32 $0xFFFFFFF8, v2;
	v0 =	vbroadcast v0, $0x0  }
0x2f2: {  	v3 =	vand.u32 $0xFFFFFFFE, v3;
	v2 =	vbroadcast v2, $0x0  }
0x2f3: {  	v3 =	vbroadcast v3, $0x0;
	_ =	sdelay $0x1  }
0x2f4: {  	v4, _, _ =	vpop (xrf2)  }
0x2f5: {  	s9 =	sadd.s32 s6, s8;
	s14 =	sshll.u32 s10, $0x5;
	v5, _, _ =	vpop (xrf2);
	[tilespmem:v1+s20+$0x0] =	vst.idx.msk vm0, v4  }
0x2f6: {  	s1 =	sshll.u32 s9, $0x6;
	s9 =	sand.u32 $0x60, s14;
	[tilespmem:v0+s20+$0x0] =	vst.idx.msk vm0, v5;
	v0, _, _ =	vpop (xrf2)  }
0x2f7: {  	s4 =	sand.u32 $0x3FE00, s1;
	s18 =	sadd.s32 s7, s9;
	[tilespmem:v2+s20+$0x0] =	vst.idx.msk vm0, v0;
	v0, _, _ =	vpop (xrf2)  }
0x2f8: {  	s1 =	sadd.s32 s4, s18;
	[tilespmem:v3+s20+$0x0] =	vst.idx.msk vm0, v0  }
0x2f9: {  	[hbm4b:s1+s19] =	stream.strided.scatter [tilespmem:s20], [sflag:$0x4], $0x200, s21, s19, $0x38;
	[tilespmem:$0x1CC80] =	vst v63  }
0x2fa: {  	s1 =	simm.s32 @!p0 $0x1  }
0x2fb: {  	_ =	swait.ge @!p0 [sflag:s1], $0x200  }
0x2fc: {  	s14 =	simm.s32 @!p0 $0x880;
	[sflag:s1] =	ssyncset.done @!p0 $0x0  }
0x2fd: {  	s9 =	simm.s32 @!p0 $0x480;
	[sflag:s1] =	ssyncadd.s32 @!p0 $0xFFFFFE00;
	s1 =	simm.s32 @!p0 $0x70  }
0x2fe: {  	[tilespmem:s14], [sflag:$0x2] =	stream.indirect.gather @!p0 [hbm4b:s2+s1], $0x80, s9, s1, $0xb8;
	[tilespmem:$0x1CC80] =	vst v63  }
0x2ff: {  	s9 =	simm.s32 @!p0 $0x500;
	s14 =	simm.s32 @!p0 $0x4080  }
0x300: {  	[tilespmem:s14], [sflag:$0x2] =	stream.indirect.gather @!p0 [hbm4b:s2+s1], $0x80, s9, s1, $0xb8;
	[tilespmem:$0x1CC80] =	vst v63  }
0x301: {  	s9 =	simm.s32 @!p0 $0x580;
	s14 =	simm.s32 @!p0 $0x7880  }
0x302: {  	[tilespmem:s14], [sflag:$0x2] =	stream.indirect.gather @!p0 [hbm4b:s2+s1], $0x80, s9, s1, $0xb8;
	[tilespmem:$0x1CC80] =	vst v63  }
0x303: {  	s9 =	simm.s32 @!p0 $0x600;
	s14 =	simm.s32 @!p0 $0xB080  }
0x304: {  	[tilespmem:s14], [sflag:$0x2] =	stream.indirect.gather @!p0 [hbm4b:s2+s1], $0x80, s9, s1, $0xb8;
	[tilespmem:$0x1CC80] =	vst v63  }
0x305: {  	_ =	swait.ge [sflag:s22], $0x3800  }
0x306: {  	[sflag:s22] =	ssyncset.done $0x0  }
0x307: {  	[sflag:s22] =	ssyncadd.s32 $0xFFFFC800  }
0x308: {  	_ =	swait.ge [sflag:s22], $0x3800  }
0x309: {  	[sflag:s22] =	ssyncset.done $0x0  }
0x30a: {  	[sflag:s22] =	ssyncadd.s32 $0xFFFFC800  }
0x30b: {  	_ =	swait.ge [sflag:s22], $0x3800  }
0x30c: {  	[sflag:s22] =	ssyncset.done $0x0  }
0x30d: {  	[sflag:s22] =	ssyncadd.s32 $0xFFFFC800  }
0x30e: {  	s1 =	sadd.s32 @!p0 s8, s12;
	_ =	swait.ge [sflag:s22], $0x3800  }
0x30f: {  	s8 =	simm.s32 @!p0 $0x0;
	s1 =	sshll.u32 @!p0 s1, $0x6;
	[sflag:s22] =	ssyncset.done $0x0  }
0x310: {  	s9 =	simm.s32 @!p0 $0x680;
	s1 =	sadd.s32 @!p0 s5, s1;
	[sflag:s22] =	ssyncadd.s32 $0xFFFFC800  }
0x311: {  	[tilespmem:s9], [sflag:$0x1] =	stream.linear.gather @!p0 [hbm4b:s1+s8], $0x200, $0x38;
	[tilespmem:$0x1CC80] =	vst v63  }
0x312: {  	p0 =	por p0, !p1  }
0x313: {  	_ =	swait.ge @p0 [sflag:s15], $0x200  }
0x314: {  	s26 =	sshll.u32 s13, $0x7;
	[sflag:s15] =	ssyncset.done @p0 $0x0  }
0x315: {  	s1 =	sand.u32 $0x380, s26;
	[sflag:s15] =	ssyncadd.s32 @p0 $0xFFFFFE00  }
0x316: {  	v0 =	vld [tilespmem:s1+$0x80]  }
0x317: {  	v1 =	vld [tilespmem:s1+$0x90]  }
0x318: {  	v4 =	vld [tilespmem:s1+$0xA0]  }
0x319: {  	v7 =	vld [tilespmem:s1+$0xB0]  }
0x31a: {  	v5 =	vld [tilespmem:s1+$0xC0]  }
0x31b: {  	v6 =	vld [tilespmem:s1+$0xD0]  }
0x31c: {  	v2 =	vld [tilespmem:s1+$0xE0]  }
0x31d: {  	v3 =	vld [tilespmem:s1+$0xF0];
	s1 =	simm.s32 $0xEA80  }
0x31e: {  	v8 =	vld [tilespmem:s1+$0x180]  }
0x31f: {  	v10 =	vld [tilespmem:s1+$0x190]  }
0x320: {  	v11 =	vld [tilespmem:s1+$0x1A0]  }
0x321: {  	v12 =	vld [tilespmem:s1+$0x1B0]  }
0x322: {  	v13 =	vld [tilespmem:s1+$0x1C0]  }
0x323: {  	v14 =	vld [tilespmem:s1+$0x1D0]  }
0x324: {  	v15 =	vld [tilespmem:s1+$0x1E0]  }
0x325: {  	v16 =	vld [tilespmem:s1+$0x1F0]  }
0x326: {  	v17 =	vld [tilespmem:s1+$0xFFFFFE20]  }
0x327: {  	v18 =	vld [tilespmem:s1+$0xFFFFFE30]  }
0x328: {  	v19 =	vld [tilespmem:s1+$0xFFFFFE40]  }
0x329: {  	v20 =	vld [tilespmem:s1+$0xFFFFFE50]  }
0x32a: {  	v21 =	vld [tilespmem:s1+$0xFFFFFE60]  }
0x32b: {  	v22 =	vld [tilespmem:s1+$0xFFFFFE70]  }
0x32c: {  	v23 =	vld [tilespmem:s1+$0xFFFFFE80]  }
0x32d: {  	v24 =	vld [tilespmem:s1+$0xFFFFFE90]  }
0x32e: {  	v25 =	vld [tilespmem:s1+$0xFFFFFEA0]  }
0x32f: {  	v26 =	vld [tilespmem:s1+$0xFFFFFEB0]  }
0x330: {  	v27 =	vld [tilespmem:s1+$0xFFFFFEC0]  }
0x331: {  	v28 =	vld [tilespmem:s1+$0xFFFFFED0]  }
0x332: {  	v30 =	vld [tilespmem:s1+$0xFFFFFEF0]  }
0x333: {  	v31 =	vld [tilespmem:s1+$0xFFFFFF00]  }
0x334: {  	v32 =	vld [tilespmem:s1+$0xFFFFFF10]  }
0x335: {  	v34 =	vld [tilespmem:s1+$0xFFFFFF30];
	v8 =	vmul.f32 v8, v0;
	v10 =	vmul.f32 v10, v1  }
0x336: {  	v35 =	vld [tilespmem:s1+$0xFFFFFF40];
	v11 =	vmul.f32 v11, v4;
	v12 =	vmul.f32 v12, v7  }
0x337: {  	v63 =	vld [tilespmem:s1+$0xFFFFFFF0];
	v13 =	vmul.f32 v13, v5;
	v14 =	vmul.f32 v14, v6  }
0x338: {  	v37 =	vld [tilespmem:s1+$0x0];
	v15 =	vmul.f32 v15, v2;
	v16 =	vmul.f32 v16, v3  }
0x339: {  	v29 =	vld [tilespmem:s1+$0xFFFFFEE0];
	v57 =	vmul.f32 v28, v6;
	v59 =	vmul.f32 v30, v3  }
0x33a: {  	v39 =	vld [tilespmem:s1+$0x10];
	v61 =	vmul.f32 v31, v0;
	v62 =	vmul.f32 v32, v1  }
0x33b: {  	v33 =	vld [tilespmem:s1+$0xFFFFFF20];
	v36 =	vmul.f32 v34, v7;
	v38 =	vmul.f32 v35, v5  }
0x33c: {  	v56 =	vld [tilespmem:s1+$0xFFFFFFC0];
	v42 =	vmul.f32 v63, v3;
	v8 =	vadd.f32 v10, v8;
	v10 =	vadd.f32 v12, v11  }
0x33d: {  	v44 =	vmul.f32 v37, v0;
	v12 =	vld [tilespmem:s1+$0xFFFFFF50];
	v11 =	vadd.f32 v14, v13;
	v13 =	vadd.f32 v16, v15  }
0x33e: {  	v14 =	vld [tilespmem:s1+$0xFFFFFF60];
	v15 =	vmul.f32 v17, v4;
	v16 =	vmul.f32 v18, v7  }
0x33f: {  	v45 =	vmul.f32 v39, v1;
	v17 =	vld [tilespmem:s1+$0xFFFFFF70];
	v10 =	vadd.f32 v10, v8;
	v11 =	vadd.f32 v13, v11  }
0x340: {  	v58 =	vld [tilespmem:s1+$0xFFFFFFD0];
	v18 =	vmul.f32 v19, v5;
	v19 =	vmul.f32 v20, v6;
	v8 =	vadd.f32 v16, v15  }
0x341: {  	v60 =	vld [tilespmem:s1+$0xFFFFFFE0];
	v16 =	vmul.f32 v21, v2;
	v20 =	vadd.f32 v11, v10;
	v11 =	vmul.f32 v22, v3  }
0x342: {  	v13 =	vld [tilespmem:s1+$0xFFFFFF80];
	v10 =	vadd.f32 v19, v18;
	v18 =	vmul.f32 v23, v0;
	v19 =	vmul.f32 v24, v1  }
0x343: {  	v15 =	vld [tilespmem:s1+$0xFFFFFF90];
	v23 =	vmul.f32 v26, v7;
	v12 =	vmul.f32 v12, v6  }
0x344: {  	v46 =	vld [tilespmem:s1+$0xA0];
	v14 =	vmul.f32 v14, v2;
	v17 =	vmul.f32 v17, v3  }
0x345: {  	v48 =	vld [tilespmem:s1+$0xB0];
	v11 =	vadd.f32 v11, v16;
	v16 =	vmul.f32 v25, v4;
	v18 =	vadd.f32 v19, v18  }
0x346: {  	v21 =	vld [tilespmem:s1+$0xFFFFFFA0];
	v19 =	vmul.f32 v27, v5;
	v25 =	vadd.f32 v62, v61;
	v12 =	vadd.f32 v12, v38  }
0x347: {  	v22 =	vld [tilespmem:s1+$0xFFFFFFB0];
	v14 =	vadd.f32 v17, v14;
	v16 =	vadd.f32 v23, v16;
	v23 =	vmul.f32 v29, v2  }
0x348: {  	v40 =	vld [tilespmem:s1+$0x20];
	v13 =	vmul.f32 v13, v0;
	v15 =	vmul.f32 v15, v1;
	v19 =	vadd.f32 v57, v19  }
0x349: {  	v17 =	vld [tilespmem:s1+$0x40];
	v16 =	vadd.f32 v16, v18;
	v18 =	vmul.f32 v33, v4;
	v23 =	vadd.f32 v59, v23  }
0x34a: {  	v51 =	vmul.f32 v46, v4;
	v12 =	vadd.f32 v14, v12;
	v14 =	vld [tilespmem:s1+$0x60];
	v13 =	vadd.f32 v15, v13  }
0x34b: {  	s18 =	simm.s32 $0x3;
	v52 =	vmul.f32 v48, v7;
	v15 =	vld [tilespmem:s1+$0x70];
	v19 =	vadd.f32 v23, v19;
	v18 =	vadd.f32 v36, v18  }
0x34c: {  	v53 =	vmov s18;
	v21 =	vmul.f32 v21, v4;
	v22 =	vmul.f32 v22, v7;
	v23 =	vld [tilespmem:s1+$0x30]  }
0x34d: {  	v47 =	vmul.f32 v40, v4;
	v16 =	vadd.f32 v19, v16;
	v19 =	vld [tilespmem:s1+$0x50];
	v18 =	vadd.f32 v18, v25  }
0x34e: {  	v24 =	vmul.f32 v56, v5;
	v26 =	vadd.f32 v52, v51;
	(xrf2) =	vadd.scan.msk.f32 $0xffff, v20;
	v20 =	vld [tilespmem:s1+$0xD0];
	v21 =	vadd.f32 v22, v21  }
0x34f: {  	v41 =	vld [tilespmem:s1+$0x80];
	v22 =	vmul.f32 v60, v2;
	v12 =	vadd.f32 v12, v18;
	v18 =	vmul.f32 v58, v6  }
0x350: {  	v13 =	vadd.f32 v21, v13;
	v21 =	vld [tilespmem:s1+$0xC0];
	v14 =	vmul.f32 v14, v2;
	v15 =	vmul.f32 v15, v3  }
0x351: {  	v49 =	vld [tilespmem:s1+$0xE0];
	v22 =	vadd.f32 v42, v22;
	v23 =	vmul.f32 v23, v7;
	v18 =	vadd.f32 v18, v24  }
0x352: {  	v17 =	vmul.f32 v17, v5;
	v14 =	vadd.f32 v15, v14;
	v15 =	vld [tilespmem:s1+$0xF0];
	v19 =	vmul.f32 v19, v6  }
0x353: {  	s28 =	simm.s32 $0x1;
	v43 =	vld [tilespmem:s1+$0x90];
	v20 =	vmul.f32 v20, v6;
	(xrf2) =	vadd.scan.msk.f32 $0xffff, v16;
	v23 =	vadd.f32 v23, v47;
	v18 =	vadd.f32 v22, v18  }
0x354: {  	v9 =	vld [tilespmem:s1+$0xFFFFFE10];
	v16 =	vmov s28;
	(xrf2) =	vadd.scan.msk.f32 $0xffff, v12;
	v22 =	vadd.f32 v45, v44;
	v12 =	vadd.f32 v19, v17  }
0x355: {  	v50 =	vld [tilespmem:s1+$0x120];
	v16 =	vand.u32 $0xFFFFFFF9, v16;
	v21 =	vmul.f32 v21, v5;
	v13 =	vadd.f32 v18, v13  }
0x356: {  	s14 =	simm.s32 $0x2;
	s9 =	simm.s32 $0x7;
	v55 =	vld [tilespmem:s1+$0x160];
	v24 =	vmul.f32 v49, v2;
	v22 =	vadd.f32 v23, v22;
	v12 =	vadd.f32 v14, v12  }
0x357: {  	v54 =	vld [tilespmem:s1+$0x150];
	v17 =	vmov s9;
	v19 =	vmov s14;
	v15 =	vmul.f32 v15, v3  }
0x358: {  	v18 =	vld [tilespmem:s1+$0x100];
	v23 =	vmul.f32 v43, v1;
	(xrf2) =	vadd.scan.msk.f32 $0xffff, v13;
	v13 =	vmul.f32 v41, v0;
	v12 =	vadd.f32 v12, v22  }
0x359: {  	v16 =	vbroadcast v16, $0x0;
	v20 =	vadd.f32 v20, v21;
	v19 =	vand.u32 $0xFFFFFFFA, v19;
	v14 =	vld [tilespmem:s1+$0x110]  }
0x35a: {  	v58 =	vld [tilespmem:s1+$0x170];
	v19 =	vbroadcast v19, $0x0;
	v15 =	vadd.f32 v15, v24;
	v13 =	vadd.f32 v23, v13;
	(xrf2) =	vadd.scan.msk.f32 $0xffff, v12  }
0x35b: {  	s26 =	simm.s32 $0x4;
	v61 =	vmul.f32 v55, v2;
	v22 =	vld [tilespmem:s1+$0x130];
	v12 =	vand.u32 $0xFFFFFFFB, v53  }
0x35c: {  	v56, _, _ =	vpop (xrf2);
	v15 =	vadd.f32 v15, v20;
	v23 =	vld [tilespmem:s1+$0x140];
	v21 =	vadd.f32 v26, v13;
	v13 =	vmov s26  }
0x35d: {  	s8 =	simm.s32 $0xEE80;
	[tilespmem:v17+s23+$0x0] =	vst.idx.msk vm0, v56;
	v17 =	vmul.f32 v18, v0;
	v18 =	vld [tilespmem:s1+$0xFFFFFE00];
	v57 =	vbroadcast v12, $0x0;
	v13 =	vand.u32 $0xFFFFFFFC, v13  }
0x35e: {  	v14 =	vmul.f32 v14, v1;
	v12, _, _ =	vpop (xrf2);
	v20 =	vbroadcast v13, $0x0;
	v13 =	vld [tilespmem:s8+$0x190]  }
0x35f: {  	v26 =	vmul.f32 v58, v3;
	v21 =	vadd.f32 v15, v21;
	v15 =	vld [tilespmem:s8+$0x1B0];
	v59, _, _ =	vpop (xrf2);
	[tilespmem:v16+s23+$0x0] =	vst.idx.msk vm0, v12  }
0x360: {  	v16 =	vmul.f32 v50, v4;
	v12 =	vld [tilespmem:s8+$0x180];
	[tilespmem:v19+s23+$0x0] =	vst.idx.msk vm0, v59;
	v19 =	vmul.f32 v22, v7  }
0x361: {  	v22 =	vadd.f32 v14, v17;
	v17 =	vmul.f32 v23, v5;
	v23 =	vmul.f32 v54, v6;
	v14 =	vld [tilespmem:s8+$0x1A0];
	(xrf2) =	vadd.scan.msk.f32 $0xffff, v21  }
0x362: {  	v62 =	vmul.f32 v9, v1;
	v25 =	vadd.f32 v26, v61;
	v63 =	vmul.f32 v18, v0;
	v18 =	vld [tilespmem:s8+$0x1E0]  }
0x363: {  	s28 =	simm.s32 $0x5;
	v60, _, _ =	vpop (xrf2);
	v19 =	vadd.f32 v19, v16;
	v23 =	vadd.f32 v23, v17;
	v16 =	vld [tilespmem:s8+$0x1C0]  }
0x364: {  	v9 =	vadd.f32 v11, v10;
	v11 =	vmov s28;
	v17 =	vld [tilespmem:s8+$0x1D0];
	v21 =	vadd.f32 v62, v63;
	[tilespmem:v57+s23+$0x0] =	vst.idx.msk vm0, v60;
	v10, _, _ =	vpop (xrf2)  }
0x365: {  	s14 =	simm.s32 $0x0;
	s9 =	simm.s32 $0x10;
	s1 =	simm.s32 $0x8;
	v19 =	vadd.f32 v19, v22;
	v22 =	vadd.f32 v25, v23;
	[tilespmem:v20+s23+$0x0] =	vst.idx.msk vm0, v10;
	v20 =	vld [tilespmem:s8+$0x1F0];
	v10 =	vand.u32 $0xFFFFFFFD, v11  }
.LBB2_15:
0x366: {  	p0 =	slt.u32 s9, $0x68;
	v11 =	vld [tilespmem:s8+$0xFFFFFE10];
	v8 =	vadd.f32 v8, v21;
	v21 =	vbroadcast v10, $0x0  }
0x367: {  	v12 =	vmul.f32 v12, v0;
	v13 =	vmul.f32 v13, v1;
	v23 =	vld [tilespmem:s8+$0xFFFFFE20];
	v19 =	vadd.f32 v22, v19  }
0x368: {  	v14 =	vmul.f32 v14, v4;
	v15 =	vmul.f32 v15, v7;
	v22 =	vld [tilespmem:s8+$0xFFFFFE30];
	v8 =	vadd.f32 v9, v8  }
0x369: {  	v16 =	vmul.f32 v16, v5;
	v17 =	vmul.f32 v17, v6;
	v9 =	vld [tilespmem:s8+$0xFFFFFE40]  }
0x36a: {  	v25 =	vmov s14;
	v18 =	vmul.f32 v18, v2;
	v24 =	vld [tilespmem:s8+$0xFFFFFE50];
	v20 =	vmul.f32 v20, v3;
	(xrf2) =	vadd.scan.msk.f32 $0xffff, v8  }
0x36b: {  	v8 =	vadd.f32 v13, v12;
	v12 =	vadd.f32 v15, v14;
	v10 =	vmul.f32 v11, v1;
	v11 =	vld [tilespmem:s8+$0xFFFFFE60];
	v13, _, _ =	vpop (xrf2)  }
0x36c: {  	v16 =	vadd.f32 v17, v16;
	v14 =	vmul.f32 v23, v4;
	v15 =	vld [tilespmem:s8+$0xFFFFFE70];
	v17 =	vadd.f32 v20, v18  }
0x36d: {  	v18 =	vmul.f32 v22, v7;
	v20 =	vld [tilespmem:s8+$0xFFFFFE80];
	v22 =	vand.u32 $0xFFFFFFF8, v25;
	[tilespmem:v21+s23+$0x0] =	vst.idx.msk vm0, v13;
	(xrf2) =	vadd.scan.msk.f32 $0xffff, v19  }
0x36e: {  	s18 =	sadd.s32 $0x6, s14;
	s14 =	smov.u32 s1;
	s1 =	smov.u32 s9;
	v12 =	vadd.f32 v12, v8;
	v9 =	vmul.f32 v9, v5;
	v13 =	vld [tilespmem:s8+$0xFFFFFE90];
	v16 =	vadd.f32 v17, v16  }
0x36f: {  	v17 =	vmul.f32 v24, v6;
	v8 =	vadd.f32 v18, v14;
	v14 =	vld [tilespmem:s8+$0xFFFFFEA0];
	v18 =	vmov s18  }
0x370: {  	v11 =	vmul.f32 v11, v2;
	v19 =	vld [tilespmem:s8+$0xFFFFFEB0];
	v12 =	vadd.f32 v16, v12;
	v16 =	vbroadcast v22, $0x0  }
0x371: {  	v18 =	vand.u32 $0xFFFFFFFE, v18;
	v15 =	vmul.f32 v15, v3;
	v9 =	vadd.f32 v17, v9;
	v17 =	vld [tilespmem:s8+$0xFFFFFEC0]  }
0x372: {  	v20 =	vmul.f32 v20, v0;
	v21 =	vld [tilespmem:s8+$0xFFFFFED0];
	(xrf2) =	vadd.scan.msk.f32 $0xffff, v12;
	v12 =	vbroadcast v18, $0x0  }
0x373: {  	v11 =	vadd.f32 v15, v11;
	v13 =	vmul.f32 v13, v1;
	v15 =	vld [tilespmem:s8+$0xFFFFFEE0]  }
0x374: {  	v14 =	vmul.f32 v14, v4;
	v18 =	vld [tilespmem:s8+$0xFFFFFEF0];
	v22, _, _ =	vpop (xrf2)  }
0x375: {  	v9 =	vadd.f32 v11, v9;
	v11 =	vmul.f32 v19, v7;
	v13 =	vadd.f32 v13, v20;
	v19 =	vld [tilespmem:s8+$0xFFFFFF00]  }
0x376: {  	v17 =	vmul.f32 v17, v5;
	v20 =	vld [tilespmem:s8+$0xFFFFFF10];
	[tilespmem:v16+s23+$0x0] =	vst.idx.msk vm0, v22  }
0x377: {  	s18 =	sadd.s32 $0x7, s14;
	v16 =	vmul.f32 v21, v6;
	v11 =	vadd.f32 v11, v14;
	v14 =	vld [tilespmem:s8+$0xFFFFFF20];
	v21, _, _ =	vpop (xrf2)  }
0x378: {  	v23 =	vmov s18;
	v15 =	vmul.f32 v15, v2;
	v22 =	vld [tilespmem:s8+$0xFFFFFF30];
	[tilespmem:v12+s23+$0x0] =	vst.idx.msk vm0, v21  }
0x379: {  	v12 =	vmul.f32 v18, v3;
	v16 =	vadd.f32 v16, v17;
	v11 =	vadd.f32 v11, v13;
	v13 =	vld [tilespmem:s8+$0xFFFFFF40]  }
0x37a: {  	v17 =	vmul.f32 v19, v0;
	v18 =	vld [tilespmem:s8+$0xFFFFFF50]  }
0x37b: {  	v12 =	vadd.f32 v12, v15;
	v15 =	vmul.f32 v20, v1;
	v19 =	vld [tilespmem:s8+$0xFFFFFF60]  }
0x37c: {  	v14 =	vmul.f32 v14, v4;
	v20 =	vld [tilespmem:s8+$0xFFFFFF70];
	v21, _, _ =	vpop (xrf2)  }
0x37d: {  	v22 =	vmul.f32 v22, v7;
	v15 =	vadd.f32 v15, v17;
	v17 =	vld [tilespmem:s8+$0xFFFFFF80];
	[tilespmem:v23+s23+$0x0] =	vst.idx.msk vm0, v21  }
0x37e: {  	v12 =	vadd.f32 v12, v16;
	v13 =	vmul.f32 v13, v5;
	v16 =	vld [tilespmem:s8+$0xFFFFFF90]  }
0x37f: {  	v18 =	vmul.f32 v18, v6;
	v14 =	vadd.f32 v22, v14;
	v21 =	vld [tilespmem:s8+$0xFFFFFFA0]  }
0x380: {  	v11 =	vadd.f32 v12, v11;
	v12 =	vmul.f32 v19, v2;
	v19 =	vld [tilespmem:s8+$0xFFFFFFB0]  }
0x381: {  	v20 =	vmul.f32 v20, v3;
	v13 =	vadd.f32 v18, v13;
	v14 =	vadd.f32 v14, v15;
	v15 =	vld [tilespmem:s8+$0xFFFFFFC0]  }
0x382: {  	v17 =	vmul.f32 v17, v0;
	v18 =	vld [tilespmem:s8+$0xFFFFFFD0];
	(xrf2) =	vadd.scan.msk.f32 $0xffff, v11  }
0x383: {  	s18 =	sadd.s32 $0x1, s14;
	v11 =	vadd.f32 v20, v12;
	v12 =	vmul.f32 v16, v1;
	v16 =	vld [tilespmem:s8+$0xFFFFFFE0]  }
0x384: {  	v20 =	vmov s18;
	v21 =	vmul.f32 v21, v4;
	v22 =	vld [tilespmem:s8+$0xFFFFFFF0]  }
0x385: {  	v11 =	vadd.f32 v11, v13;
	v13 =	vmul.f32 v19, v7;
	v12 =	vadd.f32 v12, v17;
	v17 =	vld [tilespmem:s8+$0x0]  }
0x386: {  	v19 =	vand.u32 $0xFFFFFFF9, v20;
	v15 =	vmul.f32 v15, v5;
	v20 =	vld [tilespmem:s8+$0x10]  }
0x387: {  	v11 =	vadd.f32 v11, v14;
	v14 =	vmul.f32 v18, v6;
	v13 =	vadd.f32 v13, v21;
	v18 =	vld [tilespmem:s8+$0x20]  }
0x388: {  	v19 =	vbroadcast v19, $0x0;
	v16 =	vmul.f32 v16, v2;
	v21 =	vld [tilespmem:s8+$0x30]  }
0x389: {  	v22 =	vmul.f32 v22, v3;
	v14 =	vadd.f32 v14, v15;
	v12 =	vadd.f32 v13, v12;
	v13 =	vld [tilespmem:s8+$0x40];
	(xrf2) =	vadd.scan.msk.f32 $0xffff, v11  }
0x38a: {  	s18 =	sadd.s32 $0x2, s14;
	v11 =	vmul.f32 v17, v0;
	v15 =	vld [tilespmem:s8+$0x50]  }
0x38b: {  	v17 =	vmov s18;
	v16 =	vadd.f32 v22, v16;
	v20 =	vmul.f32 v20, v1;
	v22 =	vld [tilespmem:s8+$0x60]  }
0x38c: {  	v17 =	vand.u32 $0xFFFFFFFA, v17;
	v18 =	vmul.f32 v18, v4;
	v23 =	vld [tilespmem:s8+$0x70];
	v24, _, _ =	vpop (xrf2)  }
0x38d: {  	v14 =	vadd.f32 v16, v14;
	v16 =	vmul.f32 v21, v7;
	v11 =	vadd.f32 v20, v11;
	v20 =	vld [tilespmem:s8+$0x80]  }
0x38e: {  	v17 =	vbroadcast v17, $0x0;
	[tilespmem:v19+s23+$0x0] =	vst.idx.msk vm0, v24;
	v13 =	vmul.f32 v13, v5;
	v19 =	vld [tilespmem:s8+$0x90]  }
0x38f: {  	v12 =	vadd.f32 v14, v12;
	v14 =	vmul.f32 v15, v6;
	v15 =	vadd.f32 v16, v18;
	v16 =	vld [tilespmem:s8+$0xA0]  }
0x390: {  	v18 =	vmul.f32 v22, v2;
	v21 =	vld [tilespmem:s8+$0xB0]  }
0x391: {  	v22 =	vmul.f32 v23, v3;
	v13 =	vadd.f32 v14, v13;
	v11 =	vadd.f32 v15, v11;
	v14 =	vld [tilespmem:s8+$0xC0];
	(xrf2) =	vadd.scan.msk.f32 $0xffff, v12  }
0x392: {  	s18 =	sadd.s32 $0x3, s14;
	v12 =	vmul.f32 v20, v0;
	v15 =	vld [tilespmem:s8+$0xD0]  }
0x393: {  	v20 =	vmov s18;
	v18 =	vadd.f32 v22, v18;
	v19 =	vmul.f32 v19, v1;
	v22 =	vld [tilespmem:s8+$0xE0];
	v23, _, _ =	vpop (xrf2)  }
0x394: {  	[tilespmem:v17+s23+$0x0] =	vst.idx.msk vm0, v23;
	v17 =	vand.u32 $0xFFFFFFFB, v20;
	v16 =	vmul.f32 v16, v4;
	v20 =	vld [tilespmem:s8+$0xF0]  }
0x395: {  	v13 =	vadd.f32 v18, v13;
	v18 =	vmul.f32 v21, v7;
	v12 =	vadd.f32 v19, v12;
	v19 =	vld [tilespmem:s8+$0x100]  }
0x396: {  	v17 =	vbroadcast v17, $0x0;
	v14 =	vmul.f32 v14, v5;
	v21 =	vld [tilespmem:s8+$0x110]  }
0x397: {  	v11 =	vadd.f32 v13, v11;
	v13 =	vmul.f32 v15, v6;
	v15 =	vadd.f32 v18, v16;
	v16 =	vld [tilespmem:s8+$0x120]  }
0x398: {  	v18 =	vmul.f32 v22, v2;
	v22 =	vld [tilespmem:s8+$0x130]  }
0x399: {  	v20 =	vmul.f32 v20, v3;
	v13 =	vadd.f32 v13, v14;
	v14 =	vadd.f32 v15, v12;
	v15 =	vld [tilespmem:s8+$0x140];
	(xrf2) =	vadd.scan.msk.f32 $0xffff, v11  }
0x39a: {  	s18 =	sadd.s32 $0x4, s14;
	v11 =	vmul.f32 v19, v0;
	v19 =	vld [tilespmem:s8+$0x150]  }
0x39b: {  	v12 =	vmov s18;
	v18 =	vadd.f32 v20, v18;
	v20 =	vmul.f32 v21, v1;
	v21 =	vld [tilespmem:s8+$0x160];
	v23, _, _ =	vpop (xrf2)  }
0x39c: {  	[tilespmem:v17+s23+$0x0] =	vst.idx.msk vm0, v23;
	v17 =	vand.u32 $0xFFFFFFFC, v12;
	v16 =	vmul.f32 v16, v4;
	v23 =	vld [tilespmem:s8+$0x170]  }
0x39d: {  	v24 =	vld [tilespmem:s8+$0xFFFFFE00];
	v18 =	vadd.f32 v18, v13;
	v22 =	vmul.f32 v22, v7;
	v11 =	vadd.f32 v20, v11;
	s8 =	sadd.s32 $0x400, s8  }
0x39e: {  	v20 =	vbroadcast v17, $0x0;
	v12 =	vld [tilespmem:s8+$0x180];
	v17 =	vmul.f32 v15, v5  }
0x39f: {  	v13 =	vld [tilespmem:s8+$0x190];
	v18 =	vadd.f32 v18, v14;
	v19 =	vmul.f32 v19, v6;
	v16 =	vadd.f32 v22, v16  }
0x3a0: {  	v14 =	vld [tilespmem:s8+$0x1A0];
	v21 =	vmul.f32 v21, v2  }
.Ltmp10:
0x3a1: {  	v15 =	vld [tilespmem:s8+$0x1B0];
	v22 =	vmul.f32 v23, v3;
	v23 =	vadd.f32 v19, v17;
	v19 =	vadd.f32 v16, v11;
	(xrf2) =	vadd.scan.msk.f32 $0xffff, v18;
	(pc) =	sbr.rel @p0 .LBB2_15-.Ltmp10, $4  }
0x3a2: {  	v16 =	vld [tilespmem:s8+$0x1C0];
	v11 =	vmul.f32 v24, v0  }
0x3a3: {  	s18 =	sadd.s32 $0x5, s14;
	v17 =	vld [tilespmem:s8+$0x1D0];
	v22 =	vadd.f32 v22, v21;
	v24, _, _ =	vpop (xrf2)  }
0x3a4: {  	v18 =	vld [tilespmem:s8+$0x1E0];
	v21 =	vadd.f32 v10, v11;
	[tilespmem:v20+s23+$0x0] =	vst.idx.msk vm0, v24;
	v10 =	vmov s18  }
0x3a5: {  	s9 =	sadd.s32 $0x8, s9;
	v20 =	vld [tilespmem:s8+$0x1F0];
	v10 =	vand.u32 $0xFFFFFFFD, v10;
	v22 =	vadd.f32 v22, v23  }
0x3a6: {  	v11 =	vld [tilespmem:s8+$0xFFFFFE10]  }
0x3a7: {  	v23 =	vld [tilespmem:s8+$0xFFFFFE20]  }
0x3a8: {  	v24 =	vld [tilespmem:s8+$0xFFFFFE30]  }
0x3a9: {  	v25 =	vld [tilespmem:s8+$0xFFFFFE40]  }
0x3aa: {  	v26 =	vld [tilespmem:s8+$0xFFFFFE50]  }
0x3ab: {  	v27 =	vld [tilespmem:s8+$0xFFFFFE60]  }
0x3ac: {  	v28 =	vld [tilespmem:s8+$0xFFFFFE70]  }
0x3ad: {  	v29 =	vld [tilespmem:s8+$0xFFFFFE80]  }
0x3ae: {  	v30 =	vld [tilespmem:s8+$0xFFFFFE90]  }
0x3af: {  	v31 =	vld [tilespmem:s8+$0xFFFFFEA0]  }
0x3b0: {  	v32 =	vld [tilespmem:s8+$0xFFFFFEB0]  }
0x3b1: {  	v33 =	vld [tilespmem:s8+$0xFFFFFEC0]  }
0x3b2: {  	v34 =	vld [tilespmem:s8+$0xFFFFFED0]  }
0x3b3: {  	v35 =	vld [tilespmem:s8+$0xFFFFFEE0]  }
0x3b4: {  	v36 =	vld [tilespmem:s8+$0xFFFFFEF0]  }
0x3b5: {  	v37 =	vld [tilespmem:s8+$0xFFFFFF00]  }
0x3b6: {  	v38 =	vld [tilespmem:s8+$0xFFFFFF10]  }
0x3b7: {  	v39 =	vld [tilespmem:s8+$0xFFFFFF20]  }
0x3b8: {  	v40 =	vld [tilespmem:s8+$0xFFFFFF30]  }
0x3b9: {  	v41 =	vld [tilespmem:s8+$0xFFFFFF40]  }
0x3ba: {  	v63 =	vld [tilespmem:s8+$0xFFFFFFE0]  }
0x3bb: {  	v12 =	vmul.f32 v12, v0;
	v45 =	vld [tilespmem:s8+$0x0]  }
0x3bc: {  	v21 =	vadd.f32 v8, v21;
	v13 =	vmul.f32 v13, v1;
	v14 =	vmul.f32 v14, v4;
	v48 =	vld [tilespmem:s8+$0x10]  }
0x3bd: {  	v15 =	vmul.f32 v15, v7;
	v51 =	vld [tilespmem:s8+$0x20];
	v8 =	vadd.f32 v22, v19;
	v16 =	vmul.f32 v16, v5  }
0x3be: {  	v53 =	vld [tilespmem:s8+$0x30];
	v17 =	vmul.f32 v17, v6;
	v12 =	vadd.f32 v13, v12;
	v13 =	vmul.f32 v18, v2  }
0x3bf: {  	v56 =	vld [tilespmem:s8+$0x40];
	v14 =	vadd.f32 v15, v14;
	v18 =	vmul.f32 v20, v3;
	v20 =	vmul.f32 v23, v4  }
0x3c0: {  	v58 =	vld [tilespmem:s8+$0x50];
	v16 =	vadd.f32 v17, v16;
	v17 =	vmul.f32 v24, v7;
	v59 =	vmul.f32 v26, v6  }
0x3c1: {  	v19 =	vld [tilespmem:s8+$0xFFFFFF50];
	v12 =	vadd.f32 v14, v12;
	v14 =	vmul.f32 v27, v2;
	v60 =	vmul.f32 v28, v3  }
0x3c2: {  	v22 =	vld [tilespmem:s8+$0xFFFFFF70];
	v61 =	vmul.f32 v29, v0;
	v62 =	vmul.f32 v30, v1  }
0x3c3: {  	v9 =	vadd.f32 v9, v21;
	v21 =	vld [tilespmem:s8+$0xFFFFFF60];
	v42 =	vmul.f32 v31, v4;
	v43 =	vmul.f32 v33, v5  }
0x3c4: {  	v15 =	vld [tilespmem:s8+$0xFFFFFF80];
	v44 =	vmul.f32 v34, v6;
	v46 =	vmul.f32 v35, v2  }
0x3c5: {  	v23 =	vld [tilespmem:s8+$0xFFFFFF90];
	v47 =	vmul.f32 v36, v3;
	v49 =	vmul.f32 v37, v0  }
0x3c6: {  	v27 =	vld [tilespmem:s8+$0xFFFFFFB0];
	v50 =	vmul.f32 v38, v1;
	v54 =	vmul.f32 v39, v4;
	v13 =	vadd.f32 v18, v13  }
0x3c7: {  	v55 =	vmul.f32 v40, v7;
	v38 =	vld [tilespmem:s8+$0xC0];
	v18 =	vmul.f32 v25, v5  }
0x3c8: {  	v57 =	vmul.f32 v41, v5;
	v25 =	vld [tilespmem:s8+$0xFFFFFFA0];
	v14 =	vadd.f32 v60, v14;
	v16 =	vadd.f32 v13, v16  }
0x3c9: {  	v19 =	vmul.f32 v19, v6;
	v13 =	vadd.f32 v17, v20;
	v17 =	vld [tilespmem:s8+$0xFFFFFFC0];
	v18 =	vadd.f32 v59, v18  }
0x3ca: {  	v22 =	vmul.f32 v22, v3;
	v24 =	vadd.f32 v62, v61;
	v26 =	vadd.f32 v44, v43;
	v20 =	vld [tilespmem:s8+$0xFFFFFFD0]  }
0x3cb: {  	v21 =	vmul.f32 v21, v2;
	v16 =	vadd.f32 v16, v12;
	v12 =	vadd.f32 v14, v18;
	v18 =	vld [tilespmem:s8+$0xFFFFFFF0]  }
0x3cc: {  	v40 =	vld [tilespmem:s8+$0xE0];
	v52 =	vadd.f32 v47, v46;
	v30 =	vadd.f32 v50, v49;
	v15 =	vmul.f32 v15, v0  }
0x3cd: {  	v60 =	vld [tilespmem:s8+$0x70];
	v21 =	vadd.f32 v22, v21;
	v14 =	vmul.f32 v32, v7;
	v22 =	vmul.f32 v23, v1  }
0x3ce: {  	v62 =	vld [tilespmem:s8+$0x90];
	v19 =	vadd.f32 v19, v57;
	v27 =	vmul.f32 v27, v7;
	v25 =	vmul.f32 v25, v4  }
0x3cf: {  	v46 =	vld [tilespmem:s8+$0x110];
	v15 =	vadd.f32 v22, v15;
	v22 =	vmul.f32 v63, v2;
	v17 =	vmul.f32 v17, v5  }
0x3d0: {  	v47 =	vld [tilespmem:s8+$0x120];
	v19 =	vadd.f32 v21, v19;
	v20 =	vmul.f32 v20, v6;
	v18 =	vmul.f32 v18, v3  }
0x3d1: {  	v39 =	vmul.f32 v48, v1;
	v59 =	vld [tilespmem:s8+$0x60];
	v14 =	vadd.f32 v14, v42;
	v25 =	vadd.f32 v27, v25  }
0x3d2: {  	v41 =	vmul.f32 v51, v4;
	v49 =	vld [tilespmem:s8+$0x130];
	v17 =	vadd.f32 v20, v17;
	v18 =	vadd.f32 v18, v22  }
0x3d3: {  	v43 =	vmul.f32 v56, v5;
	v50 =	vld [tilespmem:s8+$0x140];
	v14 =	vadd.f32 v14, v24;
	v24 =	vadd.f32 v52, v26  }
0x3d4: {  	v44 =	vmul.f32 v58, v6;
	v21 =	vld [tilespmem:s8+$0xA0];
	v15 =	vadd.f32 v25, v15;
	v17 =	vadd.f32 v18, v17  }
0x3d5: {  	v63 =	vld [tilespmem:s8+$0xB0];
	v14 =	vadd.f32 v24, v14;
	v24 =	vmul.f32 v60, v3;
	v22 =	vmul.f32 v45, v0  }
0x3d6: {  	v23 =	vld [tilespmem:s8+$0x80];
	v18 =	vmul.f32 v53, v7;
	v15 =	vadd.f32 v17, v15;
	v17 =	vmul.f32 v59, v2  }
0x3d7: {  	v11 =	vmul.f32 v11, v1;
	v42 =	vld [tilespmem:s8+$0xF0];
	v25 =	vadd.f32 v44, v43;
	v22 =	vadd.f32 v39, v22  }
0x3d8: {  	v51 =	vmul.f32 v38, v5;
	v20 =	vld [tilespmem:s8+$0xD0];
	v18 =	vadd.f32 v18, v41;
	v17 =	vadd.f32 v24, v17  }
0x3d9: {  	v32 =	vadd.f32 v55, v54;
	v48 =	vmul.f32 v62, v1;
	v21 =	vmul.f32 v21, v4;
	v45 =	vld [tilespmem:s8+$0x100]  }
0x3da: {  	v56 =	vld [tilespmem:s8+$0x170];
	v18 =	vadd.f32 v18, v22;
	v22 =	vmul.f32 v63, v7;
	v17 =	vadd.f32 v17, v25  }
0x3db: {  	v55 =	vld [tilespmem:s8+$0x160];
	v61 =	vadd.f32 v32, v30;
	v31 =	vmul.f32 v47, v4;
	v23 =	vmul.f32 v23, v0  }
0x3dc: {  	v54 =	vmul.f32 v42, v3;
	v17 =	vadd.f32 v17, v18;
	v18 =	vadd.f32 v22, v21;
	v21 =	vld [tilespmem:s8+$0xFFFFFE00]  }
0x3dd: {  	v52 =	vld [tilespmem:s8+$0x150];
	v53 =	vmul.f32 v40, v2;
	v20 =	vmul.f32 v20, v6  }
0x3de: {  	v19 =	vadd.f32 v19, v61;
	v59 =	vmul.f32 v46, v1;
	v58 =	vmul.f32 v45, v0  }
0x3df: {  	(xrf2) =	vadd.scan.msk.f32 $0xffff, v9;
	v28 =	vmul.f32 v50, v5;
	v23 =	vadd.f32 v48, v23;
	v20 =	vadd.f32 v20, v51  }
0x3e0: {  	(xrf2) =	vadd.scan.msk.f32 $0xffff, v8;
	v24 =	vmul.f32 v56, v3;
	v8 =	vadd.f32 v59, v58;
	v22 =	vadd.f32 v54, v53  }
0x3e1: {  	v18 =	vadd.f32 v18, v23;
	v23 =	vmul.f32 v49, v7;
	v21 =	vmul.f32 v21, v0  }
0x3e2: {  	v9 =	vadd.f32 v22, v20;
	v20 =	vmul.f32 v52, v6;
	v22 =	vmul.f32 v55, v2  }
0x3e3: {  	v10 =	vbroadcast v10, $0x0;
	(xrf2) =	vadd.scan.msk.f32 $0xffff, v16;
	v16 =	vadd.f32 v23, v31;
	v11 =	vadd.f32 v11, v21  }
0x3e4: {  	s26 =	sadd.s32 $0x6, s14;
	v57 =	vmov s14;
	(xrf2) =	vadd.scan.msk.f32 $0xffff, v14;
	v14 =	vadd.f32 v20, v28;
	v20 =	vadd.f32 v24, v22  }
0x3e5: {  	v60 =	vmov s26;
	v25 =	vand.u32 $0xFFFFFFF8, v57;
	v11 =	vadd.f32 v13, v11  }
0x3e6: {  	(xrf2) =	vadd.scan.msk.f32 $0xffff, v19;
	v22 =	vand.u32 $0xFFFFFFFE, v60;
	v8 =	vadd.f32 v16, v8;
	v14 =	vadd.f32 v20, v14  }
0x3e7: {  	s9 =	sadd.s32 $0x1, s1;
	(xrf2) =	vadd.scan.msk.f32 $0xffff, v15;
	v9 =	vadd.f32 v9, v18;
	v21 =	vbroadcast v25, $0x0;
	v11 =	vadd.f32 v12, v11  }
0x3e8: {  	s18 =	sadd.s32 $0x3, s1;
	s14 =	sadd.s32 $0x2, s1;
	(xrf2) =	vadd.scan.msk.f32 $0xffff, v17;
	v16 =	vmov s9;
	v8 =	vadd.f32 v14, v8;
	v13 =	vbroadcast v22, $0x0  }
0x3e9: {  	s26 =	sadd.s32 $0x4, s1;
	(xrf2) =	vadd.scan.msk.f32 $0xffff, v9;
	v14 =	vmov s18;
	v12 =	vand.u32 $0xFFFFFFF9, v16;
	v16 =	vmov s14  }
0x3ea: {  	s28 =	sadd.s32 $0x7, s1;
	v9 =	vbroadcast v12, $0x0;
	v12 =	vand.u32 $0xFFFFFFFA, v16;
	v16 =	vmov s26;
	(xrf2) =	vadd.scan.msk.f32 $0xffff, v11  }
0x3eb: {  	v15 =	vmov s28;
	s28 =	sadd.s32 $0x5, s1;
	v14 =	vand.u32 $0xFFFFFFFB, v14;
	v12 =	vbroadcast v12, $0x0;
	v11, _, _ =	vpop (xrf2);
	(xrf2) =	vadd.scan.msk.f32 $0xffff, v8  }
0x3ec: {  	v8, _, _ =	vpop (xrf2);
	[tilespmem:v10+s23+$0x0] =	vst.idx.msk vm0, v11;
	v10 =	vbroadcast v14, $0x0;
	v11 =	vand.u32 $0xFFFFFFFC, v16;
	v14 =	vmov s28  }
0x3ed: {  	s8 =	sadd.s32 $0x6, s1;
	v16, _, _ =	vpop (xrf2);
	[tilespmem:v21+s23+$0x0] =	vst.idx.msk vm0, v8;
	v8 =	vbroadcast v11, $0x0;
	v11 =	vand.u32 $0xFFFFFFFD, v14;
	v14 =	vmov s1  }
0x3ee: {  	[tilespmem:v13+s23+$0x0] =	vst.idx.msk vm0, v16;
	v13 =	vand.u32 $0xFFFFFFF8, v14;
	v14 =	vmov s8  }
0x3ef: {  	v17, _, _ =	vpop (xrf2);
	v11 =	vbroadcast v11, $0x0;
	v14 =	vand.u32 $0xFFFFFFFE, v14  }
0x3f0: {  	v16, _, _ =	vpop (xrf2);
	[tilespmem:v15+s23+$0x0] =	vst.idx.msk vm0, v17;
	v13 =	vbroadcast v13, $0x0  }
0x3f1: {  	v15, _, _ =	vpop (xrf2);
	[tilespmem:v9+s23+$0x0] =	vst.idx.msk vm0, v16;
	v9 =	vbroadcast v14, $0x0  }
0x3f2: {  	[tilespmem:v12+s23+$0x0] =	vst.idx.msk vm0, v15;
	v14, _, _ =	vpop (xrf2)  }
0x3f3: {  	[tilespmem:v10+s23+$0x0] =	vst.idx.msk vm0, v14;
	v10, _, _ =	vpop (xrf2)  }
0x3f4: {  	[tilespmem:v8+s23+$0x0] =	vst.idx.msk vm0, v10;
	v8, _, _ =	vpop (xrf2)  }
0x3f5: {  	[tilespmem:v11+s23+$0x0] =	vst.idx.msk vm0, v8;
	v8, _, _ =	vpop (xrf2)  }
0x3f6: {  	[tilespmem:v13+s23+$0x0] =	vst.idx.msk vm0, v8;
	v8, _, _ =	vpop (xrf2)  }
0x3f7: {  	s1 =	simm.s32 $0x12280;
	[tilespmem:v9+s23+$0x0] =	vst.idx.msk vm0, v8  }
0x3f8: {  	v8 =	vld [tilespmem:s1+$0x180]  }
0x3f9: {  	v9 =	vld [tilespmem:s1+$0x190]  }
0x3fa: {  	v11 =	vld [tilespmem:s1+$0x1A0]  }
0x3fb: {  	v12 =	vld [tilespmem:s1+$0x1B0]  }
0x3fc: {  	v13 =	vld [tilespmem:s1+$0x1C0]  }
0x3fd: {  	v14 =	vld [tilespmem:s1+$0x1D0]  }
0x3fe: {  	v15 =	vld [tilespmem:s1+$0x1E0]  }
0x3ff: {  	v16 =	vld [tilespmem:s1+$0x1F0]  }
0x400: {  	v17 =	vld [tilespmem:s1+$0xFFFFFE20]  }
0x401: {  	v18 =	vld [tilespmem:s1+$0xFFFFFE30]  }
0x402: {  	v19 =	vld [tilespmem:s1+$0xFFFFFE40]  }
0x403: {  	v20 =	vld [tilespmem:s1+$0xFFFFFE50]  }
0x404: {  	v21 =	vld [tilespmem:s1+$0xFFFFFE60]  }
0x405: {  	v22 =	vld [tilespmem:s1+$0xFFFFFE70]  }
0x406: {  	v23 =	vld [tilespmem:s1+$0xFFFFFE80]  }
0x407: {  	v61 =	vld [tilespmem:s1+$0xFFFFFE90]  }
0x408: {  	v62 =	vld [tilespmem:s1+$0xFFFFFEA0]  }
0x409: {  	v63 =	vld [tilespmem:s1+$0xFFFFFEB0]  }
0x40a: {  	v36 =	vld [tilespmem:s1+$0xFFFFFEC0]  }
0x40b: {  	v39 =	vld [tilespmem:s1+$0xFFFFFEF0]  }
0x40c: {  	v41 =	vld [tilespmem:s1+$0xFFFFFF10]  }
0x40d: {  	v42 =	vld [tilespmem:s1+$0xFFFFFF20];
	v8 =	vmul.f32 v8, v0  }
0x40e: {  	v37 =	vld [tilespmem:s1+$0xFFFFFED0];
	v9 =	vmul.f32 v9, v1;
	v11 =	vmul.f32 v11, v4  }
0x40f: {  	v38 =	vld [tilespmem:s1+$0xFFFFFEE0];
	v12 =	vmul.f32 v12, v7;
	v13 =	vmul.f32 v13, v5  }
0x410: {  	v40 =	vld [tilespmem:s1+$0xFFFFFF00];
	v14 =	vmul.f32 v14, v6;
	v15 =	vmul.f32 v15, v2  }
0x411: {  	v43 =	vld [tilespmem:s1+$0xFFFFFF90];
	v16 =	vmul.f32 v16, v3;
	v45 =	vmul.f32 v39, v3  }
0x412: {  	v44 =	vld [tilespmem:s1+$0xFFFFFFA0];
	v46 =	vmul.f32 v41, v1;
	v48 =	vmul.f32 v42, v4;
	v8 =	vadd.f32 v9, v8  }
0x413: {  	v47 =	vld [tilespmem:s1+$0xFFFFFFD0];
	v9 =	vadd.f32 v12, v11;
	v11 =	vadd.f32 v14, v13;
	v13 =	vmul.f32 v17, v4  }
0x414: {  	v12 =	vld [tilespmem:s1+$0xFFFFFF30];
	v14 =	vadd.f32 v16, v15;
	v15 =	vmul.f32 v18, v7;
	v17 =	vmul.f32 v19, v5  }
0x415: {  	v16 =	vld [tilespmem:s1+$0xFFFFFF40];
	v18 =	vmul.f32 v20, v6;
	v20 =	vmul.f32 v22, v3;
	v9 =	vadd.f32 v9, v8  }
0x416: {  	v19 =	vld [tilespmem:s1+$0xFFFFFF50];
	v11 =	vadd.f32 v14, v11;
	v14 =	vmul.f32 v21, v2;
	v8 =	vadd.f32 v15, v13  }
0x417: {  	v49 =	vld [tilespmem:s1+$0xFFFFFFE0];
	v13 =	vadd.f32 v18, v17;
	v17 =	vmul.f32 v23, v0;
	v18 =	vmul.f32 v61, v1  }
0x418: {  	v22 =	vmul.f32 v62, v4;
	v21 =	vld [tilespmem:s1+$0xFFFFFF60];
	v23 =	vmul.f32 v63, v7;
	v14 =	vadd.f32 v20, v14  }
0x419: {  	v24 =	vmul.f32 v43, v1;
	v15 =	vld [tilespmem:s1+$0xFFFFFF70];
	v11 =	vadd.f32 v11, v9;
	v17 =	vadd.f32 v18, v17  }
0x41a: {  	v50 =	vld [tilespmem:s1+$0xFFFFFFF0];
	v18 =	vadd.f32 v23, v22;
	v23 =	vmul.f32 v38, v2;
	v12 =	vmul.f32 v12, v7  }
0x41b: {  	v20 =	vld [tilespmem:s1+$0xFFFFFF80];
	v16 =	vmul.f32 v16, v5;
	v19 =	vmul.f32 v19, v6;
	v9 =	vadd.f32 v14, v13  }
0x41c: {  	v22 =	vld [tilespmem:s1+$0xFFFFFFB0];
	v13 =	vmul.f32 v36, v5;
	v14 =	vmul.f32 v37, v6;
	v17 =	vadd.f32 v18, v17  }
0x41d: {  	v51 =	vld [tilespmem:s1+$0x10];
	v18 =	vmul.f32 v40, v0;
	v23 =	vadd.f32 v45, v23;
	v21 =	vmul.f32 v21, v2  }
0x41e: {  	v15 =	vmul.f32 v15, v3;
	v12 =	vadd.f32 v12, v48;
	v13 =	vadd.f32 v14, v13;
	v14 =	vld [tilespmem:s1+$0xFFFFFFC0]  }
0x41f: {  	v52 =	vld [tilespmem:s1+$0x20];
	v27 =	vmul.f32 v50, v3;
	v16 =	vadd.f32 v19, v16;
	v18 =	vadd.f32 v46, v18  }
0x420: {  	v53 =	vld [tilespmem:s1+$0x30];
	v19 =	vmul.f32 v47, v6;
	v15 =	vadd.f32 v15, v21;
	v13 =	vadd.f32 v23, v13  }
0x421: {  	v54 =	vld [tilespmem:s1+$0x40];
	v20 =	vmul.f32 v20, v0;
	v22 =	vmul.f32 v22, v7;
	v12 =	vadd.f32 v12, v18  }
0x422: {  	v23 =	vld [tilespmem:s1+$0x0];
	v15 =	vadd.f32 v15, v16;
	v13 =	vadd.f32 v13, v17;
	v17 =	vmul.f32 v44, v4  }
0x423: {  	(xrf2) =	vadd.scan.msk.f32 $0xffff, v11;
	v21 =	vmul.f32 v49, v2;
	v20 =	vadd.f32 v24, v20;
	v16 =	vld [tilespmem:s1+$0x70];
	v14 =	vmul.f32 v14, v5  }
0x424: {  	v12 =	vadd.f32 v15, v12;
	v15 =	vld [tilespmem:s1+$0x90];
	v17 =	vadd.f32 v22, v17;
	(xrf2) =	vadd.scan.msk.f32 $0xffff, v13  }
0x425: {  	s9 =	simm.s32 $0x71;
	s14 =	simm.s32 $0x77;
	v55 =	vmul.f32 v53, v7;
	v22 =	vld [tilespmem:s1+$0x50];
	v11 =	vadd.f32 v19, v14;
	v14 =	vadd.f32 v27, v21  }
0x426: {  	v57 =	vmul.f32 v54, v5;
	v18 =	vmov s14;
	v13 =	vmov s9;
	v19 =	vld [tilespmem:s1+$0x60]  }
0x427: {  	s18 =	simm.s32 $0x72;
	v13 =	vand.u32 $0xFFFFFFF9, v13;
	v17 =	vadd.f32 v17, v20;
	v11 =	vadd.f32 v14, v11;
	v14 =	vld [tilespmem:s1+$0x80]  }
0x428: {  	v56 =	vld [tilespmem:s1+$0xB0];
	v21 =	vmul.f32 v51, v1;
	(xrf2) =	vadd.scan.msk.f32 $0xffff, v12;
	v12 =	vmov s18;
	v13 =	vbroadcast v13, $0x0  }
0x429: {  	v58 =	vld [tilespmem:s1+$0xC0];
	v20 =	vmul.f32 v23, v0;
	v23 =	vmul.f32 v52, v4;
	v11 =	vadd.f32 v11, v17  }
0x42a: {  	v12 =	vand.u32 $0xFFFFFFFA, v12;
	v16 =	vmul.f32 v16, v3;
	v15 =	vmul.f32 v15, v1;
	v17 =	vld [tilespmem:s1+$0xA0]  }
0x42b: {  	v22 =	vmul.f32 v22, v6;
	v19 =	vmul.f32 v19, v2;
	(xrf2) =	vadd.scan.msk.f32 $0xffff, v11;
	v11 =	vadd.f32 v21, v20;
	v20 =	vld [tilespmem:s1+$0xD0]  }
0x42c: {  	v21 =	vbroadcast v12, $0x0;
	v12 =	vadd.f32 v55, v23;
	v23 =	vld [tilespmem:s1+$0xE0];
	v14 =	vmul.f32 v14, v0  }
0x42d: {  	v60, _, _ =	vpop (xrf2);
	v22 =	vadd.f32 v22, v57;
	v16 =	vadd.f32 v16, v19;
	v19 =	vld [tilespmem:s1+$0xF0]  }
0x42e: {  	s26 =	simm.s32 $0x73;
	v10 =	vld [tilespmem:s1+$0xFFFFFE10];
	[tilespmem:v18+s23+$0x0] =	vst.idx.msk vm0, v60;
	v11 =	vadd.f32 v12, v11;
	v18, _, _ =	vpop (xrf2);
	v14 =	vadd.f32 v15, v14  }
0x42f: {  	v59 =	vmov s26;
	v62 =	vld [tilespmem:s1+$0x110];
	v15 =	vmul.f32 v58, v5;
	[tilespmem:v13+s23+$0x0] =	vst.idx.msk vm0, v18;
	v13 =	vadd.f32 v16, v22  }
0x430: {  	v61 =	vld [tilespmem:s1+$0x100];
	v24 =	vand.u32 $0xFFFFFFFB, v59;
	v12 =	vmul.f32 v56, v7;
	v17 =	vmul.f32 v17, v4  }
0x431: {  	v24 =	vbroadcast v24, $0x0;
	v16 =	vld [tilespmem:s1+$0x120];
	v18 =	vmul.f32 v20, v6;
	v20 =	vadd.f32 v13, v11  }
0x432: {  	p0 =	por $0x1, $0x1;
	v22 =	vld [tilespmem:s1+$0x130];
	v17 =	vadd.f32 v12, v17;
	v23 =	vmul.f32 v23, v2;
	v19 =	vmul.f32 v19, v3  }
.Ltmp11:
0x433: {  	v12 =	vld [tilespmem:s1+$0x140];
	v18 =	vadd.f32 v18, v15;
	v15, _, _ =	vpop (xrf2);
	(xrf2) =	vadd.scan.msk.f32 $0xffff, v20;
	(pc) =	sbr.rel @!p0 .LBB2_17-.Ltmp11, $4  }
0x434: {  	v10 =	vmul.f32 v10, v1;
	v13 =	vld [tilespmem:s1+$0x150];
	[tilespmem:v21+s23+$0x0] =	vst.idx.msk vm0, v15;
	v21 =	vadd.f32 v19, v23  }
0x435: {  	s28 =	simm.s32 $0x74;
	v63 =	vmul.f32 v61, v0;
	v11 =	vadd.f32 v17, v14;
	v14 =	vld [tilespmem:s1+$0x160];
	v23 =	vmul.f32 v62, v1  }
0x436: {  	s8 =	simm.s32 $0xFFFFFFF8;
	s14 =	simm.s32 $0x15A80;
	v15 =	vmov s28;
	v19 =	vmul.f32 v16, v4;
	v16 =	vld [tilespmem:s1+$0x170];
	v17, _, _ =	vpop (xrf2);
	v20 =	vadd.f32 v21, v18  }
0x437: {  	s9 =	simm.s32 $0x12680;
	s18 =	simm.s32 $0x0;
	v15 =	vand.u32 $0xFFFFFFFC, v15;
	v21 =	vmul.f32 v22, v7;
	v18 =	vadd.f32 v23, v63;
	[tilespmem:v24+s23+$0x0] =	vst.idx.msk vm0, v17;
	v17 =	vld [tilespmem:s1+$0xFFFFFE00];
	s1 =	simm.s32 $0xFFFFFFF8  }
.LBB2_18:
0x438: {  	v22 =	vld [tilespmem:s9+$0x180];
	v15 =	vbroadcast v15, $0x0;
	v12 =	vmul.f32 v12, v5;
	s26 =	smov.u32 s18  }
0x439: {  	v23 =	vld [tilespmem:s9+$0x190];
	v11 =	vadd.f32 v20, v11;
	v13 =	vmul.f32 v13, v6;
	v19 =	vadd.f32 v21, v19  }
0x43a: {  	v20 =	vld [tilespmem:s9+$0x1A0];
	v14 =	vmul.f32 v14, v2  }
0x43b: {  	v21 =	vld [tilespmem:s9+$0x1B0];
	v24 =	vmul.f32 v16, v3;
	v12 =	vadd.f32 v13, v12;
	v13 =	vadd.f32 v19, v18;
	(xrf2) =	vadd.scan.msk.f32 $0xffff, v11  }
0x43c: {  	v11 =	vld [tilespmem:s9+$0x1C0];
	v17 =	vmul.f32 v17, v0  }
0x43d: {  	s28 =	sadd.s32 $0x7D, s1;
	v18 =	vld [tilespmem:s9+$0x1D0];
	v14 =	vadd.f32 v24, v14;
	v16, _, _ =	vpop (xrf2)  }
0x43e: {  	v19 =	vld [tilespmem:s9+$0x1E0];
	v10 =	vadd.f32 v10, v17;
	[tilespmem:v15+s23+$0x0] =	vst.idx.msk vm0, v16;
	v15 =	vmov s28  }
0x43f: {  	s18 =	sadd.s32 $0x8, s18;
	v16 =	vld [tilespmem:s9+$0x1F0];
	v15 =	vand.u32 $0xFFFFFFFD, v15;
	v12 =	vadd.f32 v14, v12  }
0x440: {  	p0 =	slt.u32 s18, $0x68;
	v14 =	vld [tilespmem:s9+$0xFFFFFE10];
	v8 =	vadd.f32 v8, v10;
	v15 =	vbroadcast v15, $0x0  }
0x441: {  	v22 =	vmul.f32 v22, v0;
	v23 =	vmul.f32 v23, v1;
	v17 =	vld [tilespmem:s9+$0xFFFFFE20];
	v12 =	vadd.f32 v12, v13  }
0x442: {  	v20 =	vmul.f32 v20, v4;
	v26 =	vmul.f32 v21, v7;
	v13 =	vld [tilespmem:s9+$0xFFFFFE30];
	v8 =	vadd.f32 v9, v8  }
0x443: {  	s28 =	sadd.s32 $0x78, s1;
	v11 =	vmul.f32 v11, v5;
	v18 =	vmul.f32 v18, v6;
	v9 =	vld [tilespmem:s9+$0xFFFFFE40]  }
0x444: {  	v25 =	vmov s28;
	v19 =	vmul.f32 v19, v2;
	v24 =	vld [tilespmem:s9+$0xFFFFFE50];
	v16 =	vmul.f32 v16, v3;
	(xrf2) =	vadd.scan.msk.f32 $0xffff, v8  }
0x445: {  	v20 =	vadd.f32 v26, v20;
	v8 =	vadd.f32 v23, v22;
	v10 =	vmul.f32 v14, v1;
	v14 =	vld [tilespmem:s9+$0xFFFFFE60];
	v21, _, _ =	vpop (xrf2)  }
0x446: {  	s28 =	sadd.s32 $0x7E, s1;
	s1 =	smov.u32 s26;
	v11 =	vadd.f32 v18, v11;
	v17 =	vmul.f32 v17, v4;
	v22 =	vld [tilespmem:s9+$0xFFFFFE70];
	v16 =	vadd.f32 v16, v19  }
0x447: {  	v13 =	vmul.f32 v13, v7;
	v18 =	vld [tilespmem:s9+$0xFFFFFE80];
	[tilespmem:v15+s23+$0x0] =	vst.idx.msk vm0, v21;
	v15 =	vmov s28;
	(xrf2) =	vadd.scan.msk.f32 $0xffff, v12  }
0x448: {  	v19 =	vadd.f32 v20, v8;
	v9 =	vmul.f32 v9, v5;
	v12 =	vld [tilespmem:s9+$0xFFFFFE90];
	v11 =	vadd.f32 v16, v11  }
0x449: {  	v16 =	vmul.f32 v24, v6;
	v8 =	vadd.f32 v13, v17;
	v13 =	vld [tilespmem:s9+$0xFFFFFEA0];
	v17 =	vand.u32 $0xFFFFFFF8, v25  }
0x44a: {  	v14 =	vmul.f32 v14, v2;
	v20 =	vld [tilespmem:s9+$0xFFFFFEB0];
	v11 =	vadd.f32 v11, v19;
	v17 =	vbroadcast v17, $0x0  }
0x44b: {  	v15 =	vand.u32 $0xFFFFFFFE, v15;
	v19 =	vmul.f32 v22, v3;
	v9 =	vadd.f32 v16, v9;
	v16 =	vld [tilespmem:s9+$0xFFFFFEC0]  }
0x44c: {  	v18 =	vmul.f32 v18, v0;
	v21 =	vld [tilespmem:s9+$0xFFFFFED0];
	(xrf2) =	vadd.scan.msk.f32 $0xffff, v11;
	v11 =	vbroadcast v15, $0x0  }
0x44d: {  	v14 =	vadd.f32 v19, v14;
	v12 =	vmul.f32 v12, v1;
	v15 =	vld [tilespmem:s9+$0xFFFFFEE0]  }
0x44e: {  	v13 =	vmul.f32 v13, v4;
	v19 =	vld [tilespmem:s9+$0xFFFFFEF0];
	v22, _, _ =	vpop (xrf2)  }
0x44f: {  	v9 =	vadd.f32 v14, v9;
	v14 =	vmul.f32 v20, v7;
	v12 =	vadd.f32 v12, v18;
	v18 =	vld [tilespmem:s9+$0xFFFFFF00]  }
0x450: {  	v16 =	vmul.f32 v16, v5;
	v20 =	vld [tilespmem:s9+$0xFFFFFF10];
	[tilespmem:v17+s23+$0x0] =	vst.idx.msk vm0, v22  }
0x451: {  	s26 =	sadd.s32 $0x7F, s1;
	v17 =	vmul.f32 v21, v6;
	v13 =	vadd.f32 v14, v13;
	v14 =	vld [tilespmem:s9+$0xFFFFFF20];
	v21, _, _ =	vpop (xrf2)  }
0x452: {  	v23 =	vmov s26;
	v15 =	vmul.f32 v15, v2;
	v22 =	vld [tilespmem:s9+$0xFFFFFF30];
	[tilespmem:v11+s23+$0x0] =	vst.idx.msk vm0, v21  }
0x453: {  	v11 =	vmul.f32 v19, v3;
	v16 =	vadd.f32 v17, v16;
	v12 =	vadd.f32 v13, v12;
	v13 =	vld [tilespmem:s9+$0xFFFFFF40]  }
0x454: {  	v17 =	vmul.f32 v18, v0;
	v18 =	vld [tilespmem:s9+$0xFFFFFF50]  }
0x455: {  	v11 =	vadd.f32 v11, v15;
	v15 =	vmul.f32 v20, v1;
	v19 =	vld [tilespmem:s9+$0xFFFFFF60]  }
0x456: {  	v14 =	vmul.f32 v14, v4;
	v20 =	vld [tilespmem:s9+$0xFFFFFF70];
	v21, _, _ =	vpop (xrf2)  }
0x457: {  	v22 =	vmul.f32 v22, v7;
	v15 =	vadd.f32 v15, v17;
	v17 =	vld [tilespmem:s9+$0xFFFFFF80];
	[tilespmem:v23+s23+$0x0] =	vst.idx.msk vm0, v21  }
0x458: {  	v11 =	vadd.f32 v11, v16;
	v13 =	vmul.f32 v13, v5;
	v16 =	vld [tilespmem:s9+$0xFFFFFF90]  }
0x459: {  	v18 =	vmul.f32 v18, v6;
	v14 =	vadd.f32 v22, v14;
	v21 =	vld [tilespmem:s9+$0xFFFFFFA0]  }
0x45a: {  	v11 =	vadd.f32 v11, v12;
	v12 =	vmul.f32 v19, v2;
	v19 =	vld [tilespmem:s9+$0xFFFFFFB0]  }
0x45b: {  	v20 =	vmul.f32 v20, v3;
	v13 =	vadd.f32 v18, v13;
	v14 =	vadd.f32 v14, v15;
	v15 =	vld [tilespmem:s9+$0xFFFFFFC0]  }
0x45c: {  	v17 =	vmul.f32 v17, v0;
	v18 =	vld [tilespmem:s9+$0xFFFFFFD0];
	(xrf2) =	vadd.scan.msk.f32 $0xffff, v11  }
0x45d: {  	s26 =	sadd.s32 $0x79, s1;
	v11 =	vadd.f32 v20, v12;
	v12 =	vmul.f32 v16, v1;
	v16 =	vld [tilespmem:s9+$0xFFFFFFE0]  }
0x45e: {  	v20 =	vmov s26;
	v21 =	vmul.f32 v21, v4;
	v22 =	vld [tilespmem:s9+$0xFFFFFFF0]  }
0x45f: {  	v11 =	vadd.f32 v11, v13;
	v13 =	vmul.f32 v19, v7;
	v12 =	vadd.f32 v12, v17;
	v17 =	vld [tilespmem:s9+$0x0]  }
0x460: {  	v19 =	vand.u32 $0xFFFFFFF9, v20;
	v15 =	vmul.f32 v15, v5;
	v20 =	vld [tilespmem:s9+$0x10]  }
0x461: {  	v11 =	vadd.f32 v11, v14;
	v14 =	vmul.f32 v18, v6;
	v13 =	vadd.f32 v13, v21;
	v18 =	vld [tilespmem:s9+$0x20]  }
0x462: {  	v19 =	vbroadcast v19, $0x0;
	v16 =	vmul.f32 v16, v2;
	v21 =	vld [tilespmem:s9+$0x30]  }
0x463: {  	v22 =	vmul.f32 v22, v3;
	v14 =	vadd.f32 v14, v15;
	v12 =	vadd.f32 v13, v12;
	v13 =	vld [tilespmem:s9+$0x40];
	(xrf2) =	vadd.scan.msk.f32 $0xffff, v11  }
0x464: {  	s26 =	sadd.s32 $0x7A, s1;
	v11 =	vmul.f32 v17, v0;
	v15 =	vld [tilespmem:s9+$0x50]  }
0x465: {  	v17 =	vmov s26;
	v16 =	vadd.f32 v22, v16;
	v20 =	vmul.f32 v20, v1;
	v22 =	vld [tilespmem:s9+$0x60]  }
0x466: {  	v17 =	vand.u32 $0xFFFFFFFA, v17;
	v18 =	vmul.f32 v18, v4;
	v23 =	vld [tilespmem:s9+$0x70];
	v24, _, _ =	vpop (xrf2)  }
0x467: {  	v14 =	vadd.f32 v16, v14;
	v16 =	vmul.f32 v21, v7;
	v11 =	vadd.f32 v20, v11;
	v20 =	vld [tilespmem:s9+$0x80]  }
0x468: {  	v17 =	vbroadcast v17, $0x0;
	[tilespmem:v19+s23+$0x0] =	vst.idx.msk vm0, v24;
	v13 =	vmul.f32 v13, v5;
	v19 =	vld [tilespmem:s9+$0x90]  }
0x469: {  	v12 =	vadd.f32 v14, v12;
	v14 =	vmul.f32 v15, v6;
	v15 =	vadd.f32 v16, v18;
	v16 =	vld [tilespmem:s9+$0xA0]  }
0x46a: {  	v18 =	vmul.f32 v22, v2;
	v21 =	vld [tilespmem:s9+$0xB0]  }
0x46b: {  	v22 =	vmul.f32 v23, v3;
	v13 =	vadd.f32 v14, v13;
	v11 =	vadd.f32 v15, v11;
	v14 =	vld [tilespmem:s9+$0xC0];
	(xrf2) =	vadd.scan.msk.f32 $0xffff, v12  }
0x46c: {  	s26 =	sadd.s32 $0x7B, s1;
	v12 =	vmul.f32 v20, v0;
	v15 =	vld [tilespmem:s9+$0xD0]  }
0x46d: {  	v20 =	vmov s26;
	v18 =	vadd.f32 v22, v18;
	v19 =	vmul.f32 v19, v1;
	v22 =	vld [tilespmem:s9+$0xE0];
	v23, _, _ =	vpop (xrf2)  }
0x46e: {  	[tilespmem:v17+s23+$0x0] =	vst.idx.msk vm0, v23;
	v17 =	vand.u32 $0xFFFFFFFB, v20;
	v16 =	vmul.f32 v16, v4;
	v20 =	vld [tilespmem:s9+$0xF0]  }
0x46f: {  	v13 =	vadd.f32 v18, v13;
	v18 =	vmul.f32 v21, v7;
	v12 =	vadd.f32 v19, v12;
	v19 =	vld [tilespmem:s9+$0x100]  }
0x470: {  	v17 =	vbroadcast v17, $0x0;
	v14 =	vmul.f32 v14, v5;
	v21 =	vld [tilespmem:s9+$0x110]  }
0x471: {  	v13 =	vadd.f32 v13, v11;
	v11 =	vmul.f32 v15, v6;
	v15 =	vadd.f32 v18, v16;
	v16 =	vld [tilespmem:s9+$0x120]  }
0x472: {  	v18 =	vmul.f32 v22, v2;
	v22 =	vld [tilespmem:s9+$0x130]  }
.Ltmp12:
0x473: {  	v20 =	vmul.f32 v20, v3;
	v23 =	vadd.f32 v11, v14;
	v11 =	vadd.f32 v15, v12;
	v12 =	vld [tilespmem:s9+$0x140];
	(xrf2) =	vadd.scan.msk.f32 $0xffff, v13;
	(pc) =	sbr.rel @p0 .LBB2_18-.Ltmp12, $4  }
0x474: {  	s26 =	sadd.s32 $0x7C, s1;
	v24 =	vmul.f32 v19, v0;
	v13 =	vld [tilespmem:s9+$0x150]  }
0x475: {  	v15 =	vmov s26;
	v18 =	vadd.f32 v20, v18;
	v25 =	vmul.f32 v21, v1;
	v14 =	vld [tilespmem:s9+$0x160];
	v19, _, _ =	vpop (xrf2)  }
0x476: {  	v15 =	vand.u32 $0xFFFFFFFC, v15;
	[tilespmem:v17+s23+$0x0] =	vst.idx.msk vm0, v19;
	v19 =	vmul.f32 v16, v4;
	v16 =	vld [tilespmem:s9+$0x170]  }
0x477: {  	v17 =	vld [tilespmem:s9+$0xFFFFFE00];
	v20 =	vadd.f32 v18, v23;
	v21 =	vmul.f32 v22, v7;
	v18 =	vadd.f32 v25, v24;
	s9 =	sadd.s32 $0x400, s9  }
.LBB2_19:
0x478: {  	_ =	sdelay $0x2  }
0x479: {  	v12 =	vmul.f32 v12, v5  }
0x47a: {  	v13 =	vmul.f32 v13, v6;
	v17 =	vmul.f32 v17, v0  }
0x47b: {  	v14 =	vmul.f32 v14, v2;
	v16 =	vmul.f32 v16, v3  }
0x47c: {  	v19 =	vadd.f32 v21, v19;
	v10 =	vadd.f32 v10, v17  }
0x47d: {  	v12 =	vadd.f32 v13, v12;
	v13 =	vadd.f32 v16, v14  }
0x47e: {  	v11 =	vadd.f32 v20, v11;
	v8 =	vadd.f32 v8, v10  }
0x47f: {  	v12 =	vadd.f32 v13, v12;
	v10 =	vadd.f32 v19, v18  }
0x480: {  	v8 =	vadd.f32 v9, v8  }
0x481: {  	(xrf2) =	vadd.scan.msk.f32 $0xffff, v11;
	v9 =	vadd.f32 v12, v10  }
0x482: {  	(xrf2) =	vadd.scan.msk.f32 $0xffff, v8  }
0x483: {  	s9 =	sadd.s32 $0x7D, s1;
	(xrf2) =	vadd.scan.msk.f32 $0xffff, v9  }
0x484: {  	s18 =	sadd.s32 $0x78, s1;
	v8 =	vmov s9  }
0x485: {  	s26 =	sadd.s32 $0x7E, s1;
	v10 =	vmov s18;
	v9 =	vbroadcast v15, $0x0;
	v8 =	vand.u32 $0xFFFFFFFD, v8  }
0x486: {  	v11 =	vmov s26;
	v10 =	vand.u32 $0xFFFFFFF8, v10;
	v8 =	vbroadcast v8, $0x0  }
0x487: {  	v11 =	vand.u32 $0xFFFFFFFE, v11;
	v10 =	vbroadcast v10, $0x0  }
0x488: {  	v11 =	vbroadcast v11, $0x0;
	_ =	sdelay $0x1  }
0x489: {  	v12, _, _ =	vpop (xrf2)  }
0x48a: {  	[tilespmem:v9+s23+$0x0] =	vst.idx.msk vm0, v12;
	v9, _, _ =	vpop (xrf2)  }
0x48b: {  	[tilespmem:v8+s23+$0x0] =	vst.idx.msk vm0, v9;
	v8, _, _ =	vpop (xrf2)  }
0x48c: {  	[tilespmem:v10+s23+$0x0] =	vst.idx.msk vm0, v8;
	v8, _, _ =	vpop (xrf2)  }
0x48d: {  	[tilespmem:v11+s23+$0x0] =	vst.idx.msk vm0, v8  }
0x48e: {  	v8 =	vld [tilespmem:s14+$0x180]  }
0x48f: {  	v9 =	vld [tilespmem:s14+$0x190]  }
0x490: {  	v11 =	vld [tilespmem:s14+$0x1A0]  }
0x491: {  	v12 =	vld [tilespmem:s14+$0x1B0]  }
0x492: {  	v13 =	vld [tilespmem:s14+$0x1C0]  }
0x493: {  	v14 =	vld [tilespmem:s14+$0x1D0]  }
0x494: {  	v15 =	vld [tilespmem:s14+$0x1E0]  }
0x495: {  	v16 =	vld [tilespmem:s14+$0x1F0]  }
0x496: {  	v17 =	vld [tilespmem:s14+$0xFFFFFE20]  }
0x497: {  	v18 =	vld [tilespmem:s14+$0xFFFFFE30]  }
0x498: {  	v19 =	vld [tilespmem:s14+$0xFFFFFE40]  }
0x499: {  	v20 =	vld [tilespmem:s14+$0xFFFFFE50]  }
0x49a: {  	v21 =	vld [tilespmem:s14+$0xFFFFFE60]  }
0x49b: {  	v22 =	vld [tilespmem:s14+$0xFFFFFE70]  }
0x49c: {  	v23 =	vld [tilespmem:s14+$0xFFFFFE80]  }
0x49d: {  	v24 =	vld [tilespmem:s14+$0xFFFFFE90]  }
0x49e: {  	v25 =	vld [tilespmem:s14+$0xFFFFFEA0]  }
0x49f: {  	v26 =	vld [tilespmem:s14+$0xFFFFFEB0]  }
0x4a0: {  	v27 =	vld [tilespmem:s14+$0xFFFFFEC0]  }
0x4a1: {  	v30 =	vld [tilespmem:s14+$0xFFFFFEF0]  }
0x4a2: {  	v32 =	vld [tilespmem:s14+$0xFFFFFF10]  }
0x4a3: {  	v33 =	vld [tilespmem:s14+$0xFFFFFF20];
	v8 =	vmul.f32 v8, v0  }
0x4a4: {  	v28 =	vld [tilespmem:s14+$0xFFFFFED0];
	v9 =	vmul.f32 v9, v1;
	v11 =	vmul.f32 v11, v4  }
0x4a5: {  	v29 =	vld [tilespmem:s14+$0xFFFFFEE0];
	v12 =	vmul.f32 v12, v7;
	v13 =	vmul.f32 v13, v5  }
0x4a6: {  	v31 =	vld [tilespmem:s14+$0xFFFFFF00];
	v14 =	vmul.f32 v14, v6;
	v15 =	vmul.f32 v15, v2  }
0x4a7: {  	v41 =	vld [tilespmem:s14+$0xFFFFFF90];
	v16 =	vmul.f32 v16, v3;
	v43 =	vmul.f32 v30, v3  }
0x4a8: {  	v42 =	vld [tilespmem:s14+$0xFFFFFFA0];
	v44 =	vmul.f32 v32, v1;
	v46 =	vmul.f32 v33, v4;
	v8 =	vadd.f32 v9, v8  }
0x4a9: {  	v45 =	vld [tilespmem:s14+$0xFFFFFFD0];
	v9 =	vadd.f32 v12, v11;
	v11 =	vadd.f32 v14, v13;
	v13 =	vmul.f32 v17, v4  }
0x4aa: {  	v12 =	vld [tilespmem:s14+$0xFFFFFF30];
	v14 =	vadd.f32 v16, v15;
	v15 =	vmul.f32 v18, v7;
	v17 =	vmul.f32 v19, v5  }
0x4ab: {  	v16 =	vld [tilespmem:s14+$0xFFFFFF40];
	v18 =	vmul.f32 v20, v6;
	v20 =	vmul.f32 v22, v3;
	v9 =	vadd.f32 v9, v8  }
0x4ac: {  	v19 =	vld [tilespmem:s14+$0xFFFFFF50];
	v11 =	vadd.f32 v14, v11;
	v14 =	vmul.f32 v21, v2;
	v8 =	vadd.f32 v15, v13  }
0x4ad: {  	v47 =	vld [tilespmem:s14+$0xFFFFFFE0];
	v13 =	vadd.f32 v18, v17;
	v17 =	vmul.f32 v23, v0;
	v18 =	vmul.f32 v24, v1  }
0x4ae: {  	v22 =	vmul.f32 v25, v4;
	v21 =	vld [tilespmem:s14+$0xFFFFFF60];
	v23 =	vmul.f32 v26, v7;
	v14 =	vadd.f32 v20, v14  }
0x4af: {  	v15 =	vld [tilespmem:s14+$0xFFFFFF70];
	v24 =	vmul.f32 v41, v1;
	v11 =	vadd.f32 v11, v9;
	v17 =	vadd.f32 v18, v17  }
0x4b0: {  	v48 =	vld [tilespmem:s14+$0xFFFFFFF0];
	v18 =	vadd.f32 v23, v22;
	v23 =	vmul.f32 v29, v2;
	v12 =	vmul.f32 v12, v7  }
0x4b1: {  	v20 =	vld [tilespmem:s14+$0xFFFFFF80];
	v16 =	vmul.f32 v16, v5;
	v19 =	vmul.f32 v19, v6;
	v9 =	vadd.f32 v14, v13  }
0x4b2: {  	v22 =	vld [tilespmem:s14+$0xFFFFFFB0];
	v13 =	vmul.f32 v27, v5;
	v14 =	vmul.f32 v28, v6;
	v17 =	vadd.f32 v18, v17  }
0x4b3: {  	v49 =	vld [tilespmem:s14+$0x10];
	v18 =	vmul.f32 v31, v0;
	v23 =	vadd.f32 v43, v23;
	v21 =	vmul.f32 v21, v2  }
0x4b4: {  	v15 =	vmul.f32 v15, v3;
	v12 =	vadd.f32 v12, v46;
	v13 =	vadd.f32 v14, v13;
	v14 =	vld [tilespmem:s14+$0xFFFFFFC0]  }
0x4b5: {  	v50 =	vld [tilespmem:s14+$0x20];
	v27 =	vmul.f32 v48, v3;
	v16 =	vadd.f32 v19, v16;
	v18 =	vadd.f32 v44, v18  }
0x4b6: {  	v51 =	vld [tilespmem:s14+$0x30];
	v19 =	vmul.f32 v45, v6;
	v15 =	vadd.f32 v15, v21;
	v13 =	vadd.f32 v23, v13  }
0x4b7: {  	v52 =	vld [tilespmem:s14+$0x40];
	v20 =	vmul.f32 v20, v0;
	v22 =	vmul.f32 v22, v7;
	v12 =	vadd.f32 v12, v18  }
0x4b8: {  	v23 =	vld [tilespmem:s14+$0x0];
	v15 =	vadd.f32 v15, v16;
	v13 =	vadd.f32 v13, v17;
	v17 =	vmul.f32 v42, v4  }
0x4b9: {  	(xrf2) =	vadd.scan.msk.f32 $0xffff, v11;
	v21 =	vmul.f32 v47, v2;
	v20 =	vadd.f32 v24, v20;
	v16 =	vld [tilespmem:s14+$0x70];
	v14 =	vmul.f32 v14, v5  }
0x4ba: {  	v12 =	vadd.f32 v15, v12;
	v15 =	vld [tilespmem:s14+$0x90];
	v17 =	vadd.f32 v22, v17;
	(xrf2) =	vadd.scan.msk.f32 $0xffff, v13  }
0x4bb: {  	s28 =	simm.s32 $0xE1;
	s9 =	simm.s32 $0xE7;
	v53 =	vmul.f32 v51, v7;
	v22 =	vld [tilespmem:s14+$0x50];
	v11 =	vadd.f32 v19, v14;
	v14 =	vadd.f32 v27, v21  }
0x4bc: {  	v55 =	vmul.f32 v52, v5;
	v18 =	vmov s9;
	v13 =	vmov s28;
	v19 =	vld [tilespmem:s14+$0x60]  }
0x4bd: {  	s18 =	simm.s32 $0xE2;
	v13 =	vand.u32 $0xFFFFFFF9, v13;
	v17 =	vadd.f32 v17, v20;
	v11 =	vadd.f32 v14, v11;
	v14 =	vld [tilespmem:s14+$0x80]  }
0x4be: {  	v54 =	vld [tilespmem:s14+$0xB0];
	v21 =	vmul.f32 v49, v1;
	(xrf2) =	vadd.scan.msk.f32 $0xffff, v12;
	v12 =	vmov s18;
	v13 =	vbroadcast v13, $0x0  }
0x4bf: {  	v56 =	vld [tilespmem:s14+$0xC0];
	v20 =	vmul.f32 v23, v0;
	v23 =	vmul.f32 v50, v4;
	v11 =	vadd.f32 v11, v17  }
0x4c0: {  	v12 =	vand.u32 $0xFFFFFFFA, v12;
	v16 =	vmul.f32 v16, v3;
	v15 =	vmul.f32 v15, v1;
	v17 =	vld [tilespmem:s14+$0xA0]  }
0x4c1: {  	v22 =	vmul.f32 v22, v6;
	v19 =	vmul.f32 v19, v2;
	(xrf2) =	vadd.scan.msk.f32 $0xffff, v11;
	v11 =	vadd.f32 v21, v20;
	v20 =	vld [tilespmem:s14+$0xD0]  }
0x4c2: {  	v21 =	vbroadcast v12, $0x0;
	v12 =	vadd.f32 v53, v23;
	v23 =	vld [tilespmem:s14+$0xE0];
	v14 =	vmul.f32 v14, v0  }
0x4c3: {  	v58, _, _ =	vpop (xrf2);
	v22 =	vadd.f32 v22, v55;
	v16 =	vadd.f32 v16, v19;
	v19 =	vld [tilespmem:s14+$0xF0]  }
0x4c4: {  	s26 =	simm.s32 $0xE3;
	v10 =	vld [tilespmem:s14+$0xFFFFFE10];
	v11 =	vadd.f32 v12, v11;
	v60, _, _ =	vpop (xrf2);
	v14 =	vadd.f32 v15, v14  }
0x4c5: {  	v57 =	vmov s26;
	v59 =	vld [tilespmem:s14+$0x100];
	v15 =	vmul.f32 v56, v5;
	[tilespmem:v13+s23+$0x0] =	vst.idx.msk vm0, v60;
	v13 =	vadd.f32 v16, v22  }
0x4c6: {  	v61 =	vld [tilespmem:s14+$0x110];
	v24 =	vand.u32 $0xFFFFFFFB, v57;
	v12 =	vmul.f32 v54, v7;
	v17 =	vmul.f32 v17, v4  }
0x4c7: {  	[tilespmem:v18+s23+$0x0] =	vst.idx.msk vm0, v58;
	v18 =	vbroadcast v24, $0x0;
	v16 =	vld [tilespmem:s14+$0x120];
	v20 =	vmul.f32 v20, v6;
	v62 =	vadd.f32 v13, v11  }
0x4c8: {  	p0 =	por $0x1, $0x1;
	v22 =	vld [tilespmem:s14+$0x130];
	v17 =	vadd.f32 v12, v17;
	v23 =	vmul.f32 v23, v2;
	v19 =	vmul.f32 v19, v3  }
.Ltmp13:
0x4c9: {  	v12 =	vld [tilespmem:s14+$0x140];
	v20 =	vadd.f32 v20, v15;
	v15, _, _ =	vpop (xrf2);
	(xrf2) =	vadd.scan.msk.f32 $0xffff, v62;
	(pc) =	sbr.rel @!p0 .LBB2_20-.Ltmp13, $4  }
0x4ca: {  	v63 =	vmul.f32 v59, v0;
	v13 =	vld [tilespmem:s14+$0x150];
	[tilespmem:v21+s23+$0x0] =	vst.idx.msk vm0, v15;
	v21 =	vadd.f32 v19, v23  }
0x4cb: {  	v10 =	vmul.f32 v10, v1;
	s28 =	simm.s32 $0xE4;
	v11 =	vadd.f32 v17, v14;
	v14 =	vld [tilespmem:s14+$0x160];
	v23 =	vmul.f32 v61, v1  }
0x4cc: {  	s1 =	simm.s32 $0x19280;
	v15 =	vmov s28;
	v19 =	vmul.f32 v16, v4;
	v16 =	vld [tilespmem:s14+$0x170];
	v17, _, _ =	vpop (xrf2);
	v20 =	vadd.f32 v21, v20  }
0x4cd: {  	s9 =	sadd.s32 $0x400, s14;
	s18 =	simm.s32 $0x0;
	v15 =	vand.u32 $0xFFFFFFFC, v15;
	v21 =	vmul.f32 v22, v7;
	[tilespmem:v18+s23+$0x0] =	vst.idx.msk vm0, v17;
	v17 =	vld [tilespmem:s14+$0xFFFFFE00];
	v18 =	vadd.f32 v23, v63;
	s14 =	simm.s32 $0xFFFFFFF8  }
.LBB2_21:
0x4ce: {  	v22 =	vld [tilespmem:s9+$0x180];
	v15 =	vbroadcast v15, $0x0;
	v12 =	vmul.f32 v12, v5;
	s26 =	smov.u32 s18  }
0x4cf: {  	v23 =	vld [tilespmem:s9+$0x190];
	v11 =	vadd.f32 v20, v11;
	v13 =	vmul.f32 v13, v6;
	v19 =	vadd.f32 v21, v19  }
0x4d0: {  	v20 =	vld [tilespmem:s9+$0x1A0];
	v14 =	vmul.f32 v14, v2  }
0x4d1: {  	v21 =	vld [tilespmem:s9+$0x1B0];
	v24 =	vmul.f32 v16, v3;
	v12 =	vadd.f32 v13, v12;
	v13 =	vadd.f32 v19, v18;
	(xrf2) =	vadd.scan.msk.f32 $0xffff, v11  }
0x4d2: {  	v11 =	vld [tilespmem:s9+$0x1C0];
	v17 =	vmul.f32 v17, v0  }
0x4d3: {  	s28 =	sadd.s32 $0xED, s14;
	v18 =	vld [tilespmem:s9+$0x1D0];
	v14 =	vadd.f32 v24, v14;
	v16, _, _ =	vpop (xrf2)  }
0x4d4: {  	v19 =	vld [tilespmem:s9+$0x1E0];
	v10 =	vadd.f32 v10, v17;
	[tilespmem:v15+s23+$0x0] =	vst.idx.msk vm0, v16;
	v15 =	vmov s28  }
0x4d5: {  	s18 =	sadd.s32 $0x8, s18;
	v16 =	vld [tilespmem:s9+$0x1F0];
	v15 =	vand.u32 $0xFFFFFFFD, v15;
	v12 =	vadd.f32 v14, v12  }
0x4d6: {  	p0 =	slt.u32 s18, $0x68;
	v14 =	vld [tilespmem:s9+$0xFFFFFE10];
	v8 =	vadd.f32 v8, v10;
	v15 =	vbroadcast v15, $0x0  }
0x4d7: {  	v22 =	vmul.f32 v22, v0;
	v23 =	vmul.f32 v23, v1;
	v17 =	vld [tilespmem:s9+$0xFFFFFE20];
	v12 =	vadd.f32 v12, v13  }
0x4d8: {  	v20 =	vmul.f32 v20, v4;
	v26 =	vmul.f32 v21, v7;
	v13 =	vld [tilespmem:s9+$0xFFFFFE30];
	v8 =	vadd.f32 v9, v8  }
0x4d9: {  	s28 =	sadd.s32 $0xE8, s14;
	v11 =	vmul.f32 v11, v5;
	v18 =	vmul.f32 v18, v6;
	v9 =	vld [tilespmem:s9+$0xFFFFFE40]  }
0x4da: {  	v25 =	vmov s28;
	v19 =	vmul.f32 v19, v2;
	v24 =	vld [tilespmem:s9+$0xFFFFFE50];
	v16 =	vmul.f32 v16, v3;
	(xrf2) =	vadd.scan.msk.f32 $0xffff, v8  }
0x4db: {  	v20 =	vadd.f32 v26, v20;
	v8 =	vadd.f32 v23, v22;
	v10 =	vmul.f32 v14, v1;
	v14 =	vld [tilespmem:s9+$0xFFFFFE60];
	v21, _, _ =	vpop (xrf2)  }
0x4dc: {  	s28 =	sadd.s32 $0xEE, s14;
	s14 =	smov.u32 s26;
	v11 =	vadd.f32 v18, v11;
	v17 =	vmul.f32 v17, v4;
	v22 =	vld [tilespmem:s9+$0xFFFFFE70];
	v16 =	vadd.f32 v16, v19  }
0x4dd: {  	v13 =	vmul.f32 v13, v7;
	v18 =	vld [tilespmem:s9+$0xFFFFFE80];
	[tilespmem:v15+s23+$0x0] =	vst.idx.msk vm0, v21;
	v15 =	vmov s28;
	(xrf2) =	vadd.scan.msk.f32 $0xffff, v12  }
0x4de: {  	v19 =	vadd.f32 v20, v8;
	v9 =	vmul.f32 v9, v5;
	v12 =	vld [tilespmem:s9+$0xFFFFFE90];
	v11 =	vadd.f32 v16, v11  }
0x4df: {  	v16 =	vmul.f32 v24, v6;
	v8 =	vadd.f32 v13, v17;
	v13 =	vld [tilespmem:s9+$0xFFFFFEA0];
	v17 =	vand.u32 $0xFFFFFFF8, v25  }
0x4e0: {  	v14 =	vmul.f32 v14, v2;
	v20 =	vld [tilespmem:s9+$0xFFFFFEB0];
	v11 =	vadd.f32 v11, v19;
	v17 =	vbroadcast v17, $0x0  }
0x4e1: {  	v15 =	vand.u32 $0xFFFFFFFE, v15;
	v19 =	vmul.f32 v22, v3;
	v9 =	vadd.f32 v16, v9;
	v16 =	vld [tilespmem:s9+$0xFFFFFEC0]  }
0x4e2: {  	v18 =	vmul.f32 v18, v0;
	v21 =	vld [tilespmem:s9+$0xFFFFFED0];
	(xrf2) =	vadd.scan.msk.f32 $0xffff, v11;
	v11 =	vbroadcast v15, $0x0  }
0x4e3: {  	v14 =	vadd.f32 v19, v14;
	v12 =	vmul.f32 v12, v1;
	v15 =	vld [tilespmem:s9+$0xFFFFFEE0]  }
0x4e4: {  	v13 =	vmul.f32 v13, v4;
	v19 =	vld [tilespmem:s9+$0xFFFFFEF0];
	v22, _, _ =	vpop (xrf2)  }
0x4e5: {  	v9 =	vadd.f32 v14, v9;
	v14 =	vmul.f32 v20, v7;
	v12 =	vadd.f32 v12, v18;
	v18 =	vld [tilespmem:s9+$0xFFFFFF00]  }
0x4e6: {  	v16 =	vmul.f32 v16, v5;
	v20 =	vld [tilespmem:s9+$0xFFFFFF10];
	[tilespmem:v17+s23+$0x0] =	vst.idx.msk vm0, v22  }
0x4e7: {  	s26 =	sadd.s32 $0xEF, s14;
	v17 =	vmul.f32 v21, v6;
	v13 =	vadd.f32 v14, v13;
	v14 =	vld [tilespmem:s9+$0xFFFFFF20];
	v21, _, _ =	vpop (xrf2)  }
0x4e8: {  	v23 =	vmov s26;
	v15 =	vmul.f32 v15, v2;
	v22 =	vld [tilespmem:s9+$0xFFFFFF30];
	[tilespmem:v11+s23+$0x0] =	vst.idx.msk vm0, v21  }
0x4e9: {  	v11 =	vmul.f32 v19, v3;
	v16 =	vadd.f32 v17, v16;
	v12 =	vadd.f32 v13, v12;
	v13 =	vld [tilespmem:s9+$0xFFFFFF40]  }
0x4ea: {  	v17 =	vmul.f32 v18, v0;
	v18 =	vld [tilespmem:s9+$0xFFFFFF50]  }
0x4eb: {  	v11 =	vadd.f32 v11, v15;
	v15 =	vmul.f32 v20, v1;
	v19 =	vld [tilespmem:s9+$0xFFFFFF60]  }
0x4ec: {  	v14 =	vmul.f32 v14, v4;
	v20 =	vld [tilespmem:s9+$0xFFFFFF70];
	v21, _, _ =	vpop (xrf2)  }
0x4ed: {  	v22 =	vmul.f32 v22, v7;
	v15 =	vadd.f32 v15, v17;
	v17 =	vld [tilespmem:s9+$0xFFFFFF80];
	[tilespmem:v23+s23+$0x0] =	vst.idx.msk vm0, v21  }
0x4ee: {  	v11 =	vadd.f32 v11, v16;
	v13 =	vmul.f32 v13, v5;
	v16 =	vld [tilespmem:s9+$0xFFFFFF90]  }
0x4ef: {  	v18 =	vmul.f32 v18, v6;
	v14 =	vadd.f32 v22, v14;
	v21 =	vld [tilespmem:s9+$0xFFFFFFA0]  }
0x4f0: {  	v11 =	vadd.f32 v11, v12;
	v12 =	vmul.f32 v19, v2;
	v19 =	vld [tilespmem:s9+$0xFFFFFFB0]  }
0x4f1: {  	v20 =	vmul.f32 v20, v3;
	v13 =	vadd.f32 v18, v13;
	v14 =	vadd.f32 v14, v15;
	v15 =	vld [tilespmem:s9+$0xFFFFFFC0]  }
0x4f2: {  	v17 =	vmul.f32 v17, v0;
	v18 =	vld [tilespmem:s9+$0xFFFFFFD0];
	(xrf2) =	vadd.scan.msk.f32 $0xffff, v11  }
0x4f3: {  	s26 =	sadd.s32 $0xE9, s14;
	v11 =	vadd.f32 v20, v12;
	v12 =	vmul.f32 v16, v1;
	v16 =	vld [tilespmem:s9+$0xFFFFFFE0]  }
0x4f4: {  	v20 =	vmov s26;
	v21 =	vmul.f32 v21, v4;
	v22 =	vld [tilespmem:s9+$0xFFFFFFF0]  }
0x4f5: {  	v11 =	vadd.f32 v11, v13;
	v13 =	vmul.f32 v19, v7;
	v12 =	vadd.f32 v12, v17;
	v17 =	vld [tilespmem:s9+$0x0]  }
0x4f6: {  	v19 =	vand.u32 $0xFFFFFFF9, v20;
	v15 =	vmul.f32 v15, v5;
	v20 =	vld [tilespmem:s9+$0x10]  }
0x4f7: {  	v11 =	vadd.f32 v11, v14;
	v14 =	vmul.f32 v18, v6;
	v13 =	vadd.f32 v13, v21;
	v18 =	vld [tilespmem:s9+$0x20]  }
0x4f8: {  	v19 =	vbroadcast v19, $0x0;
	v16 =	vmul.f32 v16, v2;
	v21 =	vld [tilespmem:s9+$0x30]  }
0x4f9: {  	v22 =	vmul.f32 v22, v3;
	v14 =	vadd.f32 v14, v15;
	v12 =	vadd.f32 v13, v12;
	v13 =	vld [tilespmem:s9+$0x40];
	(xrf2) =	vadd.scan.msk.f32 $0xffff, v11  }
0x4fa: {  	s26 =	sadd.s32 $0xEA, s14;
	v11 =	vmul.f32 v17, v0;
	v15 =	vld [tilespmem:s9+$0x50]  }
0x4fb: {  	v17 =	vmov s26;
	v16 =	vadd.f32 v22, v16;
	v20 =	vmul.f32 v20, v1;
	v22 =	vld [tilespmem:s9+$0x60]  }
0x4fc: {  	v17 =	vand.u32 $0xFFFFFFFA, v17;
	v18 =	vmul.f32 v18, v4;
	v23 =	vld [tilespmem:s9+$0x70];
	v24, _, _ =	vpop (xrf2)  }
0x4fd: {  	v14 =	vadd.f32 v16, v14;
	v16 =	vmul.f32 v21, v7;
	v11 =	vadd.f32 v20, v11;
	v20 =	vld [tilespmem:s9+$0x80]  }
0x4fe: {  	v17 =	vbroadcast v17, $0x0;
	[tilespmem:v19+s23+$0x0] =	vst.idx.msk vm0, v24;
	v13 =	vmul.f32 v13, v5;
	v19 =	vld [tilespmem:s9+$0x90]  }
0x4ff: {  	v12 =	vadd.f32 v14, v12;
	v14 =	vmul.f32 v15, v6;
	v15 =	vadd.f32 v16, v18;
	v16 =	vld [tilespmem:s9+$0xA0]  }
0x500: {  	v18 =	vmul.f32 v22, v2;
	v21 =	vld [tilespmem:s9+$0xB0]  }
0x501: {  	v22 =	vmul.f32 v23, v3;
	v13 =	vadd.f32 v14, v13;
	v11 =	vadd.f32 v15, v11;
	v14 =	vld [tilespmem:s9+$0xC0];
	(xrf2) =	vadd.scan.msk.f32 $0xffff, v12  }
0x502: {  	s26 =	sadd.s32 $0xEB, s14;
	v12 =	vmul.f32 v20, v0;
	v15 =	vld [tilespmem:s9+$0xD0]  }
0x503: {  	v20 =	vmov s26;
	v18 =	vadd.f32 v22, v18;
	v19 =	vmul.f32 v19, v1;
	v22 =	vld [tilespmem:s9+$0xE0];
	v23, _, _ =	vpop (xrf2)  }
0x504: {  	[tilespmem:v17+s23+$0x0] =	vst.idx.msk vm0, v23;
	v17 =	vand.u32 $0xFFFFFFFB, v20;
	v16 =	vmul.f32 v16, v4;
	v20 =	vld [tilespmem:s9+$0xF0]  }
0x505: {  	v13 =	vadd.f32 v18, v13;
	v18 =	vmul.f32 v21, v7;
	v12 =	vadd.f32 v19, v12;
	v19 =	vld [tilespmem:s9+$0x100]  }
0x506: {  	v17 =	vbroadcast v17, $0x0;
	v14 =	vmul.f32 v14, v5;
	v21 =	vld [tilespmem:s9+$0x110]  }
0x507: {  	v13 =	vadd.f32 v13, v11;
	v11 =	vmul.f32 v15, v6;
	v15 =	vadd.f32 v18, v16;
	v16 =	vld [tilespmem:s9+$0x120]  }
0x508: {  	v18 =	vmul.f32 v22, v2;
	v22 =	vld [tilespmem:s9+$0x130]  }
.Ltmp14:
0x509: {  	v20 =	vmul.f32 v20, v3;
	v23 =	vadd.f32 v11, v14;
	v11 =	vadd.f32 v15, v12;
	v12 =	vld [tilespmem:s9+$0x140];
	(xrf2) =	vadd.scan.msk.f32 $0xffff, v13;
	(pc) =	sbr.rel @p0 .LBB2_21-.Ltmp14, $4  }
0x50a: {  	s26 =	sadd.s32 $0xEC, s14;
	v24 =	vmul.f32 v19, v0;
	v13 =	vld [tilespmem:s9+$0x150]  }
0x50b: {  	v15 =	vmov s26;
	v18 =	vadd.f32 v20, v18;
	v25 =	vmul.f32 v21, v1;
	v14 =	vld [tilespmem:s9+$0x160];
	v19, _, _ =	vpop (xrf2)  }
0x50c: {  	v15 =	vand.u32 $0xFFFFFFFC, v15;
	[tilespmem:v17+s23+$0x0] =	vst.idx.msk vm0, v19;
	v19 =	vmul.f32 v16, v4;
	v16 =	vld [tilespmem:s9+$0x170]  }
0x50d: {  	v17 =	vld [tilespmem:s9+$0xFFFFFE00];
	v20 =	vadd.f32 v18, v23;
	v21 =	vmul.f32 v22, v7;
	v18 =	vadd.f32 v25, v24;
	s9 =	sadd.s32 $0x400, s9  }
.LBB2_22:
0x50e: {  	_ =	sdelay $0x2  }
0x50f: {  	v12 =	vmul.f32 v12, v5  }
0x510: {  	v13 =	vmul.f32 v13, v6;
	v17 =	vmul.f32 v17, v0  }
0x511: {  	v14 =	vmul.f32 v14, v2;
	v16 =	vmul.f32 v16, v3  }
0x512: {  	v19 =	vadd.f32 v21, v19;
	v10 =	vadd.f32 v10, v17  }
0x513: {  	v12 =	vadd.f32 v13, v12;
	v13 =	vadd.f32 v16, v14  }
0x514: {  	v11 =	vadd.f32 v20, v11;
	v8 =	vadd.f32 v8, v10  }
0x515: {  	v12 =	vadd.f32 v13, v12;
	v10 =	vadd.f32 v19, v18  }
0x516: {  	v8 =	vadd.f32 v9, v8  }
0x517: {  	(xrf2) =	vadd.scan.msk.f32 $0xffff, v11;
	v9 =	vadd.f32 v12, v10  }
0x518: {  	(xrf2) =	vadd.scan.msk.f32 $0xffff, v8  }
0x519: {  	s9 =	sadd.s32 $0xED, s14;
	(xrf2) =	vadd.scan.msk.f32 $0xffff, v9  }
0x51a: {  	s18 =	sadd.s32 $0xE8, s14;
	v8 =	vmov s9  }
0x51b: {  	s26 =	sadd.s32 $0xEE, s14;
	v10 =	vmov s18;
	v9 =	vbroadcast v15, $0x0;
	v8 =	vand.u32 $0xFFFFFFFD, v8  }
0x51c: {  	v11 =	vmov s26;
	v10 =	vand.u32 $0xFFFFFFF8, v10;
	v8 =	vbroadcast v8, $0x0  }
0x51d: {  	v11 =	vand.u32 $0xFFFFFFFE, v11;
	v10 =	vbroadcast v10, $0x0  }
0x51e: {  	v11 =	vbroadcast v11, $0x0;
	_ =	sdelay $0x1  }
0x51f: {  	v12, _, _ =	vpop (xrf2)  }
0x520: {  	[tilespmem:v9+s23+$0x0] =	vst.idx.msk vm0, v12;
	v9, _, _ =	vpop (xrf2)  }
0x521: {  	[tilespmem:v8+s23+$0x0] =	vst.idx.msk vm0, v9;
	v8, _, _ =	vpop (xrf2)  }
0x522: {  	[tilespmem:v10+s23+$0x0] =	vst.idx.msk vm0, v8;
	v8, _, _ =	vpop (xrf2)  }
0x523: {  	[tilespmem:v11+s23+$0x0] =	vst.idx.msk vm0, v8  }
0x524: {  	v8 =	vld [tilespmem:s1+$0x180]  }
0x525: {  	v9 =	vld [tilespmem:s1+$0x190]  }
0x526: {  	v11 =	vld [tilespmem:s1+$0x1A0]  }
0x527: {  	v12 =	vld [tilespmem:s1+$0x1B0]  }
0x528: {  	v13 =	vld [tilespmem:s1+$0x1C0]  }
0x529: {  	v14 =	vld [tilespmem:s1+$0x1D0]  }
0x52a: {  	v15 =	vld [tilespmem:s1+$0x1E0]  }
0x52b: {  	v16 =	vld [tilespmem:s1+$0x1F0]  }
0x52c: {  	v17 =	vld [tilespmem:s1+$0xFFFFFE20]  }
0x52d: {  	v18 =	vld [tilespmem:s1+$0xFFFFFE30]  }
0x52e: {  	v19 =	vld [tilespmem:s1+$0xFFFFFE40]  }
0x52f: {  	v20 =	vld [tilespmem:s1+$0xFFFFFE50]  }
0x530: {  	v21 =	vld [tilespmem:s1+$0xFFFFFE60]  }
0x531: {  	v22 =	vld [tilespmem:s1+$0xFFFFFE70]  }
0x532: {  	v23 =	vld [tilespmem:s1+$0xFFFFFE80]  }
0x533: {  	v24 =	vld [tilespmem:s1+$0xFFFFFE90]  }
0x534: {  	v25 =	vld [tilespmem:s1+$0xFFFFFEA0]  }
0x535: {  	v26 =	vld [tilespmem:s1+$0xFFFFFEB0]  }
0x536: {  	v27 =	vld [tilespmem:s1+$0xFFFFFEC0]  }
0x537: {  	v30 =	vld [tilespmem:s1+$0xFFFFFEF0]  }
0x538: {  	v32 =	vld [tilespmem:s1+$0xFFFFFF10]  }
0x539: {  	v33 =	vld [tilespmem:s1+$0xFFFFFF20];
	v8 =	vmul.f32 v8, v0  }
0x53a: {  	v28 =	vld [tilespmem:s1+$0xFFFFFED0];
	v9 =	vmul.f32 v9, v1;
	v11 =	vmul.f32 v11, v4  }
0x53b: {  	v29 =	vld [tilespmem:s1+$0xFFFFFEE0];
	v12 =	vmul.f32 v12, v7;
	v13 =	vmul.f32 v13, v5  }
0x53c: {  	v31 =	vld [tilespmem:s1+$0xFFFFFF00];
	v14 =	vmul.f32 v14, v6;
	v15 =	vmul.f32 v15, v2  }
0x53d: {  	v41 =	vld [tilespmem:s1+$0xFFFFFF90];
	v16 =	vmul.f32 v16, v3;
	v43 =	vmul.f32 v30, v3  }
0x53e: {  	v42 =	vld [tilespmem:s1+$0xFFFFFFA0];
	v44 =	vmul.f32 v32, v1;
	v46 =	vmul.f32 v33, v4;
	v8 =	vadd.f32 v9, v8  }
0x53f: {  	v45 =	vld [tilespmem:s1+$0xFFFFFFD0];
	v9 =	vadd.f32 v12, v11;
	v11 =	vadd.f32 v14, v13;
	v13 =	vmul.f32 v17, v4  }
0x540: {  	v12 =	vld [tilespmem:s1+$0xFFFFFF30];
	v14 =	vadd.f32 v16, v15;
	v15 =	vmul.f32 v18, v7;
	v17 =	vmul.f32 v19, v5  }
0x541: {  	v16 =	vld [tilespmem:s1+$0xFFFFFF40];
	v18 =	vmul.f32 v20, v6;
	v20 =	vmul.f32 v22, v3;
	v9 =	vadd.f32 v9, v8  }
0x542: {  	v19 =	vld [tilespmem:s1+$0xFFFFFF50];
	v11 =	vadd.f32 v14, v11;
	v14 =	vmul.f32 v21, v2;
	v8 =	vadd.f32 v15, v13  }
0x543: {  	v47 =	vld [tilespmem:s1+$0xFFFFFFE0];
	v13 =	vadd.f32 v18, v17;
	v17 =	vmul.f32 v23, v0;
	v18 =	vmul.f32 v24, v1  }
0x544: {  	v22 =	vmul.f32 v25, v4;
	v21 =	vld [tilespmem:s1+$0xFFFFFF60];
	v23 =	vmul.f32 v26, v7;
	v14 =	vadd.f32 v20, v14  }
0x545: {  	v15 =	vld [tilespmem:s1+$0xFFFFFF70];
	v24 =	vmul.f32 v41, v1;
	v11 =	vadd.f32 v11, v9;
	v17 =	vadd.f32 v18, v17  }
0x546: {  	v48 =	vld [tilespmem:s1+$0xFFFFFFF0];
	v18 =	vadd.f32 v23, v22;
	v23 =	vmul.f32 v29, v2;
	v12 =	vmul.f32 v12, v7  }
0x547: {  	v20 =	vld [tilespmem:s1+$0xFFFFFF80];
	v16 =	vmul.f32 v16, v5;
	v19 =	vmul.f32 v19, v6;
	v9 =	vadd.f32 v14, v13  }
0x548: {  	v22 =	vld [tilespmem:s1+$0xFFFFFFB0];
	v13 =	vmul.f32 v27, v5;
	v14 =	vmul.f32 v28, v6;
	v17 =	vadd.f32 v18, v17  }
0x549: {  	v49 =	vld [tilespmem:s1+$0x10];
	v18 =	vmul.f32 v31, v0;
	v23 =	vadd.f32 v43, v23;
	v21 =	vmul.f32 v21, v2  }
0x54a: {  	v15 =	vmul.f32 v15, v3;
	v12 =	vadd.f32 v12, v46;
	v13 =	vadd.f32 v14, v13;
	v14 =	vld [tilespmem:s1+$0xFFFFFFC0]  }
0x54b: {  	v50 =	vld [tilespmem:s1+$0x20];
	v27 =	vmul.f32 v48, v3;
	v16 =	vadd.f32 v19, v16;
	v18 =	vadd.f32 v44, v18  }
0x54c: {  	v51 =	vld [tilespmem:s1+$0x30];
	v19 =	vmul.f32 v45, v6;
	v15 =	vadd.f32 v15, v21;
	v13 =	vadd.f32 v23, v13  }
0x54d: {  	v52 =	vld [tilespmem:s1+$0x40];
	v20 =	vmul.f32 v20, v0;
	v22 =	vmul.f32 v22, v7;
	v12 =	vadd.f32 v12, v18  }
0x54e: {  	v23 =	vld [tilespmem:s1+$0x0];
	v15 =	vadd.f32 v15, v16;
	v13 =	vadd.f32 v13, v17;
	v17 =	vmul.f32 v42, v4  }
0x54f: {  	(xrf2) =	vadd.scan.msk.f32 $0xffff, v11;
	v21 =	vmul.f32 v47, v2;
	v20 =	vadd.f32 v24, v20;
	v16 =	vld [tilespmem:s1+$0x70];
	v14 =	vmul.f32 v14, v5  }
0x550: {  	v12 =	vadd.f32 v15, v12;
	v15 =	vld [tilespmem:s1+$0x90];
	v17 =	vadd.f32 v22, v17;
	(xrf2) =	vadd.scan.msk.f32 $0xffff, v13  }
0x551: {  	s28 =	sadd.s32 $0x159, s8;
	s14 =	sadd.s32 $0x15F, s8;
	v53 =	vmul.f32 v51, v7;
	v22 =	vld [tilespmem:s1+$0x50];
	v11 =	vadd.f32 v19, v14;
	v14 =	vadd.f32 v27, v21  }
0x552: {  	v55 =	vmul.f32 v52, v5;
	v18 =	vmov s14;
	v13 =	vmov s28;
	v19 =	vld [tilespmem:s1+$0x60]  }
0x553: {  	s18 =	sadd.s32 $0x15A, s8;
	v13 =	vand.u32 $0xFFFFFFF9, v13;
	v17 =	vadd.f32 v17, v20;
	v11 =	vadd.f32 v14, v11;
	v14 =	vld [tilespmem:s1+$0x80]  }
0x554: {  	v54 =	vld [tilespmem:s1+$0xB0];
	v21 =	vmul.f32 v49, v1;
	(xrf2) =	vadd.scan.msk.f32 $0xffff, v12;
	v12 =	vmov s18;
	v13 =	vbroadcast v13, $0x0  }
0x555: {  	v56 =	vld [tilespmem:s1+$0xC0];
	v20 =	vmul.f32 v23, v0;
	v23 =	vmul.f32 v50, v4;
	v11 =	vadd.f32 v11, v17  }
0x556: {  	v12 =	vand.u32 $0xFFFFFFFA, v12;
	v16 =	vmul.f32 v16, v3;
	v15 =	vmul.f32 v15, v1;
	v17 =	vld [tilespmem:s1+$0xA0]  }
0x557: {  	v22 =	vmul.f32 v22, v6;
	v19 =	vmul.f32 v19, v2;
	(xrf2) =	vadd.scan.msk.f32 $0xffff, v11;
	v11 =	vadd.f32 v21, v20;
	v20 =	vld [tilespmem:s1+$0xD0]  }
0x558: {  	v21 =	vbroadcast v12, $0x0;
	v12 =	vadd.f32 v53, v23;
	v23 =	vld [tilespmem:s1+$0xE0];
	v14 =	vmul.f32 v14, v0  }
0x559: {  	v58, _, _ =	vpop (xrf2);
	v22 =	vadd.f32 v22, v55;
	v16 =	vadd.f32 v16, v19;
	v19 =	vld [tilespmem:s1+$0xF0]  }
0x55a: {  	s26 =	sadd.s32 $0x15B, s8;
	v10 =	vld [tilespmem:s1+$0xFFFFFE10];
	v11 =	vadd.f32 v12, v11;
	v60, _, _ =	vpop (xrf2);
	v14 =	vadd.f32 v15, v14  }
0x55b: {  	v57 =	vmov s26;
	v59 =	vld [tilespmem:s1+$0x100];
	v15 =	vmul.f32 v56, v5;
	[tilespmem:v13+s23+$0x0] =	vst.idx.msk vm0, v60;
	v13 =	vadd.f32 v16, v22  }
0x55c: {  	v61 =	vld [tilespmem:s1+$0x110];
	v24 =	vand.u32 $0xFFFFFFFB, v57;
	v12 =	vmul.f32 v54, v7;
	v17 =	vmul.f32 v17, v4  }
0x55d: {  	s14 =	sadd.s32 $0x8, s8;
	[tilespmem:v18+s23+$0x0] =	vst.idx.msk vm0, v58;
	v18 =	vbroadcast v24, $0x0;
	v16 =	vld [tilespmem:s1+$0x120];
	v20 =	vmul.f32 v20, v6;
	v62 =	vadd.f32 v13, v11  }
0x55e: {  	p0 =	slt.u32 s14, $0x68;
	v22 =	vld [tilespmem:s1+$0x130];
	v17 =	vadd.f32 v12, v17;
	v23 =	vmul.f32 v23, v2;
	v19 =	vmul.f32 v19, v3  }
.Ltmp15:
0x55f: {  	v12 =	vld [tilespmem:s1+$0x140];
	v20 =	vadd.f32 v20, v15;
	v15, _, _ =	vpop (xrf2);
	(xrf2) =	vadd.scan.msk.f32 $0xffff, v62;
	(pc) =	sbr.rel @!p0 .LBB2_24-.Ltmp15, $4  }
0x560: {  	v63 =	vmul.f32 v59, v0;
	v13 =	vld [tilespmem:s1+$0x150];
	[tilespmem:v21+s23+$0x0] =	vst.idx.msk vm0, v15;
	v21 =	vadd.f32 v19, v23  }
0x561: {  	v10 =	vmul.f32 v10, v1;
	s28 =	sadd.s32 $0x15C, s8;
	v11 =	vadd.f32 v17, v14;
	v14 =	vld [tilespmem:s1+$0x160];
	v23 =	vmul.f32 v61, v1  }
0x562: {  	v15 =	vmov s28;
	v19 =	vmul.f32 v16, v4;
	v16 =	vld [tilespmem:s1+$0x170];
	v17, _, _ =	vpop (xrf2);
	v20 =	vadd.f32 v21, v20  }
0x563: {  	v15 =	vand.u32 $0xFFFFFFFC, v15;
	v21 =	vmul.f32 v22, v7;
	[tilespmem:v18+s23+$0x0] =	vst.idx.msk vm0, v17;
	v17 =	vld [tilespmem:s1+$0xFFFFFE00];
	v18 =	vadd.f32 v23, v63;
	s1 =	sadd.s32 $0x400, s1  }
.LBB2_23:
0x564: {  	v22 =	vld [tilespmem:s1+$0x180];
	v15 =	vbroadcast v15, $0x0;
	v12 =	vmul.f32 v12, v5;
	s9 =	smov.u32 s14  }
0x565: {  	v23 =	vld [tilespmem:s1+$0x190];
	v11 =	vadd.f32 v20, v11;
	v13 =	vmul.f32 v13, v6;
	v19 =	vadd.f32 v21, v19  }
0x566: {  	v20 =	vld [tilespmem:s1+$0x1A0];
	v14 =	vmul.f32 v14, v2  }
0x567: {  	v21 =	vld [tilespmem:s1+$0x1B0];
	v24 =	vmul.f32 v16, v3;
	v12 =	vadd.f32 v13, v12;
	v13 =	vadd.f32 v19, v18;
	(xrf2) =	vadd.scan.msk.f32 $0xffff, v11  }
0x568: {  	v11 =	vld [tilespmem:s1+$0x1C0];
	v17 =	vmul.f32 v17, v0  }
0x569: {  	s18 =	sadd.s32 $0x15D, s8;
	v18 =	vld [tilespmem:s1+$0x1D0];
	v14 =	vadd.f32 v24, v14;
	v16, _, _ =	vpop (xrf2)  }
0x56a: {  	v19 =	vld [tilespmem:s1+$0x1E0];
	v10 =	vadd.f32 v10, v17;
	[tilespmem:v15+s23+$0x0] =	vst.idx.msk vm0, v16;
	v15 =	vmov s18  }
0x56b: {  	s14 =	sadd.s32 $0x8, s14;
	v16 =	vld [tilespmem:s1+$0x1F0];
	v15 =	vand.u32 $0xFFFFFFFD, v15;
	v12 =	vadd.f32 v14, v12  }
0x56c: {  	p0 =	slt.u32 s14, $0x68;
	v14 =	vld [tilespmem:s1+$0xFFFFFE10];
	v8 =	vadd.f32 v8, v10;
	v15 =	vbroadcast v15, $0x0  }
0x56d: {  	v22 =	vmul.f32 v22, v0;
	v23 =	vmul.f32 v23, v1;
	v17 =	vld [tilespmem:s1+$0xFFFFFE20];
	v12 =	vadd.f32 v12, v13  }
0x56e: {  	v20 =	vmul.f32 v20, v4;
	v26 =	vmul.f32 v21, v7;
	v13 =	vld [tilespmem:s1+$0xFFFFFE30];
	v8 =	vadd.f32 v9, v8  }
0x56f: {  	s18 =	sadd.s32 $0x158, s8;
	v11 =	vmul.f32 v11, v5;
	v18 =	vmul.f32 v18, v6;
	v9 =	vld [tilespmem:s1+$0xFFFFFE40]  }
0x570: {  	v25 =	vmov s18;
	v19 =	vmul.f32 v19, v2;
	v24 =	vld [tilespmem:s1+$0xFFFFFE50];
	v16 =	vmul.f32 v16, v3;
	(xrf2) =	vadd.scan.msk.f32 $0xffff, v8  }
0x571: {  	v20 =	vadd.f32 v26, v20;
	v8 =	vadd.f32 v23, v22;
	v10 =	vmul.f32 v14, v1;
	v14 =	vld [tilespmem:s1+$0xFFFFFE60];
	v21, _, _ =	vpop (xrf2)  }
0x572: {  	s18 =	sadd.s32 $0x15E, s8;
	s8 =	smov.u32 s9;
	v11 =	vadd.f32 v18, v11;
	v17 =	vmul.f32 v17, v4;
	v22 =	vld [tilespmem:s1+$0xFFFFFE70];
	v16 =	vadd.f32 v16, v19  }
0x573: {  	v13 =	vmul.f32 v13, v7;
	v18 =	vld [tilespmem:s1+$0xFFFFFE80];
	[tilespmem:v15+s23+$0x0] =	vst.idx.msk vm0, v21;
	v15 =	vmov s18;
	(xrf2) =	vadd.scan.msk.f32 $0xffff, v12  }
0x574: {  	v19 =	vadd.f32 v20, v8;
	v9 =	vmul.f32 v9, v5;
	v12 =	vld [tilespmem:s1+$0xFFFFFE90];
	v11 =	vadd.f32 v16, v11  }
0x575: {  	v16 =	vmul.f32 v24, v6;
	v8 =	vadd.f32 v13, v17;
	v13 =	vld [tilespmem:s1+$0xFFFFFEA0];
	v17 =	vand.u32 $0xFFFFFFF8, v25  }
0x576: {  	v14 =	vmul.f32 v14, v2;
	v20 =	vld [tilespmem:s1+$0xFFFFFEB0];
	v11 =	vadd.f32 v11, v19;
	v17 =	vbroadcast v17, $0x0  }
0x577: {  	v15 =	vand.u32 $0xFFFFFFFE, v15;
	v19 =	vmul.f32 v22, v3;
	v9 =	vadd.f32 v16, v9;
	v16 =	vld [tilespmem:s1+$0xFFFFFEC0]  }
0x578: {  	v18 =	vmul.f32 v18, v0;
	v21 =	vld [tilespmem:s1+$0xFFFFFED0];
	(xrf2) =	vadd.scan.msk.f32 $0xffff, v11;
	v11 =	vbroadcast v15, $0x0  }
0x579: {  	v14 =	vadd.f32 v19, v14;
	v12 =	vmul.f32 v12, v1;
	v15 =	vld [tilespmem:s1+$0xFFFFFEE0]  }
0x57a: {  	v13 =	vmul.f32 v13, v4;
	v19 =	vld [tilespmem:s1+$0xFFFFFEF0];
	v22, _, _ =	vpop (xrf2)  }
0x57b: {  	v9 =	vadd.f32 v14, v9;
	v14 =	vmul.f32 v20, v7;
	v12 =	vadd.f32 v12, v18;
	v18 =	vld [tilespmem:s1+$0xFFFFFF00]  }
0x57c: {  	v16 =	vmul.f32 v16, v5;
	v20 =	vld [tilespmem:s1+$0xFFFFFF10];
	[tilespmem:v17+s23+$0x0] =	vst.idx.msk vm0, v22  }
0x57d: {  	s9 =	sadd.s32 $0x15F, s8;
	v17 =	vmul.f32 v21, v6;
	v13 =	vadd.f32 v14, v13;
	v14 =	vld [tilespmem:s1+$0xFFFFFF20];
	v21, _, _ =	vpop (xrf2)  }
0x57e: {  	v23 =	vmov s9;
	v15 =	vmul.f32 v15, v2;
	v22 =	vld [tilespmem:s1+$0xFFFFFF30];
	[tilespmem:v11+s23+$0x0] =	vst.idx.msk vm0, v21  }
0x57f: {  	v11 =	vmul.f32 v19, v3;
	v16 =	vadd.f32 v17, v16;
	v12 =	vadd.f32 v13, v12;
	v13 =	vld [tilespmem:s1+$0xFFFFFF40]  }
0x580: {  	v17 =	vmul.f32 v18, v0;
	v18 =	vld [tilespmem:s1+$0xFFFFFF50]  }
0x581: {  	v11 =	vadd.f32 v11, v15;
	v15 =	vmul.f32 v20, v1;
	v19 =	vld [tilespmem:s1+$0xFFFFFF60]  }
0x582: {  	v14 =	vmul.f32 v14, v4;
	v20 =	vld [tilespmem:s1+$0xFFFFFF70];
	v21, _, _ =	vpop (xrf2)  }
0x583: {  	v22 =	vmul.f32 v22, v7;
	v15 =	vadd.f32 v15, v17;
	v17 =	vld [tilespmem:s1+$0xFFFFFF80];
	[tilespmem:v23+s23+$0x0] =	vst.idx.msk vm0, v21  }
0x584: {  	v11 =	vadd.f32 v11, v16;
	v13 =	vmul.f32 v13, v5;
	v16 =	vld [tilespmem:s1+$0xFFFFFF90]  }
0x585: {  	v18 =	vmul.f32 v18, v6;
	v14 =	vadd.f32 v22, v14;
	v21 =	vld [tilespmem:s1+$0xFFFFFFA0]  }
0x586: {  	v11 =	vadd.f32 v11, v12;
	v12 =	vmul.f32 v19, v2;
	v19 =	vld [tilespmem:s1+$0xFFFFFFB0]  }
0x587: {  	v20 =	vmul.f32 v20, v3;
	v13 =	vadd.f32 v18, v13;
	v14 =	vadd.f32 v14, v15;
	v15 =	vld [tilespmem:s1+$0xFFFFFFC0]  }
0x588: {  	v17 =	vmul.f32 v17, v0;
	v18 =	vld [tilespmem:s1+$0xFFFFFFD0];
	(xrf2) =	vadd.scan.msk.f32 $0xffff, v11  }
0x589: {  	s9 =	sadd.s32 $0x159, s8;
	v11 =	vadd.f32 v20, v12;
	v12 =	vmul.f32 v16, v1;
	v16 =	vld [tilespmem:s1+$0xFFFFFFE0]  }
0x58a: {  	v20 =	vmov s9;
	v21 =	vmul.f32 v21, v4;
	v22 =	vld [tilespmem:s1+$0xFFFFFFF0]  }
0x58b: {  	v11 =	vadd.f32 v11, v13;
	v13 =	vmul.f32 v19, v7;
	v12 =	vadd.f32 v12, v17;
	v17 =	vld [tilespmem:s1+$0x0]  }
0x58c: {  	v19 =	vand.u32 $0xFFFFFFF9, v20;
	v15 =	vmul.f32 v15, v5;
	v20 =	vld [tilespmem:s1+$0x10]  }
0x58d: {  	v11 =	vadd.f32 v11, v14;
	v14 =	vmul.f32 v18, v6;
	v13 =	vadd.f32 v13, v21;
	v18 =	vld [tilespmem:s1+$0x20]  }
0x58e: {  	v19 =	vbroadcast v19, $0x0;
	v16 =	vmul.f32 v16, v2;
	v21 =	vld [tilespmem:s1+$0x30]  }
0x58f: {  	v22 =	vmul.f32 v22, v3;
	v14 =	vadd.f32 v14, v15;
	v12 =	vadd.f32 v13, v12;
	v13 =	vld [tilespmem:s1+$0x40];
	(xrf2) =	vadd.scan.msk.f32 $0xffff, v11  }
0x590: {  	s9 =	sadd.s32 $0x15A, s8;
	v11 =	vmul.f32 v17, v0;
	v15 =	vld [tilespmem:s1+$0x50]  }
0x591: {  	v17 =	vmov s9;
	v16 =	vadd.f32 v22, v16;
	v20 =	vmul.f32 v20, v1;
	v22 =	vld [tilespmem:s1+$0x60]  }
0x592: {  	v17 =	vand.u32 $0xFFFFFFFA, v17;
	v18 =	vmul.f32 v18, v4;
	v23 =	vld [tilespmem:s1+$0x70];
	v24, _, _ =	vpop (xrf2)  }
0x593: {  	v14 =	vadd.f32 v16, v14;
	v16 =	vmul.f32 v21, v7;
	v11 =	vadd.f32 v20, v11;
	v20 =	vld [tilespmem:s1+$0x80]  }
0x594: {  	v17 =	vbroadcast v17, $0x0;
	[tilespmem:v19+s23+$0x0] =	vst.idx.msk vm0, v24;
	v13 =	vmul.f32 v13, v5;
	v19 =	vld [tilespmem:s1+$0x90]  }
0x595: {  	v12 =	vadd.f32 v14, v12;
	v14 =	vmul.f32 v15, v6;
	v15 =	vadd.f32 v16, v18;
	v16 =	vld [tilespmem:s1+$0xA0]  }
0x596: {  	v18 =	vmul.f32 v22, v2;
	v21 =	vld [tilespmem:s1+$0xB0]  }
0x597: {  	v22 =	vmul.f32 v23, v3;
	v13 =	vadd.f32 v14, v13;
	v11 =	vadd.f32 v15, v11;
	v14 =	vld [tilespmem:s1+$0xC0];
	(xrf2) =	vadd.scan.msk.f32 $0xffff, v12  }
0x598: {  	s9 =	sadd.s32 $0x15B, s8;
	v12 =	vmul.f32 v20, v0;
	v15 =	vld [tilespmem:s1+$0xD0]  }
0x599: {  	v20 =	vmov s9;
	v18 =	vadd.f32 v22, v18;
	v19 =	vmul.f32 v19, v1;
	v22 =	vld [tilespmem:s1+$0xE0];
	v23, _, _ =	vpop (xrf2)  }
0x59a: {  	[tilespmem:v17+s23+$0x0] =	vst.idx.msk vm0, v23;
	v17 =	vand.u32 $0xFFFFFFFB, v20;
	v16 =	vmul.f32 v16, v4;
	v20 =	vld [tilespmem:s1+$0xF0]  }
0x59b: {  	v13 =	vadd.f32 v18, v13;
	v18 =	vmul.f32 v21, v7;
	v12 =	vadd.f32 v19, v12;
	v19 =	vld [tilespmem:s1+$0x100]  }
0x59c: {  	v17 =	vbroadcast v17, $0x0;
	v14 =	vmul.f32 v14, v5;
	v21 =	vld [tilespmem:s1+$0x110]  }
0x59d: {  	v13 =	vadd.f32 v13, v11;
	v11 =	vmul.f32 v15, v6;
	v15 =	vadd.f32 v18, v16;
	v16 =	vld [tilespmem:s1+$0x120]  }
0x59e: {  	v18 =	vmul.f32 v22, v2;
	v22 =	vld [tilespmem:s1+$0x130]  }
.Ltmp16:
0x59f: {  	v20 =	vmul.f32 v20, v3;
	v23 =	vadd.f32 v11, v14;
	v11 =	vadd.f32 v15, v12;
	v12 =	vld [tilespmem:s1+$0x140];
	(xrf2) =	vadd.scan.msk.f32 $0xffff, v13;
	(pc) =	sbr.rel @p0 .LBB2_23-.Ltmp16, $4  }
0x5a0: {  	s9 =	sadd.s32 $0x15C, s8;
	v24 =	vmul.f32 v19, v0;
	v13 =	vld [tilespmem:s1+$0x150]  }
0x5a1: {  	v15 =	vmov s9;
	v18 =	vadd.f32 v20, v18;
	v25 =	vmul.f32 v21, v1;
	v14 =	vld [tilespmem:s1+$0x160];
	v19, _, _ =	vpop (xrf2)  }
0x5a2: {  	v15 =	vand.u32 $0xFFFFFFFC, v15;
	[tilespmem:v17+s23+$0x0] =	vst.idx.msk vm0, v19;
	v19 =	vmul.f32 v16, v4;
	v16 =	vld [tilespmem:s1+$0x170]  }
0x5a3: {  	v17 =	vld [tilespmem:s1+$0xFFFFFE00];
	v20 =	vadd.f32 v18, v23;
	v21 =	vmul.f32 v22, v7;
	v18 =	vadd.f32 v25, v24;
	s1 =	sadd.s32 $0x400, s1  }
.LBB2_24:
0x5a4: {  	_ =	sdelay $0x2  }
0x5a5: {  	v1 =	vmul.f32 v12, v5  }
0x5a6: {  	v4 =	vmul.f32 v13, v6;
	v0 =	vmul.f32 v17, v0  }
0x5a7: {  	v2 =	vmul.f32 v14, v2;
	v3 =	vmul.f32 v16, v3  }
0x5a8: {  	v53 =	vadd.f32 v21, v19;
	v0 =	vadd.f32 v10, v0  }
0x5a9: {  	v1 =	vadd.f32 v4, v1;
	v2 =	vadd.f32 v3, v2  }
0x5aa: {  	v54 =	vadd.f32 v20, v11;
	v0 =	vadd.f32 v8, v0  }
0x5ab: {  	v55 =	vadd.f32 v53, v18;
	v1 =	vadd.f32 v2, v1  }
0x5ac: {  	v0 =	vadd.f32 v9, v0  }
0x5ad: {  	(xrf2) =	vadd.scan.msk.f32 $0xffff, v54;
	v1 =	vadd.f32 v1, v55  }
0x5ae: {  	(xrf2) =	vadd.scan.msk.f32 $0xffff, v0  }
0x5af: {  	s1 =	sadd.s32 $0x15D, s8;
	(xrf2) =	vadd.scan.msk.f32 $0xffff, v1  }
0x5b0: {  	s18 =	sadd.s32 $0x158, s8;
	v56 =	vmov s1  }
0x5b1: {  	v57 =	vbroadcast v15, $0x0;
	s26 =	sadd.s32 $0x15E, s8;
	v58 =	vmov s18;
	v0 =	vand.u32 $0xFFFFFFFD, v56  }
0x5b2: {  	v59 =	vmov s26;
	v2 =	vand.u32 $0xFFFFFFF8, v58;
	v0 =	vbroadcast v0, $0x0  }
0x5b3: {  	v3 =	vand.u32 $0xFFFFFFFE, v59;
	v2 =	vbroadcast v2, $0x0  }
0x5b4: {  	v3 =	vbroadcast v3, $0x0  }
0x5b5: {  	s10 =	sadd.s32 $0x1, s10  }
0x5b6: {  	p0 =	sne.s32 s10, $0x40;
	v60, _, _ =	vpop (xrf2)  }
.Ltmp17:
0x5b7: {  	s28 =	sshll.u32 s13, $0x4;
	[tilespmem:v57+s23+$0x0] =	vst.idx.msk vm0, v60;
	v61, _, _ =	vpop (xrf2);
	(pc) =	sbr.rel @p0 .LBB2_2-.Ltmp17, $4  }
.Ltmp18:
0x5b8: {  	s1 =	sand.u32 $0x70, s28;
	[tilespmem:v0+s23+$0x0] =	vst.idx.msk vm0, v61;
	v62, _, _ =	vpop (xrf2);
	(pc) =	sbr.rel @!p0 .LBB2_25-.Ltmp18, $4  }
0x5b9: {  	s1 =	sadd.s32 s7, s1;
	[tilespmem:v2+s23+$0x0] =	vst.idx.msk vm0, v62;
	v63, _, _ =	vpop (xrf2)  }
0x5ba: {  	s1 =	sadd.s32 s4, s1;
	[tilespmem:v3+s23+$0x0] =	vst.idx.msk vm0, v63  }
0x5bb: {  	[hbm4b:s1+s19] =	stream.strided.scatter [tilespmem:s23], [sflag:$0x4], $0x200, s21, s19, $0x38;
	[tilespmem:$0x1CC80] =	vst v63  }
0x5bc: {  	_ = 	snop  }
.LBB2_7:
.Ltmp19:
0x5bd: {  	(pc) =	sbr.rel .LBB2_9-.Ltmp19, $2  }
0x5be: {  	_ =	sdelay $0x2  }
0x5bf: {  	s1 =	simm.s32 $0xFFFFFFF8  }
.LBB2_10:
.Ltmp20:
0x5c0: {  	(pc) =	sbr.rel .LBB2_12-.Ltmp20, $2  }
0x5c1: {  	_ =	sdelay $0x2  }
0x5c2: {  	s14 =	simm.s32 $0xFFFFFFF8  }
.LBB2_17:
.Ltmp21:
0x5c3: {  	(pc) =	sbr.rel .LBB2_19-.Ltmp21, $2  }
0x5c4: {  	_ =	sdelay $0x2  }
0x5c5: {  	s1 =	simm.s32 $0xFFFFFFF8  }
.LBB2_20:
.Ltmp22:
0x5c6: {  	(pc) =	sbr.rel .LBB2_22-.Ltmp22, $2  }
0x5c7: {  	_ =	sdelay $0x2  }
0x5c8: {  	s14 =	simm.s32 $0xFFFFFFF8  }
.LBB2_26:
0x5c9: {  	_ =	sfence.sel $0x180000  }
0x5ca: {  	[bflag:$0x0] =	sbarrier.arrive $0xFFFF  }
0x5cb: {  	_ =	strace $0x90000047  }
0x5cc: {  	s0 =	stileid.u32;
	[bflag:$0x2] =	sbarrier.arrive $0xFFFF  }
0x5cd: {  	p0 =	sne.s32 s0, $0x0;
	s0 =	rddreg [dreg:$0x4]  }
0x5ce: {  	s0 =	sadd.s32 @!p0 $0x100000, s0  }
0x5cf: {  	[sflag:s0] =	ssyncadd.tile.s32 @!p0 $0x1;
	_ =	shalt  }
.Lfunc_end2:
_tile_overlayer_lowered:
.L_overlay_start_2:
0x5d0: {  	(tag) =	ssettag $0x2  }
0x5d1: {  	s0 =	rddreg [dreg:$0x0];
	s2 =	stileid.u32  }
0x5d2: {  	s1 =	rddreg [dreg:$0x1];
	p0 =	sne.s32 s2, $0x0  }
0x5d3: {  	s3 =	rddreg [dreg:$0x2];
	[bflag:$0x3] =	sbarrier.arrive $0xFFFF;
	s2 =	simm.s32 @!p0 $0x1C05  }
0x5d4: {  	[timem:s3], [sflag:s2] =	dma.local @!p0 [hbm:s0], s1  }
0x5d5: {  	s0 =	simm.s32 @!p0 $0x5  }
0x5d6: {  	_ =	swait.ge @!p0 [sflag:s0], s1  }
0x5d7: {  	s1 =	ssub.s32 @!p0 $0x0, s1;
	[sflag:s0] =	ssyncset.done @!p0 $0x0  }
0x5d8: {  	[sflag:s0] =	ssyncadd.s32 @!p0 s1  }
0x5d9: {  	[bflag:$0x3] =	sbarrier.arrive $0xFFFF  }
0x5da: {  	_ =	shalt  }

</sc_bundles>
